<compile_context>
chip_gen: v7x
topology: tpu7x:2x2x1
jax: 0.10.2.dev20260603
libtpu: 0.0.44.dev20260713+nightly
codegen_flags: <defaults>
</compile_context>

<pallas_src>
import jax
import jax.numpy as jnp
from jax import lax
from jax.experimental import pallas as pl
from jax.experimental.pallas import tpu as pltpu
from jax.experimental.pallas import tpu_sc as plsc

N = 10000
E = 320000
D = 128
HALF = D // 2

NC = 2
NS = 16
NW = NC * NS
K = 125
SCH = 160
DCH = 80
PH = 40
NPH = SCH // PH
NB = 5
STRIPE = N // NS

HR = 10240
HSTR = HR // NS

_mesh_cache = []


def _mesh():
    if not _mesh_cache:
        _mesh_cache.append(plsc.VectorSubcoreMesh(
            core_axis_name="c", subcore_axis_name="s",
            num_cores=NC, num_subcores=NS))
    return _mesh_cache[0]


def _fill_1d(ref, nwords, value):
    def body(i, carry):
        ref[pl.ds(i * 16, 16)] = jnp.full((16,), value, jnp.float32)
        return carry

    lax.fori_loop(0, nwords // 16, body, 0)



def _deg_body(dst_hbm, out_hbm, dstv, onesv, stagev, deg_sh):
    c = lax.axis_index("c")
    s = lax.axis_index("s")
    pltpu.sync_copy(dst_hbm.at[s, pl.ds(c * DCH, DCH)], dstv)
    _fill_1d(onesv, 128, 1.0)
    _fill_1d(stagev, HSTR, 0.0)
    pltpu.sync_copy(stagev, deg_sh.at[pl.ds(s * HSTR, HSTR)])
    plsc.subcore_barrier()

    def body(j, carry):
        pltpu.sync_copy(onesv.at[pl.ds(0, K)], deg_sh.at[dstv.at[j]],
                        add=True)
        return carry

    lax.fori_loop(0, DCH, body, 0)
    plsc.subcore_barrier()
    pltpu.sync_copy(deg_sh.at[pl.ds(s * HSTR, HSTR)], stagev)
    pltpu.sync_copy(stagev, out_hbm.at[pl.ds(c * HR + s * HSTR, HSTR)])


def _sc_degree(dst16):
    return pl.kernel(
        _deg_body,
        out_type=jax.ShapeDtypeStruct((NC * HR,), jnp.float32),
        mesh=_mesh(),
        compiler_params=pltpu.CompilerParams(use_tc_tiling_on_sc=False),
        scratch_types=[
            pltpu.VMEM((DCH, K), jnp.int32),
            pltpu.VMEM((128,), jnp.float32),
            pltpu.VMEM((HSTR,), jnp.float32),
            pltpu.VMEM_SHARED((HR,), jnp.float32),
        ],
    )(dst16)


def _scatter_body(hs0_hbm, hs1_hbm, src_hbm, dst_hbm, out0_hbm, out1_hbm,
                  srcv, dstv, rows_a, rows_b, rows_c, rows_d, rows_e,
                  acc_sh, tbl_sh,
                  gsem_a, gsem_b, gsem_c, gsem_d, gsem_e,
                  ssem_a, ssem_b, ssem_c, ssem_d, ssem_e):
    c = lax.axis_index("c")
    s = lax.axis_index("s")
    rows = [rows_a, rows_b, rows_c, rows_d, rows_e]
    gsem = [gsem_a, gsem_b, gsem_c, gsem_d, gsem_e]
    ssem = [ssem_a, ssem_b, ssem_c, ssem_d, ssem_e]

    def zfill(i, carry):
        rows_a[lax.div(i, 4), pl.ds(lax.rem(i, 4) * 16, 16)] = (
            jnp.zeros((16,), jnp.float32))
        return carry

    lax.fori_loop(0, K * 4, zfill, 0)

    def zcopy(i, carry):
        pltpu.sync_copy(rows_a, acc_sh.at[pl.ds(s * STRIPE + i * K, K)])
        return carry

    lax.fori_loop(0, STRIPE // K, zcopy, 0)

    def pipeline(hs_hbm):
        pltpu.sync_copy(hs_hbm.at[pl.ds(s * STRIPE, STRIPE)],
                        tbl_sh.at[pl.ds(s * STRIPE, STRIPE)])
        plsc.subcore_barrier()

        def phase(p, carry):
            pltpu.sync_copy(src_hbm.at[s, pl.ds(p * PH, PH)], srcv)
            pltpu.sync_copy(dst_hbm.at[s, pl.ds(p * PH, PH)], dstv)

            for b in range(NB):
                pltpu.async_copy(tbl_sh.at[srcv.at[b]], rows[b], gsem[b])

            def body(t, carry2):
                j0 = t * NB
                for b in range(NB):
                    pltpu.make_async_copy(
                        tbl_sh.at[srcv.at[0]], rows[b], gsem[b]).wait()
                for b in range(NB):
                    pltpu.async_copy(
                        rows[b], acc_sh.at[dstv.at[j0 + b]], ssem[b], add=True)
                for b in range(NB):
                    pltpu.make_async_copy(
                        rows[b], acc_sh.at[dstv.at[0]], ssem[b]).wait()
                    jn = lax.rem(j0 + NB + b, PH)
                    pltpu.async_copy(tbl_sh.at[srcv.at[jn]], rows[b], gsem[b])
                return carry2

            lax.fori_loop(0, PH // NB, body, 0)
            for b in range(NB):
                pltpu.make_async_copy(
                    tbl_sh.at[srcv.at[0]], rows[b], gsem[b]).wait()
            return carry

        lax.fori_loop(0, NPH, phase, 0)

    @pl.when(c == 0)
    def _():
        pipeline(hs0_hbm)

    @pl.when(c == 1)
    def _():
        pipeline(hs1_hbm)

    plsc.subcore_barrier()

    @pl.when(c == 0)
    def _():
        pltpu.sync_copy(acc_sh.at[pl.ds(s * STRIPE, STRIPE)],
                        out0_hbm.at[pl.ds(s * STRIPE, STRIPE)])

    @pl.when(c == 1)
    def _():
        pltpu.sync_copy(acc_sh.at[pl.ds(s * STRIPE, STRIPE)],
                        out1_hbm.at[pl.ds(s * STRIPE, STRIPE)])


def _sc_scatter(hs0, hs1, src16, dst16):
    return pl.kernel(
        _scatter_body,
        out_type=(jax.ShapeDtypeStruct((N, HALF), jnp.float32),
                  jax.ShapeDtypeStruct((N, HALF), jnp.float32)),
        mesh=_mesh(),
        compiler_params=pltpu.CompilerParams(use_tc_tiling_on_sc=False),
        scratch_types=[
            pltpu.VMEM((PH, K), jnp.int32),
            pltpu.VMEM((PH, K), jnp.int32),
            pltpu.VMEM((K, HALF), jnp.float32),
            pltpu.VMEM((K, HALF), jnp.float32),
            pltpu.VMEM((K, HALF), jnp.float32),
            pltpu.VMEM((K, HALF), jnp.float32),
            pltpu.VMEM((K, HALF), jnp.float32),
            pltpu.VMEM_SHARED((N, HALF), jnp.float32),
            pltpu.VMEM_SHARED((N, HALF), jnp.float32),
            pltpu.SemaphoreType.DMA,
            pltpu.SemaphoreType.DMA,
            pltpu.SemaphoreType.DMA,
            pltpu.SemaphoreType.DMA,
            pltpu.SemaphoreType.DMA,
            pltpu.SemaphoreType.DMA,
            pltpu.SemaphoreType.DMA,
            pltpu.SemaphoreType.DMA,
            pltpu.SemaphoreType.DMA,
            pltpu.SemaphoreType.DMA,
        ],
    )(hs0, hs1, src16, dst16)



_BR = 2000


def _row_spec(w):
    return pl.BlockSpec((_BR, w), lambda i: (i, 0))


def _full_spec(h, w):
    return pl.BlockSpec((h, w), lambda i: (0, 0))


def _dinv_body(dp_ref, o_ref):
    o_ref[...] = lax.rsqrt(1.0 + dp_ref[0] + dp_ref[1])


def _tc_dinv(deg_flat):
    dp = deg_flat.reshape(NC, HR // 128, 128)
    return pl.pallas_call(
        _dinv_body,
        out_shape=jax.ShapeDtypeStruct((HR // 128, 128), jnp.float32),
    )(dp)


def _mm1_body(x_ref, w_ref, dinv_ref, o0_ref, o1_ref):
    h = jnp.dot(x_ref[...], w_ref[...], preferred_element_type=jnp.float32)
    hs = h * dinv_ref[...]
    o0_ref[...] = hs[:, 0:HALF]
    o1_ref[...] = hs[:, HALF:D]


def _tc_layer1(x, w1, dinv_col):
    return pl.pallas_call(
        _mm1_body,
        grid=(N // _BR,),
        in_specs=[_row_spec(D), _full_spec(D, D), _row_spec(1)],
        out_specs=(_row_spec(HALF), _row_spec(HALF)),
        out_shape=(jax.ShapeDtypeStruct((N, HALF), jnp.float32),
                   jax.ShapeDtypeStruct((N, HALF), jnp.float32)),
    )(x, w1, dinv_col)


def _mm2_body(p0_ref, p1_ref, hs0_ref, hs1_ref, dinv_ref, b_ref, w_ref,
              o0_ref, o1_ref):
    acc = jnp.concatenate(
        [p0_ref[...] + hs0_ref[...], p1_ref[...] + hs1_ref[...]], axis=1)
    z = jnp.maximum(acc * dinv_ref[...] + b_ref[...], 0.0)
    h = jnp.dot(z, w_ref[...], preferred_element_type=jnp.float32)
    hs = h * dinv_ref[...]
    o0_ref[...] = hs[:, 0:HALF]
    o1_ref[...] = hs[:, HALF:D]


def _tc_layer2(p0, p1, hs0, hs1, dinv_col, b1, w2):
    return pl.pallas_call(
        _mm2_body,
        grid=(N // _BR,),
        in_specs=[_row_spec(HALF), _row_spec(HALF), _row_spec(HALF),
                  _row_spec(HALF), _row_spec(1), _full_spec(1, D),
                  _full_spec(D, D)],
        out_specs=(_row_spec(HALF), _row_spec(HALF)),
        out_shape=(jax.ShapeDtypeStruct((N, HALF), jnp.float32),
                   jax.ShapeDtypeStruct((N, HALF), jnp.float32)),
    )(p0, p1, hs0, hs1, dinv_col, b1, w2)


def _fin_body(p0_ref, p1_ref, hs0_ref, hs1_ref, dinv_ref, b_ref, o_ref):
    acc = jnp.concatenate(
        [p0_ref[...] + hs0_ref[...], p1_ref[...] + hs1_ref[...]], axis=1)
    o_ref[...] = acc * dinv_ref[...] + b_ref[...]


def _tc_final(p0, p1, hs0, hs1, dinv_col, b2):
    return pl.pallas_call(
        _fin_body,
        grid=(N // _BR,),
        in_specs=[_row_spec(HALF), _row_spec(HALF), _row_spec(HALF),
                  _row_spec(HALF), _row_spec(1), _full_spec(1, D)],
        out_specs=_row_spec(D),
        out_shape=jax.ShapeDtypeStruct((N, D), jnp.float32),
    )(p0, p1, hs0, hs1, dinv_col, b2)



def kernel(x, edge_index, W1, b1, W2, b2):
    src16 = edge_index[0].reshape(NS, SCH, K)
    dst16 = edge_index[1].reshape(NS, SCH, K)

    deg_flat = _sc_degree(dst16)
    dinv_pk = _tc_dinv(deg_flat)
    dinv_col = dinv_pk.reshape(HR)[:N].reshape(N, 1)

    hs1_0, hs1_1 = _tc_layer1(x, W1, dinv_col)
    p1_0, p1_1 = _sc_scatter(hs1_0, hs1_1, src16, dst16)
    hs2_0, hs2_1 = _tc_layer2(p1_0, p1_1, hs1_0, hs1_1, dinv_col,
                              b1.reshape(1, D), W2)
    p2_0, p2_1 = _sc_scatter(hs2_0, hs2_1, src16, dst16)
    out = _tc_final(p2_0, p2_1, hs2_0, hs2_1, dinv_col, b2.reshape(1, D))
    return out

# --- scband reference (transcript-rebuilt; emitter-appended) ---
"""Pipeline reference for scband-gcn-23390391894412 (READ-ONLY COPY).

The authoritative reference and input builder live on the scoring server;
editing this copy changes nothing except your own understanding.
"""

import jax, jax.numpy as jnp
import numpy as np

N = 10000
E = 320000
D_IN = 128
D_HID = 128
D_OUT = 128


def setup_inputs(seed: int = 0):
    key = jax.random.key(seed)
    k1, k2, k3, k4, k5, k6 = jax.random.split(key, 6)
    x = jax.random.normal(k1, (N, D_IN), dtype=jnp.float32)
    edge_index = jax.random.randint(k2, (2, E), 0, N, dtype=jnp.int32)
    W1 = jax.random.normal(k3, (D_IN, D_HID), dtype=jnp.float32) * (1.0 / np.sqrt(D_IN))
    b1 = jnp.zeros((D_HID,), dtype=jnp.float32)
    W2 = jax.random.normal(k4, (D_HID, D_OUT), dtype=jnp.float32) * (1.0 / np.sqrt(D_HID))
    b2 = jnp.zeros((D_OUT,), dtype=jnp.float32)
    return {"x": x, "edge_index": edge_index, "W1": W1, "b1": b1, "W2": W2, "b2": b2}


def _gcn_conv(x, src, dst, W, b, num_nodes):
    # PyG GCNConv with normalize=True: add self-loops, symmetric normalization
    loop = jnp.arange(num_nodes, dtype=src.dtype)
    src_sl = jnp.concatenate([src, loop])
    dst_sl = jnp.concatenate([dst, loop])
    ones = jnp.ones(src_sl.shape[0], dtype=x.dtype)
    deg = jnp.zeros((num_nodes,), dtype=x.dtype).at[dst_sl].add(ones)
    deg_inv_sqrt = jnp.where(deg > 0, deg ** -0.5, 0.0)
    norm = deg_inv_sqrt[src_sl] * deg_inv_sqrt[dst_sl]
    h = x @ W
    msg = h[src_sl] * norm[:, None]
    out = jnp.zeros((num_nodes, h.shape[1]), dtype=x.dtype).at[dst_sl].add(msg)
    return out + b


def reference(x, edge_index, W1, b1, W2, b2):
    # eval mode: dropout(p=0.2, training=False) is identity
    src, dst = edge_index[0], edge_index[1]
    h = _gcn_conv(x, src, dst, W1, b1, N)
    h = jax.nn.relu(h)
    out = _gcn_conv(h, src, dst, W2, b2, N)
    return out

if __name__ == "__main__":
    import jax
    _d = setup_inputs()
    print(jax.jit(kernel)(*tuple(_d.values())))

</pallas_src>

<mosaic_0001>
#map = affine_map<(d0, d1) -> (0, 0)>
#map1 = affine_map<(d0, d1) -> (0, 0, 0)>
module attributes {stable_mosaic.version = 14 : i64} {
  func.func @_scatter_body(%arg0: i32, %arg1: i32, %arg2: memref<10000x64xf32, #tpu.memory_space<hbm>>, %arg3: memref<10000x64xf32, #tpu.memory_space<hbm>>, %arg4: memref<16x160x125xi32, #tpu.memory_space<hbm>>, %arg5: memref<16x160x125xi32, #tpu.memory_space<hbm>>, %arg6: memref<10000x64xf32, #tpu.memory_space<hbm>>, %arg7: memref<10000x64xf32, #tpu.memory_space<hbm>>, %arg8: memref<40x125xi32, #tpu.memory_space<vmem>>, %arg9: memref<40x125xi32, #tpu.memory_space<vmem>>, %arg10: memref<125x64xf32, #tpu.memory_space<vmem>>, %arg11: memref<125x64xf32, #tpu.memory_space<vmem>>, %arg12: memref<125x64xf32, #tpu.memory_space<vmem>>, %arg13: memref<125x64xf32, #tpu.memory_space<vmem>>, %arg14: memref<125x64xf32, #tpu.memory_space<vmem>>, %arg15: memref<10000x64xf32, #tpu.memory_space<vmem_shared>>, %arg16: memref<10000x64xf32, #tpu.memory_space<vmem_shared>>, %arg17: memref<!tpu.dma_semaphore, #tpu.memory_space<semaphore_mem>>, %arg18: memref<!tpu.dma_semaphore, #tpu.memory_space<semaphore_mem>>, %arg19: memref<!tpu.dma_semaphore, #tpu.memory_space<semaphore_mem>>, %arg20: memref<!tpu.dma_semaphore, #tpu.memory_space<semaphore_mem>>, %arg21: memref<!tpu.dma_semaphore, #tpu.memory_space<semaphore_mem>>, %arg22: memref<!tpu.dma_semaphore, #tpu.memory_space<semaphore_mem>>, %arg23: memref<!tpu.dma_semaphore, #tpu.memory_space<semaphore_mem>>, %arg24: memref<!tpu.dma_semaphore, #tpu.memory_space<semaphore_mem>>, %arg25: memref<!tpu.dma_semaphore, #tpu.memory_space<semaphore_mem>>, %arg26: memref<!tpu.dma_semaphore, #tpu.memory_space<semaphore_mem>>) attributes {dimension_semantics = [#tpu.dimension_semantics<core_parallel>, #tpu.dimension_semantics<subcore_parallel>], iteration_bounds = array<i64: 2, 16>, scalar_prefetch = 0 : i64, scratch_operands = 19 : i64, tpu.core_type = #tpu.core_type<sc_vector_subcore>, window_params = [{transform_indices = #map}, {transform_indices = #map}, {transform_indices = #map1}, {transform_indices = #map1}, {transform_indices = #map}, {transform_indices = #map}]} {
    %scan3A = arith.constant 0 : i32
    %scan3A_0 = arith.constant 0 : i32
    %scan3A_1 = arith.constant 500 : i32
    %scan3A_2 = arith.addi %scan3A_0, %scan3A_1 : i32
    %scan3A_3 = arith.constant 1 : i32
    scf.for %scan3A_28 = %scan3A_0 to %scan3A_2 step %scan3A_3  : i32 {
      %broadcast_in_dim3A = arith.constant 0.000000e+00 : f32
      %broadcast_in_dim3A_29 = vector.broadcast %broadcast_in_dim3A : f32 to vector<16xf32>
      %div3A = arith.constant 4 : i32
      %div3A_30 = arith.divsi %scan3A_28, %div3A : i32
      %rem3A = arith.constant 4 : i32
      %rem3A_31 = arith.remsi %scan3A_28, %rem3A : i32
      %mul3A = arith.constant 16 : i32
      %mul3A_32 = arith.muli %rem3A_31, %mul3A : i32
      %swap3A = arith.index_cast %div3A_30 : i32 to index
      %swap3A_33 = arith.index_cast %mul3A_32 : i32 to index
      %swap3A_34 = tpu.vector_load %arg10[%swap3A, %swap3A_33] {strides = array<i32>} : memref<125x64xf32, #tpu.memory_space<vmem>>, vector<1x16xf32>,
      %swap3A_35 = vector.shape_cast %swap3A_34 : vector<1x16xf32> to vector<16xf32>
      %swap3A_36 = vector.shape_cast %broadcast_in_dim3A_29 : vector<16xf32> to vector<1x16xf32>
      tpu.vector_store %arg10[%swap3A, %swap3A_33], %swap3A_36 {strides = array<i32>} : memref<125x64xf32, #tpu.memory_space<vmem>>, vector<1x16xf32>,
    }
    %scan3A_4 = arith.constant 500 : i32
    %scan3A_5 = arith.constant 0 : i32
    %scan3A_6 = arith.constant 0 : i32
    %scan3A_7 = arith.constant 5 : i32
    %scan3A_8 = arith.addi %scan3A_6, %scan3A_7 : i32
    %scan3A_9 = arith.constant 1 : i32
    scf.for %scan3A_28 = %scan3A_6 to %scan3A_8 step %scan3A_9  : i32 {
      %mul3A = arith.constant 625 : i32
      %mul3A_29 = arith.muli %arg1, %mul3A : i32
      %mul3A_30 = arith.constant 125 : i32
      %mul3A_31 = arith.muli %scan3A_28, %mul3A_30 : i32
      %add3A = arith.addi %mul3A_29, %mul3A_31 : i32
      "tpu.region"() ({
        %run_scoped3A = tpu.sem_alloc : memref<!tpu.dma_semaphore, #tpu.memory_space<semaphore_mem>>
        %dma_start3A = arith.constant 0 : i32
        %dma_start3A_32 = tpu.memref_slice %arg15[%add3A, %dma_start3A] : memref<10000x64xf32, #tpu.memory_space<vmem_shared>> -> memref<125x64xf32, #tpu.memory_space<vmem_shared>>
        %dma_start3A_33 = arith.constant 0 : i32
        %dma_start3A_34 = tpu.memref_slice %arg15[%add3A, %dma_start3A_33] : memref<10000x64xf32, #tpu.memory_space<vmem_shared>> -> memref<125x64xf32, #tpu.memory_space<vmem_shared>>
        tpu.enqueue_dma source(%arg10 : memref<125x64xf32, #tpu.memory_space<vmem>>) target(%dma_start3A_34 : memref<125x64xf32, #tpu.memory_space<vmem_shared>>) target_semaphore(%run_scoped3A : memref<!tpu.dma_semaphore, #tpu.memory_space<semaphore_mem>>)
        %dma_wait3A = arith.constant 0 : i32
        %dma_wait3A_35 = tpu.memref_slice %arg15[%add3A, %dma_wait3A] : memref<10000x64xf32, #tpu.memory_space<vmem_shared>> -> memref<125x64xf32, #tpu.memory_space<vmem_shared>>
        %dma_wait3A_36 = arith.constant 0 : i32
        %dma_wait3A_37 = tpu.memref_slice %arg15[%add3A, %dma_wait3A_36] : memref<10000x64xf32, #tpu.memory_space<vmem_shared>> -> memref<125x64xf32, #tpu.memory_space<vmem_shared>>
        tpu.wait_dma2 semaphore(%run_scoped3A : memref<!tpu.dma_semaphore, #tpu.memory_space<semaphore_mem>>) src(%arg10 : memref<125x64xf32, #tpu.memory_space<vmem>>) dst(%dma_wait3A_37 : memref<125x64xf32, #tpu.memory_space<vmem_shared>>)
        tpu.yield
      }) : () -> ()
    }
    %scan3A_10 = arith.constant 5 : i32
    %eq3A = arith.constant 0 : i32
    %eq3A_11 = arith.cmpi eq, %arg0, %eq3A : i32
    %convert_element_type3A = arith.extui %eq3A_11 : i1 to i32
    %cond3A = arith.constant 0 : i32
    %cond3A_12 = arith.cmpi ne, %convert_element_type3A, %cond3A : i32
    scf.if %cond3A_12 {
      %mul3A = arith.constant 625 : i32
      %mul3A_28 = arith.muli %arg1, %mul3A : i32
      %mul3A_29 = arith.constant 625 : i32
      %mul3A_30 = arith.muli %arg1, %mul3A_29 : i32
      "tpu.region"() ({
        %run_scoped3A = tpu.sem_alloc : memref<!tpu.dma_semaphore, #tpu.memory_space<semaphore_mem>>
        %dma_start3A = arith.constant 0 : i32
        %dma_start3A_38 = tpu.memref_slice %arg16[%mul3A_30, %dma_start3A] : memref<10000x64xf32, #tpu.memory_space<vmem_shared>> -> memref<625x64xf32, #tpu.memory_space<vmem_shared>>
        %dma_start3A_39 = arith.constant 0 : i32
        %dma_start3A_40 = tpu.memref_slice %arg2[%mul3A_28, %dma_start3A_39] : memref<10000x64xf32, #tpu.memory_space<hbm>> -> memref<625x64xf32, #tpu.memory_space<hbm>>
        tpu.enqueue_dma source(%dma_start3A_40 : memref<625x64xf32, #tpu.memory_space<hbm>>) target(%dma_start3A_38 : memref<625x64xf32, #tpu.memory_space<vmem_shared>>) target_semaphore(%run_scoped3A : memref<!tpu.dma_semaphore, #tpu.memory_space<semaphore_mem>>)
        %dma_wait3A = arith.constant 0 : i32
        %dma_wait3A_41 = tpu.memref_slice %arg16[%mul3A_30, %dma_wait3A] : memref<10000x64xf32, #tpu.memory_space<vmem_shared>> -> memref<625x64xf32, #tpu.memory_space<vmem_shared>>
        %dma_wait3A_42 = arith.constant 0 : i32
        %dma_wait3A_43 = tpu.memref_slice %arg2[%mul3A_28, %dma_wait3A_42] : memref<10000x64xf32, #tpu.memory_space<hbm>> -> memref<625x64xf32, #tpu.memory_space<hbm>>
        tpu.wait_dma2 semaphore(%run_scoped3A : memref<!tpu.dma_semaphore, #tpu.memory_space<semaphore_mem>>) src(%dma_wait3A_43 : memref<625x64xf32, #tpu.memory_space<hbm>>) dst(%dma_wait3A_41 : memref<625x64xf32, #tpu.memory_space<vmem_shared>>)
        tpu.yield
      }) : () -> ()
      %barrier3A_31 = arith.constant 0 : index
      tpu.barrier barrier_id(%barrier3A_31)
      %scan3A_32 = arith.constant 0 : i32
      %scan3A_33 = arith.constant 0 : i32
      %scan3A_34 = arith.constant 4 : i32
      %scan3A_35 = arith.addi %scan3A_33, %scan3A_34 : i32
      %scan3A_36 = arith.constant 1 : i32
      scf.for %scan3A_38 = %scan3A_33 to %scan3A_35 step %scan3A_36  : i32 {
        %mul3A_39 = arith.constant 40 : i32
        %mul3A_40 = arith.muli %scan3A_38, %mul3A_39 : i32
        "tpu.region"() ({
          %run_scoped3A = tpu.sem_alloc : memref<!tpu.dma_semaphore, #tpu.memory_space<semaphore_mem>>
          %dma_start3A_117 = arith.constant 0 : i32
          %dma_start3A_118 = tpu.memref_slice %arg4[%arg1, %mul3A_40, %dma_start3A_117] : memref<16x160x125xi32, #tpu.memory_space<hbm>> -> memref<1x40x125xi32, #tpu.memory_space<hbm>>
          %dma_start3A_119 = tpu.memref_squeeze %dma_start3A_118 : memref<1x40x125xi32, #tpu.memory_space<hbm>> -> memref<40x125xi32, #tpu.memory_space<hbm>>
          %dma_start3A_120 = arith.constant 0 : i32
          %dma_start3A_121 = tpu.memref_slice %arg4[%arg1, %mul3A_40, %dma_start3A_120] : memref<16x160x125xi32, #tpu.memory_space<hbm>> -> memref<1x40x125xi32, #tpu.memory_space<hbm>>
          %dma_start3A_122 = tpu.memref_squeeze %dma_start3A_121 : memref<1x40x125xi32, #tpu.memory_space<hbm>> -> memref<40x125xi32, #tpu.memory_space<hbm>>
          tpu.enqueue_dma source(%dma_start3A_122 : memref<40x125xi32, #tpu.memory_space<hbm>>) target(%arg8 : memref<40x125xi32, #tpu.memory_space<vmem>>) target_semaphore(%run_scoped3A : memref<!tpu.dma_semaphore, #tpu.memory_space<semaphore_mem>>)
          %dma_wait3A_123 = arith.constant 0 : i32
          %dma_wait3A_124 = tpu.memref_slice %arg4[%arg1, %mul3A_40, %dma_wait3A_123] : memref<16x160x125xi32, #tpu.memory_space<hbm>> -> memref<1x40x125xi32, #tpu.memory_space<hbm>>
          %dma_wait3A_125 = tpu.memref_squeeze %dma_wait3A_124 : memref<1x40x125xi32, #tpu.memory_space<hbm>> -> memref<40x125xi32, #tpu.memory_space<hbm>>
          %dma_wait3A_126 = arith.constant 0 : i32
          %dma_wait3A_127 = tpu.memref_slice %arg4[%arg1, %mul3A_40, %dma_wait3A_126] : memref<16x160x125xi32, #tpu.memory_space<hbm>> -> memref<1x40x125xi32, #tpu.memory_space<hbm>>
          %dma_wait3A_128 = tpu.memref_squeeze %dma_wait3A_127 : memref<1x40x125xi32, #tpu.memory_space<hbm>> -> memref<40x125xi32, #tpu.memory_space<hbm>>
          tpu.wait_dma2 semaphore(%run_scoped3A : memref<!tpu.dma_semaphore, #tpu.memory_space<semaphore_mem>>) src(%dma_wait3A_128 : memref<40x125xi32, #tpu.memory_space<hbm>>) dst(%arg8 : memref<40x125xi32, #tpu.memory_space<vmem>>)
          tpu.yield
        }) : () -> ()
        %mul3A_41 = arith.constant 40 : i32
        %mul3A_42 = arith.muli %scan3A_38, %mul3A_41 : i32
        "tpu.region"() ({
          %run_scoped3A = tpu.sem_alloc : memref<!tpu.dma_semaphore, #tpu.memory_space<semaphore_mem>>
          %dma_start3A_117 = arith.constant 0 : i32
          %dma_start3A_118 = tpu.memref_slice %arg5[%arg1, %mul3A_42, %dma_start3A_117] : memref<16x160x125xi32, #tpu.memory_space<hbm>> -> memref<1x40x125xi32, #tpu.memory_space<hbm>>
          %dma_start3A_119 = tpu.memref_squeeze %dma_start3A_118 : memref<1x40x125xi32, #tpu.memory_space<hbm>> -> memref<40x125xi32, #tpu.memory_space<hbm>>
          %dma_start3A_120 = arith.constant 0 : i32
          %dma_start3A_121 = tpu.memref_slice %arg5[%arg1, %mul3A_42, %dma_start3A_120] : memref<16x160x125xi32, #tpu.memory_space<hbm>> -> memref<1x40x125xi32, #tpu.memory_space<hbm>>
          %dma_start3A_122 = tpu.memref_squeeze %dma_start3A_121 : memref<1x40x125xi32, #tpu.memory_space<hbm>> -> memref<40x125xi32, #tpu.memory_space<hbm>>
          tpu.enqueue_dma source(%dma_start3A_122 : memref<40x125xi32, #tpu.memory_space<hbm>>) target(%arg9 : memref<40x125xi32, #tpu.memory_space<vmem>>) target_semaphore(%run_scoped3A : memref<!tpu.dma_semaphore, #tpu.memory_space<semaphore_mem>>)
          %dma_wait3A_123 = arith.constant 0 : i32
          %dma_wait3A_124 = tpu.memref_slice %arg5[%arg1, %mul3A_42, %dma_wait3A_123] : memref<16x160x125xi32, #tpu.memory_space<hbm>> -> memref<1x40x125xi32, #tpu.memory_space<hbm>>
          %dma_wait3A_125 = tpu.memref_squeeze %dma_wait3A_124 : memref<1x40x125xi32, #tpu.memory_space<hbm>> -> memref<40x125xi32, #tpu.memory_space<hbm>>
          %dma_wait3A_126 = arith.constant 0 : i32
          %dma_wait3A_127 = tpu.memref_slice %arg5[%arg1, %mul3A_42, %dma_wait3A_126] : memref<16x160x125xi32, #tpu.memory_space<hbm>> -> memref<1x40x125xi32, #tpu.memory_space<hbm>>
          %dma_wait3A_128 = tpu.memref_squeeze %dma_wait3A_127 : memref<1x40x125xi32, #tpu.memory_space<hbm>> -> memref<40x125xi32, #tpu.memory_space<hbm>>
          tpu.wait_dma2 semaphore(%run_scoped3A : memref<!tpu.dma_semaphore, #tpu.memory_space<semaphore_mem>>) src(%dma_wait3A_128 : memref<40x125xi32, #tpu.memory_space<hbm>>) dst(%arg9 : memref<40x125xi32, #tpu.memory_space<vmem>>)
          tpu.yield
        }) : () -> ()
        %dma_start3A = arith.constant 0 : i32
        %dma_start3A_43 = arith.constant 0 : i32
        %dma_start3A_44 = tpu.memref_slice %arg8[%dma_start3A, %dma_start3A_43] : memref<40x125xi32, #tpu.memory_space<vmem>> -> memref<1x125xi32, #tpu.memory_space<vmem>>
        %dma_start3A_45 = tpu.memref_squeeze %dma_start3A_44 : memref<1x125xi32, #tpu.memory_space<vmem>> -> memref<125xi32, #tpu.memory_space<vmem>>
        %dma_start3A_46 = arith.constant 0 : i32
        %dma_start3A_47 = arith.constant 0 : i32
        %dma_start3A_48 = tpu.memref_slice %arg16[%dma_start3A_46, %dma_start3A_47] : memref<10000x64xf32, #tpu.memory_space<vmem_shared>> -> memref<10000x64xf32, #tpu.memory_space<vmem_shared>>
        tpu.enqueue_indirect_dma source(%dma_start3A_48 : memref<10000x64xf32, #tpu.memory_space<vmem_shared>>) target(%arg10 : memref<125x64xf32, #tpu.memory_space<vmem>>) offsets(%dma_start3A_45 : memref<125xi32, #tpu.memory_space<vmem>>) semaphore(%arg17 : memref<!tpu.dma_semaphore, #tpu.memory_space<semaphore_mem>>)
        %dma_start3A_49 = arith.constant 1 : i32
        %dma_start3A_50 = arith.constant 0 : i32
        %dma_start3A_51 = tpu.memref_slice %arg8[%dma_start3A_49, %dma_start3A_50] : memref<40x125xi32, #tpu.memory_space<vmem>> -> memref<1x125xi32, #tpu.memory_space<vmem>>
        %dma_start3A_52 = tpu.memref_squeeze %dma_start3A_51 : memref<1x125xi32, #tpu.memory_space<vmem>> -> memref<125xi32, #tpu.memory_space<vmem>>
        %dma_start3A_53 = arith.constant 0 : i32
        %dma_start3A_54 = arith.constant 0 : i32
        %dma_start3A_55 = tpu.memref_slice %arg16[%dma_start3A_53, %dma_start3A_54] : memref<10000x64xf32, #tpu.memory_space<vmem_shared>> -> memref<10000x64xf32, #tpu.memory_space<vmem_shared>>
        tpu.enqueue_indirect_dma source(%dma_start3A_55 : memref<10000x64xf32, #tpu.memory_space<vmem_shared>>) target(%arg11 : memref<125x64xf32, #tpu.memory_space<vmem>>) offsets(%dma_start3A_52 : memref<125xi32, #tpu.memory_space<vmem>>) semaphore(%arg18 : memref<!tpu.dma_semaphore, #tpu.memory_space<semaphore_mem>>)
        %dma_start3A_56 = arith.constant 2 : i32
        %dma_start3A_57 = arith.constant 0 : i32
        %dma_start3A_58 = tpu.memref_slice %arg8[%dma_start3A_56, %dma_start3A_57] : memref<40x125xi32, #tpu.memory_space<vmem>> -> memref<1x125xi32, #tpu.memory_space<vmem>>
        %dma_start3A_59 = tpu.memref_squeeze %dma_start3A_58 : memref<1x125xi32, #tpu.memory_space<vmem>> -> memref<125xi32, #tpu.memory_space<vmem>>
        %dma_start3A_60 = arith.constant 0 : i32
        %dma_start3A_61 = arith.constant 0 : i32
        %dma_start3A_62 = tpu.memref_slice %arg16[%dma_start3A_60, %dma_start3A_61] : memref<10000x64xf32, #tpu.memory_space<vmem_shared>> -> memref<10000x64xf32, #tpu.memory_space<vmem_shared>>
        tpu.enqueue_indirect_dma source(%dma_start3A_62 : memref<10000x64xf32, #tpu.memory_space<vmem_shared>>) target(%arg12 : memref<125x64xf32, #tpu.memory_space<vmem>>) offsets(%dma_start3A_59 : memref<125xi32, #tpu.memory_space<vmem>>) semaphore(%arg19 : memref<!tpu.dma_semaphore, #tpu.memory_space<semaphore_mem>>)
        %dma_start3A_63 = arith.constant 3 : i32
        %dma_start3A_64 = arith.constant 0 : i32
        %dma_start3A_65 = tpu.memref_slice %arg8[%dma_start3A_63, %dma_start3A_64] : memref<40x125xi32, #tpu.memory_space<vmem>> -> memref<1x125xi32, #tpu.memory_space<vmem>>
        %dma_start3A_66 = tpu.memref_squeeze %dma_start3A_65 : memref<1x125xi32, #tpu.memory_space<vmem>> -> memref<125xi32, #tpu.memory_space<vmem>>
        %dma_start3A_67 = arith.constant 0 : i32
        %dma_start3A_68 = arith.constant 0 : i32
        %dma_start3A_69 = tpu.memref_slice %arg16[%dma_start3A_67, %dma_start3A_68] : memref<10000x64xf32, #tpu.memory_space<vmem_shared>> -> memref<10000x64xf32, #tpu.memory_space<vmem_shared>>
        tpu.enqueue_indirect_dma source(%dma_start3A_69 : memref<10000x64xf32, #tpu.memory_space<vmem_shared>>) target(%arg13 : memref<125x64xf32, #tpu.memory_space<vmem>>) offsets(%dma_start3A_66 : memref<125xi32, #tpu.memory_space<vmem>>) semaphore(%arg20 : memref<!tpu.dma_semaphore, #tpu.memory_space<semaphore_mem>>)
        %dma_start3A_70 = arith.constant 4 : i32
        %dma_start3A_71 = arith.constant 0 : i32
        %dma_start3A_72 = tpu.memref_slice %arg8[%dma_start3A_70, %dma_start3A_71] : memref<40x125xi32, #tpu.memory_space<vmem>> -> memref<1x125xi32, #tpu.memory_space<vmem>>
        %dma_start3A_73 = tpu.memref_squeeze %dma_start3A_72 : memref<1x125xi32, #tpu.memory_space<vmem>> -> memref<125xi32, #tpu.memory_space<vmem>>
        %dma_start3A_74 = arith.constant 0 : i32
        %dma_start3A_75 = arith.constant 0 : i32
        %dma_start3A_76 = tpu.memref_slice %arg16[%dma_start3A_74, %dma_start3A_75] : memref<10000x64xf32, #tpu.memory_space<vmem_shared>> -> memref<10000x64xf32, #tpu.memory_space<vmem_shared>>
        tpu.enqueue_indirect_dma source(%dma_start3A_76 : memref<10000x64xf32, #tpu.memory_space<vmem_shared>>) target(%arg14 : memref<125x64xf32, #tpu.memory_space<vmem>>) offsets(%dma_start3A_73 : memref<125xi32, #tpu.memory_space<vmem>>) semaphore(%arg21 : memref<!tpu.dma_semaphore, #tpu.memory_space<semaphore_mem>>)
        %scan3A_77 = arith.constant 0 : i32
        %scan3A_78 = arith.constant 0 : i32
        %scan3A_79 = arith.constant 8 : i32
        %scan3A_80 = arith.addi %scan3A_78, %scan3A_79 : i32
        %scan3A_81 = arith.constant 1 : i32
        scf.for %scan3A_117 = %scan3A_78 to %scan3A_80 step %scan3A_81  : i32 {
          %mul3A_118 = arith.constant 5 : i32
          %mul3A_119 = arith.muli %scan3A_117, %mul3A_118 : i32
          %dma_wait3A_120 = arith.constant 0 : i32
          %dma_wait3A_121 = arith.constant 0 : i32
          %dma_wait3A_122 = tpu.memref_slice %arg8[%dma_wait3A_120, %dma_wait3A_121] : memref<40x125xi32, #tpu.memory_space<vmem>> -> memref<1x125xi32, #tpu.memory_space<vmem>>
          %dma_wait3A_123 = tpu.memref_squeeze %dma_wait3A_122 : memref<1x125xi32, #tpu.memory_space<vmem>> -> memref<125xi32, #tpu.memory_space<vmem>>
          %dma_wait3A_124 = arith.constant 0 : i32
          %dma_wait3A_125 = arith.constant 0 : i32
          %dma_wait3A_126 = tpu.memref_slice %arg16[%dma_wait3A_124, %dma_wait3A_125] : memref<10000x64xf32, #tpu.memory_space<vmem_shared>> -> memref<10000x64xf32, #tpu.memory_space<vmem_shared>>
          tpu.wait_indirect_dma semaphore(%arg17 : memref<!tpu.dma_semaphore, #tpu.memory_space<semaphore_mem>>) src(%dma_wait3A_126 : memref<10000x64xf32, #tpu.memory_space<vmem_shared>>) dst(%arg10 : memref<125x64xf32, #tpu.memory_space<vmem>>)
          %dma_wait3A_127 = arith.constant 0 : i32
          %dma_wait3A_128 = arith.constant 0 : i32
          %dma_wait3A_129 = tpu.memref_slice %arg8[%dma_wait3A_127, %dma_wait3A_128] : memref<40x125xi32, #tpu.memory_space<vmem>> -> memref<1x125xi32, #tpu.memory_space<vmem>>
          %dma_wait3A_130 = tpu.memref_squeeze %dma_wait3A_129 : memref<1x125xi32, #tpu.memory_space<vmem>> -> memref<125xi32, #tpu.memory_space<vmem>>
          %dma_wait3A_131 = arith.constant 0 : i32
          %dma_wait3A_132 = arith.constant 0 : i32
          %dma_wait3A_133 = tpu.memref_slice %arg16[%dma_wait3A_131, %dma_wait3A_132] : memref<10000x64xf32, #tpu.memory_space<vmem_shared>> -> memref<10000x64xf32, #tpu.memory_space<vmem_shared>>
          tpu.wait_indirect_dma semaphore(%arg18 : memref<!tpu.dma_semaphore, #tpu.memory_space<semaphore_mem>>) src(%dma_wait3A_133 : memref<10000x64xf32, #tpu.memory_space<vmem_shared>>) dst(%arg11 : memref<125x64xf32, #tpu.memory_space<vmem>>)
          %dma_wait3A_134 = arith.constant 0 : i32
          %dma_wait3A_135 = arith.constant 0 : i32
          %dma_wait3A_136 = tpu.memref_slice %arg8[%dma_wait3A_134, %dma_wait3A_135] : memref<40x125xi32, #tpu.memory_space<vmem>> -> memref<1x125xi32, #tpu.memory_space<vmem>>
          %dma_wait3A_137 = tpu.memref_squeeze %dma_wait3A_136 : memref<1x125xi32, #tpu.memory_space<vmem>> -> memref<125xi32, #tpu.memory_space<vmem>>
          %dma_wait3A_138 = arith.constant 0 : i32
          %dma_wait3A_139 = arith.constant 0 : i32
          %dma_wait3A_140 = tpu.memref_slice %arg16[%dma_wait3A_138, %dma_wait3A_139] : memref<10000x64xf32, #tpu.memory_space<vmem_shared>> -> memref<10000x64xf32, #tpu.memory_space<vmem_shared>>
          tpu.wait_indirect_dma semaphore(%arg19 : memref<!tpu.dma_semaphore, #tpu.memory_space<semaphore_mem>>) src(%dma_wait3A_140 : memref<10000x64xf32, #tpu.memory_space<vmem_shared>>) dst(%arg12 : memref<125x64xf32, #tpu.memory_space<vmem>>)
          %dma_wait3A_141 = arith.constant 0 : i32
          %dma_wait3A_142 = arith.constant 0 : i32
          %dma_wait3A_143 = tpu.memref_slice %arg8[%dma_wait3A_141, %dma_wait3A_142] : memref<40x125xi32, #tpu.memory_space<vmem>> -> memref<1x125xi32, #tpu.memory_space<vmem>>
          %dma_wait3A_144 = tpu.memref_squeeze %dma_wait3A_143 : memref<1x125xi32, #tpu.memory_space<vmem>> -> memref<125xi32, #tpu.memory_space<vmem>>
          %dma_wait3A_145 = arith.constant 0 : i32
          %dma_wait3A_146 = arith.constant 0 : i32
          %dma_wait3A_147 = tpu.memref_slice %arg16[%dma_wait3A_145, %dma_wait3A_146] : memref<10000x64xf32, #tpu.memory_space<vmem_shared>> -> memref<10000x64xf32, #tpu.memory_space<vmem_shared>>
          tpu.wait_indirect_dma semaphore(%arg20 : memref<!tpu.dma_semaphore, #tpu.memory_space<semaphore_mem>>) src(%dma_wait3A_147 : memref<10000x64xf32, #tpu.memory_space<vmem_shared>>) dst(%arg13 : memref<125x64xf32, #tpu.memory_space<vmem>>)
          %dma_wait3A_148 = arith.constant 0 : i32
          %dma_wait3A_149 = arith.constant 0 : i32
          %dma_wait3A_150 = tpu.memref_slice %arg8[%dma_wait3A_148, %dma_wait3A_149] : memref<40x125xi32, #tpu.memory_space<vmem>> -> memref<1x125xi32, #tpu.memory_space<vmem>>
          %dma_wait3A_151 = tpu.memref_squeeze %dma_wait3A_150 : memref<1x125xi32, #tpu.memory_space<vmem>> -> memref<125xi32, #tpu.memory_space<vmem>>
          %dma_wait3A_152 = arith.constant 0 : i32
          %dma_wait3A_153 = arith.constant 0 : i32
          %dma_wait3A_154 = tpu.memref_slice %arg16[%dma_wait3A_152, %dma_wait3A_153] : memref<10000x64xf32, #tpu.memory_space<vmem_shared>> -> memref<10000x64xf32, #tpu.memory_space<vmem_shared>>
          tpu.wait_indirect_dma semaphore(%arg21 : memref<!tpu.dma_semaphore, #tpu.memory_space<semaphore_mem>>) src(%dma_wait3A_154 : memref<10000x64xf32, #tpu.memory_space<vmem_shared>>) dst(%arg14 : memref<125x64xf32, #tpu.memory_space<vmem>>)
          %add3A = arith.constant 0 : i32
          %add3A_155 = arith.addi %mul3A_119, %add3A : i32
          %dma_start3A_156 = arith.constant 0 : i32
          %dma_start3A_157 = tpu.memref_slice %arg9[%add3A_155, %dma_start3A_156] : memref<40x125xi32, #tpu.memory_space<vmem>> -> memref<1x125xi32, #tpu.memory_space<vmem>>
          %dma_start3A_158 = tpu.memref_squeeze %dma_start3A_157 : memref<1x125xi32, #tpu.memory_space<vmem>> -> memref<125xi32, #tpu.memory_space<vmem>>
          %dma_start3A_159 = arith.constant 0 : i32
          %dma_start3A_160 = arith.constant 0 : i32
          %dma_start3A_161 = tpu.memref_slice %arg15[%dma_start3A_159, %dma_start3A_160] : memref<10000x64xf32, #tpu.memory_space<vmem_shared>> -> memref<10000x64xf32, #tpu.memory_space<vmem_shared>>
          tpu.enqueue_indirect_dma source(%arg10 : memref<125x64xf32, #tpu.memory_space<vmem>>) target(%dma_start3A_161 : memref<10000x64xf32, #tpu.memory_space<vmem_shared>>) offsets(%dma_start3A_158 : memref<125xi32, #tpu.memory_space<vmem>>) semaphore(%arg22 : memref<!tpu.dma_semaphore, #tpu.memory_space<semaphore_mem>>) {add = true}
          %add3A_162 = arith.constant 1 : i32
          %add3A_163 = arith.addi %mul3A_119, %add3A_162 : i32
          %dma_start3A_164 = arith.constant 0 : i32
          %dma_start3A_165 = tpu.memref_slice %arg9[%add3A_163, %dma_start3A_164] : memref<40x125xi32, #tpu.memory_space<vmem>> -> memref<1x125xi32, #tpu.memory_space<vmem>>
          %dma_start3A_166 = tpu.memref_squeeze %dma_start3A_165 : memref<1x125xi32, #tpu.memory_space<vmem>> -> memref<125xi32, #tpu.memory_space<vmem>>
          %dma_start3A_167 = arith.constant 0 : i32
          %dma_start3A_168 = arith.constant 0 : i32
          %dma_start3A_169 = tpu.memref_slice %arg15[%dma_start3A_167, %dma_start3A_168] : memref<10000x64xf32, #tpu.memory_space<vmem_shared>> -> memref<10000x64xf32, #tpu.memory_space<vmem_shared>>
          tpu.enqueue_indirect_dma source(%arg11 : memref<125x64xf32, #tpu.memory_space<vmem>>) target(%dma_start3A_169 : memref<10000x64xf32, #tpu.memory_space<vmem_shared>>) offsets(%dma_start3A_166 : memref<125xi32, #tpu.memory_space<vmem>>) semaphore(%arg23 : memref<!tpu.dma_semaphore, #tpu.memory_space<semaphore_mem>>) {add = true}
          %add3A_170 = arith.constant 2 : i32
          %add3A_171 = arith.addi %mul3A_119, %add3A_170 : i32
          %dma_start3A_172 = arith.constant 0 : i32
          %dma_start3A_173 = tpu.memref_slice %arg9[%add3A_171, %dma_start3A_172] : memref<40x125xi32, #tpu.memory_space<vmem>> -> memref<1x125xi32, #tpu.memory_space<vmem>>
          %dma_start3A_174 = tpu.memref_squeeze %dma_start3A_173 : memref<1x125xi32, #tpu.memory_space<vmem>> -> memref<125xi32, #tpu.memory_space<vmem>>
          %dma_start3A_175 = arith.constant 0 : i32
          %dma_start3A_176 = arith.constant 0 : i32
          %dma_start3A_177 = tpu.memref_slice %arg15[%dma_start3A_175, %dma_start3A_176] : memref<10000x64xf32, #tpu.memory_space<vmem_shared>> -> memref<10000x64xf32, #tpu.memory_space<vmem_shared>>
          tpu.enqueue_indirect_dma source(%arg12 : memref<125x64xf32, #tpu.memory_space<vmem>>) target(%dma_start3A_177 : memref<10000x64xf32, #tpu.memory_space<vmem_shared>>) offsets(%dma_start3A_174 : memref<125xi32, #tpu.memory_space<vmem>>) semaphore(%arg24 : memref<!tpu.dma_semaphore, #tpu.memory_space<semaphore_mem>>) {add = true}
          %add3A_178 = arith.constant 3 : i32
          %add3A_179 = arith.addi %mul3A_119, %add3A_178 : i32
          %dma_start3A_180 = arith.constant 0 : i32
          %dma_start3A_181 = tpu.memref_slice %arg9[%add3A_179, %dma_start3A_180] : memref<40x125xi32, #tpu.memory_space<vmem>> -> memref<1x125xi32, #tpu.memory_space<vmem>>
          %dma_start3A_182 = tpu.memref_squeeze %dma_start3A_181 : memref<1x125xi32, #tpu.memory_space<vmem>> -> memref<125xi32, #tpu.memory_space<vmem>>
          %dma_start3A_183 = arith.constant 0 : i32
          %dma_start3A_184 = arith.constant 0 : i32
          %dma_start3A_185 = tpu.memref_slice %arg15[%dma_start3A_183, %dma_start3A_184] : memref<10000x64xf32, #tpu.memory_space<vmem_shared>> -> memref<10000x64xf32, #tpu.memory_space<vmem_shared>>
          tpu.enqueue_indirect_dma source(%arg13 : memref<125x64xf32, #tpu.memory_space<vmem>>) target(%dma_start3A_185 : memref<10000x64xf32, #tpu.memory_space<vmem_shared>>) offsets(%dma_start3A_182 : memref<125xi32, #tpu.memory_space<vmem>>) semaphore(%arg25 : memref<!tpu.dma_semaphore, #tpu.memory_space<semaphore_mem>>) {add = true}
          %add3A_186 = arith.constant 4 : i32
          %add3A_187 = arith.addi %mul3A_119, %add3A_186 : i32
          %dma_start3A_188 = arith.constant 0 : i32
          %dma_start3A_189 = tpu.memref_slice %arg9[%add3A_187, %dma_start3A_188] : memref<40x125xi32, #tpu.memory_space<vmem>> -> memref<1x125xi32, #tpu.memory_space<vmem>>
          %dma_start3A_190 = tpu.memref_squeeze %dma_start3A_189 : memref<1x125xi32, #tpu.memory_space<vmem>> -> memref<125xi32, #tpu.memory_space<vmem>>
          %dma_start3A_191 = arith.constant 0 : i32
          %dma_start3A_192 = arith.constant 0 : i32
          %dma_start3A_193 = tpu.memref_slice %arg15[%dma_start3A_191, %dma_start3A_192] : memref<10000x64xf32, #tpu.memory_space<vmem_shared>> -> memref<10000x64xf32, #tpu.memory_space<vmem_shared>>
          tpu.enqueue_indirect_dma source(%arg14 : memref<125x64xf32, #tpu.memory_space<vmem>>) target(%dma_start3A_193 : memref<10000x64xf32, #tpu.memory_space<vmem_shared>>) offsets(%dma_start3A_190 : memref<125xi32, #tpu.memory_space<vmem>>) semaphore(%arg26 : memref<!tpu.dma_semaphore, #tpu.memory_space<semaphore_mem>>) {add = true}
          %dma_wait3A_194 = arith.constant 0 : i32
          %dma_wait3A_195 = arith.constant 0 : i32
          %dma_wait3A_196 = tpu.memref_slice %arg9[%dma_wait3A_194, %dma_wait3A_195] : memref<40x125xi32, #tpu.memory_space<vmem>> -> memref<1x125xi32, #tpu.memory_space<vmem>>
          %dma_wait3A_197 = tpu.memref_squeeze %dma_wait3A_196 : memref<1x125xi32, #tpu.memory_space<vmem>> -> memref<125xi32, #tpu.memory_space<vmem>>
          %dma_wait3A_198 = arith.constant 0 : i32
          %dma_wait3A_199 = arith.constant 0 : i32
          %dma_wait3A_200 = tpu.memref_slice %arg15[%dma_wait3A_198, %dma_wait3A_199] : memref<10000x64xf32, #tpu.memory_space<vmem_shared>> -> memref<10000x64xf32, #tpu.memory_space<vmem_shared>>
          tpu.wait_indirect_dma semaphore(%arg22 : memref<!tpu.dma_semaphore, #tpu.memory_space<semaphore_mem>>) src(%arg10 : memref<125x64xf32, #tpu.memory_space<vmem>>) dst(%dma_wait3A_200 : memref<10000x64xf32, #tpu.memory_space<vmem_shared>>)
          %add3A_201 = arith.constant 5 : i32
          %add3A_202 = arith.addi %mul3A_119, %add3A_201 : i32
          %add3A_203 = arith.constant 0 : i32
          %add3A_204 = arith.addi %add3A_202, %add3A_203 : i32
          %rem3A = arith.constant 40 : i32
          %rem3A_205 = arith.remsi %add3A_204, %rem3A : i32
          %dma_start3A_206 = arith.constant 0 : i32
          %dma_start3A_207 = tpu.memref_slice %arg8[%rem3A_205, %dma_start3A_206] : memref<40x125xi32, #tpu.memory_space<vmem>> -> memref<1x125xi32, #tpu.memory_space<vmem>>
          %dma_start3A_208 = tpu.memref_squeeze %dma_start3A_207 : memref<1x125xi32, #tpu.memory_space<vmem>> -> memref<125xi32, #tpu.memory_space<vmem>>
          %dma_start3A_209 = arith.constant 0 : i32
          %dma_start3A_210 = arith.constant 0 : i32
          %dma_start3A_211 = tpu.memref_slice %arg16[%dma_start3A_209, %dma_start3A_210] : memref<10000x64xf32, #tpu.memory_space<vmem_shared>> -> memref<10000x64xf32, #tpu.memory_space<vmem_shared>>
          tpu.enqueue_indirect_dma source(%dma_start3A_211 : memref<10000x64xf32, #tpu.memory_space<vmem_shared>>) target(%arg10 : memref<125x64xf32, #tpu.memory_space<vmem>>) offsets(%dma_start3A_208 : memref<125xi32, #tpu.memory_space<vmem>>) semaphore(%arg17 : memref<!tpu.dma_semaphore, #tpu.memory_space<semaphore_mem>>)
          %dma_wait3A_212 = arith.constant 0 : i32
          %dma_wait3A_213 = arith.constant 0 : i32
          %dma_wait3A_214 = tpu.memref_slice %arg9[%dma_wait3A_212, %dma_wait3A_213] : memref<40x125xi32, #tpu.memory_space<vmem>> -> memref<1x125xi32, #tpu.memory_space<vmem>>
          %dma_wait3A_215 = tpu.memref_squeeze %dma_wait3A_214 : memref<1x125xi32, #tpu.memory_space<vmem>> -> memref<125xi32, #tpu.memory_space<vmem>>
          %dma_wait3A_216 = arith.constant 0 : i32
          %dma_wait3A_217 = arith.constant 0 : i32
          %dma_wait3A_218 = tpu.memref_slice %arg15[%dma_wait3A_216, %dma_wait3A_217] : memref<10000x64xf32, #tpu.memory_space<vmem_shared>> -> memref<10000x64xf32, #tpu.memory_space<vmem_shared>>
          tpu.wait_indirect_dma semaphore(%arg23 : memref<!tpu.dma_semaphore, #tpu.memory_space<semaphore_mem>>) src(%arg11 : memref<125x64xf32, #tpu.memory_space<vmem>>) dst(%dma_wait3A_218 : memref<10000x64xf32, #tpu.memory_space<vmem_shared>>)
          %add3A_219 = arith.constant 5 : i32
          %add3A_220 = arith.addi %mul3A_119, %add3A_219 : i32
          %add3A_221 = arith.constant 1 : i32
          %add3A_222 = arith.addi %add3A_220, %add3A_221 : i32
          %rem3A_223 = arith.constant 40 : i32
          %rem3A_224 = arith.remsi %add3A_222, %rem3A_223 : i32
          %dma_start3A_225 = arith.constant 0 : i32
          %dma_start3A_226 = tpu.memref_slice %arg8[%rem3A_224, %dma_start3A_225] : memref<40x125xi32, #tpu.memory_space<vmem>> -> memref<1x125xi32, #tpu.memory_space<vmem>>
          %dma_start3A_227 = tpu.memref_squeeze %dma_start3A_226 : memref<1x125xi32, #tpu.memory_space<vmem>> -> memref<125xi32, #tpu.memory_space<vmem>>
          %dma_start3A_228 = arith.constant 0 : i32
          %dma_start3A_229 = arith.constant 0 : i32
          %dma_start3A_230 = tpu.memref_slice %arg16[%dma_start3A_228, %dma_start3A_229] : memref<10000x64xf32, #tpu.memory_space<vmem_shared>> -> memref<10000x64xf32, #tpu.memory_space<vmem_shared>>
          tpu.enqueue_indirect_dma source(%dma_start3A_230 : memref<10000x64xf32, #tpu.memory_space<vmem_shared>>) target(%arg11 : memref<125x64xf32, #tpu.memory_space<vmem>>) offsets(%dma_start3A_227 : memref<125xi32, #tpu.memory_space<vmem>>) semaphore(%arg18 : memref<!tpu.dma_semaphore, #tpu.memory_space<semaphore_mem>>)
          %dma_wait3A_231 = arith.constant 0 : i32
          %dma_wait3A_232 = arith.constant 0 : i32
          %dma_wait3A_233 = tpu.memref_slice %arg9[%dma_wait3A_231, %dma_wait3A_232] : memref<40x125xi32, #tpu.memory_space<vmem>> -> memref<1x125xi32, #tpu.memory_space<vmem>>
          %dma_wait3A_234 = tpu.memref_squeeze %dma_wait3A_233 : memref<1x125xi32, #tpu.memory_space<vmem>> -> memref<125xi32, #tpu.memory_space<vmem>>
          %dma_wait3A_235 = arith.constant 0 : i32
          %dma_wait3A_236 = arith.constant 0 : i32
          %dma_wait3A_237 = tpu.memref_slice %arg15[%dma_wait3A_235, %dma_wait3A_236] : memref<10000x64xf32, #tpu.memory_space<vmem_shared>> -> memref<10000x64xf32, #tpu.memory_space<vmem_shared>>
          tpu.wait_indirect_dma semaphore(%arg24 : memref<!tpu.dma_semaphore, #tpu.memory_space<semaphore_mem>>) src(%arg12 : memref<125x64xf32, #tpu.memory_space<vmem>>) dst(%dma_wait3A_237 : memref<10000x64xf32, #tpu.memory_space<vmem_shared>>)
          %add3A_238 = arith.constant 5 : i32
          %add3A_239 = arith.addi %mul3A_119, %add3A_238 : i32
          %add3A_240 = arith.constant 2 : i32
          %add3A_241 = arith.addi %add3A_239, %add3A_240 : i32
          %rem3A_242 = arith.constant 40 : i32
          %rem3A_243 = arith.remsi %add3A_241, %rem3A_242 : i32
          %dma_start3A_244 = arith.constant 0 : i32
          %dma_start3A_245 = tpu.memref_slice %arg8[%rem3A_243, %dma_start3A_244] : memref<40x125xi32, #tpu.memory_space<vmem>> -> memref<1x125xi32, #tpu.memory_space<vmem>>
          %dma_start3A_246 = tpu.memref_squeeze %dma_start3A_245 : memref<1x125xi32, #tpu.memory_space<vmem>> -> memref<125xi32, #tpu.memory_space<vmem>>
          %dma_start3A_247 = arith.constant 0 : i32
          %dma_start3A_248 = arith.constant 0 : i32
          %dma_start3A_249 = tpu.memref_slice %arg16[%dma_start3A_247, %dma_start3A_248] : memref<10000x64xf32, #tpu.memory_space<vmem_shared>> -> memref<10000x64xf32, #tpu.memory_space<vmem_shared>>
          tpu.enqueue_indirect_dma source(%dma_start3A_249 : memref<10000x64xf32, #tpu.memory_space<vmem_shared>>) target(%arg12 : memref<125x64xf32, #tpu.memory_space<vmem>>) offsets(%dma_start3A_246 : memref<125xi32, #tpu.memory_space<vmem>>) semaphore(%arg19 : memref<!tpu.dma_semaphore, #tpu.memory_space<semaphore_mem>>)
          %dma_wait3A_250 = arith.constant 0 : i32
          %dma_wait3A_251 = arith.constant 0 : i32
          %dma_wait3A_252 = tpu.memref_slice %arg9[%dma_wait3A_250, %dma_wait3A_251] : memref<40x125xi32, #tpu.memory_space<vmem>> -> memref<1x125xi32, #tpu.memory_space<vmem>>
          %dma_wait3A_253 = tpu.memref_squeeze %dma_wait3A_252 : memref<1x125xi32, #tpu.memory_space<vmem>> -> memref<125xi32, #tpu.memory_space<vmem>>
          %dma_wait3A_254 = arith.constant 0 : i32
          %dma_wait3A_255 = arith.constant 0 : i32
          %dma_wait3A_256 = tpu.memref_slice %arg15[%dma_wait3A_254, %dma_wait3A_255] : memref<10000x64xf32, #tpu.memory_space<vmem_shared>> -> memref<10000x64xf32, #tpu.memory_space<vmem_shared>>
          tpu.wait_indirect_dma semaphore(%arg25 : memref<!tpu.dma_semaphore, #tpu.memory_space<semaphore_mem>>) src(%arg13 : memref<125x64xf32, #tpu.memory_space<vmem>>) dst(%dma_wait3A_256 : memref<10000x64xf32, #tpu.memory_space<vmem_shared>>)
          %add3A_257 = arith.constant 5 : i32
          %add3A_258 = arith.addi %mul3A_119, %add3A_257 : i32
          %add3A_259 = arith.constant 3 : i32
          %add3A_260 = arith.addi %add3A_258, %add3A_259 : i32
          %rem3A_261 = arith.constant 40 : i32
          %rem3A_262 = arith.remsi %add3A_260, %rem3A_261 : i32
          %dma_start3A_263 = arith.constant 0 : i32
          %dma_start3A_264 = tpu.memref_slice %arg8[%rem3A_262, %dma_start3A_263] : memref<40x125xi32, #tpu.memory_space<vmem>> -> memref<1x125xi32, #tpu.memory_space<vmem>>
          %dma_start3A_265 = tpu.memref_squeeze %dma_start3A_264 : memref<1x125xi32, #tpu.memory_space<vmem>> -> memref<125xi32, #tpu.memory_space<vmem>>
          %dma_start3A_266 = arith.constant 0 : i32
          %dma_start3A_267 = arith.constant 0 : i32
          %dma_start3A_268 = tpu.memref_slice %arg16[%dma_start3A_266, %dma_start3A_267] : memref<10000x64xf32, #tpu.memory_space<vmem_shared>> -> memref<10000x64xf32, #tpu.memory_space<vmem_shared>>
          tpu.enqueue_indirect_dma source(%dma_start3A_268 : memref<10000x64xf32, #tpu.memory_space<vmem_shared>>) target(%arg13 : memref<125x64xf32, #tpu.memory_space<vmem>>) offsets(%dma_start3A_265 : memref<125xi32, #tpu.memory_space<vmem>>) semaphore(%arg20 : memref<!tpu.dma_semaphore, #tpu.memory_space<semaphore_mem>>)
          %dma_wait3A_269 = arith.constant 0 : i32
          %dma_wait3A_270 = arith.constant 0 : i32
          %dma_wait3A_271 = tpu.memref_slice %arg9[%dma_wait3A_269, %dma_wait3A_270] : memref<40x125xi32, #tpu.memory_space<vmem>> -> memref<1x125xi32, #tpu.memory_space<vmem>>
          %dma_wait3A_272 = tpu.memref_squeeze %dma_wait3A_271 : memref<1x125xi32, #tpu.memory_space<vmem>> -> memref<125xi32, #tpu.memory_space<vmem>>
          %dma_wait3A_273 = arith.constant 0 : i32
          %dma_wait3A_274 = arith.constant 0 : i32
          %dma_wait3A_275 = tpu.memref_slice %arg15[%dma_wait3A_273, %dma_wait3A_274] : memref<10000x64xf32, #tpu.memory_space<vmem_shared>> -> memref<10000x64xf32, #tpu.memory_space<vmem_shared>>
          tpu.wait_indirect_dma semaphore(%arg26 : memref<!tpu.dma_semaphore, #tpu.memory_space<semaphore_mem>>) src(%arg14 : memref<125x64xf32, #tpu.memory_space<vmem>>) dst(%dma_wait3A_275 : memref<10000x64xf32, #tpu.memory_space<vmem_shared>>)
          %add3A_276 = arith.constant 5 : i32
          %add3A_277 = arith.addi %mul3A_119, %add3A_276 : i32
          %add3A_278 = arith.constant 4 : i32
          %add3A_279 = arith.addi %add3A_277, %add3A_278 : i32
          %rem3A_280 = arith.constant 40 : i32
          %rem3A_281 = arith.remsi %add3A_279, %rem3A_280 : i32
          %dma_start3A_282 = arith.constant 0 : i32
          %dma_start3A_283 = tpu.memref_slice %arg8[%rem3A_281, %dma_start3A_282] : memref<40x125xi32, #tpu.memory_space<vmem>> -> memref<1x125xi32, #tpu.memory_space<vmem>>
          %dma_start3A_284 = tpu.memref_squeeze %dma_start3A_283 : memref<1x125xi32, #tpu.memory_space<vmem>> -> memref<125xi32, #tpu.memory_space<vmem>>
          %dma_start3A_285 = arith.constant 0 : i32
          %dma_start3A_286 = arith.constant 0 : i32
          %dma_start3A_287 = tpu.memref_slice %arg16[%dma_start3A_285, %dma_start3A_286] : memref<10000x64xf32, #tpu.memory_space<vmem_shared>> -> memref<10000x64xf32, #tpu.memory_space<vmem_shared>>
          tpu.enqueue_indirect_dma source(%dma_start3A_287 : memref<10000x64xf32, #tpu.memory_space<vmem_shared>>) target(%arg14 : memref<125x64xf32, #tpu.memory_space<vmem>>) offsets(%dma_start3A_284 : memref<125xi32, #tpu.memory_space<vmem>>) semaphore(%arg21 : memref<!tpu.dma_semaphore, #tpu.memory_space<semaphore_mem>>)
        }
        %scan3A_82 = arith.constant 8 : i32
        %dma_wait3A = arith.constant 0 : i32
        %dma_wait3A_83 = arith.constant 0 : i32
        %dma_wait3A_84 = tpu.memref_slice %arg8[%dma_wait3A, %dma_wait3A_83] : memref<40x125xi32, #tpu.memory_space<vmem>> -> memref<1x125xi32, #tpu.memory_space<vmem>>
        %dma_wait3A_85 = tpu.memref_squeeze %dma_wait3A_84 : memref<1x125xi32, #tpu.memory_space<vmem>> -> memref<125xi32, #tpu.memory_space<vmem>>
        %dma_wait3A_86 = arith.constant 0 : i32
        %dma_wait3A_87 = arith.constant 0 : i32
        %dma_wait3A_88 = tpu.memref_slice %arg16[%dma_wait3A_86, %dma_wait3A_87] : memref<10000x64xf32, #tpu.memory_space<vmem_shared>> -> memref<10000x64xf32, #tpu.memory_space<vmem_shared>>
        tpu.wait_indirect_dma semaphore(%arg17 : memref<!tpu.dma_semaphore, #tpu.memory_space<semaphore_mem>>) src(%dma_wait3A_88 : memref<10000x64xf32, #tpu.memory_space<vmem_shared>>) dst(%arg10 : memref<125x64xf32, #tpu.memory_space<vmem>>)
        %dma_wait3A_89 = arith.constant 0 : i32
        %dma_wait3A_90 = arith.constant 0 : i32
        %dma_wait3A_91 = tpu.memref_slice %arg8[%dma_wait3A_89, %dma_wait3A_90] : memref<40x125xi32, #tpu.memory_space<vmem>> -> memref<1x125xi32, #tpu.memory_space<vmem>>
        %dma_wait3A_92 = tpu.memref_squeeze %dma_wait3A_91 : memref<1x125xi32, #tpu.memory_space<vmem>> -> memref<125xi32, #tpu.memory_space<vmem>>
        %dma_wait3A_93 = arith.constant 0 : i32
        %dma_wait3A_94 = arith.constant 0 : i32
        %dma_wait3A_95 = tpu.memref_slice %arg16[%dma_wait3A_93, %dma_wait3A_94] : memref<10000x64xf32, #tpu.memory_space<vmem_shared>> -> memref<10000x64xf32, #tpu.memory_space<vmem_shared>>
        tpu.wait_indirect_dma semaphore(%arg18 : memref<!tpu.dma_semaphore, #tpu.memory_space<semaphore_mem>>) src(%dma_wait3A_95 : memref<10000x64xf32, #tpu.memory_space<vmem_shared>>) dst(%arg11 : memref<125x64xf32, #tpu.memory_space<vmem>>)
        %dma_wait3A_96 = arith.constant 0 : i32
        %dma_wait3A_97 = arith.constant 0 : i32
        %dma_wait3A_98 = tpu.memref_slice %arg8[%dma_wait3A_96, %dma_wait3A_97] : memref<40x125xi32, #tpu.memory_space<vmem>> -> memref<1x125xi32, #tpu.memory_space<vmem>>
        %dma_wait3A_99 = tpu.memref_squeeze %dma_wait3A_98 : memref<1x125xi32, #tpu.memory_space<vmem>> -> memref<125xi32, #tpu.memory_space<vmem>>
        %dma_wait3A_100 = arith.constant 0 : i32
        %dma_wait3A_101 = arith.constant 0 : i32
        %dma_wait3A_102 = tpu.memref_slice %arg16[%dma_wait3A_100, %dma_wait3A_101] : memref<10000x64xf32, #tpu.memory_space<vmem_shared>> -> memref<10000x64xf32, #tpu.memory_space<vmem_shared>>
        tpu.wait_indirect_dma semaphore(%arg19 : memref<!tpu.dma_semaphore, #tpu.memory_space<semaphore_mem>>) src(%dma_wait3A_102 : memref<10000x64xf32, #tpu.memory_space<vmem_shared>>) dst(%arg12 : memref<125x64xf32, #tpu.memory_space<vmem>>)
        %dma_wait3A_103 = arith.constant 0 : i32
        %dma_wait3A_104 = arith.constant 0 : i32
        %dma_wait3A_105 = tpu.memref_slice %arg8[%dma_wait3A_103, %dma_wait3A_104] : memref<40x125xi32, #tpu.memory_space<vmem>> -> memref<1x125xi32, #tpu.memory_space<vmem>>
        %dma_wait3A_106 = tpu.memref_squeeze %dma_wait3A_105 : memref<1x125xi32, #tpu.memory_space<vmem>> -> memref<125xi32, #tpu.memory_space<vmem>>
        %dma_wait3A_107 = arith.constant 0 : i32
        %dma_wait3A_108 = arith.constant 0 : i32
        %dma_wait3A_109 = tpu.memref_slice %arg16[%dma_wait3A_107, %dma_wait3A_108] : memref<10000x64xf32, #tpu.memory_space<vmem_shared>> -> memref<10000x64xf32, #tpu.memory_space<vmem_shared>>
        tpu.wait_indirect_dma semaphore(%arg20 : memref<!tpu.dma_semaphore, #tpu.memory_space<semaphore_mem>>) src(%dma_wait3A_109 : memref<10000x64xf32, #tpu.memory_space<vmem_shared>>) dst(%arg13 : memref<125x64xf32, #tpu.memory_space<vmem>>)
        %dma_wait3A_110 = arith.constant 0 : i32
        %dma_wait3A_111 = arith.constant 0 : i32
        %dma_wait3A_112 = tpu.memref_slice %arg8[%dma_wait3A_110, %dma_wait3A_111] : memref<40x125xi32, #tpu.memory_space<vmem>> -> memref<1x125xi32, #tpu.memory_space<vmem>>
        %dma_wait3A_113 = tpu.memref_squeeze %dma_wait3A_112 : memref<1x125xi32, #tpu.memory_space<vmem>> -> memref<125xi32, #tpu.memory_space<vmem>>
        %dma_wait3A_114 = arith.constant 0 : i32
        %dma_wait3A_115 = arith.constant 0 : i32
        %dma_wait3A_116 = tpu.memref_slice %arg16[%dma_wait3A_114, %dma_wait3A_115] : memref<10000x64xf32, #tpu.memory_space<vmem_shared>> -> memref<10000x64xf32, #tpu.memory_space<vmem_shared>>
        tpu.wait_indirect_dma semaphore(%arg21 : memref<!tpu.dma_semaphore, #tpu.memory_space<semaphore_mem>>) src(%dma_wait3A_116 : memref<10000x64xf32, #tpu.memory_space<vmem_shared>>) dst(%arg14 : memref<125x64xf32, #tpu.memory_space<vmem>>)
      }
      %scan3A_37 = arith.constant 4 : i32
    } else {
    }
    %eq3A_13 = arith.constant 1 : i32
    %eq3A_14 = arith.cmpi eq, %arg0, %eq3A_13 : i32
    %convert_element_type3A_15 = arith.extui %eq3A_14 : i1 to i32
    %cond3A_16 = arith.constant 0 : i32
    %cond3A_17 = arith.cmpi ne, %convert_element_type3A_15, %cond3A_16 : i32
    scf.if %cond3A_17 {
      %mul3A = arith.constant 625 : i32
      %mul3A_28 = arith.muli %arg1, %mul3A : i32
      %mul3A_29 = arith.constant 625 : i32
      %mul3A_30 = arith.muli %arg1, %mul3A_29 : i32
      "tpu.region"() ({
        %run_scoped3A = tpu.sem_alloc : memref<!tpu.dma_semaphore, #tpu.memory_space<semaphore_mem>>
        %dma_start3A = arith.constant 0 : i32
        %dma_start3A_38 = tpu.memref_slice %arg16[%mul3A_30, %dma_start3A] : memref<10000x64xf32, #tpu.memory_space<vmem_shared>> -> memref<625x64xf32, #tpu.memory_space<vmem_shared>>
        %dma_start3A_39 = arith.constant 0 : i32
        %dma_start3A_40 = tpu.memref_slice %arg3[%mul3A_28, %dma_start3A_39] : memref<10000x64xf32, #tpu.memory_space<hbm>> -> memref<625x64xf32, #tpu.memory_space<hbm>>
        tpu.enqueue_dma source(%dma_start3A_40 : memref<625x64xf32, #tpu.memory_space<hbm>>) target(%dma_start3A_38 : memref<625x64xf32, #tpu.memory_space<vmem_shared>>) target_semaphore(%run_scoped3A : memref<!tpu.dma_semaphore, #tpu.memory_space<semaphore_mem>>)
        %dma_wait3A = arith.constant 0 : i32
        %dma_wait3A_41 = tpu.memref_slice %arg16[%mul3A_30, %dma_wait3A] : memref<10000x64xf32, #tpu.memory_space<vmem_shared>> -> memref<625x64xf32, #tpu.memory_space<vmem_shared>>
        %dma_wait3A_42 = arith.constant 0 : i32
        %dma_wait3A_43 = tpu.memref_slice %arg3[%mul3A_28, %dma_wait3A_42] : memref<10000x64xf32, #tpu.memory_space<hbm>> -> memref<625x64xf32, #tpu.memory_space<hbm>>
        tpu.wait_dma2 semaphore(%run_scoped3A : memref<!tpu.dma_semaphore, #tpu.memory_space<semaphore_mem>>) src(%dma_wait3A_43 : memref<625x64xf32, #tpu.memory_space<hbm>>) dst(%dma_wait3A_41 : memref<625x64xf32, #tpu.memory_space<vmem_shared>>)
        tpu.yield
      }) : () -> ()
      %barrier3A_31 = arith.constant 0 : index
      tpu.barrier barrier_id(%barrier3A_31)
      %scan3A_32 = arith.constant 0 : i32
      %scan3A_33 = arith.constant 0 : i32
      %scan3A_34 = arith.constant 4 : i32
      %scan3A_35 = arith.addi %scan3A_33, %scan3A_34 : i32
      %scan3A_36 = arith.constant 1 : i32
      scf.for %scan3A_38 = %scan3A_33 to %scan3A_35 step %scan3A_36  : i32 {
        %mul3A_39 = arith.constant 40 : i32
        %mul3A_40 = arith.muli %scan3A_38, %mul3A_39 : i32
        "tpu.region"() ({
          %run_scoped3A = tpu.sem_alloc : memref<!tpu.dma_semaphore, #tpu.memory_space<semaphore_mem>>
          %dma_start3A_117 = arith.constant 0 : i32
          %dma_start3A_118 = tpu.memref_slice %arg4[%arg1, %mul3A_40, %dma_start3A_117] : memref<16x160x125xi32, #tpu.memory_space<hbm>> -> memref<1x40x125xi32, #tpu.memory_space<hbm>>
          %dma_start3A_119 = tpu.memref_squeeze %dma_start3A_118 : memref<1x40x125xi32, #tpu.memory_space<hbm>> -> memref<40x125xi32, #tpu.memory_space<hbm>>
          %dma_start3A_120 = arith.constant 0 : i32
          %dma_start3A_121 = tpu.memref_slice %arg4[%arg1, %mul3A_40, %dma_start3A_120] : memref<16x160x125xi32, #tpu.memory_space<hbm>> -> memref<1x40x125xi32, #tpu.memory_space<hbm>>
          %dma_start3A_122 = tpu.memref_squeeze %dma_start3A_121 : memref<1x40x125xi32, #tpu.memory_space<hbm>> -> memref<40x125xi32, #tpu.memory_space<hbm>>
          tpu.enqueue_dma source(%dma_start3A_122 : memref<40x125xi32, #tpu.memory_space<hbm>>) target(%arg8 : memref<40x125xi32, #tpu.memory_space<vmem>>) target_semaphore(%run_scoped3A : memref<!tpu.dma_semaphore, #tpu.memory_space<semaphore_mem>>)
          %dma_wait3A_123 = arith.constant 0 : i32
          %dma_wait3A_124 = tpu.memref_slice %arg4[%arg1, %mul3A_40, %dma_wait3A_123] : memref<16x160x125xi32, #tpu.memory_space<hbm>> -> memref<1x40x125xi32, #tpu.memory_space<hbm>>
          %dma_wait3A_125 = tpu.memref_squeeze %dma_wait3A_124 : memref<1x40x125xi32, #tpu.memory_space<hbm>> -> memref<40x125xi32, #tpu.memory_space<hbm>>
          %dma_wait3A_126 = arith.constant 0 : i32
          %dma_wait3A_127 = tpu.memref_slice %arg4[%arg1, %mul3A_40, %dma_wait3A_126] : memref<16x160x125xi32, #tpu.memory_space<hbm>> -> memref<1x40x125xi32, #tpu.memory_space<hbm>>
          %dma_wait3A_128 = tpu.memref_squeeze %dma_wait3A_127 : memref<1x40x125xi32, #tpu.memory_space<hbm>> -> memref<40x125xi32, #tpu.memory_space<hbm>>
          tpu.wait_dma2 semaphore(%run_scoped3A : memref<!tpu.dma_semaphore, #tpu.memory_space<semaphore_mem>>) src(%dma_wait3A_128 : memref<40x125xi32, #tpu.memory_space<hbm>>) dst(%arg8 : memref<40x125xi32, #tpu.memory_space<vmem>>)
          tpu.yield
        }) : () -> ()
        %mul3A_41 = arith.constant 40 : i32
        %mul3A_42 = arith.muli %scan3A_38, %mul3A_41 : i32
        "tpu.region"() ({
          %run_scoped3A = tpu.sem_alloc : memref<!tpu.dma_semaphore, #tpu.memory_space<semaphore_mem>>
          %dma_start3A_117 = arith.constant 0 : i32
          %dma_start3A_118 = tpu.memref_slice %arg5[%arg1, %mul3A_42, %dma_start3A_117] : memref<16x160x125xi32, #tpu.memory_space<hbm>> -> memref<1x40x125xi32, #tpu.memory_space<hbm>>
          %dma_start3A_119 = tpu.memref_squeeze %dma_start3A_118 : memref<1x40x125xi32, #tpu.memory_space<hbm>> -> memref<40x125xi32, #tpu.memory_space<hbm>>
          %dma_start3A_120 = arith.constant 0 : i32
          %dma_start3A_121 = tpu.memref_slice %arg5[%arg1, %mul3A_42, %dma_start3A_120] : memref<16x160x125xi32, #tpu.memory_space<hbm>> -> memref<1x40x125xi32, #tpu.memory_space<hbm>>
          %dma_start3A_122 = tpu.memref_squeeze %dma_start3A_121 : memref<1x40x125xi32, #tpu.memory_space<hbm>> -> memref<40x125xi32, #tpu.memory_space<hbm>>
          tpu.enqueue_dma source(%dma_start3A_122 : memref<40x125xi32, #tpu.memory_space<hbm>>) target(%arg9 : memref<40x125xi32, #tpu.memory_space<vmem>>) target_semaphore(%run_scoped3A : memref<!tpu.dma_semaphore, #tpu.memory_space<semaphore_mem>>)
          %dma_wait3A_123 = arith.constant 0 : i32
          %dma_wait3A_124 = tpu.memref_slice %arg5[%arg1, %mul3A_42, %dma_wait3A_123] : memref<16x160x125xi32, #tpu.memory_space<hbm>> -> memref<1x40x125xi32, #tpu.memory_space<hbm>>
          %dma_wait3A_125 = tpu.memref_squeeze %dma_wait3A_124 : memref<1x40x125xi32, #tpu.memory_space<hbm>> -> memref<40x125xi32, #tpu.memory_space<hbm>>
          %dma_wait3A_126 = arith.constant 0 : i32
          %dma_wait3A_127 = tpu.memref_slice %arg5[%arg1, %mul3A_42, %dma_wait3A_126] : memref<16x160x125xi32, #tpu.memory_space<hbm>> -> memref<1x40x125xi32, #tpu.memory_space<hbm>>
          %dma_wait3A_128 = tpu.memref_squeeze %dma_wait3A_127 : memref<1x40x125xi32, #tpu.memory_space<hbm>> -> memref<40x125xi32, #tpu.memory_space<hbm>>
          tpu.wait_dma2 semaphore(%run_scoped3A : memref<!tpu.dma_semaphore, #tpu.memory_space<semaphore_mem>>) src(%dma_wait3A_128 : memref<40x125xi32, #tpu.memory_space<hbm>>) dst(%arg9 : memref<40x125xi32, #tpu.memory_space<vmem>>)
          tpu.yield
        }) : () -> ()
        %dma_start3A = arith.constant 0 : i32
        %dma_start3A_43 = arith.constant 0 : i32
        %dma_start3A_44 = tpu.memref_slice %arg8[%dma_start3A, %dma_start3A_43] : memref<40x125xi32, #tpu.memory_space<vmem>> -> memref<1x125xi32, #tpu.memory_space<vmem>>
        %dma_start3A_45 = tpu.memref_squeeze %dma_start3A_44 : memref<1x125xi32, #tpu.memory_space<vmem>> -> memref<125xi32, #tpu.memory_space<vmem>>
        %dma_start3A_46 = arith.constant 0 : i32
        %dma_start3A_47 = arith.constant 0 : i32
        %dma_start3A_48 = tpu.memref_slice %arg16[%dma_start3A_46, %dma_start3A_47] : memref<10000x64xf32, #tpu.memory_space<vmem_shared>> -> memref<10000x64xf32, #tpu.memory_space<vmem_shared>>
        tpu.enqueue_indirect_dma source(%dma_start3A_48 : memref<10000x64xf32, #tpu.memory_space<vmem_shared>>) target(%arg10 : memref<125x64xf32, #tpu.memory_space<vmem>>) offsets(%dma_start3A_45 : memref<125xi32, #tpu.memory_space<vmem>>) semaphore(%arg17 : memref<!tpu.dma_semaphore, #tpu.memory_space<semaphore_mem>>)
        %dma_start3A_49 = arith.constant 1 : i32
        %dma_start3A_50 = arith.constant 0 : i32
        %dma_start3A_51 = tpu.memref_slice %arg8[%dma_start3A_49, %dma_start3A_50] : memref<40x125xi32, #tpu.memory_space<vmem>> -> memref<1x125xi32, #tpu.memory_space<vmem>>
        %dma_start3A_52 = tpu.memref_squeeze %dma_start3A_51 : memref<1x125xi32, #tpu.memory_space<vmem>> -> memref<125xi32, #tpu.memory_space<vmem>>
        %dma_start3A_53 = arith.constant 0 : i32
        %dma_start3A_54 = arith.constant 0 : i32
        %dma_start3A_55 = tpu.memref_slice %arg16[%dma_start3A_53, %dma_start3A_54] : memref<10000x64xf32, #tpu.memory_space<vmem_shared>> -> memref<10000x64xf32, #tpu.memory_space<vmem_shared>>
        tpu.enqueue_indirect_dma source(%dma_start3A_55 : memref<10000x64xf32, #tpu.memory_space<vmem_shared>>) target(%arg11 : memref<125x64xf32, #tpu.memory_space<vmem>>) offsets(%dma_start3A_52 : memref<125xi32, #tpu.memory_space<vmem>>) semaphore(%arg18 : memref<!tpu.dma_semaphore, #tpu.memory_space<semaphore_mem>>)
        %dma_start3A_56 = arith.constant 2 : i32
        %dma_start3A_57 = arith.constant 0 : i32
        %dma_start3A_58 = tpu.memref_slice %arg8[%dma_start3A_56, %dma_start3A_57] : memref<40x125xi32, #tpu.memory_space<vmem>> -> memref<1x125xi32, #tpu.memory_space<vmem>>
        %dma_start3A_59 = tpu.memref_squeeze %dma_start3A_58 : memref<1x125xi32, #tpu.memory_space<vmem>> -> memref<125xi32, #tpu.memory_space<vmem>>
        %dma_start3A_60 = arith.constant 0 : i32
        %dma_start3A_61 = arith.constant 0 : i32
        %dma_start3A_62 = tpu.memref_slice %arg16[%dma_start3A_60, %dma_start3A_61] : memref<10000x64xf32, #tpu.memory_space<vmem_shared>> -> memref<10000x64xf32, #tpu.memory_space<vmem_shared>>
        tpu.enqueue_indirect_dma source(%dma_start3A_62 : memref<10000x64xf32, #tpu.memory_space<vmem_shared>>) target(%arg12 : memref<125x64xf32, #tpu.memory_space<vmem>>) offsets(%dma_start3A_59 : memref<125xi32, #tpu.memory_space<vmem>>) semaphore(%arg19 : memref<!tpu.dma_semaphore, #tpu.memory_space<semaphore_mem>>)
        %dma_start3A_63 = arith.constant 3 : i32
        %dma_start3A_64 = arith.constant 0 : i32
        %dma_start3A_65 = tpu.memref_slice %arg8[%dma_start3A_63, %dma_start3A_64] : memref<40x125xi32, #tpu.memory_space<vmem>> -> memref<1x125xi32, #tpu.memory_space<vmem>>
        %dma_start3A_66 = tpu.memref_squeeze %dma_start3A_65 : memref<1x125xi32, #tpu.memory_space<vmem>> -> memref<125xi32, #tpu.memory_space<vmem>>
        %dma_start3A_67 = arith.constant 0 : i32
        %dma_start3A_68 = arith.constant 0 : i32
        %dma_start3A_69 = tpu.memref_slice %arg16[%dma_start3A_67, %dma_start3A_68] : memref<10000x64xf32, #tpu.memory_space<vmem_shared>> -> memref<10000x64xf32, #tpu.memory_space<vmem_shared>>
        tpu.enqueue_indirect_dma source(%dma_start3A_69 : memref<10000x64xf32, #tpu.memory_space<vmem_shared>>) target(%arg13 : memref<125x64xf32, #tpu.memory_space<vmem>>) offsets(%dma_start3A_66 : memref<125xi32, #tpu.memory_space<vmem>>) semaphore(%arg20 : memref<!tpu.dma_semaphore, #tpu.memory_space<semaphore_mem>>)
        %dma_start3A_70 = arith.constant 4 : i32
        %dma_start3A_71 = arith.constant 0 : i32
        %dma_start3A_72 = tpu.memref_slice %arg8[%dma_start3A_70, %dma_start3A_71] : memref<40x125xi32, #tpu.memory_space<vmem>> -> memref<1x125xi32, #tpu.memory_space<vmem>>
        %dma_start3A_73 = tpu.memref_squeeze %dma_start3A_72 : memref<1x125xi32, #tpu.memory_space<vmem>> -> memref<125xi32, #tpu.memory_space<vmem>>
        %dma_start3A_74 = arith.constant 0 : i32
        %dma_start3A_75 = arith.constant 0 : i32
        %dma_start3A_76 = tpu.memref_slice %arg16[%dma_start3A_74, %dma_start3A_75] : memref<10000x64xf32, #tpu.memory_space<vmem_shared>> -> memref<10000x64xf32, #tpu.memory_space<vmem_shared>>
        tpu.enqueue_indirect_dma source(%dma_start3A_76 : memref<10000x64xf32, #tpu.memory_space<vmem_shared>>) target(%arg14 : memref<125x64xf32, #tpu.memory_space<vmem>>) offsets(%dma_start3A_73 : memref<125xi32, #tpu.memory_space<vmem>>) semaphore(%arg21 : memref<!tpu.dma_semaphore, #tpu.memory_space<semaphore_mem>>)
        %scan3A_77 = arith.constant 0 : i32
        %scan3A_78 = arith.constant 0 : i32
        %scan3A_79 = arith.constant 8 : i32
        %scan3A_80 = arith.addi %scan3A_78, %scan3A_79 : i32
        %scan3A_81 = arith.constant 1 : i32
        scf.for %scan3A_117 = %scan3A_78 to %scan3A_80 step %scan3A_81  : i32 {
          %mul3A_118 = arith.constant 5 : i32
          %mul3A_119 = arith.muli %scan3A_117, %mul3A_118 : i32
          %dma_wait3A_120 = arith.constant 0 : i32
          %dma_wait3A_121 = arith.constant 0 : i32
          %dma_wait3A_122 = tpu.memref_slice %arg8[%dma_wait3A_120, %dma_wait3A_121] : memref<40x125xi32, #tpu.memory_space<vmem>> -> memref<1x125xi32, #tpu.memory_space<vmem>>
          %dma_wait3A_123 = tpu.memref_squeeze %dma_wait3A_122 : memref<1x125xi32, #tpu.memory_space<vmem>> -> memref<125xi32, #tpu.memory_space<vmem>>
          %dma_wait3A_124 = arith.constant 0 : i32
          %dma_wait3A_125 = arith.constant 0 : i32
          %dma_wait3A_126 = tpu.memref_slice %arg16[%dma_wait3A_124, %dma_wait3A_125] : memref<10000x64xf32, #tpu.memory_space<vmem_shared>> -> memref<10000x64xf32, #tpu.memory_space<vmem_shared>>
          tpu.wait_indirect_dma semaphore(%arg17 : memref<!tpu.dma_semaphore, #tpu.memory_space<semaphore_mem>>) src(%dma_wait3A_126 : memref<10000x64xf32, #tpu.memory_space<vmem_shared>>) dst(%arg10 : memref<125x64xf32, #tpu.memory_space<vmem>>)
          %dma_wait3A_127 = arith.constant 0 : i32
          %dma_wait3A_128 = arith.constant 0 : i32
          %dma_wait3A_129 = tpu.memref_slice %arg8[%dma_wait3A_127, %dma_wait3A_128] : memref<40x125xi32, #tpu.memory_space<vmem>> -> memref<1x125xi32, #tpu.memory_space<vmem>>
          %dma_wait3A_130 = tpu.memref_squeeze %dma_wait3A_129 : memref<1x125xi32, #tpu.memory_space<vmem>> -> memref<125xi32, #tpu.memory_space<vmem>>
          %dma_wait3A_131 = arith.constant 0 : i32
          %dma_wait3A_132 = arith.constant 0 : i32
          %dma_wait3A_133 = tpu.memref_slice %arg16[%dma_wait3A_131, %dma_wait3A_132] : memref<10000x64xf32, #tpu.memory_space<vmem_shared>> -> memref<10000x64xf32, #tpu.memory_space<vmem_shared>>
          tpu.wait_indirect_dma semaphore(%arg18 : memref<!tpu.dma_semaphore, #tpu.memory_space<semaphore_mem>>) src(%dma_wait3A_133 : memref<10000x64xf32, #tpu.memory_space<vmem_shared>>) dst(%arg11 : memref<125x64xf32, #tpu.memory_space<vmem>>)
          %dma_wait3A_134 = arith.constant 0 : i32
          %dma_wait3A_135 = arith.constant 0 : i32
          %dma_wait3A_136 = tpu.memref_slice %arg8[%dma_wait3A_134, %dma_wait3A_135] : memref<40x125xi32, #tpu.memory_space<vmem>> -> memref<1x125xi32, #tpu.memory_space<vmem>>
          %dma_wait3A_137 = tpu.memref_squeeze %dma_wait3A_136 : memref<1x125xi32, #tpu.memory_space<vmem>> -> memref<125xi32, #tpu.memory_space<vmem>>
          %dma_wait3A_138 = arith.constant 0 : i32
          %dma_wait3A_139 = arith.constant 0 : i32
          %dma_wait3A_140 = tpu.memref_slice %arg16[%dma_wait3A_138, %dma_wait3A_139] : memref<10000x64xf32, #tpu.memory_space<vmem_shared>> -> memref<10000x64xf32, #tpu.memory_space<vmem_shared>>
          tpu.wait_indirect_dma semaphore(%arg19 : memref<!tpu.dma_semaphore, #tpu.memory_space<semaphore_mem>>) src(%dma_wait3A_140 : memref<10000x64xf32, #tpu.memory_space<vmem_shared>>) dst(%arg12 : memref<125x64xf32, #tpu.memory_space<vmem>>)
          %dma_wait3A_141 = arith.constant 0 : i32
          %dma_wait3A_142 = arith.constant 0 : i32
          %dma_wait3A_143 = tpu.memref_slice %arg8[%dma_wait3A_141, %dma_wait3A_142] : memref<40x125xi32, #tpu.memory_space<vmem>> -> memref<1x125xi32, #tpu.memory_space<vmem>>
          %dma_wait3A_144 = tpu.memref_squeeze %dma_wait3A_143 : memref<1x125xi32, #tpu.memory_space<vmem>> -> memref<125xi32, #tpu.memory_space<vmem>>
          %dma_wait3A_145 = arith.constant 0 : i32
          %dma_wait3A_146 = arith.constant 0 : i32
          %dma_wait3A_147 = tpu.memref_slice %arg16[%dma_wait3A_145, %dma_wait3A_146] : memref<10000x64xf32, #tpu.memory_space<vmem_shared>> -> memref<10000x64xf32, #tpu.memory_space<vmem_shared>>
          tpu.wait_indirect_dma semaphore(%arg20 : memref<!tpu.dma_semaphore, #tpu.memory_space<semaphore_mem>>) src(%dma_wait3A_147 : memref<10000x64xf32, #tpu.memory_space<vmem_shared>>) dst(%arg13 : memref<125x64xf32, #tpu.memory_space<vmem>>)
          %dma_wait3A_148 = arith.constant 0 : i32
          %dma_wait3A_149 = arith.constant 0 : i32
          %dma_wait3A_150 = tpu.memref_slice %arg8[%dma_wait3A_148, %dma_wait3A_149] : memref<40x125xi32, #tpu.memory_space<vmem>> -> memref<1x125xi32, #tpu.memory_space<vmem>>
          %dma_wait3A_151 = tpu.memref_squeeze %dma_wait3A_150 : memref<1x125xi32, #tpu.memory_space<vmem>> -> memref<125xi32, #tpu.memory_space<vmem>>
          %dma_wait3A_152 = arith.constant 0 : i32
          %dma_wait3A_153 = arith.constant 0 : i32
          %dma_wait3A_154 = tpu.memref_slice %arg16[%dma_wait3A_152, %dma_wait3A_153] : memref<10000x64xf32, #tpu.memory_space<vmem_shared>> -> memref<10000x64xf32, #tpu.memory_space<vmem_shared>>
          tpu.wait_indirect_dma semaphore(%arg21 : memref<!tpu.dma_semaphore, #tpu.memory_space<semaphore_mem>>) src(%dma_wait3A_154 : memref<10000x64xf32, #tpu.memory_space<vmem_shared>>) dst(%arg14 : memref<125x64xf32, #tpu.memory_space<vmem>>)
          %add3A = arith.constant 0 : i32
          %add3A_155 = arith.addi %mul3A_119, %add3A : i32
          %dma_start3A_156 = arith.constant 0 : i32
          %dma_start3A_157 = tpu.memref_slice %arg9[%add3A_155, %dma_start3A_156] : memref<40x125xi32, #tpu.memory_space<vmem>> -> memref<1x125xi32, #tpu.memory_space<vmem>>
          %dma_start3A_158 = tpu.memref_squeeze %dma_start3A_157 : memref<1x125xi32, #tpu.memory_space<vmem>> -> memref<125xi32, #tpu.memory_space<vmem>>
          %dma_start3A_159 = arith.constant 0 : i32
          %dma_start3A_160 = arith.constant 0 : i32
          %dma_start3A_161 = tpu.memref_slice %arg15[%dma_start3A_159, %dma_start3A_160] : memref<10000x64xf32, #tpu.memory_space<vmem_shared>> -> memref<10000x64xf32, #tpu.memory_space<vmem_shared>>
          tpu.enqueue_indirect_dma source(%arg10 : memref<125x64xf32, #tpu.memory_space<vmem>>) target(%dma_start3A_161 : memref<10000x64xf32, #tpu.memory_space<vmem_shared>>) offsets(%dma_start3A_158 : memref<125xi32, #tpu.memory_space<vmem>>) semaphore(%arg22 : memref<!tpu.dma_semaphore, #tpu.memory_space<semaphore_mem>>) {add = true}
          %add3A_162 = arith.constant 1 : i32
          %add3A_163 = arith.addi %mul3A_119, %add3A_162 : i32
          %dma_start3A_164 = arith.constant 0 : i32
          %dma_start3A_165 = tpu.memref_slice %arg9[%add3A_163, %dma_start3A_164] : memref<40x125xi32, #tpu.memory_space<vmem>> -> memref<1x125xi32, #tpu.memory_space<vmem>>
          %dma_start3A_166 = tpu.memref_squeeze %dma_start3A_165 : memref<1x125xi32, #tpu.memory_space<vmem>> -> memref<125xi32, #tpu.memory_space<vmem>>
          %dma_start3A_167 = arith.constant 0 : i32
          %dma_start3A_168 = arith.constant 0 : i32
          %dma_start3A_169 = tpu.memref_slice %arg15[%dma_start3A_167, %dma_start3A_168] : memref<10000x64xf32, #tpu.memory_space<vmem_shared>> -> memref<10000x64xf32, #tpu.memory_space<vmem_shared>>
          tpu.enqueue_indirect_dma source(%arg11 : memref<125x64xf32, #tpu.memory_space<vmem>>) target(%dma_start3A_169 : memref<10000x64xf32, #tpu.memory_space<vmem_shared>>) offsets(%dma_start3A_166 : memref<125xi32, #tpu.memory_space<vmem>>) semaphore(%arg23 : memref<!tpu.dma_semaphore, #tpu.memory_space<semaphore_mem>>) {add = true}
          %add3A_170 = arith.constant 2 : i32
          %add3A_171 = arith.addi %mul3A_119, %add3A_170 : i32
          %dma_start3A_172 = arith.constant 0 : i32
          %dma_start3A_173 = tpu.memref_slice %arg9[%add3A_171, %dma_start3A_172] : memref<40x125xi32, #tpu.memory_space<vmem>> -> memref<1x125xi32, #tpu.memory_space<vmem>>
          %dma_start3A_174 = tpu.memref_squeeze %dma_start3A_173 : memref<1x125xi32, #tpu.memory_space<vmem>> -> memref<125xi32, #tpu.memory_space<vmem>>
          %dma_start3A_175 = arith.constant 0 : i32
          %dma_start3A_176 = arith.constant 0 : i32
          %dma_start3A_177 = tpu.memref_slice %arg15[%dma_start3A_175, %dma_start3A_176] : memref<10000x64xf32, #tpu.memory_space<vmem_shared>> -> memref<10000x64xf32, #tpu.memory_space<vmem_shared>>
          tpu.enqueue_indirect_dma source(%arg12 : memref<125x64xf32, #tpu.memory_space<vmem>>) target(%dma_start3A_177 : memref<10000x64xf32, #tpu.memory_space<vmem_shared>>) offsets(%dma_start3A_174 : memref<125xi32, #tpu.memory_space<vmem>>) semaphore(%arg24 : memref<!tpu.dma_semaphore, #tpu.memory_space<semaphore_mem>>) {add = true}
          %add3A_178 = arith.constant 3 : i32
          %add3A_179 = arith.addi %mul3A_119, %add3A_178 : i32
          %dma_start3A_180 = arith.constant 0 : i32
          %dma_start3A_181 = tpu.memref_slice %arg9[%add3A_179, %dma_start3A_180] : memref<40x125xi32, #tpu.memory_space<vmem>> -> memref<1x125xi32, #tpu.memory_space<vmem>>
          %dma_start3A_182 = tpu.memref_squeeze %dma_start3A_181 : memref<1x125xi32, #tpu.memory_space<vmem>> -> memref<125xi32, #tpu.memory_space<vmem>>
          %dma_start3A_183 = arith.constant 0 : i32
          %dma_start3A_184 = arith.constant 0 : i32
          %dma_start3A_185 = tpu.memref_slice %arg15[%dma_start3A_183, %dma_start3A_184] : memref<10000x64xf32, #tpu.memory_space<vmem_shared>> -> memref<10000x64xf32, #tpu.memory_space<vmem_shared>>
          tpu.enqueue_indirect_dma source(%arg13 : memref<125x64xf32, #tpu.memory_space<vmem>>) target(%dma_start3A_185 : memref<10000x64xf32, #tpu.memory_space<vmem_shared>>) offsets(%dma_start3A_182 : memref<125xi32, #tpu.memory_space<vmem>>) semaphore(%arg25 : memref<!tpu.dma_semaphore, #tpu.memory_space<semaphore_mem>>) {add = true}
          %add3A_186 = arith.constant 4 : i32
          %add3A_187 = arith.addi %mul3A_119, %add3A_186 : i32
          %dma_start3A_188 = arith.constant 0 : i32
          %dma_start3A_189 = tpu.memref_slice %arg9[%add3A_187, %dma_start3A_188] : memref<40x125xi32, #tpu.memory_space<vmem>> -> memref<1x125xi32, #tpu.memory_space<vmem>>
          %dma_start3A_190 = tpu.memref_squeeze %dma_start3A_189 : memref<1x125xi32, #tpu.memory_space<vmem>> -> memref<125xi32, #tpu.memory_space<vmem>>
          %dma_start3A_191 = arith.constant 0 : i32
          %dma_start3A_192 = arith.constant 0 : i32
          %dma_start3A_193 = tpu.memref_slice %arg15[%dma_start3A_191, %dma_start3A_192] : memref<10000x64xf32, #tpu.memory_space<vmem_shared>> -> memref<10000x64xf32, #tpu.memory_space<vmem_shared>>
          tpu.enqueue_indirect_dma source(%arg14 : memref<125x64xf32, #tpu.memory_space<vmem>>) target(%dma_start3A_193 : memref<10000x64xf32, #tpu.memory_space<vmem_shared>>) offsets(%dma_start3A_190 : memref<125xi32, #tpu.memory_space<vmem>>) semaphore(%arg26 : memref<!tpu.dma_semaphore, #tpu.memory_space<semaphore_mem>>) {add = true}
          %dma_wait3A_194 = arith.constant 0 : i32
          %dma_wait3A_195 = arith.constant 0 : i32
          %dma_wait3A_196 = tpu.memref_slice %arg9[%dma_wait3A_194, %dma_wait3A_195] : memref<40x125xi32, #tpu.memory_space<vmem>> -> memref<1x125xi32, #tpu.memory_space<vmem>>
          %dma_wait3A_197 = tpu.memref_squeeze %dma_wait3A_196 : memref<1x125xi32, #tpu.memory_space<vmem>> -> memref<125xi32, #tpu.memory_space<vmem>>
          %dma_wait3A_198 = arith.constant 0 : i32
          %dma_wait3A_199 = arith.constant 0 : i32
          %dma_wait3A_200 = tpu.memref_slice %arg15[%dma_wait3A_198, %dma_wait3A_199] : memref<10000x64xf32, #tpu.memory_space<vmem_shared>> -> memref<10000x64xf32, #tpu.memory_space<vmem_shared>>
          tpu.wait_indirect_dma semaphore(%arg22 : memref<!tpu.dma_semaphore, #tpu.memory_space<semaphore_mem>>) src(%arg10 : memref<125x64xf32, #tpu.memory_space<vmem>>) dst(%dma_wait3A_200 : memref<10000x64xf32, #tpu.memory_space<vmem_shared>>)
          %add3A_201 = arith.constant 5 : i32
          %add3A_202 = arith.addi %mul3A_119, %add3A_201 : i32
          %add3A_203 = arith.constant 0 : i32
          %add3A_204 = arith.addi %add3A_202, %add3A_203 : i32
          %rem3A = arith.constant 40 : i32
          %rem3A_205 = arith.remsi %add3A_204, %rem3A : i32
          %dma_start3A_206 = arith.constant 0 : i32
          %dma_start3A_207 = tpu.memref_slice %arg8[%rem3A_205, %dma_start3A_206] : memref<40x125xi32, #tpu.memory_space<vmem>> -> memref<1x125xi32, #tpu.memory_space<vmem>>
          %dma_start3A_208 = tpu.memref_squeeze %dma_start3A_207 : memref<1x125xi32, #tpu.memory_space<vmem>> -> memref<125xi32, #tpu.memory_space<vmem>>
          %dma_start3A_209 = arith.constant 0 : i32
          %dma_start3A_210 = arith.constant 0 : i32
          %dma_start3A_211 = tpu.memref_slice %arg16[%dma_start3A_209, %dma_start3A_210] : memref<10000x64xf32, #tpu.memory_space<vmem_shared>> -> memref<10000x64xf32, #tpu.memory_space<vmem_shared>>
          tpu.enqueue_indirect_dma source(%dma_start3A_211 : memref<10000x64xf32, #tpu.memory_space<vmem_shared>>) target(%arg10 : memref<125x64xf32, #tpu.memory_space<vmem>>) offsets(%dma_start3A_208 : memref<125xi32, #tpu.memory_space<vmem>>) semaphore(%arg17 : memref<!tpu.dma_semaphore, #tpu.memory_space<semaphore_mem>>)
          %dma_wait3A_212 = arith.constant 0 : i32
          %dma_wait3A_213 = arith.constant 0 : i32
          %dma_wait3A_214 = tpu.memref_slice %arg9[%dma_wait3A_212, %dma_wait3A_213] : memref<40x125xi32, #tpu.memory_space<vmem>> -> memref<1x125xi32, #tpu.memory_space<vmem>>
          %dma_wait3A_215 = tpu.memref_squeeze %dma_wait3A_214 : memref<1x125xi32, #tpu.memory_space<vmem>> -> memref<125xi32, #tpu.memory_space<vmem>>
          %dma_wait3A_216 = arith.constant 0 : i32
          %dma_wait3A_217 = arith.constant 0 : i32
          %dma_wait3A_218 = tpu.memref_slice %arg15[%dma_wait3A_216, %dma_wait3A_217] : memref<10000x64xf32, #tpu.memory_space<vmem_shared>> -> memref<10000x64xf32, #tpu.memory_space<vmem_shared>>
          tpu.wait_indirect_dma semaphore(%arg23 : memref<!tpu.dma_semaphore, #tpu.memory_space<semaphore_mem>>) src(%arg11 : memref<125x64xf32, #tpu.memory_space<vmem>>) dst(%dma_wait3A_218 : memref<10000x64xf32, #tpu.memory_space<vmem_shared>>)
          %add3A_219 = arith.constant 5 : i32
          %add3A_220 = arith.addi %mul3A_119, %add3A_219 : i32
          %add3A_221 = arith.constant 1 : i32
          %add3A_222 = arith.addi %add3A_220, %add3A_221 : i32
          %rem3A_223 = arith.constant 40 : i32
          %rem3A_224 = arith.remsi %add3A_222, %rem3A_223 : i32
          %dma_start3A_225 = arith.constant 0 : i32
          %dma_start3A_226 = tpu.memref_slice %arg8[%rem3A_224, %dma_start3A_225] : memref<40x125xi32, #tpu.memory_space<vmem>> -> memref<1x125xi32, #tpu.memory_space<vmem>>
          %dma_start3A_227 = tpu.memref_squeeze %dma_start3A_226 : memref<1x125xi32, #tpu.memory_space<vmem>> -> memref<125xi32, #tpu.memory_space<vmem>>
          %dma_start3A_228 = arith.constant 0 : i32
          %dma_start3A_229 = arith.constant 0 : i32
          %dma_start3A_230 = tpu.memref_slice %arg16[%dma_start3A_228, %dma_start3A_229] : memref<10000x64xf32, #tpu.memory_space<vmem_shared>> -> memref<10000x64xf32, #tpu.memory_space<vmem_shared>>
          tpu.enqueue_indirect_dma source(%dma_start3A_230 : memref<10000x64xf32, #tpu.memory_space<vmem_shared>>) target(%arg11 : memref<125x64xf32, #tpu.memory_space<vmem>>) offsets(%dma_start3A_227 : memref<125xi32, #tpu.memory_space<vmem>>) semaphore(%arg18 : memref<!tpu.dma_semaphore, #tpu.memory_space<semaphore_mem>>)
          %dma_wait3A_231 = arith.constant 0 : i32
          %dma_wait3A_232 = arith.constant 0 : i32
          %dma_wait3A_233 = tpu.memref_slice %arg9[%dma_wait3A_231, %dma_wait3A_232] : memref<40x125xi32, #tpu.memory_space<vmem>> -> memref<1x125xi32, #tpu.memory_space<vmem>>
          %dma_wait3A_234 = tpu.memref_squeeze %dma_wait3A_233 : memref<1x125xi32, #tpu.memory_space<vmem>> -> memref<125xi32, #tpu.memory_space<vmem>>
          %dma_wait3A_235 = arith.constant 0 : i32
          %dma_wait3A_236 = arith.constant 0 : i32
          %dma_wait3A_237 = tpu.memref_slice %arg15[%dma_wait3A_235, %dma_wait3A_236] : memref<10000x64xf32, #tpu.memory_space<vmem_shared>> -> memref<10000x64xf32, #tpu.memory_space<vmem_shared>>
          tpu.wait_indirect_dma semaphore(%arg24 : memref<!tpu.dma_semaphore, #tpu.memory_space<semaphore_mem>>) src(%arg12 : memref<125x64xf32, #tpu.memory_space<vmem>>) dst(%dma_wait3A_237 : memref<10000x64xf32, #tpu.memory_space<vmem_shared>>)
          %add3A_238 = arith.constant 5 : i32
          %add3A_239 = arith.addi %mul3A_119, %add3A_238 : i32
          %add3A_240 = arith.constant 2 : i32
          %add3A_241 = arith.addi %add3A_239, %add3A_240 : i32
          %rem3A_242 = arith.constant 40 : i32
          %rem3A_243 = arith.remsi %add3A_241, %rem3A_242 : i32
          %dma_start3A_244 = arith.constant 0 : i32
          %dma_start3A_245 = tpu.memref_slice %arg8[%rem3A_243, %dma_start3A_244] : memref<40x125xi32, #tpu.memory_space<vmem>> -> memref<1x125xi32, #tpu.memory_space<vmem>>
          %dma_start3A_246 = tpu.memref_squeeze %dma_start3A_245 : memref<1x125xi32, #tpu.memory_space<vmem>> -> memref<125xi32, #tpu.memory_space<vmem>>
          %dma_start3A_247 = arith.constant 0 : i32
          %dma_start3A_248 = arith.constant 0 : i32
          %dma_start3A_249 = tpu.memref_slice %arg16[%dma_start3A_247, %dma_start3A_248] : memref<10000x64xf32, #tpu.memory_space<vmem_shared>> -> memref<10000x64xf32, #tpu.memory_space<vmem_shared>>
          tpu.enqueue_indirect_dma source(%dma_start3A_249 : memref<10000x64xf32, #tpu.memory_space<vmem_shared>>) target(%arg12 : memref<125x64xf32, #tpu.memory_space<vmem>>) offsets(%dma_start3A_246 : memref<125xi32, #tpu.memory_space<vmem>>) semaphore(%arg19 : memref<!tpu.dma_semaphore, #tpu.memory_space<semaphore_mem>>)
          %dma_wait3A_250 = arith.constant 0 : i32
          %dma_wait3A_251 = arith.constant 0 : i32
          %dma_wait3A_252 = tpu.memref_slice %arg9[%dma_wait3A_250, %dma_wait3A_251] : memref<40x125xi32, #tpu.memory_space<vmem>> -> memref<1x125xi32, #tpu.memory_space<vmem>>
          %dma_wait3A_253 = tpu.memref_squeeze %dma_wait3A_252 : memref<1x125xi32, #tpu.memory_space<vmem>> -> memref<125xi32, #tpu.memory_space<vmem>>
          %dma_wait3A_254 = arith.constant 0 : i32
          %dma_wait3A_255 = arith.constant 0 : i32
          %dma_wait3A_256 = tpu.memref_slice %arg15[%dma_wait3A_254, %dma_wait3A_255] : memref<10000x64xf32, #tpu.memory_space<vmem_shared>> -> memref<10000x64xf32, #tpu.memory_space<vmem_shared>>
          tpu.wait_indirect_dma semaphore(%arg25 : memref<!tpu.dma_semaphore, #tpu.memory_space<semaphore_mem>>) src(%arg13 : memref<125x64xf32, #tpu.memory_space<vmem>>) dst(%dma_wait3A_256 : memref<10000x64xf32, #tpu.memory_space<vmem_shared>>)
          %add3A_257 = arith.constant 5 : i32
          %add3A_258 = arith.addi %mul3A_119, %add3A_257 : i32
          %add3A_259 = arith.constant 3 : i32
          %add3A_260 = arith.addi %add3A_258, %add3A_259 : i32
          %rem3A_261 = arith.constant 40 : i32
          %rem3A_262 = arith.remsi %add3A_260, %rem3A_261 : i32
          %dma_start3A_263 = arith.constant 0 : i32
          %dma_start3A_264 = tpu.memref_slice %arg8[%rem3A_262, %dma_start3A_263] : memref<40x125xi32, #tpu.memory_space<vmem>> -> memref<1x125xi32, #tpu.memory_space<vmem>>
          %dma_start3A_265 = tpu.memref_squeeze %dma_start3A_264 : memref<1x125xi32, #tpu.memory_space<vmem>> -> memref<125xi32, #tpu.memory_space<vmem>>
          %dma_start3A_266 = arith.constant 0 : i32
          %dma_start3A_267 = arith.constant 0 : i32
          %dma_start3A_268 = tpu.memref_slice %arg16[%dma_start3A_266, %dma_start3A_267] : memref<10000x64xf32, #tpu.memory_space<vmem_shared>> -> memref<10000x64xf32, #tpu.memory_space<vmem_shared>>
          tpu.enqueue_indirect_dma source(%dma_start3A_268 : memref<10000x64xf32, #tpu.memory_space<vmem_shared>>) target(%arg13 : memref<125x64xf32, #tpu.memory_space<vmem>>) offsets(%dma_start3A_265 : memref<125xi32, #tpu.memory_space<vmem>>) semaphore(%arg20 : memref<!tpu.dma_semaphore, #tpu.memory_space<semaphore_mem>>)
          %dma_wait3A_269 = arith.constant 0 : i32
          %dma_wait3A_270 = arith.constant 0 : i32
          %dma_wait3A_271 = tpu.memref_slice %arg9[%dma_wait3A_269, %dma_wait3A_270] : memref<40x125xi32, #tpu.memory_space<vmem>> -> memref<1x125xi32, #tpu.memory_space<vmem>>
          %dma_wait3A_272 = tpu.memref_squeeze %dma_wait3A_271 : memref<1x125xi32, #tpu.memory_space<vmem>> -> memref<125xi32, #tpu.memory_space<vmem>>
          %dma_wait3A_273 = arith.constant 0 : i32
          %dma_wait3A_274 = arith.constant 0 : i32
          %dma_wait3A_275 = tpu.memref_slice %arg15[%dma_wait3A_273, %dma_wait3A_274] : memref<10000x64xf32, #tpu.memory_space<vmem_shared>> -> memref<10000x64xf32, #tpu.memory_space<vmem_shared>>
          tpu.wait_indirect_dma semaphore(%arg26 : memref<!tpu.dma_semaphore, #tpu.memory_space<semaphore_mem>>) src(%arg14 : memref<125x64xf32, #tpu.memory_space<vmem>>) dst(%dma_wait3A_275 : memref<10000x64xf32, #tpu.memory_space<vmem_shared>>)
          %add3A_276 = arith.constant 5 : i32
          %add3A_277 = arith.addi %mul3A_119, %add3A_276 : i32
          %add3A_278 = arith.constant 4 : i32
          %add3A_279 = arith.addi %add3A_277, %add3A_278 : i32
          %rem3A_280 = arith.constant 40 : i32
          %rem3A_281 = arith.remsi %add3A_279, %rem3A_280 : i32
          %dma_start3A_282 = arith.constant 0 : i32
          %dma_start3A_283 = tpu.memref_slice %arg8[%rem3A_281, %dma_start3A_282] : memref<40x125xi32, #tpu.memory_space<vmem>> -> memref<1x125xi32, #tpu.memory_space<vmem>>
          %dma_start3A_284 = tpu.memref_squeeze %dma_start3A_283 : memref<1x125xi32, #tpu.memory_space<vmem>> -> memref<125xi32, #tpu.memory_space<vmem>>
          %dma_start3A_285 = arith.constant 0 : i32
          %dma_start3A_286 = arith.constant 0 : i32
          %dma_start3A_287 = tpu.memref_slice %arg16[%dma_start3A_285, %dma_start3A_286] : memref<10000x64xf32, #tpu.memory_space<vmem_shared>> -> memref<10000x64xf32, #tpu.memory_space<vmem_shared>>
          tpu.enqueue_indirect_dma source(%dma_start3A_287 : memref<10000x64xf32, #tpu.memory_space<vmem_shared>>) target(%arg14 : memref<125x64xf32, #tpu.memory_space<vmem>>) offsets(%dma_start3A_284 : memref<125xi32, #tpu.memory_space<vmem>>) semaphore(%arg21 : memref<!tpu.dma_semaphore, #tpu.memory_space<semaphore_mem>>)
        }
        %scan3A_82 = arith.constant 8 : i32
        %dma_wait3A = arith.constant 0 : i32
        %dma_wait3A_83 = arith.constant 0 : i32
        %dma_wait3A_84 = tpu.memref_slice %arg8[%dma_wait3A, %dma_wait3A_83] : memref<40x125xi32, #tpu.memory_space<vmem>> -> memref<1x125xi32, #tpu.memory_space<vmem>>
        %dma_wait3A_85 = tpu.memref_squeeze %dma_wait3A_84 : memref<1x125xi32, #tpu.memory_space<vmem>> -> memref<125xi32, #tpu.memory_space<vmem>>
        %dma_wait3A_86 = arith.constant 0 : i32
        %dma_wait3A_87 = arith.constant 0 : i32
        %dma_wait3A_88 = tpu.memref_slice %arg16[%dma_wait3A_86, %dma_wait3A_87] : memref<10000x64xf32, #tpu.memory_space<vmem_shared>> -> memref<10000x64xf32, #tpu.memory_space<vmem_shared>>
        tpu.wait_indirect_dma semaphore(%arg17 : memref<!tpu.dma_semaphore, #tpu.memory_space<semaphore_mem>>) src(%dma_wait3A_88 : memref<10000x64xf32, #tpu.memory_space<vmem_shared>>) dst(%arg10 : memref<125x64xf32, #tpu.memory_space<vmem>>)
        %dma_wait3A_89 = arith.constant 0 : i32
        %dma_wait3A_90 = arith.constant 0 : i32
        %dma_wait3A_91 = tpu.memref_slice %arg8[%dma_wait3A_89, %dma_wait3A_90] : memref<40x125xi32, #tpu.memory_space<vmem>> -> memref<1x125xi32, #tpu.memory_space<vmem>>
        %dma_wait3A_92 = tpu.memref_squeeze %dma_wait3A_91 : memref<1x125xi32, #tpu.memory_space<vmem>> -> memref<125xi32, #tpu.memory_space<vmem>>
        %dma_wait3A_93 = arith.constant 0 : i32
        %dma_wait3A_94 = arith.constant 0 : i32
        %dma_wait3A_95 = tpu.memref_slice %arg16[%dma_wait3A_93, %dma_wait3A_94] : memref<10000x64xf32, #tpu.memory_space<vmem_shared>> -> memref<10000x64xf32, #tpu.memory_space<vmem_shared>>
        tpu.wait_indirect_dma semaphore(%arg18 : memref<!tpu.dma_semaphore, #tpu.memory_space<semaphore_mem>>) src(%dma_wait3A_95 : memref<10000x64xf32, #tpu.memory_space<vmem_shared>>) dst(%arg11 : memref<125x64xf32, #tpu.memory_space<vmem>>)
        %dma_wait3A_96 = arith.constant 0 : i32
        %dma_wait3A_97 = arith.constant 0 : i32
        %dma_wait3A_98 = tpu.memref_slice %arg8[%dma_wait3A_96, %dma_wait3A_97] : memref<40x125xi32, #tpu.memory_space<vmem>> -> memref<1x125xi32, #tpu.memory_space<vmem>>
        %dma_wait3A_99 = tpu.memref_squeeze %dma_wait3A_98 : memref<1x125xi32, #tpu.memory_space<vmem>> -> memref<125xi32, #tpu.memory_space<vmem>>
        %dma_wait3A_100 = arith.constant 0 : i32
        %dma_wait3A_101 = arith.constant 0 : i32
        %dma_wait3A_102 = tpu.memref_slice %arg16[%dma_wait3A_100, %dma_wait3A_101] : memref<10000x64xf32, #tpu.memory_space<vmem_shared>> -> memref<10000x64xf32, #tpu.memory_space<vmem_shared>>
        tpu.wait_indirect_dma semaphore(%arg19 : memref<!tpu.dma_semaphore, #tpu.memory_space<semaphore_mem>>) src(%dma_wait3A_102 : memref<10000x64xf32, #tpu.memory_space<vmem_shared>>) dst(%arg12 : memref<125x64xf32, #tpu.memory_space<vmem>>)
        %dma_wait3A_103 = arith.constant 0 : i32
        %dma_wait3A_104 = arith.constant 0 : i32
        %dma_wait3A_105 = tpu.memref_slice %arg8[%dma_wait3A_103, %dma_wait3A_104] : memref<40x125xi32, #tpu.memory_space<vmem>> -> memref<1x125xi32, #tpu.memory_space<vmem>>
        %dma_wait3A_106 = tpu.memref_squeeze %dma_wait3A_105 : memref<1x125xi32, #tpu.memory_space<vmem>> -> memref<125xi32, #tpu.memory_space<vmem>>
        %dma_wait3A_107 = arith.constant 0 : i32
        %dma_wait3A_108 = arith.constant 0 : i32
        %dma_wait3A_109 = tpu.memref_slice %arg16[%dma_wait3A_107, %dma_wait3A_108] : memref<10000x64xf32, #tpu.memory_space<vmem_shared>> -> memref<10000x64xf32, #tpu.memory_space<vmem_shared>>
        tpu.wait_indirect_dma semaphore(%arg20 : memref<!tpu.dma_semaphore, #tpu.memory_space<semaphore_mem>>) src(%dma_wait3A_109 : memref<10000x64xf32, #tpu.memory_space<vmem_shared>>) dst(%arg13 : memref<125x64xf32, #tpu.memory_space<vmem>>)
        %dma_wait3A_110 = arith.constant 0 : i32
        %dma_wait3A_111 = arith.constant 0 : i32
        %dma_wait3A_112 = tpu.memref_slice %arg8[%dma_wait3A_110, %dma_wait3A_111] : memref<40x125xi32, #tpu.memory_space<vmem>> -> memref<1x125xi32, #tpu.memory_space<vmem>>
        %dma_wait3A_113 = tpu.memref_squeeze %dma_wait3A_112 : memref<1x125xi32, #tpu.memory_space<vmem>> -> memref<125xi32, #tpu.memory_space<vmem>>
        %dma_wait3A_114 = arith.constant 0 : i32
        %dma_wait3A_115 = arith.constant 0 : i32
        %dma_wait3A_116 = tpu.memref_slice %arg16[%dma_wait3A_114, %dma_wait3A_115] : memref<10000x64xf32, #tpu.memory_space<vmem_shared>> -> memref<10000x64xf32, #tpu.memory_space<vmem_shared>>
        tpu.wait_indirect_dma semaphore(%arg21 : memref<!tpu.dma_semaphore, #tpu.memory_space<semaphore_mem>>) src(%dma_wait3A_116 : memref<10000x64xf32, #tpu.memory_space<vmem_shared>>) dst(%arg14 : memref<125x64xf32, #tpu.memory_space<vmem>>)
      }
      %scan3A_37 = arith.constant 4 : i32
    } else {
    }
    %barrier3A = arith.constant 0 : index
    tpu.barrier barrier_id(%barrier3A)
    %eq3A_18 = arith.constant 0 : i32
    %eq3A_19 = arith.cmpi eq, %arg0, %eq3A_18 : i32
    %convert_element_type3A_20 = arith.extui %eq3A_19 : i1 to i32
    %cond3A_21 = arith.constant 0 : i32
    %cond3A_22 = arith.cmpi ne, %convert_element_type3A_20, %cond3A_21 : i32
    scf.if %cond3A_22 {
      %mul3A = arith.constant 625 : i32
      %mul3A_28 = arith.muli %arg1, %mul3A : i32
      %mul3A_29 = arith.constant 625 : i32
      %mul3A_30 = arith.muli %arg1, %mul3A_29 : i32
      "tpu.region"() ({
        %run_scoped3A = tpu.sem_alloc : memref<!tpu.dma_semaphore, #tpu.memory_space<semaphore_mem>>
        %dma_start3A = arith.constant 0 : i32
        %dma_start3A_31 = tpu.memref_slice %arg6[%mul3A_30, %dma_start3A] : memref<10000x64xf32, #tpu.memory_space<hbm>> -> memref<625x64xf32, #tpu.memory_space<hbm>>
        %dma_start3A_32 = arith.constant 0 : i32
        %dma_start3A_33 = tpu.memref_slice %arg15[%mul3A_28, %dma_start3A_32] : memref<10000x64xf32, #tpu.memory_space<vmem_shared>> -> memref<625x64xf32, #tpu.memory_space<vmem_shared>>
        tpu.enqueue_dma source(%dma_start3A_33 : memref<625x64xf32, #tpu.memory_space<vmem_shared>>) target(%dma_start3A_31 : memref<625x64xf32, #tpu.memory_space<hbm>>) target_semaphore(%run_scoped3A : memref<!tpu.dma_semaphore, #tpu.memory_space<semaphore_mem>>)
        %dma_wait3A = arith.constant 0 : i32
        %dma_wait3A_34 = tpu.memref_slice %arg6[%mul3A_30, %dma_wait3A] : memref<10000x64xf32, #tpu.memory_space<hbm>> -> memref<625x64xf32, #tpu.memory_space<hbm>>
        %dma_wait3A_35 = arith.constant 0 : i32
        %dma_wait3A_36 = tpu.memref_slice %arg15[%mul3A_28, %dma_wait3A_35] : memref<10000x64xf32, #tpu.memory_space<vmem_shared>> -> memref<625x64xf32, #tpu.memory_space<vmem_shared>>
        tpu.wait_dma2 semaphore(%run_scoped3A : memref<!tpu.dma_semaphore, #tpu.memory_space<semaphore_mem>>) src(%dma_wait3A_36 : memref<625x64xf32, #tpu.memory_space<vmem_shared>>) dst(%dma_wait3A_34 : memref<625x64xf32, #tpu.memory_space<hbm>>)
        tpu.yield
      }) : () -> ()
    } else {
    }
    %eq3A_23 = arith.constant 1 : i32
    %eq3A_24 = arith.cmpi eq, %arg0, %eq3A_23 : i32
    %convert_element_type3A_25 = arith.extui %eq3A_24 : i1 to i32
    %cond3A_26 = arith.constant 0 : i32
    %cond3A_27 = arith.cmpi ne, %convert_element_type3A_25, %cond3A_26 : i32
    scf.if %cond3A_27 {
      %mul3A = arith.constant 625 : i32
      %mul3A_28 = arith.muli %arg1, %mul3A : i32
      %mul3A_29 = arith.constant 625 : i32
      %mul3A_30 = arith.muli %arg1, %mul3A_29 : i32
      "tpu.region"() ({
        %run_scoped3A = tpu.sem_alloc : memref<!tpu.dma_semaphore, #tpu.memory_space<semaphore_mem>>
        %dma_start3A = arith.constant 0 : i32
        %dma_start3A_31 = tpu.memref_slice %arg7[%mul3A_30, %dma_start3A] : memref<10000x64xf32, #tpu.memory_space<hbm>> -> memref<625x64xf32, #tpu.memory_space<hbm>>
        %dma_start3A_32 = arith.constant 0 : i32
        %dma_start3A_33 = tpu.memref_slice %arg15[%mul3A_28, %dma_start3A_32] : memref<10000x64xf32, #tpu.memory_space<vmem_shared>> -> memref<625x64xf32, #tpu.memory_space<vmem_shared>>
        tpu.enqueue_dma source(%dma_start3A_33 : memref<625x64xf32, #tpu.memory_space<vmem_shared>>) target(%dma_start3A_31 : memref<625x64xf32, #tpu.memory_space<hbm>>) target_semaphore(%run_scoped3A : memref<!tpu.dma_semaphore, #tpu.memory_space<semaphore_mem>>)
        %dma_wait3A = arith.constant 0 : i32
        %dma_wait3A_34 = tpu.memref_slice %arg7[%mul3A_30, %dma_wait3A] : memref<10000x64xf32, #tpu.memory_space<hbm>> -> memref<625x64xf32, #tpu.memory_space<hbm>>
        %dma_wait3A_35 = arith.constant 0 : i32
        %dma_wait3A_36 = tpu.memref_slice %arg15[%mul3A_28, %dma_wait3A_35] : memref<10000x64xf32, #tpu.memory_space<vmem_shared>> -> memref<625x64xf32, #tpu.memory_space<vmem_shared>>
        tpu.wait_dma2 semaphore(%run_scoped3A : memref<!tpu.dma_semaphore, #tpu.memory_space<semaphore_mem>>) src(%dma_wait3A_36 : memref<625x64xf32, #tpu.memory_space<vmem_shared>>) dst(%dma_wait3A_34 : memref<625x64xf32, #tpu.memory_space<hbm>>)
        tpu.yield
      }) : () -> ()
    } else {
    }
    return
  }
}

#map = affine_map<(d0, d1) -> (0, 0, 0)>
#map1 = affine_map<(d0, d1) -> (0)>
module attributes {stable_mosaic.version = 14 : i64} {
  func.func @_deg_body(%arg0: i32, %arg1: i32, %arg2: memref<16x160x125xi32, #tpu.memory_space<hbm>>, %arg3: memref<20480xf32, #tpu.memory_space<hbm>>, %arg4: memref<80x125xi32, #tpu.memory_space<vmem>>, %arg5: memref<128xf32, #tpu.memory_space<vmem>>, %arg6: memref<640xf32, #tpu.memory_space<vmem>>, %arg7: memref<10240xf32, #tpu.memory_space<vmem_shared>>) attributes {dimension_semantics = [#tpu.dimension_semantics<core_parallel>, #tpu.dimension_semantics<subcore_parallel>], iteration_bounds = array<i64: 2, 16>, scalar_prefetch = 0 : i64, scratch_operands = 4 : i64, tpu.core_type = #tpu.core_type<sc_vector_subcore>, window_params = [{transform_indices = #map}, {transform_indices = #map1}]} {
    %mul3A = arith.constant 80 : i32
    %mul3A_0 = arith.muli %arg0, %mul3A : i32
    "tpu.region"() ({
      %run_scoped3A = tpu.sem_alloc : memref<!tpu.dma_semaphore, #tpu.memory_space<semaphore_mem>>
      %dma_start3A = arith.constant 0 : i32
      %dma_start3A_27 = tpu.memref_slice %arg2[%arg1, %mul3A_0, %dma_start3A] : memref<16x160x125xi32, #tpu.memory_space<hbm>> -> memref<1x80x125xi32, #tpu.memory_space<hbm>>
      %dma_start3A_28 = tpu.memref_squeeze %dma_start3A_27 : memref<1x80x125xi32, #tpu.memory_space<hbm>> -> memref<80x125xi32, #tpu.memory_space<hbm>>
      %dma_start3A_29 = arith.constant 0 : i32
      %dma_start3A_30 = tpu.memref_slice %arg2[%arg1, %mul3A_0, %dma_start3A_29] : memref<16x160x125xi32, #tpu.memory_space<hbm>> -> memref<1x80x125xi32, #tpu.memory_space<hbm>>
      %dma_start3A_31 = tpu.memref_squeeze %dma_start3A_30 : memref<1x80x125xi32, #tpu.memory_space<hbm>> -> memref<80x125xi32, #tpu.memory_space<hbm>>
      tpu.enqueue_dma source(%dma_start3A_31 : memref<80x125xi32, #tpu.memory_space<hbm>>) target(%arg4 : memref<80x125xi32, #tpu.memory_space<vmem>>) target_semaphore(%run_scoped3A : memref<!tpu.dma_semaphore, #tpu.memory_space<semaphore_mem>>)
      %dma_wait3A = arith.constant 0 : i32
      %dma_wait3A_32 = tpu.memref_slice %arg2[%arg1, %mul3A_0, %dma_wait3A] : memref<16x160x125xi32, #tpu.memory_space<hbm>> -> memref<1x80x125xi32, #tpu.memory_space<hbm>>
      %dma_wait3A_33 = tpu.memref_squeeze %dma_wait3A_32 : memref<1x80x125xi32, #tpu.memory_space<hbm>> -> memref<80x125xi32, #tpu.memory_space<hbm>>
      %dma_wait3A_34 = arith.constant 0 : i32
      %dma_wait3A_35 = tpu.memref_slice %arg2[%arg1, %mul3A_0, %dma_wait3A_34] : memref<16x160x125xi32, #tpu.memory_space<hbm>> -> memref<1x80x125xi32, #tpu.memory_space<hbm>>
      %dma_wait3A_36 = tpu.memref_squeeze %dma_wait3A_35 : memref<1x80x125xi32, #tpu.memory_space<hbm>> -> memref<80x125xi32, #tpu.memory_space<hbm>>
      tpu.wait_dma2 semaphore(%run_scoped3A : memref<!tpu.dma_semaphore, #tpu.memory_space<semaphore_mem>>) src(%dma_wait3A_36 : memref<80x125xi32, #tpu.memory_space<hbm>>) dst(%arg4 : memref<80x125xi32, #tpu.memory_space<vmem>>)
      tpu.yield
    }) : () -> ()
    %scan3A = arith.constant 0 : i32
    %scan3A_1 = arith.constant 0 : i32
    %scan3A_2 = arith.constant 8 : i32
    %scan3A_3 = arith.addi %scan3A_1, %scan3A_2 : i32
    %scan3A_4 = arith.constant 1 : i32
    scf.for %scan3A_27 = %scan3A_1 to %scan3A_3 step %scan3A_4  : i32 {
      %broadcast_in_dim3A = arith.constant 1.000000e+00 : f32
      %broadcast_in_dim3A_28 = vector.broadcast %broadcast_in_dim3A : f32 to vector<16xf32>
      %mul3A_29 = arith.constant 16 : i32
      %mul3A_30 = arith.muli %scan3A_27, %mul3A_29 : i32
      %swap3A = arith.index_cast %mul3A_30 : i32 to index
      %swap3A_31 = tpu.vector_load %arg5[%swap3A] {strides = array<i32>} : memref<128xf32, #tpu.memory_space<vmem>>, vector<16xf32>,
      %swap3A_32 = vector.shape_cast %swap3A_31 : vector<16xf32> to vector<16xf32>
      %swap3A_33 = vector.shape_cast %broadcast_in_dim3A_28 : vector<16xf32> to vector<16xf32>
      tpu.vector_store %arg5[%swap3A], %swap3A_33 {strides = array<i32>} : memref<128xf32, #tpu.memory_space<vmem>>, vector<16xf32>,
    }
    %scan3A_5 = arith.constant 8 : i32
    %scan3A_6 = arith.constant 0 : i32
    %scan3A_7 = arith.constant 0 : i32
    %scan3A_8 = arith.constant 40 : i32
    %scan3A_9 = arith.addi %scan3A_7, %scan3A_8 : i32
    %scan3A_10 = arith.constant 1 : i32
    scf.for %scan3A_27 = %scan3A_7 to %scan3A_9 step %scan3A_10  : i32 {
      %broadcast_in_dim3A = arith.constant 0.000000e+00 : f32
      %broadcast_in_dim3A_28 = vector.broadcast %broadcast_in_dim3A : f32 to vector<16xf32>
      %mul3A_29 = arith.constant 16 : i32
      %mul3A_30 = arith.muli %scan3A_27, %mul3A_29 : i32
      %swap3A = arith.index_cast %mul3A_30 : i32 to index
      %swap3A_31 = tpu.vector_load %arg6[%swap3A] {strides = array<i32>} : memref<640xf32, #tpu.memory_space<vmem>>, vector<16xf32>,
      %swap3A_32 = vector.shape_cast %swap3A_31 : vector<16xf32> to vector<16xf32>
      %swap3A_33 = vector.shape_cast %broadcast_in_dim3A_28 : vector<16xf32> to vector<16xf32>
      tpu.vector_store %arg6[%swap3A], %swap3A_33 {strides = array<i32>} : memref<640xf32, #tpu.memory_space<vmem>>, vector<16xf32>,
    }
    %scan3A_11 = arith.constant 40 : i32
    %mul3A_12 = arith.constant 640 : i32
    %mul3A_13 = arith.muli %arg1, %mul3A_12 : i32
    "tpu.region"() ({
      %run_scoped3A = tpu.sem_alloc : memref<!tpu.dma_semaphore, #tpu.memory_space<semaphore_mem>>
      %dma_start3A = tpu.memref_slice %arg7[%mul3A_13] : memref<10240xf32, #tpu.memory_space<vmem_shared>> -> memref<640xf32, #tpu.memory_space<vmem_shared>>
      %dma_start3A_27 = tpu.memref_slice %arg7[%mul3A_13] : memref<10240xf32, #tpu.memory_space<vmem_shared>> -> memref<640xf32, #tpu.memory_space<vmem_shared>>
      tpu.enqueue_dma source(%arg6 : memref<640xf32, #tpu.memory_space<vmem>>) target(%dma_start3A_27 : memref<640xf32, #tpu.memory_space<vmem_shared>>) target_semaphore(%run_scoped3A : memref<!tpu.dma_semaphore, #tpu.memory_space<semaphore_mem>>)
      %dma_wait3A = tpu.memref_slice %arg7[%mul3A_13] : memref<10240xf32, #tpu.memory_space<vmem_shared>> -> memref<640xf32, #tpu.memory_space<vmem_shared>>
      %dma_wait3A_28 = tpu.memref_slice %arg7[%mul3A_13] : memref<10240xf32, #tpu.memory_space<vmem_shared>> -> memref<640xf32, #tpu.memory_space<vmem_shared>>
      tpu.wait_dma2 semaphore(%run_scoped3A : memref<!tpu.dma_semaphore, #tpu.memory_space<semaphore_mem>>) src(%arg6 : memref<640xf32, #tpu.memory_space<vmem>>) dst(%dma_wait3A_28 : memref<640xf32, #tpu.memory_space<vmem_shared>>)
      tpu.yield
    }) : () -> ()
    %barrier3A = arith.constant 0 : index
    tpu.barrier barrier_id(%barrier3A)
    %scan3A_14 = arith.constant 0 : i32
    %scan3A_15 = arith.constant 0 : i32
    %scan3A_16 = arith.constant 80 : i32
    %scan3A_17 = arith.addi %scan3A_15, %scan3A_16 : i32
    %scan3A_18 = arith.constant 1 : i32
    scf.for %scan3A_27 = %scan3A_15 to %scan3A_17 step %scan3A_18  : i32 {
      "tpu.region"() ({
        %run_scoped3A = tpu.sem_alloc : memref<!tpu.dma_semaphore, #tpu.memory_space<semaphore_mem>>
        %dma_start3A = arith.constant 0 : i32
        %dma_start3A_28 = tpu.memref_slice %arg5[%dma_start3A] : memref<128xf32, #tpu.memory_space<vmem>> -> memref<125xf32, #tpu.memory_space<vmem>>
        %dma_start3A_29 = arith.constant 0 : i32
        %dma_start3A_30 = tpu.memref_slice %arg4[%scan3A_27, %dma_start3A_29] : memref<80x125xi32, #tpu.memory_space<vmem>> -> memref<1x125xi32, #tpu.memory_space<vmem>>
        %dma_start3A_31 = tpu.memref_squeeze %dma_start3A_30 : memref<1x125xi32, #tpu.memory_space<vmem>> -> memref<125xi32, #tpu.memory_space<vmem>>
        %dma_start3A_32 = arith.constant 0 : i32
        %dma_start3A_33 = tpu.memref_slice %arg7[%dma_start3A_32] : memref<10240xf32, #tpu.memory_space<vmem_shared>> -> memref<10240xf32, #tpu.memory_space<vmem_shared>>
        tpu.enqueue_indirect_dma source(%dma_start3A_28 : memref<125xf32, #tpu.memory_space<vmem>>) target(%dma_start3A_33 : memref<10240xf32, #tpu.memory_space<vmem_shared>>) offsets(%dma_start3A_31 : memref<125xi32, #tpu.memory_space<vmem>>) semaphore(%run_scoped3A : memref<!tpu.dma_semaphore, #tpu.memory_space<semaphore_mem>>) {add = true}
        %dma_wait3A = arith.constant 0 : i32
        %dma_wait3A_34 = tpu.memref_slice %arg5[%dma_wait3A] : memref<128xf32, #tpu.memory_space<vmem>> -> memref<125xf32, #tpu.memory_space<vmem>>
        %dma_wait3A_35 = arith.constant 0 : i32
        %dma_wait3A_36 = tpu.memref_slice %arg4[%scan3A_27, %dma_wait3A_35] : memref<80x125xi32, #tpu.memory_space<vmem>> -> memref<1x125xi32, #tpu.memory_space<vmem>>
        %dma_wait3A_37 = tpu.memref_squeeze %dma_wait3A_36 : memref<1x125xi32, #tpu.memory_space<vmem>> -> memref<125xi32, #tpu.memory_space<vmem>>
        %dma_wait3A_38 = arith.constant 0 : i32
        %dma_wait3A_39 = tpu.memref_slice %arg7[%dma_wait3A_38] : memref<10240xf32, #tpu.memory_space<vmem_shared>> -> memref<10240xf32, #tpu.memory_space<vmem_shared>>
        tpu.wait_indirect_dma semaphore(%run_scoped3A : memref<!tpu.dma_semaphore, #tpu.memory_space<semaphore_mem>>) src(%dma_wait3A_34 : memref<125xf32, #tpu.memory_space<vmem>>) dst(%dma_wait3A_39 : memref<10240xf32, #tpu.memory_space<vmem_shared>>)
        tpu.yield
      }) : () -> ()
    }
    %scan3A_19 = arith.constant 80 : i32
    %barrier3A_20 = arith.constant 0 : index
    tpu.barrier barrier_id(%barrier3A_20)
    %mul3A_21 = arith.constant 640 : i32
    %mul3A_22 = arith.muli %arg1, %mul3A_21 : i32
    "tpu.region"() ({
      %run_scoped3A = tpu.sem_alloc : memref<!tpu.dma_semaphore, #tpu.memory_space<semaphore_mem>>
      %dma_start3A = tpu.memref_slice %arg7[%mul3A_22] : memref<10240xf32, #tpu.memory_space<vmem_shared>> -> memref<640xf32, #tpu.memory_space<vmem_shared>>
      %dma_start3A_27 = tpu.memref_slice %arg7[%mul3A_22] : memref<10240xf32, #tpu.memory_space<vmem_shared>> -> memref<640xf32, #tpu.memory_space<vmem_shared>>
      tpu.enqueue_dma source(%dma_start3A_27 : memref<640xf32, #tpu.memory_space<vmem_shared>>) target(%arg6 : memref<640xf32, #tpu.memory_space<vmem>>) target_semaphore(%run_scoped3A : memref<!tpu.dma_semaphore, #tpu.memory_space<semaphore_mem>>)
      %dma_wait3A = tpu.memref_slice %arg7[%mul3A_22] : memref<10240xf32, #tpu.memory_space<vmem_shared>> -> memref<640xf32, #tpu.memory_space<vmem_shared>>
      %dma_wait3A_28 = tpu.memref_slice %arg7[%mul3A_22] : memref<10240xf32, #tpu.memory_space<vmem_shared>> -> memref<640xf32, #tpu.memory_space<vmem_shared>>
      tpu.wait_dma2 semaphore(%run_scoped3A : memref<!tpu.dma_semaphore, #tpu.memory_space<semaphore_mem>>) src(%dma_wait3A_28 : memref<640xf32, #tpu.memory_space<vmem_shared>>) dst(%arg6 : memref<640xf32, #tpu.memory_space<vmem>>)
      tpu.yield
    }) : () -> ()
    %mul3A_23 = arith.constant 10240 : i32
    %mul3A_24 = arith.muli %arg0, %mul3A_23 : i32
    %mul3A_25 = arith.constant 640 : i32
    %mul3A_26 = arith.muli %arg1, %mul3A_25 : i32
    %add3A = arith.addi %mul3A_24, %mul3A_26 : i32
    "tpu.region"() ({
      %run_scoped3A = tpu.sem_alloc : memref<!tpu.dma_semaphore, #tpu.memory_space<semaphore_mem>>
      %dma_start3A = tpu.memref_slice %arg3[%add3A] : memref<20480xf32, #tpu.memory_space<hbm>> -> memref<640xf32, #tpu.memory_space<hbm>>
      %dma_start3A_27 = tpu.memref_slice %arg3[%add3A] : memref<20480xf32, #tpu.memory_space<hbm>> -> memref<640xf32, #tpu.memory_space<hbm>>
      tpu.enqueue_dma source(%arg6 : memref<640xf32, #tpu.memory_space<vmem>>) target(%dma_start3A_27 : memref<640xf32, #tpu.memory_space<hbm>>) target_semaphore(%run_scoped3A : memref<!tpu.dma_semaphore, #tpu.memory_space<semaphore_mem>>)
      %dma_wait3A = tpu.memref_slice %arg3[%add3A] : memref<20480xf32, #tpu.memory_space<hbm>> -> memref<640xf32, #tpu.memory_space<hbm>>
      %dma_wait3A_28 = tpu.memref_slice %arg3[%add3A] : memref<20480xf32, #tpu.memory_space<hbm>> -> memref<640xf32, #tpu.memory_space<hbm>>
      tpu.wait_dma2 semaphore(%run_scoped3A : memref<!tpu.dma_semaphore, #tpu.memory_space<semaphore_mem>>) src(%arg6 : memref<640xf32, #tpu.memory_space<vmem>>) dst(%dma_wait3A_28 : memref<640xf32, #tpu.memory_space<hbm>>)
      tpu.yield
    }) : () -> ()
    return
  }
}

#map = affine_map<(d0, d1) -> (0, 0)>
#map1 = affine_map<(d0, d1) -> (0, 0, 0)>
module attributes {stable_mosaic.version = 14 : i64} {
  func.func @_scatter_body(%arg0: i32, %arg1: i32, %arg2: memref<10000x64xf32, #tpu.memory_space<hbm>>, %arg3: memref<10000x64xf32, #tpu.memory_space<hbm>>, %arg4: memref<16x160x125xi32, #tpu.memory_space<hbm>>, %arg5: memref<16x160x125xi32, #tpu.memory_space<hbm>>, %arg6: memref<10000x64xf32, #tpu.memory_space<hbm>>, %arg7: memref<10000x64xf32, #tpu.memory_space<hbm>>, %arg8: memref<40x125xi32, #tpu.memory_space<vmem>>, %arg9: memref<40x125xi32, #tpu.memory_space<vmem>>, %arg10: memref<125x64xf32, #tpu.memory_space<vmem>>, %arg11: memref<125x64xf32, #tpu.memory_space<vmem>>, %arg12: memref<125x64xf32, #tpu.memory_space<vmem>>, %arg13: memref<125x64xf32, #tpu.memory_space<vmem>>, %arg14: memref<125x64xf32, #tpu.memory_space<vmem>>, %arg15: memref<10000x64xf32, #tpu.memory_space<vmem_shared>>, %arg16: memref<10000x64xf32, #tpu.memory_space<vmem_shared>>, %arg17: memref<!tpu.dma_semaphore, #tpu.memory_space<semaphore_mem>>, %arg18: memref<!tpu.dma_semaphore, #tpu.memory_space<semaphore_mem>>, %arg19: memref<!tpu.dma_semaphore, #tpu.memory_space<semaphore_mem>>, %arg20: memref<!tpu.dma_semaphore, #tpu.memory_space<semaphore_mem>>, %arg21: memref<!tpu.dma_semaphore, #tpu.memory_space<semaphore_mem>>, %arg22: memref<!tpu.dma_semaphore, #tpu.memory_space<semaphore_mem>>, %arg23: memref<!tpu.dma_semaphore, #tpu.memory_space<semaphore_mem>>, %arg24: memref<!tpu.dma_semaphore, #tpu.memory_space<semaphore_mem>>, %arg25: memref<!tpu.dma_semaphore, #tpu.memory_space<semaphore_mem>>, %arg26: memref<!tpu.dma_semaphore, #tpu.memory_space<semaphore_mem>>) attributes {dimension_semantics = [#tpu.dimension_semantics<core_parallel>, #tpu.dimension_semantics<subcore_parallel>], iteration_bounds = array<i64: 2, 16>, scalar_prefetch = 0 : i64, scratch_operands = 19 : i64, tpu.core_type = #tpu.core_type<sc_vector_subcore>, window_params = [{transform_indices = #map}, {transform_indices = #map}, {transform_indices = #map1}, {transform_indices = #map1}, {transform_indices = #map}, {transform_indices = #map}]} {
    %scan3A = arith.constant 0 : i32
    %scan3A_0 = arith.constant 0 : i32
    %scan3A_1 = arith.constant 500 : i32
    %scan3A_2 = arith.addi %scan3A_0, %scan3A_1 : i32
    %scan3A_3 = arith.constant 1 : i32
    scf.for %scan3A_28 = %scan3A_0 to %scan3A_2 step %scan3A_3  : i32 {
      %broadcast_in_dim3A = arith.constant 0.000000e+00 : f32
      %broadcast_in_dim3A_29 = vector.broadcast %broadcast_in_dim3A : f32 to vector<16xf32>
      %div3A = arith.constant 4 : i32
      %div3A_30 = arith.divsi %scan3A_28, %div3A : i32
      %rem3A = arith.constant 4 : i32
      %rem3A_31 = arith.remsi %scan3A_28, %rem3A : i32
      %mul3A = arith.constant 16 : i32
      %mul3A_32 = arith.muli %rem3A_31, %mul3A : i32
      %swap3A = arith.index_cast %div3A_30 : i32 to index
      %swap3A_33 = arith.index_cast %mul3A_32 : i32 to index
      %swap3A_34 = tpu.vector_load %arg10[%swap3A, %swap3A_33] {strides = array<i32>} : memref<125x64xf32, #tpu.memory_space<vmem>>, vector<1x16xf32>,
      %swap3A_35 = vector.shape_cast %swap3A_34 : vector<1x16xf32> to vector<16xf32>
      %swap3A_36 = vector.shape_cast %broadcast_in_dim3A_29 : vector<16xf32> to vector<1x16xf32>
      tpu.vector_store %arg10[%swap3A, %swap3A_33], %swap3A_36 {strides = array<i32>} : memref<125x64xf32, #tpu.memory_space<vmem>>, vector<1x16xf32>,
    }
    %scan3A_4 = arith.constant 500 : i32
    %scan3A_5 = arith.constant 0 : i32
    %scan3A_6 = arith.constant 0 : i32
    %scan3A_7 = arith.constant 5 : i32
    %scan3A_8 = arith.addi %scan3A_6, %scan3A_7 : i32
    %scan3A_9 = arith.constant 1 : i32
    scf.for %scan3A_28 = %scan3A_6 to %scan3A_8 step %scan3A_9  : i32 {
      %mul3A = arith.constant 625 : i32
      %mul3A_29 = arith.muli %arg1, %mul3A : i32
      %mul3A_30 = arith.constant 125 : i32
      %mul3A_31 = arith.muli %scan3A_28, %mul3A_30 : i32
      %add3A = arith.addi %mul3A_29, %mul3A_31 : i32
      "tpu.region"() ({
        %run_scoped3A = tpu.sem_alloc : memref<!tpu.dma_semaphore, #tpu.memory_space<semaphore_mem>>
        %dma_start3A = arith.constant 0 : i32
        %dma_start3A_32 = tpu.memref_slice %arg15[%add3A, %dma_start3A] : memref<10000x64xf32, #tpu.memory_space<vmem_shared>> -> memref<125x64xf32, #tpu.memory_space<vmem_shared>>
        %dma_start3A_33 = arith.constant 0 : i32
        %dma_start3A_34 = tpu.memref_slice %arg15[%add3A, %dma_start3A_33] : memref<10000x64xf32, #tpu.memory_space<vmem_shared>> -> memref<125x64xf32, #tpu.memory_space<vmem_shared>>
        tpu.enqueue_dma source(%arg10 : memref<125x64xf32, #tpu.memory_space<vmem>>) target(%dma_start3A_34 : memref<125x64xf32, #tpu.memory_space<vmem_shared>>) target_semaphore(%run_scoped3A : memref<!tpu.dma_semaphore, #tpu.memory_space<semaphore_mem>>)
        %dma_wait3A = arith.constant 0 : i32
        %dma_wait3A_35 = tpu.memref_slice %arg15[%add3A, %dma_wait3A] : memref<10000x64xf32, #tpu.memory_space<vmem_shared>> -> memref<125x64xf32, #tpu.memory_space<vmem_shared>>
        %dma_wait3A_36 = arith.constant 0 : i32
        %dma_wait3A_37 = tpu.memref_slice %arg15[%add3A, %dma_wait3A_36] : memref<10000x64xf32, #tpu.memory_space<vmem_shared>> -> memref<125x64xf32, #tpu.memory_space<vmem_shared>>
        tpu.wait_dma2 semaphore(%run_scoped3A : memref<!tpu.dma_semaphore, #tpu.memory_space<semaphore_mem>>) src(%arg10 : memref<125x64xf32, #tpu.memory_space<vmem>>) dst(%dma_wait3A_37 : memref<125x64xf32, #tpu.memory_space<vmem_shared>>)
        tpu.yield
      }) : () -> ()
    }
    %scan3A_10 = arith.constant 5 : i32
    %eq3A = arith.constant 0 : i32
    %eq3A_11 = arith.cmpi eq, %arg0, %eq3A : i32
    %convert_element_type3A = arith.extui %eq3A_11 : i1 to i32
    %cond3A = arith.constant 0 : i32
    %cond3A_12 = arith.cmpi ne, %convert_element_type3A, %cond3A : i32
    scf.if %cond3A_12 {
      %mul3A = arith.constant 625 : i32
      %mul3A_28 = arith.muli %arg1, %mul3A : i32
      %mul3A_29 = arith.constant 625 : i32
      %mul3A_30 = arith.muli %arg1, %mul3A_29 : i32
      "tpu.region"() ({
        %run_scoped3A = tpu.sem_alloc : memref<!tpu.dma_semaphore, #tpu.memory_space<semaphore_mem>>
        %dma_start3A = arith.constant 0 : i32
        %dma_start3A_38 = tpu.memref_slice %arg16[%mul3A_30, %dma_start3A] : memref<10000x64xf32, #tpu.memory_space<vmem_shared>> -> memref<625x64xf32, #tpu.memory_space<vmem_shared>>
        %dma_start3A_39 = arith.constant 0 : i32
        %dma_start3A_40 = tpu.memref_slice %arg2[%mul3A_28, %dma_start3A_39] : memref<10000x64xf32, #tpu.memory_space<hbm>> -> memref<625x64xf32, #tpu.memory_space<hbm>>
        tpu.enqueue_dma source(%dma_start3A_40 : memref<625x64xf32, #tpu.memory_space<hbm>>) target(%dma_start3A_38 : memref<625x64xf32, #tpu.memory_space<vmem_shared>>) target_semaphore(%run_scoped3A : memref<!tpu.dma_semaphore, #tpu.memory_space<semaphore_mem>>)
        %dma_wait3A = arith.constant 0 : i32
        %dma_wait3A_41 = tpu.memref_slice %arg16[%mul3A_30, %dma_wait3A] : memref<10000x64xf32, #tpu.memory_space<vmem_shared>> -> memref<625x64xf32, #tpu.memory_space<vmem_shared>>
        %dma_wait3A_42 = arith.constant 0 : i32
        %dma_wait3A_43 = tpu.memref_slice %arg2[%mul3A_28, %dma_wait3A_42] : memref<10000x64xf32, #tpu.memory_space<hbm>> -> memref<625x64xf32, #tpu.memory_space<hbm>>
        tpu.wait_dma2 semaphore(%run_scoped3A : memref<!tpu.dma_semaphore, #tpu.memory_space<semaphore_mem>>) src(%dma_wait3A_43 : memref<625x64xf32, #tpu.memory_space<hbm>>) dst(%dma_wait3A_41 : memref<625x64xf32, #tpu.memory_space<vmem_shared>>)
        tpu.yield
      }) : () -> ()
      %barrier3A_31 = arith.constant 0 : index
      tpu.barrier barrier_id(%barrier3A_31)
      %scan3A_32 = arith.constant 0 : i32
      %scan3A_33 = arith.constant 0 : i32
      %scan3A_34 = arith.constant 4 : i32
      %scan3A_35 = arith.addi %scan3A_33, %scan3A_34 : i32
      %scan3A_36 = arith.constant 1 : i32
      scf.for %scan3A_38 = %scan3A_33 to %scan3A_35 step %scan3A_36  : i32 {
        %mul3A_39 = arith.constant 40 : i32
        %mul3A_40 = arith.muli %scan3A_38, %mul3A_39 : i32
        "tpu.region"() ({
          %run_scoped3A = tpu.sem_alloc : memref<!tpu.dma_semaphore, #tpu.memory_space<semaphore_mem>>
          %dma_start3A_117 = arith.constant 0 : i32
          %dma_start3A_118 = tpu.memref_slice %arg4[%arg1, %mul3A_40, %dma_start3A_117] : memref<16x160x125xi32, #tpu.memory_space<hbm>> -> memref<1x40x125xi32, #tpu.memory_space<hbm>>
          %dma_start3A_119 = tpu.memref_squeeze %dma_start3A_118 : memref<1x40x125xi32, #tpu.memory_space<hbm>> -> memref<40x125xi32, #tpu.memory_space<hbm>>
          %dma_start3A_120 = arith.constant 0 : i32
          %dma_start3A_121 = tpu.memref_slice %arg4[%arg1, %mul3A_40, %dma_start3A_120] : memref<16x160x125xi32, #tpu.memory_space<hbm>> -> memref<1x40x125xi32, #tpu.memory_space<hbm>>
          %dma_start3A_122 = tpu.memref_squeeze %dma_start3A_121 : memref<1x40x125xi32, #tpu.memory_space<hbm>> -> memref<40x125xi32, #tpu.memory_space<hbm>>
          tpu.enqueue_dma source(%dma_start3A_122 : memref<40x125xi32, #tpu.memory_space<hbm>>) target(%arg8 : memref<40x125xi32, #tpu.memory_space<vmem>>) target_semaphore(%run_scoped3A : memref<!tpu.dma_semaphore, #tpu.memory_space<semaphore_mem>>)
          %dma_wait3A_123 = arith.constant 0 : i32
          %dma_wait3A_124 = tpu.memref_slice %arg4[%arg1, %mul3A_40, %dma_wait3A_123] : memref<16x160x125xi32, #tpu.memory_space<hbm>> -> memref<1x40x125xi32, #tpu.memory_space<hbm>>
          %dma_wait3A_125 = tpu.memref_squeeze %dma_wait3A_124 : memref<1x40x125xi32, #tpu.memory_space<hbm>> -> memref<40x125xi32, #tpu.memory_space<hbm>>
          %dma_wait3A_126 = arith.constant 0 : i32
          %dma_wait3A_127 = tpu.memref_slice %arg4[%arg1, %mul3A_40, %dma_wait3A_126] : memref<16x160x125xi32, #tpu.memory_space<hbm>> -> memref<1x40x125xi32, #tpu.memory_space<hbm>>
          %dma_wait3A_128 = tpu.memref_squeeze %dma_wait3A_127 : memref<1x40x125xi32, #tpu.memory_space<hbm>> -> memref<40x125xi32, #tpu.memory_space<hbm>>
          tpu.wait_dma2 semaphore(%run_scoped3A : memref<!tpu.dma_semaphore, #tpu.memory_space<semaphore_mem>>) src(%dma_wait3A_128 : memref<40x125xi32, #tpu.memory_space<hbm>>) dst(%arg8 : memref<40x125xi32, #tpu.memory_space<vmem>>)
          tpu.yield
        }) : () -> ()
        %mul3A_41 = arith.constant 40 : i32
        %mul3A_42 = arith.muli %scan3A_38, %mul3A_41 : i32
        "tpu.region"() ({
          %run_scoped3A = tpu.sem_alloc : memref<!tpu.dma_semaphore, #tpu.memory_space<semaphore_mem>>
          %dma_start3A_117 = arith.constant 0 : i32
          %dma_start3A_118 = tpu.memref_slice %arg5[%arg1, %mul3A_42, %dma_start3A_117] : memref<16x160x125xi32, #tpu.memory_space<hbm>> -> memref<1x40x125xi32, #tpu.memory_space<hbm>>
          %dma_start3A_119 = tpu.memref_squeeze %dma_start3A_118 : memref<1x40x125xi32, #tpu.memory_space<hbm>> -> memref<40x125xi32, #tpu.memory_space<hbm>>
          %dma_start3A_120 = arith.constant 0 : i32
          %dma_start3A_121 = tpu.memref_slice %arg5[%arg1, %mul3A_42, %dma_start3A_120] : memref<16x160x125xi32, #tpu.memory_space<hbm>> -> memref<1x40x125xi32, #tpu.memory_space<hbm>>
          %dma_start3A_122 = tpu.memref_squeeze %dma_start3A_121 : memref<1x40x125xi32, #tpu.memory_space<hbm>> -> memref<40x125xi32, #tpu.memory_space<hbm>>
          tpu.enqueue_dma source(%dma_start3A_122 : memref<40x125xi32, #tpu.memory_space<hbm>>) target(%arg9 : memref<40x125xi32, #tpu.memory_space<vmem>>) target_semaphore(%run_scoped3A : memref<!tpu.dma_semaphore, #tpu.memory_space<semaphore_mem>>)
          %dma_wait3A_123 = arith.constant 0 : i32
          %dma_wait3A_124 = tpu.memref_slice %arg5[%arg1, %mul3A_42, %dma_wait3A_123] : memref<16x160x125xi32, #tpu.memory_space<hbm>> -> memref<1x40x125xi32, #tpu.memory_space<hbm>>
          %dma_wait3A_125 = tpu.memref_squeeze %dma_wait3A_124 : memref<1x40x125xi32, #tpu.memory_space<hbm>> -> memref<40x125xi32, #tpu.memory_space<hbm>>
          %dma_wait3A_126 = arith.constant 0 : i32
          %dma_wait3A_127 = tpu.memref_slice %arg5[%arg1, %mul3A_42, %dma_wait3A_126] : memref<16x160x125xi32, #tpu.memory_space<hbm>> -> memref<1x40x125xi32, #tpu.memory_space<hbm>>
          %dma_wait3A_128 = tpu.memref_squeeze %dma_wait3A_127 : memref<1x40x125xi32, #tpu.memory_space<hbm>> -> memref<40x125xi32, #tpu.memory_space<hbm>>
          tpu.wait_dma2 semaphore(%run_scoped3A : memref<!tpu.dma_semaphore, #tpu.memory_space<semaphore_mem>>) src(%dma_wait3A_128 : memref<40x125xi32, #tpu.memory_space<hbm>>) dst(%arg9 : memref<40x125xi32, #tpu.memory_space<vmem>>)
          tpu.yield
        }) : () -> ()
        %dma_start3A = arith.constant 0 : i32
        %dma_start3A_43 = arith.constant 0 : i32
        %dma_start3A_44 = tpu.memref_slice %arg8[%dma_start3A, %dma_start3A_43] : memref<40x125xi32, #tpu.memory_space<vmem>> -> memref<1x125xi32, #tpu.memory_space<vmem>>
        %dma_start3A_45 = tpu.memref_squeeze %dma_start3A_44 : memref<1x125xi32, #tpu.memory_space<vmem>> -> memref<125xi32, #tpu.memory_space<vmem>>
        %dma_start3A_46 = arith.constant 0 : i32
        %dma_start3A_47 = arith.constant 0 : i32
        %dma_start3A_48 = tpu.memref_slice %arg16[%dma_start3A_46, %dma_start3A_47] : memref<10000x64xf32, #tpu.memory_space<vmem_shared>> -> memref<10000x64xf32, #tpu.memory_space<vmem_shared>>
        tpu.enqueue_indirect_dma source(%dma_start3A_48 : memref<10000x64xf32, #tpu.memory_space<vmem_shared>>) target(%arg10 : memref<125x64xf32, #tpu.memory_space<vmem>>) offsets(%dma_start3A_45 : memref<125xi32, #tpu.memory_space<vmem>>) semaphore(%arg17 : memref<!tpu.dma_semaphore, #tpu.memory_space<semaphore_mem>>)
        %dma_start3A_49 = arith.constant 1 : i32
        %dma_start3A_50 = arith.constant 0 : i32
        %dma_start3A_51 = tpu.memref_slice %arg8[%dma_start3A_49, %dma_start3A_50] : memref<40x125xi32, #tpu.memory_space<vmem>> -> memref<1x125xi32, #tpu.memory_space<vmem>>
        %dma_start3A_52 = tpu.memref_squeeze %dma_start3A_51 : memref<1x125xi32, #tpu.memory_space<vmem>> -> memref<125xi32, #tpu.memory_space<vmem>>
        %dma_start3A_53 = arith.constant 0 : i32
        %dma_start3A_54 = arith.constant 0 : i32
        %dma_start3A_55 = tpu.memref_slice %arg16[%dma_start3A_53, %dma_start3A_54] : memref<10000x64xf32, #tpu.memory_space<vmem_shared>> -> memref<10000x64xf32, #tpu.memory_space<vmem_shared>>
        tpu.enqueue_indirect_dma source(%dma_start3A_55 : memref<10000x64xf32, #tpu.memory_space<vmem_shared>>) target(%arg11 : memref<125x64xf32, #tpu.memory_space<vmem>>) offsets(%dma_start3A_52 : memref<125xi32, #tpu.memory_space<vmem>>) semaphore(%arg18 : memref<!tpu.dma_semaphore, #tpu.memory_space<semaphore_mem>>)
        %dma_start3A_56 = arith.constant 2 : i32
        %dma_start3A_57 = arith.constant 0 : i32
        %dma_start3A_58 = tpu.memref_slice %arg8[%dma_start3A_56, %dma_start3A_57] : memref<40x125xi32, #tpu.memory_space<vmem>> -> memref<1x125xi32, #tpu.memory_space<vmem>>
        %dma_start3A_59 = tpu.memref_squeeze %dma_start3A_58 : memref<1x125xi32, #tpu.memory_space<vmem>> -> memref<125xi32, #tpu.memory_space<vmem>>
        %dma_start3A_60 = arith.constant 0 : i32
        %dma_start3A_61 = arith.constant 0 : i32
        %dma_start3A_62 = tpu.memref_slice %arg16[%dma_start3A_60, %dma_start3A_61] : memref<10000x64xf32, #tpu.memory_space<vmem_shared>> -> memref<10000x64xf32, #tpu.memory_space<vmem_shared>>
        tpu.enqueue_indirect_dma source(%dma_start3A_62 : memref<10000x64xf32, #tpu.memory_space<vmem_shared>>) target(%arg12 : memref<125x64xf32, #tpu.memory_space<vmem>>) offsets(%dma_start3A_59 : memref<125xi32, #tpu.memory_space<vmem>>) semaphore(%arg19 : memref<!tpu.dma_semaphore, #tpu.memory_space<semaphore_mem>>)
        %dma_start3A_63 = arith.constant 3 : i32
        %dma_start3A_64 = arith.constant 0 : i32
        %dma_start3A_65 = tpu.memref_slice %arg8[%dma_start3A_63, %dma_start3A_64] : memref<40x125xi32, #tpu.memory_space<vmem>> -> memref<1x125xi32, #tpu.memory_space<vmem>>
        %dma_start3A_66 = tpu.memref_squeeze %dma_start3A_65 : memref<1x125xi32, #tpu.memory_space<vmem>> -> memref<125xi32, #tpu.memory_space<vmem>>
        %dma_start3A_67 = arith.constant 0 : i32
        %dma_start3A_68 = arith.constant 0 : i32
        %dma_start3A_69 = tpu.memref_slice %arg16[%dma_start3A_67, %dma_start3A_68] : memref<10000x64xf32, #tpu.memory_space<vmem_shared>> -> memref<10000x64xf32, #tpu.memory_space<vmem_shared>>
        tpu.enqueue_indirect_dma source(%dma_start3A_69 : memref<10000x64xf32, #tpu.memory_space<vmem_shared>>) target(%arg13 : memref<125x64xf32, #tpu.memory_space<vmem>>) offsets(%dma_start3A_66 : memref<125xi32, #tpu.memory_space<vmem>>) semaphore(%arg20 : memref<!tpu.dma_semaphore, #tpu.memory_space<semaphore_mem>>)
        %dma_start3A_70 = arith.constant 4 : i32
        %dma_start3A_71 = arith.constant 0 : i32
        %dma_start3A_72 = tpu.memref_slice %arg8[%dma_start3A_70, %dma_start3A_71] : memref<40x125xi32, #tpu.memory_space<vmem>> -> memref<1x125xi32, #tpu.memory_space<vmem>>
        %dma_start3A_73 = tpu.memref_squeeze %dma_start3A_72 : memref<1x125xi32, #tpu.memory_space<vmem>> -> memref<125xi32, #tpu.memory_space<vmem>>
        %dma_start3A_74 = arith.constant 0 : i32
        %dma_start3A_75 = arith.constant 0 : i32
        %dma_start3A_76 = tpu.memref_slice %arg16[%dma_start3A_74, %dma_start3A_75] : memref<10000x64xf32, #tpu.memory_space<vmem_shared>> -> memref<10000x64xf32, #tpu.memory_space<vmem_shared>>
        tpu.enqueue_indirect_dma source(%dma_start3A_76 : memref<10000x64xf32, #tpu.memory_space<vmem_shared>>) target(%arg14 : memref<125x64xf32, #tpu.memory_space<vmem>>) offsets(%dma_start3A_73 : memref<125xi32, #tpu.memory_space<vmem>>) semaphore(%arg21 : memref<!tpu.dma_semaphore, #tpu.memory_space<semaphore_mem>>)
        %scan3A_77 = arith.constant 0 : i32
        %scan3A_78 = arith.constant 0 : i32
        %scan3A_79 = arith.constant 8 : i32
        %scan3A_80 = arith.addi %scan3A_78, %scan3A_79 : i32
        %scan3A_81 = arith.constant 1 : i32
        scf.for %scan3A_117 = %scan3A_78 to %scan3A_80 step %scan3A_81  : i32 {
          %mul3A_118 = arith.constant 5 : i32
          %mul3A_119 = arith.muli %scan3A_117, %mul3A_118 : i32
          %dma_wait3A_120 = arith.constant 0 : i32
          %dma_wait3A_121 = arith.constant 0 : i32
          %dma_wait3A_122 = tpu.memref_slice %arg8[%dma_wait3A_120, %dma_wait3A_121] : memref<40x125xi32, #tpu.memory_space<vmem>> -> memref<1x125xi32, #tpu.memory_space<vmem>>
          %dma_wait3A_123 = tpu.memref_squeeze %dma_wait3A_122 : memref<1x125xi32, #tpu.memory_space<vmem>> -> memref<125xi32, #tpu.memory_space<vmem>>
          %dma_wait3A_124 = arith.constant 0 : i32
          %dma_wait3A_125 = arith.constant 0 : i32
          %dma_wait3A_126 = tpu.memref_slice %arg16[%dma_wait3A_124, %dma_wait3A_125] : memref<10000x64xf32, #tpu.memory_space<vmem_shared>> -> memref<10000x64xf32, #tpu.memory_space<vmem_shared>>
          tpu.wait_indirect_dma semaphore(%arg17 : memref<!tpu.dma_semaphore, #tpu.memory_space<semaphore_mem>>) src(%dma_wait3A_126 : memref<10000x64xf32, #tpu.memory_space<vmem_shared>>) dst(%arg10 : memref<125x64xf32, #tpu.memory_space<vmem>>)
          %dma_wait3A_127 = arith.constant 0 : i32
          %dma_wait3A_128 = arith.constant 0 : i32
          %dma_wait3A_129 = tpu.memref_slice %arg8[%dma_wait3A_127, %dma_wait3A_128] : memref<40x125xi32, #tpu.memory_space<vmem>> -> memref<1x125xi32, #tpu.memory_space<vmem>>
          %dma_wait3A_130 = tpu.memref_squeeze %dma_wait3A_129 : memref<1x125xi32, #tpu.memory_space<vmem>> -> memref<125xi32, #tpu.memory_space<vmem>>
          %dma_wait3A_131 = arith.constant 0 : i32
          %dma_wait3A_132 = arith.constant 0 : i32
          %dma_wait3A_133 = tpu.memref_slice %arg16[%dma_wait3A_131, %dma_wait3A_132] : memref<10000x64xf32, #tpu.memory_space<vmem_shared>> -> memref<10000x64xf32, #tpu.memory_space<vmem_shared>>
          tpu.wait_indirect_dma semaphore(%arg18 : memref<!tpu.dma_semaphore, #tpu.memory_space<semaphore_mem>>) src(%dma_wait3A_133 : memref<10000x64xf32, #tpu.memory_space<vmem_shared>>) dst(%arg11 : memref<125x64xf32, #tpu.memory_space<vmem>>)
          %dma_wait3A_134 = arith.constant 0 : i32
          %dma_wait3A_135 = arith.constant 0 : i32
          %dma_wait3A_136 = tpu.memref_slice %arg8[%dma_wait3A_134, %dma_wait3A_135] : memref<40x125xi32, #tpu.memory_space<vmem>> -> memref<1x125xi32, #tpu.memory_space<vmem>>
          %dma_wait3A_137 = tpu.memref_squeeze %dma_wait3A_136 : memref<1x125xi32, #tpu.memory_space<vmem>> -> memref<125xi32, #tpu.memory_space<vmem>>
          %dma_wait3A_138 = arith.constant 0 : i32
          %dma_wait3A_139 = arith.constant 0 : i32
          %dma_wait3A_140 = tpu.memref_slice %arg16[%dma_wait3A_138, %dma_wait3A_139] : memref<10000x64xf32, #tpu.memory_space<vmem_shared>> -> memref<10000x64xf32, #tpu.memory_space<vmem_shared>>
          tpu.wait_indirect_dma semaphore(%arg19 : memref<!tpu.dma_semaphore, #tpu.memory_space<semaphore_mem>>) src(%dma_wait3A_140 : memref<10000x64xf32, #tpu.memory_space<vmem_shared>>) dst(%arg12 : memref<125x64xf32, #tpu.memory_space<vmem>>)
          %dma_wait3A_141 = arith.constant 0 : i32
          %dma_wait3A_142 = arith.constant 0 : i32
          %dma_wait3A_143 = tpu.memref_slice %arg8[%dma_wait3A_141, %dma_wait3A_142] : memref<40x125xi32, #tpu.memory_space<vmem>> -> memref<1x125xi32, #tpu.memory_space<vmem>>
          %dma_wait3A_144 = tpu.memref_squeeze %dma_wait3A_143 : memref<1x125xi32, #tpu.memory_space<vmem>> -> memref<125xi32, #tpu.memory_space<vmem>>
          %dma_wait3A_145 = arith.constant 0 : i32
          %dma_wait3A_146 = arith.constant 0 : i32
          %dma_wait3A_147 = tpu.memref_slice %arg16[%dma_wait3A_145, %dma_wait3A_146] : memref<10000x64xf32, #tpu.memory_space<vmem_shared>> -> memref<10000x64xf32, #tpu.memory_space<vmem_shared>>
          tpu.wait_indirect_dma semaphore(%arg20 : memref<!tpu.dma_semaphore, #tpu.memory_space<semaphore_mem>>) src(%dma_wait3A_147 : memref<10000x64xf32, #tpu.memory_space<vmem_shared>>) dst(%arg13 : memref<125x64xf32, #tpu.memory_space<vmem>>)
          %dma_wait3A_148 = arith.constant 0 : i32
          %dma_wait3A_149 = arith.constant 0 : i32
          %dma_wait3A_150 = tpu.memref_slice %arg8[%dma_wait3A_148, %dma_wait3A_149] : memref<40x125xi32, #tpu.memory_space<vmem>> -> memref<1x125xi32, #tpu.memory_space<vmem>>
          %dma_wait3A_151 = tpu.memref_squeeze %dma_wait3A_150 : memref<1x125xi32, #tpu.memory_space<vmem>> -> memref<125xi32, #tpu.memory_space<vmem>>
          %dma_wait3A_152 = arith.constant 0 : i32
          %dma_wait3A_153 = arith.constant 0 : i32
          %dma_wait3A_154 = tpu.memref_slice %arg16[%dma_wait3A_152, %dma_wait3A_153] : memref<10000x64xf32, #tpu.memory_space<vmem_shared>> -> memref<10000x64xf32, #tpu.memory_space<vmem_shared>>
          tpu.wait_indirect_dma semaphore(%arg21 : memref<!tpu.dma_semaphore, #tpu.memory_space<semaphore_mem>>) src(%dma_wait3A_154 : memref<10000x64xf32, #tpu.memory_space<vmem_shared>>) dst(%arg14 : memref<125x64xf32, #tpu.memory_space<vmem>>)
          %add3A = arith.constant 0 : i32
          %add3A_155 = arith.addi %mul3A_119, %add3A : i32
          %dma_start3A_156 = arith.constant 0 : i32
          %dma_start3A_157 = tpu.memref_slice %arg9[%add3A_155, %dma_start3A_156] : memref<40x125xi32, #tpu.memory_space<vmem>> -> memref<1x125xi32, #tpu.memory_space<vmem>>
          %dma_start3A_158 = tpu.memref_squeeze %dma_start3A_157 : memref<1x125xi32, #tpu.memory_space<vmem>> -> memref<125xi32, #tpu.memory_space<vmem>>
          %dma_start3A_159 = arith.constant 0 : i32
          %dma_start3A_160 = arith.constant 0 : i32
          %dma_start3A_161 = tpu.memref_slice %arg15[%dma_start3A_159, %dma_start3A_160] : memref<10000x64xf32, #tpu.memory_space<vmem_shared>> -> memref<10000x64xf32, #tpu.memory_space<vmem_shared>>
          tpu.enqueue_indirect_dma source(%arg10 : memref<125x64xf32, #tpu.memory_space<vmem>>) target(%dma_start3A_161 : memref<10000x64xf32, #tpu.memory_space<vmem_shared>>) offsets(%dma_start3A_158 : memref<125xi32, #tpu.memory_space<vmem>>) semaphore(%arg22 : memref<!tpu.dma_semaphore, #tpu.memory_space<semaphore_mem>>) {add = true}
          %add3A_162 = arith.constant 1 : i32
          %add3A_163 = arith.addi %mul3A_119, %add3A_162 : i32
          %dma_start3A_164 = arith.constant 0 : i32
          %dma_start3A_165 = tpu.memref_slice %arg9[%add3A_163, %dma_start3A_164] : memref<40x125xi32, #tpu.memory_space<vmem>> -> memref<1x125xi32, #tpu.memory_space<vmem>>
          %dma_start3A_166 = tpu.memref_squeeze %dma_start3A_165 : memref<1x125xi32, #tpu.memory_space<vmem>> -> memref<125xi32, #tpu.memory_space<vmem>>
          %dma_start3A_167 = arith.constant 0 : i32
          %dma_start3A_168 = arith.constant 0 : i32
          %dma_start3A_169 = tpu.memref_slice %arg15[%dma_start3A_167, %dma_start3A_168] : memref<10000x64xf32, #tpu.memory_space<vmem_shared>> -> memref<10000x64xf32, #tpu.memory_space<vmem_shared>>
          tpu.enqueue_indirect_dma source(%arg11 : memref<125x64xf32, #tpu.memory_space<vmem>>) target(%dma_start3A_169 : memref<10000x64xf32, #tpu.memory_space<vmem_shared>>) offsets(%dma_start3A_166 : memref<125xi32, #tpu.memory_space<vmem>>) semaphore(%arg23 : memref<!tpu.dma_semaphore, #tpu.memory_space<semaphore_mem>>) {add = true}
          %add3A_170 = arith.constant 2 : i32
          %add3A_171 = arith.addi %mul3A_119, %add3A_170 : i32
          %dma_start3A_172 = arith.constant 0 : i32
          %dma_start3A_173 = tpu.memref_slice %arg9[%add3A_171, %dma_start3A_172] : memref<40x125xi32, #tpu.memory_space<vmem>> -> memref<1x125xi32, #tpu.memory_space<vmem>>
          %dma_start3A_174 = tpu.memref_squeeze %dma_start3A_173 : memref<1x125xi32, #tpu.memory_space<vmem>> -> memref<125xi32, #tpu.memory_space<vmem>>
          %dma_start3A_175 = arith.constant 0 : i32
          %dma_start3A_176 = arith.constant 0 : i32
          %dma_start3A_177 = tpu.memref_slice %arg15[%dma_start3A_175, %dma_start3A_176] : memref<10000x64xf32, #tpu.memory_space<vmem_shared>> -> memref<10000x64xf32, #tpu.memory_space<vmem_shared>>
          tpu.enqueue_indirect_dma source(%arg12 : memref<125x64xf32, #tpu.memory_space<vmem>>) target(%dma_start3A_177 : memref<10000x64xf32, #tpu.memory_space<vmem_shared>>) offsets(%dma_start3A_174 : memref<125xi32, #tpu.memory_space<vmem>>) semaphore(%arg24 : memref<!tpu.dma_semaphore, #tpu.memory_space<semaphore_mem>>) {add = true}
          %add3A_178 = arith.constant 3 : i32
          %add3A_179 = arith.addi %mul3A_119, %add3A_178 : i32
          %dma_start3A_180 = arith.constant 0 : i32
          %dma_start3A_181 = tpu.memref_slice %arg9[%add3A_179, %dma_start3A_180] : memref<40x125xi32, #tpu.memory_space<vmem>> -> memref<1x125xi32, #tpu.memory_space<vmem>>
          %dma_start3A_182 = tpu.memref_squeeze %dma_start3A_181 : memref<1x125xi32, #tpu.memory_space<vmem>> -> memref<125xi32, #tpu.memory_space<vmem>>
          %dma_start3A_183 = arith.constant 0 : i32
          %dma_start3A_184 = arith.constant 0 : i32
          %dma_start3A_185 = tpu.memref_slice %arg15[%dma_start3A_183, %dma_start3A_184] : memref<10000x64xf32, #tpu.memory_space<vmem_shared>> -> memref<10000x64xf32, #tpu.memory_space<vmem_shared>>
          tpu.enqueue_indirect_dma source(%arg13 : memref<125x64xf32, #tpu.memory_space<vmem>>) target(%dma_start3A_185 : memref<10000x64xf32, #tpu.memory_space<vmem_shared>>) offsets(%dma_start3A_182 : memref<125xi32, #tpu.memory_space<vmem>>) semaphore(%arg25 : memref<!tpu.dma_semaphore, #tpu.memory_space<semaphore_mem>>) {add = true}
          %add3A_186 = arith.constant 4 : i32
          %add3A_187 = arith.addi %mul3A_119, %add3A_186 : i32
          %dma_start3A_188 = arith.constant 0 : i32
          %dma_start3A_189 = tpu.memref_slice %arg9[%add3A_187, %dma_start3A_188] : memref<40x125xi32, #tpu.memory_space<vmem>> -> memref<1x125xi32, #tpu.memory_space<vmem>>
          %dma_start3A_190 = tpu.memref_squeeze %dma_start3A_189 : memref<1x125xi32, #tpu.memory_space<vmem>> -> memref<125xi32, #tpu.memory_space<vmem>>
          %dma_start3A_191 = arith.constant 0 : i32
          %dma_start3A_192 = arith.constant 0 : i32
          %dma_start3A_193 = tpu.memref_slice %arg15[%dma_start3A_191, %dma_start3A_192] : memref<10000x64xf32, #tpu.memory_space<vmem_shared>> -> memref<10000x64xf32, #tpu.memory_space<vmem_shared>>
          tpu.enqueue_indirect_dma source(%arg14 : memref<125x64xf32, #tpu.memory_space<vmem>>) target(%dma_start3A_193 : memref<10000x64xf32, #tpu.memory_space<vmem_shared>>) offsets(%dma_start3A_190 : memref<125xi32, #tpu.memory_space<vmem>>) semaphore(%arg26 : memref<!tpu.dma_semaphore, #tpu.memory_space<semaphore_mem>>) {add = true}
          %dma_wait3A_194 = arith.constant 0 : i32
          %dma_wait3A_195 = arith.constant 0 : i32
          %dma_wait3A_196 = tpu.memref_slice %arg9[%dma_wait3A_194, %dma_wait3A_195] : memref<40x125xi32, #tpu.memory_space<vmem>> -> memref<1x125xi32, #tpu.memory_space<vmem>>
          %dma_wait3A_197 = tpu.memref_squeeze %dma_wait3A_196 : memref<1x125xi32, #tpu.memory_space<vmem>> -> memref<125xi32, #tpu.memory_space<vmem>>
          %dma_wait3A_198 = arith.constant 0 : i32
          %dma_wait3A_199 = arith.constant 0 : i32
          %dma_wait3A_200 = tpu.memref_slice %arg15[%dma_wait3A_198, %dma_wait3A_199] : memref<10000x64xf32, #tpu.memory_space<vmem_shared>> -> memref<10000x64xf32, #tpu.memory_space<vmem_shared>>
          tpu.wait_indirect_dma semaphore(%arg22 : memref<!tpu.dma_semaphore, #tpu.memory_space<semaphore_mem>>) src(%arg10 : memref<125x64xf32, #tpu.memory_space<vmem>>) dst(%dma_wait3A_200 : memref<10000x64xf32, #tpu.memory_space<vmem_shared>>)
          %add3A_201 = arith.constant 5 : i32
          %add3A_202 = arith.addi %mul3A_119, %add3A_201 : i32
          %add3A_203 = arith.constant 0 : i32
          %add3A_204 = arith.addi %add3A_202, %add3A_203 : i32
          %rem3A = arith.constant 40 : i32
          %rem3A_205 = arith.remsi %add3A_204, %rem3A : i32
          %dma_start3A_206 = arith.constant 0 : i32
          %dma_start3A_207 = tpu.memref_slice %arg8[%rem3A_205, %dma_start3A_206] : memref<40x125xi32, #tpu.memory_space<vmem>> -> memref<1x125xi32, #tpu.memory_space<vmem>>
          %dma_start3A_208 = tpu.memref_squeeze %dma_start3A_207 : memref<1x125xi32, #tpu.memory_space<vmem>> -> memref<125xi32, #tpu.memory_space<vmem>>
          %dma_start3A_209 = arith.constant 0 : i32
          %dma_start3A_210 = arith.constant 0 : i32
          %dma_start3A_211 = tpu.memref_slice %arg16[%dma_start3A_209, %dma_start3A_210] : memref<10000x64xf32, #tpu.memory_space<vmem_shared>> -> memref<10000x64xf32, #tpu.memory_space<vmem_shared>>
          tpu.enqueue_indirect_dma source(%dma_start3A_211 : memref<10000x64xf32, #tpu.memory_space<vmem_shared>>) target(%arg10 : memref<125x64xf32, #tpu.memory_space<vmem>>) offsets(%dma_start3A_208 : memref<125xi32, #tpu.memory_space<vmem>>) semaphore(%arg17 : memref<!tpu.dma_semaphore, #tpu.memory_space<semaphore_mem>>)
          %dma_wait3A_212 = arith.constant 0 : i32
          %dma_wait3A_213 = arith.constant 0 : i32
          %dma_wait3A_214 = tpu.memref_slice %arg9[%dma_wait3A_212, %dma_wait3A_213] : memref<40x125xi32, #tpu.memory_space<vmem>> -> memref<1x125xi32, #tpu.memory_space<vmem>>
          %dma_wait3A_215 = tpu.memref_squeeze %dma_wait3A_214 : memref<1x125xi32, #tpu.memory_space<vmem>> -> memref<125xi32, #tpu.memory_space<vmem>>
          %dma_wait3A_216 = arith.constant 0 : i32
          %dma_wait3A_217 = arith.constant 0 : i32
          %dma_wait3A_218 = tpu.memref_slice %arg15[%dma_wait3A_216, %dma_wait3A_217] : memref<10000x64xf32, #tpu.memory_space<vmem_shared>> -> memref<10000x64xf32, #tpu.memory_space<vmem_shared>>
          tpu.wait_indirect_dma semaphore(%arg23 : memref<!tpu.dma_semaphore, #tpu.memory_space<semaphore_mem>>) src(%arg11 : memref<125x64xf32, #tpu.memory_space<vmem>>) dst(%dma_wait3A_218 : memref<10000x64xf32, #tpu.memory_space<vmem_shared>>)
          %add3A_219 = arith.constant 5 : i32
          %add3A_220 = arith.addi %mul3A_119, %add3A_219 : i32
          %add3A_221 = arith.constant 1 : i32
          %add3A_222 = arith.addi %add3A_220, %add3A_221 : i32
          %rem3A_223 = arith.constant 40 : i32
          %rem3A_224 = arith.remsi %add3A_222, %rem3A_223 : i32
          %dma_start3A_225 = arith.constant 0 : i32
          %dma_start3A_226 = tpu.memref_slice %arg8[%rem3A_224, %dma_start3A_225] : memref<40x125xi32, #tpu.memory_space<vmem>> -> memref<1x125xi32, #tpu.memory_space<vmem>>
          %dma_start3A_227 = tpu.memref_squeeze %dma_start3A_226 : memref<1x125xi32, #tpu.memory_space<vmem>> -> memref<125xi32, #tpu.memory_space<vmem>>
          %dma_start3A_228 = arith.constant 0 : i32
          %dma_start3A_229 = arith.constant 0 : i32
          %dma_start3A_230 = tpu.memref_slice %arg16[%dma_start3A_228, %dma_start3A_229] : memref<10000x64xf32, #tpu.memory_space<vmem_shared>> -> memref<10000x64xf32, #tpu.memory_space<vmem_shared>>
          tpu.enqueue_indirect_dma source(%dma_start3A_230 : memref<10000x64xf32, #tpu.memory_space<vmem_shared>>) target(%arg11 : memref<125x64xf32, #tpu.memory_space<vmem>>) offsets(%dma_start3A_227 : memref<125xi32, #tpu.memory_space<vmem>>) semaphore(%arg18 : memref<!tpu.dma_semaphore, #tpu.memory_space<semaphore_mem>>)
          %dma_wait3A_231 = arith.constant 0 : i32
          %dma_wait3A_232 = arith.constant 0 : i32
          %dma_wait3A_233 = tpu.memref_slice %arg9[%dma_wait3A_231, %dma_wait3A_232] : memref<40x125xi32, #tpu.memory_space<vmem>> -> memref<1x125xi32, #tpu.memory_space<vmem>>
          %dma_wait3A_234 = tpu.memref_squeeze %dma_wait3A_233 : memref<1x125xi32, #tpu.memory_space<vmem>> -> memref<125xi32, #tpu.memory_space<vmem>>
          %dma_wait3A_235 = arith.constant 0 : i32
          %dma_wait3A_236 = arith.constant 0 : i32
          %dma_wait3A_237 = tpu.memref_slice %arg15[%dma_wait3A_235, %dma_wait3A_236] : memref<10000x64xf32, #tpu.memory_space<vmem_shared>> -> memref<10000x64xf32, #tpu.memory_space<vmem_shared>>
          tpu.wait_indirect_dma semaphore(%arg24 : memref<!tpu.dma_semaphore, #tpu.memory_space<semaphore_mem>>) src(%arg12 : memref<125x64xf32, #tpu.memory_space<vmem>>) dst(%dma_wait3A_237 : memref<10000x64xf32, #tpu.memory_space<vmem_shared>>)
          %add3A_238 = arith.constant 5 : i32
          %add3A_239 = arith.addi %mul3A_119, %add3A_238 : i32
          %add3A_240 = arith.constant 2 : i32
          %add3A_241 = arith.addi %add3A_239, %add3A_240 : i32
          %rem3A_242 = arith.constant 40 : i32
          %rem3A_243 = arith.remsi %add3A_241, %rem3A_242 : i32
          %dma_start3A_244 = arith.constant 0 : i32
          %dma_start3A_245 = tpu.memref_slice %arg8[%rem3A_243, %dma_start3A_244] : memref<40x125xi32, #tpu.memory_space<vmem>> -> memref<1x125xi32, #tpu.memory_space<vmem>>
          %dma_start3A_246 = tpu.memref_squeeze %dma_start3A_245 : memref<1x125xi32, #tpu.memory_space<vmem>> -> memref<125xi32, #tpu.memory_space<vmem>>
          %dma_start3A_247 = arith.constant 0 : i32
          %dma_start3A_248 = arith.constant 0 : i32
          %dma_start3A_249 = tpu.memref_slice %arg16[%dma_start3A_247, %dma_start3A_248] : memref<10000x64xf32, #tpu.memory_space<vmem_shared>> -> memref<10000x64xf32, #tpu.memory_space<vmem_shared>>
          tpu.enqueue_indirect_dma source(%dma_start3A_249 : memref<10000x64xf32, #tpu.memory_space<vmem_shared>>) target(%arg12 : memref<125x64xf32, #tpu.memory_space<vmem>>) offsets(%dma_start3A_246 : memref<125xi32, #tpu.memory_space<vmem>>) semaphore(%arg19 : memref<!tpu.dma_semaphore, #tpu.memory_space<semaphore_mem>>)
          %dma_wait3A_250 = arith.constant 0 : i32
          %dma_wait3A_251 = arith.constant 0 : i32
          %dma_wait3A_252 = tpu.memref_slice %arg9[%dma_wait3A_250, %dma_wait3A_251] : memref<40x125xi32, #tpu.memory_space<vmem>> -> memref<1x125xi32, #tpu.memory_space<vmem>>
          %dma_wait3A_253 = tpu.memref_squeeze %dma_wait3A_252 : memref<1x125xi32, #tpu.memory_space<vmem>> -> memref<125xi32, #tpu.memory_space<vmem>>
          %dma_wait3A_254 = arith.constant 0 : i32
          %dma_wait3A_255 = arith.constant 0 : i32
          %dma_wait3A_256 = tpu.memref_slice %arg15[%dma_wait3A_254, %dma_wait3A_255] : memref<10000x64xf32, #tpu.memory_space<vmem_shared>> -> memref<10000x64xf32, #tpu.memory_space<vmem_shared>>
          tpu.wait_indirect_dma semaphore(%arg25 : memref<!tpu.dma_semaphore, #tpu.memory_space<semaphore_mem>>) src(%arg13 : memref<125x64xf32, #tpu.memory_space<vmem>>) dst(%dma_wait3A_256 : memref<10000x64xf32, #tpu.memory_space<vmem_shared>>)
          %add3A_257 = arith.constant 5 : i32
          %add3A_258 = arith.addi %mul3A_119, %add3A_257 : i32
          %add3A_259 = arith.constant 3 : i32
          %add3A_260 = arith.addi %add3A_258, %add3A_259 : i32
          %rem3A_261 = arith.constant 40 : i32
          %rem3A_262 = arith.remsi %add3A_260, %rem3A_261 : i32
          %dma_start3A_263 = arith.constant 0 : i32
          %dma_start3A_264 = tpu.memref_slice %arg8[%rem3A_262, %dma_start3A_263] : memref<40x125xi32, #tpu.memory_space<vmem>> -> memref<1x125xi32, #tpu.memory_space<vmem>>
          %dma_start3A_265 = tpu.memref_squeeze %dma_start3A_264 : memref<1x125xi32, #tpu.memory_space<vmem>> -> memref<125xi32, #tpu.memory_space<vmem>>
          %dma_start3A_266 = arith.constant 0 : i32
          %dma_start3A_267 = arith.constant 0 : i32
          %dma_start3A_268 = tpu.memref_slice %arg16[%dma_start3A_266, %dma_start3A_267] : memref<10000x64xf32, #tpu.memory_space<vmem_shared>> -> memref<10000x64xf32, #tpu.memory_space<vmem_shared>>
          tpu.enqueue_indirect_dma source(%dma_start3A_268 : memref<10000x64xf32, #tpu.memory_space<vmem_shared>>) target(%arg13 : memref<125x64xf32, #tpu.memory_space<vmem>>) offsets(%dma_start3A_265 : memref<125xi32, #tpu.memory_space<vmem>>) semaphore(%arg20 : memref<!tpu.dma_semaphore, #tpu.memory_space<semaphore_mem>>)
          %dma_wait3A_269 = arith.constant 0 : i32
          %dma_wait3A_270 = arith.constant 0 : i32
          %dma_wait3A_271 = tpu.memref_slice %arg9[%dma_wait3A_269, %dma_wait3A_270] : memref<40x125xi32, #tpu.memory_space<vmem>> -> memref<1x125xi32, #tpu.memory_space<vmem>>
          %dma_wait3A_272 = tpu.memref_squeeze %dma_wait3A_271 : memref<1x125xi32, #tpu.memory_space<vmem>> -> memref<125xi32, #tpu.memory_space<vmem>>
          %dma_wait3A_273 = arith.constant 0 : i32
          %dma_wait3A_274 = arith.constant 0 : i32
          %dma_wait3A_275 = tpu.memref_slice %arg15[%dma_wait3A_273, %dma_wait3A_274] : memref<10000x64xf32, #tpu.memory_space<vmem_shared>> -> memref<10000x64xf32, #tpu.memory_space<vmem_shared>>
          tpu.wait_indirect_dma semaphore(%arg26 : memref<!tpu.dma_semaphore, #tpu.memory_space<semaphore_mem>>) src(%arg14 : memref<125x64xf32, #tpu.memory_space<vmem>>) dst(%dma_wait3A_275 : memref<10000x64xf32, #tpu.memory_space<vmem_shared>>)
          %add3A_276 = arith.constant 5 : i32
          %add3A_277 = arith.addi %mul3A_119, %add3A_276 : i32
          %add3A_278 = arith.constant 4 : i32
          %add3A_279 = arith.addi %add3A_277, %add3A_278 : i32
          %rem3A_280 = arith.constant 40 : i32
          %rem3A_281 = arith.remsi %add3A_279, %rem3A_280 : i32
          %dma_start3A_282 = arith.constant 0 : i32
          %dma_start3A_283 = tpu.memref_slice %arg8[%rem3A_281, %dma_start3A_282] : memref<40x125xi32, #tpu.memory_space<vmem>> -> memref<1x125xi32, #tpu.memory_space<vmem>>
          %dma_start3A_284 = tpu.memref_squeeze %dma_start3A_283 : memref<1x125xi32, #tpu.memory_space<vmem>> -> memref<125xi32, #tpu.memory_space<vmem>>
          %dma_start3A_285 = arith.constant 0 : i32
          %dma_start3A_286 = arith.constant 0 : i32
          %dma_start3A_287 = tpu.memref_slice %arg16[%dma_start3A_285, %dma_start3A_286] : memref<10000x64xf32, #tpu.memory_space<vmem_shared>> -> memref<10000x64xf32, #tpu.memory_space<vmem_shared>>
          tpu.enqueue_indirect_dma source(%dma_start3A_287 : memref<10000x64xf32, #tpu.memory_space<vmem_shared>>) target(%arg14 : memref<125x64xf32, #tpu.memory_space<vmem>>) offsets(%dma_start3A_284 : memref<125xi32, #tpu.memory_space<vmem>>) semaphore(%arg21 : memref<!tpu.dma_semaphore, #tpu.memory_space<semaphore_mem>>)
        }
        %scan3A_82 = arith.constant 8 : i32
        %dma_wait3A = arith.constant 0 : i32
        %dma_wait3A_83 = arith.constant 0 : i32
        %dma_wait3A_84 = tpu.memref_slice %arg8[%dma_wait3A, %dma_wait3A_83] : memref<40x125xi32, #tpu.memory_space<vmem>> -> memref<1x125xi32, #tpu.memory_space<vmem>>
        %dma_wait3A_85 = tpu.memref_squeeze %dma_wait3A_84 : memref<1x125xi32, #tpu.memory_space<vmem>> -> memref<125xi32, #tpu.memory_space<vmem>>
        %dma_wait3A_86 = arith.constant 0 : i32
        %dma_wait3A_87 = arith.constant 0 : i32
        %dma_wait3A_88 = tpu.memref_slice %arg16[%dma_wait3A_86, %dma_wait3A_87] : memref<10000x64xf32, #tpu.memory_space<vmem_shared>> -> memref<10000x64xf32, #tpu.memory_space<vmem_shared>>
        tpu.wait_indirect_dma semaphore(%arg17 : memref<!tpu.dma_semaphore, #tpu.memory_space<semaphore_mem>>) src(%dma_wait3A_88 : memref<10000x64xf32, #tpu.memory_space<vmem_shared>>) dst(%arg10 : memref<125x64xf32, #tpu.memory_space<vmem>>)
        %dma_wait3A_89 = arith.constant 0 : i32
        %dma_wait3A_90 = arith.constant 0 : i32
        %dma_wait3A_91 = tpu.memref_slice %arg8[%dma_wait3A_89, %dma_wait3A_90] : memref<40x125xi32, #tpu.memory_space<vmem>> -> memref<1x125xi32, #tpu.memory_space<vmem>>
        %dma_wait3A_92 = tpu.memref_squeeze %dma_wait3A_91 : memref<1x125xi32, #tpu.memory_space<vmem>> -> memref<125xi32, #tpu.memory_space<vmem>>
        %dma_wait3A_93 = arith.constant 0 : i32
        %dma_wait3A_94 = arith.constant 0 : i32
        %dma_wait3A_95 = tpu.memref_slice %arg16[%dma_wait3A_93, %dma_wait3A_94] : memref<10000x64xf32, #tpu.memory_space<vmem_shared>> -> memref<10000x64xf32, #tpu.memory_space<vmem_shared>>
        tpu.wait_indirect_dma semaphore(%arg18 : memref<!tpu.dma_semaphore, #tpu.memory_space<semaphore_mem>>) src(%dma_wait3A_95 : memref<10000x64xf32, #tpu.memory_space<vmem_shared>>) dst(%arg11 : memref<125x64xf32, #tpu.memory_space<vmem>>)
        %dma_wait3A_96 = arith.constant 0 : i32
        %dma_wait3A_97 = arith.constant 0 : i32
        %dma_wait3A_98 = tpu.memref_slice %arg8[%dma_wait3A_96, %dma_wait3A_97] : memref<40x125xi32, #tpu.memory_space<vmem>> -> memref<1x125xi32, #tpu.memory_space<vmem>>
        %dma_wait3A_99 = tpu.memref_squeeze %dma_wait3A_98 : memref<1x125xi32, #tpu.memory_space<vmem>> -> memref<125xi32, #tpu.memory_space<vmem>>
        %dma_wait3A_100 = arith.constant 0 : i32
        %dma_wait3A_101 = arith.constant 0 : i32
        %dma_wait3A_102 = tpu.memref_slice %arg16[%dma_wait3A_100, %dma_wait3A_101] : memref<10000x64xf32, #tpu.memory_space<vmem_shared>> -> memref<10000x64xf32, #tpu.memory_space<vmem_shared>>
        tpu.wait_indirect_dma semaphore(%arg19 : memref<!tpu.dma_semaphore, #tpu.memory_space<semaphore_mem>>) src(%dma_wait3A_102 : memref<10000x64xf32, #tpu.memory_space<vmem_shared>>) dst(%arg12 : memref<125x64xf32, #tpu.memory_space<vmem>>)
        %dma_wait3A_103 = arith.constant 0 : i32
        %dma_wait3A_104 = arith.constant 0 : i32
        %dma_wait3A_105 = tpu.memref_slice %arg8[%dma_wait3A_103, %dma_wait3A_104] : memref<40x125xi32, #tpu.memory_space<vmem>> -> memref<1x125xi32, #tpu.memory_space<vmem>>
        %dma_wait3A_106 = tpu.memref_squeeze %dma_wait3A_105 : memref<1x125xi32, #tpu.memory_space<vmem>> -> memref<125xi32, #tpu.memory_space<vmem>>
        %dma_wait3A_107 = arith.constant 0 : i32
        %dma_wait3A_108 = arith.constant 0 : i32
        %dma_wait3A_109 = tpu.memref_slice %arg16[%dma_wait3A_107, %dma_wait3A_108] : memref<10000x64xf32, #tpu.memory_space<vmem_shared>> -> memref<10000x64xf32, #tpu.memory_space<vmem_shared>>
        tpu.wait_indirect_dma semaphore(%arg20 : memref<!tpu.dma_semaphore, #tpu.memory_space<semaphore_mem>>) src(%dma_wait3A_109 : memref<10000x64xf32, #tpu.memory_space<vmem_shared>>) dst(%arg13 : memref<125x64xf32, #tpu.memory_space<vmem>>)
        %dma_wait3A_110 = arith.constant 0 : i32
        %dma_wait3A_111 = arith.constant 0 : i32
        %dma_wait3A_112 = tpu.memref_slice %arg8[%dma_wait3A_110, %dma_wait3A_111] : memref<40x125xi32, #tpu.memory_space<vmem>> -> memref<1x125xi32, #tpu.memory_space<vmem>>
        %dma_wait3A_113 = tpu.memref_squeeze %dma_wait3A_112 : memref<1x125xi32, #tpu.memory_space<vmem>> -> memref<125xi32, #tpu.memory_space<vmem>>
        %dma_wait3A_114 = arith.constant 0 : i32
        %dma_wait3A_115 = arith.constant 0 : i32
        %dma_wait3A_116 = tpu.memref_slice %arg16[%dma_wait3A_114, %dma_wait3A_115] : memref<10000x64xf32, #tpu.memory_space<vmem_shared>> -> memref<10000x64xf32, #tpu.memory_space<vmem_shared>>
        tpu.wait_indirect_dma semaphore(%arg21 : memref<!tpu.dma_semaphore, #tpu.memory_space<semaphore_mem>>) src(%dma_wait3A_116 : memref<10000x64xf32, #tpu.memory_space<vmem_shared>>) dst(%arg14 : memref<125x64xf32, #tpu.memory_space<vmem>>)
      }
      %scan3A_37 = arith.constant 4 : i32
    } else {
    }
    %eq3A_13 = arith.constant 1 : i32
    %eq3A_14 = arith.cmpi eq, %arg0, %eq3A_13 : i32
    %convert_element_type3A_15 = arith.extui %eq3A_14 : i1 to i32
    %cond3A_16 = arith.constant 0 : i32
    %cond3A_17 = arith.cmpi ne, %convert_element_type3A_15, %cond3A_16 : i32
    scf.if %cond3A_17 {
      %mul3A = arith.constant 625 : i32
      %mul3A_28 = arith.muli %arg1, %mul3A : i32
      %mul3A_29 = arith.constant 625 : i32
      %mul3A_30 = arith.muli %arg1, %mul3A_29 : i32
      "tpu.region"() ({
        %run_scoped3A = tpu.sem_alloc : memref<!tpu.dma_semaphore, #tpu.memory_space<semaphore_mem>>
        %dma_start3A = arith.constant 0 : i32
        %dma_start3A_38 = tpu.memref_slice %arg16[%mul3A_30, %dma_start3A] : memref<10000x64xf32, #tpu.memory_space<vmem_shared>> -> memref<625x64xf32, #tpu.memory_space<vmem_shared>>
        %dma_start3A_39 = arith.constant 0 : i32
        %dma_start3A_40 = tpu.memref_slice %arg3[%mul3A_28, %dma_start3A_39] : memref<10000x64xf32, #tpu.memory_space<hbm>> -> memref<625x64xf32, #tpu.memory_space<hbm>>
        tpu.enqueue_dma source(%dma_start3A_40 : memref<625x64xf32, #tpu.memory_space<hbm>>) target(%dma_start3A_38 : memref<625x64xf32, #tpu.memory_space<vmem_shared>>) target_semaphore(%run_scoped3A : memref<!tpu.dma_semaphore, #tpu.memory_space<semaphore_mem>>)
        %dma_wait3A = arith.constant 0 : i32
        %dma_wait3A_41 = tpu.memref_slice %arg16[%mul3A_30, %dma_wait3A] : memref<10000x64xf32, #tpu.memory_space<vmem_shared>> -> memref<625x64xf32, #tpu.memory_space<vmem_shared>>
        %dma_wait3A_42 = arith.constant 0 : i32
        %dma_wait3A_43 = tpu.memref_slice %arg3[%mul3A_28, %dma_wait3A_42] : memref<10000x64xf32, #tpu.memory_space<hbm>> -> memref<625x64xf32, #tpu.memory_space<hbm>>
        tpu.wait_dma2 semaphore(%run_scoped3A : memref<!tpu.dma_semaphore, #tpu.memory_space<semaphore_mem>>) src(%dma_wait3A_43 : memref<625x64xf32, #tpu.memory_space<hbm>>) dst(%dma_wait3A_41 : memref<625x64xf32, #tpu.memory_space<vmem_shared>>)
        tpu.yield
      }) : () -> ()
      %barrier3A_31 = arith.constant 0 : index
      tpu.barrier barrier_id(%barrier3A_31)
      %scan3A_32 = arith.constant 0 : i32
      %scan3A_33 = arith.constant 0 : i32
      %scan3A_34 = arith.constant 4 : i32
      %scan3A_35 = arith.addi %scan3A_33, %scan3A_34 : i32
      %scan3A_36 = arith.constant 1 : i32
      scf.for %scan3A_38 = %scan3A_33 to %scan3A_35 step %scan3A_36  : i32 {
        %mul3A_39 = arith.constant 40 : i32
        %mul3A_40 = arith.muli %scan3A_38, %mul3A_39 : i32
        "tpu.region"() ({
          %run_scoped3A = tpu.sem_alloc : memref<!tpu.dma_semaphore, #tpu.memory_space<semaphore_mem>>
          %dma_start3A_117 = arith.constant 0 : i32
          %dma_start3A_118 = tpu.memref_slice %arg4[%arg1, %mul3A_40, %dma_start3A_117] : memref<16x160x125xi32, #tpu.memory_space<hbm>> -> memref<1x40x125xi32, #tpu.memory_space<hbm>>
          %dma_start3A_119 = tpu.memref_squeeze %dma_start3A_118 : memref<1x40x125xi32, #tpu.memory_space<hbm>> -> memref<40x125xi32, #tpu.memory_space<hbm>>
          %dma_start3A_120 = arith.constant 0 : i32
          %dma_start3A_121 = tpu.memref_slice %arg4[%arg1, %mul3A_40, %dma_start3A_120] : memref<16x160x125xi32, #tpu.memory_space<hbm>> -> memref<1x40x125xi32, #tpu.memory_space<hbm>>
          %dma_start3A_122 = tpu.memref_squeeze %dma_start3A_121 : memref<1x40x125xi32, #tpu.memory_space<hbm>> -> memref<40x125xi32, #tpu.memory_space<hbm>>
          tpu.enqueue_dma source(%dma_start3A_122 : memref<40x125xi32, #tpu.memory_space<hbm>>) target(%arg8 : memref<40x125xi32, #tpu.memory_space<vmem>>) target_semaphore(%run_scoped3A : memref<!tpu.dma_semaphore, #tpu.memory_space<semaphore_mem>>)
          %dma_wait3A_123 = arith.constant 0 : i32
          %dma_wait3A_124 = tpu.memref_slice %arg4[%arg1, %mul3A_40, %dma_wait3A_123] : memref<16x160x125xi32, #tpu.memory_space<hbm>> -> memref<1x40x125xi32, #tpu.memory_space<hbm>>
          %dma_wait3A_125 = tpu.memref_squeeze %dma_wait3A_124 : memref<1x40x125xi32, #tpu.memory_space<hbm>> -> memref<40x125xi32, #tpu.memory_space<hbm>>
          %dma_wait3A_126 = arith.constant 0 : i32
          %dma_wait3A_127 = tpu.memref_slice %arg4[%arg1, %mul3A_40, %dma_wait3A_126] : memref<16x160x125xi32, #tpu.memory_space<hbm>> -> memref<1x40x125xi32, #tpu.memory_space<hbm>>
          %dma_wait3A_128 = tpu.memref_squeeze %dma_wait3A_127 : memref<1x40x125xi32, #tpu.memory_space<hbm>> -> memref<40x125xi32, #tpu.memory_space<hbm>>
          tpu.wait_dma2 semaphore(%run_scoped3A : memref<!tpu.dma_semaphore, #tpu.memory_space<semaphore_mem>>) src(%dma_wait3A_128 : memref<40x125xi32, #tpu.memory_space<hbm>>) dst(%arg8 : memref<40x125xi32, #tpu.memory_space<vmem>>)
          tpu.yield
        }) : () -> ()
        %mul3A_41 = arith.constant 40 : i32
        %mul3A_42 = arith.muli %scan3A_38, %mul3A_41 : i32
        "tpu.region"() ({
          %run_scoped3A = tpu.sem_alloc : memref<!tpu.dma_semaphore, #tpu.memory_space<semaphore_mem>>
          %dma_start3A_117 = arith.constant 0 : i32
          %dma_start3A_118 = tpu.memref_slice %arg5[%arg1, %mul3A_42, %dma_start3A_117] : memref<16x160x125xi32, #tpu.memory_space<hbm>> -> memref<1x40x125xi32, #tpu.memory_space<hbm>>
          %dma_start3A_119 = tpu.memref_squeeze %dma_start3A_118 : memref<1x40x125xi32, #tpu.memory_space<hbm>> -> memref<40x125xi32, #tpu.memory_space<hbm>>
          %dma_start3A_120 = arith.constant 0 : i32
          %dma_start3A_121 = tpu.memref_slice %arg5[%arg1, %mul3A_42, %dma_start3A_120] : memref<16x160x125xi32, #tpu.memory_space<hbm>> -> memref<1x40x125xi32, #tpu.memory_space<hbm>>
          %dma_start3A_122 = tpu.memref_squeeze %dma_start3A_121 : memref<1x40x125xi32, #tpu.memory_space<hbm>> -> memref<40x125xi32, #tpu.memory_space<hbm>>
          tpu.enqueue_dma source(%dma_start3A_122 : memref<40x125xi32, #tpu.memory_space<hbm>>) target(%arg9 : memref<40x125xi32, #tpu.memory_space<vmem>>) target_semaphore(%run_scoped3A : memref<!tpu.dma_semaphore, #tpu.memory_space<semaphore_mem>>)
          %dma_wait3A_123 = arith.constant 0 : i32
          %dma_wait3A_124 = tpu.memref_slice %arg5[%arg1, %mul3A_42, %dma_wait3A_123] : memref<16x160x125xi32, #tpu.memory_space<hbm>> -> memref<1x40x125xi32, #tpu.memory_space<hbm>>
          %dma_wait3A_125 = tpu.memref_squeeze %dma_wait3A_124 : memref<1x40x125xi32, #tpu.memory_space<hbm>> -> memref<40x125xi32, #tpu.memory_space<hbm>>
          %dma_wait3A_126 = arith.constant 0 : i32
          %dma_wait3A_127 = tpu.memref_slice %arg5[%arg1, %mul3A_42, %dma_wait3A_126] : memref<16x160x125xi32, #tpu.memory_space<hbm>> -> memref<1x40x125xi32, #tpu.memory_space<hbm>>
          %dma_wait3A_128 = tpu.memref_squeeze %dma_wait3A_127 : memref<1x40x125xi32, #tpu.memory_space<hbm>> -> memref<40x125xi32, #tpu.memory_space<hbm>>
          tpu.wait_dma2 semaphore(%run_scoped3A : memref<!tpu.dma_semaphore, #tpu.memory_space<semaphore_mem>>) src(%dma_wait3A_128 : memref<40x125xi32, #tpu.memory_space<hbm>>) dst(%arg9 : memref<40x125xi32, #tpu.memory_space<vmem>>)
          tpu.yield
        }) : () -> ()
        %dma_start3A = arith.constant 0 : i32
        %dma_start3A_43 = arith.constant 0 : i32
        %dma_start3A_44 = tpu.memref_slice %arg8[%dma_start3A, %dma_start3A_43] : memref<40x125xi32, #tpu.memory_space<vmem>> -> memref<1x125xi32, #tpu.memory_space<vmem>>
        %dma_start3A_45 = tpu.memref_squeeze %dma_start3A_44 : memref<1x125xi32, #tpu.memory_space<vmem>> -> memref<125xi32, #tpu.memory_space<vmem>>
        %dma_start3A_46 = arith.constant 0 : i32
        %dma_start3A_47 = arith.constant 0 : i32
        %dma_start3A_48 = tpu.memref_slice %arg16[%dma_start3A_46, %dma_start3A_47] : memref<10000x64xf32, #tpu.memory_space<vmem_shared>> -> memref<10000x64xf32, #tpu.memory_space<vmem_shared>>
        tpu.enqueue_indirect_dma source(%dma_start3A_48 : memref<10000x64xf32, #tpu.memory_space<vmem_shared>>) target(%arg10 : memref<125x64xf32, #tpu.memory_space<vmem>>) offsets(%dma_start3A_45 : memref<125xi32, #tpu.memory_space<vmem>>) semaphore(%arg17 : memref<!tpu.dma_semaphore, #tpu.memory_space<semaphore_mem>>)
        %dma_start3A_49 = arith.constant 1 : i32
        %dma_start3A_50 = arith.constant 0 : i32
        %dma_start3A_51 = tpu.memref_slice %arg8[%dma_start3A_49, %dma_start3A_50] : memref<40x125xi32, #tpu.memory_space<vmem>> -> memref<1x125xi32, #tpu.memory_space<vmem>>
        %dma_start3A_52 = tpu.memref_squeeze %dma_start3A_51 : memref<1x125xi32, #tpu.memory_space<vmem>> -> memref<125xi32, #tpu.memory_space<vmem>>
        %dma_start3A_53 = arith.constant 0 : i32
        %dma_start3A_54 = arith.constant 0 : i32
        %dma_start3A_55 = tpu.memref_slice %arg16[%dma_start3A_53, %dma_start3A_54] : memref<10000x64xf32, #tpu.memory_space<vmem_shared>> -> memref<10000x64xf32, #tpu.memory_space<vmem_shared>>
        tpu.enqueue_indirect_dma source(%dma_start3A_55 : memref<10000x64xf32, #tpu.memory_space<vmem_shared>>) target(%arg11 : memref<125x64xf32, #tpu.memory_space<vmem>>) offsets(%dma_start3A_52 : memref<125xi32, #tpu.memory_space<vmem>>) semaphore(%arg18 : memref<!tpu.dma_semaphore, #tpu.memory_space<semaphore_mem>>)
        %dma_start3A_56 = arith.constant 2 : i32
        %dma_start3A_57 = arith.constant 0 : i32
        %dma_start3A_58 = tpu.memref_slice %arg8[%dma_start3A_56, %dma_start3A_57] : memref<40x125xi32, #tpu.memory_space<vmem>> -> memref<1x125xi32, #tpu.memory_space<vmem>>
        %dma_start3A_59 = tpu.memref_squeeze %dma_start3A_58 : memref<1x125xi32, #tpu.memory_space<vmem>> -> memref<125xi32, #tpu.memory_space<vmem>>
        %dma_start3A_60 = arith.constant 0 : i32
        %dma_start3A_61 = arith.constant 0 : i32
        %dma_start3A_62 = tpu.memref_slice %arg16[%dma_start3A_60, %dma_start3A_61] : memref<10000x64xf32, #tpu.memory_space<vmem_shared>> -> memref<10000x64xf32, #tpu.memory_space<vmem_shared>>
        tpu.enqueue_indirect_dma source(%dma_start3A_62 : memref<10000x64xf32, #tpu.memory_space<vmem_shared>>) target(%arg12 : memref<125x64xf32, #tpu.memory_space<vmem>>) offsets(%dma_start3A_59 : memref<125xi32, #tpu.memory_space<vmem>>) semaphore(%arg19 : memref<!tpu.dma_semaphore, #tpu.memory_space<semaphore_mem>>)
        %dma_start3A_63 = arith.constant 3 : i32
        %dma_start3A_64 = arith.constant 0 : i32
        %dma_start3A_65 = tpu.memref_slice %arg8[%dma_start3A_63, %dma_start3A_64] : memref<40x125xi32, #tpu.memory_space<vmem>> -> memref<1x125xi32, #tpu.memory_space<vmem>>
        %dma_start3A_66 = tpu.memref_squeeze %dma_start3A_65 : memref<1x125xi32, #tpu.memory_space<vmem>> -> memref<125xi32, #tpu.memory_space<vmem>>
        %dma_start3A_67 = arith.constant 0 : i32
        %dma_start3A_68 = arith.constant 0 : i32
        %dma_start3A_69 = tpu.memref_slice %arg16[%dma_start3A_67, %dma_start3A_68] : memref<10000x64xf32, #tpu.memory_space<vmem_shared>> -> memref<10000x64xf32, #tpu.memory_space<vmem_shared>>
        tpu.enqueue_indirect_dma source(%dma_start3A_69 : memref<10000x64xf32, #tpu.memory_space<vmem_shared>>) target(%arg13 : memref<125x64xf32, #tpu.memory_space<vmem>>) offsets(%dma_start3A_66 : memref<125xi32, #tpu.memory_space<vmem>>) semaphore(%arg20 : memref<!tpu.dma_semaphore, #tpu.memory_space<semaphore_mem>>)
        %dma_start3A_70 = arith.constant 4 : i32
        %dma_start3A_71 = arith.constant 0 : i32
        %dma_start3A_72 = tpu.memref_slice %arg8[%dma_start3A_70, %dma_start3A_71] : memref<40x125xi32, #tpu.memory_space<vmem>> -> memref<1x125xi32, #tpu.memory_space<vmem>>
        %dma_start3A_73 = tpu.memref_squeeze %dma_start3A_72 : memref<1x125xi32, #tpu.memory_space<vmem>> -> memref<125xi32, #tpu.memory_space<vmem>>
        %dma_start3A_74 = arith.constant 0 : i32
        %dma_start3A_75 = arith.constant 0 : i32
        %dma_start3A_76 = tpu.memref_slice %arg16[%dma_start3A_74, %dma_start3A_75] : memref<10000x64xf32, #tpu.memory_space<vmem_shared>> -> memref<10000x64xf32, #tpu.memory_space<vmem_shared>>
        tpu.enqueue_indirect_dma source(%dma_start3A_76 : memref<10000x64xf32, #tpu.memory_space<vmem_shared>>) target(%arg14 : memref<125x64xf32, #tpu.memory_space<vmem>>) offsets(%dma_start3A_73 : memref<125xi32, #tpu.memory_space<vmem>>) semaphore(%arg21 : memref<!tpu.dma_semaphore, #tpu.memory_space<semaphore_mem>>)
        %scan3A_77 = arith.constant 0 : i32
        %scan3A_78 = arith.constant 0 : i32
        %scan3A_79 = arith.constant 8 : i32
        %scan3A_80 = arith.addi %scan3A_78, %scan3A_79 : i32
        %scan3A_81 = arith.constant 1 : i32
        scf.for %scan3A_117 = %scan3A_78 to %scan3A_80 step %scan3A_81  : i32 {
          %mul3A_118 = arith.constant 5 : i32
          %mul3A_119 = arith.muli %scan3A_117, %mul3A_118 : i32
          %dma_wait3A_120 = arith.constant 0 : i32
          %dma_wait3A_121 = arith.constant 0 : i32
          %dma_wait3A_122 = tpu.memref_slice %arg8[%dma_wait3A_120, %dma_wait3A_121] : memref<40x125xi32, #tpu.memory_space<vmem>> -> memref<1x125xi32, #tpu.memory_space<vmem>>
          %dma_wait3A_123 = tpu.memref_squeeze %dma_wait3A_122 : memref<1x125xi32, #tpu.memory_space<vmem>> -> memref<125xi32, #tpu.memory_space<vmem>>
          %dma_wait3A_124 = arith.constant 0 : i32
          %dma_wait3A_125 = arith.constant 0 : i32
          %dma_wait3A_126 = tpu.memref_slice %arg16[%dma_wait3A_124, %dma_wait3A_125] : memref<10000x64xf32, #tpu.memory_space<vmem_shared>> -> memref<10000x64xf32, #tpu.memory_space<vmem_shared>>
          tpu.wait_indirect_dma semaphore(%arg17 : memref<!tpu.dma_semaphore, #tpu.memory_space<semaphore_mem>>) src(%dma_wait3A_126 : memref<10000x64xf32, #tpu.memory_space<vmem_shared>>) dst(%arg10 : memref<125x64xf32, #tpu.memory_space<vmem>>)
          %dma_wait3A_127 = arith.constant 0 : i32
          %dma_wait3A_128 = arith.constant 0 : i32
          %dma_wait3A_129 = tpu.memref_slice %arg8[%dma_wait3A_127, %dma_wait3A_128] : memref<40x125xi32, #tpu.memory_space<vmem>> -> memref<1x125xi32, #tpu.memory_space<vmem>>
          %dma_wait3A_130 = tpu.memref_squeeze %dma_wait3A_129 : memref<1x125xi32, #tpu.memory_space<vmem>> -> memref<125xi32, #tpu.memory_space<vmem>>
          %dma_wait3A_131 = arith.constant 0 : i32
          %dma_wait3A_132 = arith.constant 0 : i32
          %dma_wait3A_133 = tpu.memref_slice %arg16[%dma_wait3A_131, %dma_wait3A_132] : memref<10000x64xf32, #tpu.memory_space<vmem_shared>> -> memref<10000x64xf32, #tpu.memory_space<vmem_shared>>
          tpu.wait_indirect_dma semaphore(%arg18 : memref<!tpu.dma_semaphore, #tpu.memory_space<semaphore_mem>>) src(%dma_wait3A_133 : memref<10000x64xf32, #tpu.memory_space<vmem_shared>>) dst(%arg11 : memref<125x64xf32, #tpu.memory_space<vmem>>)
          %dma_wait3A_134 = arith.constant 0 : i32
          %dma_wait3A_135 = arith.constant 0 : i32
          %dma_wait3A_136 = tpu.memref_slice %arg8[%dma_wait3A_134, %dma_wait3A_135] : memref<40x125xi32, #tpu.memory_space<vmem>> -> memref<1x125xi32, #tpu.memory_space<vmem>>
          %dma_wait3A_137 = tpu.memref_squeeze %dma_wait3A_136 : memref<1x125xi32, #tpu.memory_space<vmem>> -> memref<125xi32, #tpu.memory_space<vmem>>
          %dma_wait3A_138 = arith.constant 0 : i32
          %dma_wait3A_139 = arith.constant 0 : i32
          %dma_wait3A_140 = tpu.memref_slice %arg16[%dma_wait3A_138, %dma_wait3A_139] : memref<10000x64xf32, #tpu.memory_space<vmem_shared>> -> memref<10000x64xf32, #tpu.memory_space<vmem_shared>>
          tpu.wait_indirect_dma semaphore(%arg19 : memref<!tpu.dma_semaphore, #tpu.memory_space<semaphore_mem>>) src(%dma_wait3A_140 : memref<10000x64xf32, #tpu.memory_space<vmem_shared>>) dst(%arg12 : memref<125x64xf32, #tpu.memory_space<vmem>>)
          %dma_wait3A_141 = arith.constant 0 : i32
          %dma_wait3A_142 = arith.constant 0 : i32
          %dma_wait3A_143 = tpu.memref_slice %arg8[%dma_wait3A_141, %dma_wait3A_142] : memref<40x125xi32, #tpu.memory_space<vmem>> -> memref<1x125xi32, #tpu.memory_space<vmem>>
          %dma_wait3A_144 = tpu.memref_squeeze %dma_wait3A_143 : memref<1x125xi32, #tpu.memory_space<vmem>> -> memref<125xi32, #tpu.memory_space<vmem>>
          %dma_wait3A_145 = arith.constant 0 : i32
          %dma_wait3A_146 = arith.constant 0 : i32
          %dma_wait3A_147 = tpu.memref_slice %arg16[%dma_wait3A_145, %dma_wait3A_146] : memref<10000x64xf32, #tpu.memory_space<vmem_shared>> -> memref<10000x64xf32, #tpu.memory_space<vmem_shared>>
          tpu.wait_indirect_dma semaphore(%arg20 : memref<!tpu.dma_semaphore, #tpu.memory_space<semaphore_mem>>) src(%dma_wait3A_147 : memref<10000x64xf32, #tpu.memory_space<vmem_shared>>) dst(%arg13 : memref<125x64xf32, #tpu.memory_space<vmem>>)
          %dma_wait3A_148 = arith.constant 0 : i32
          %dma_wait3A_149 = arith.constant 0 : i32
          %dma_wait3A_150 = tpu.memref_slice %arg8[%dma_wait3A_148, %dma_wait3A_149] : memref<40x125xi32, #tpu.memory_space<vmem>> -> memref<1x125xi32, #tpu.memory_space<vmem>>
          %dma_wait3A_151 = tpu.memref_squeeze %dma_wait3A_150 : memref<1x125xi32, #tpu.memory_space<vmem>> -> memref<125xi32, #tpu.memory_space<vmem>>
          %dma_wait3A_152 = arith.constant 0 : i32
          %dma_wait3A_153 = arith.constant 0 : i32
          %dma_wait3A_154 = tpu.memref_slice %arg16[%dma_wait3A_152, %dma_wait3A_153] : memref<10000x64xf32, #tpu.memory_space<vmem_shared>> -> memref<10000x64xf32, #tpu.memory_space<vmem_shared>>
          tpu.wait_indirect_dma semaphore(%arg21 : memref<!tpu.dma_semaphore, #tpu.memory_space<semaphore_mem>>) src(%dma_wait3A_154 : memref<10000x64xf32, #tpu.memory_space<vmem_shared>>) dst(%arg14 : memref<125x64xf32, #tpu.memory_space<vmem>>)
          %add3A = arith.constant 0 : i32
          %add3A_155 = arith.addi %mul3A_119, %add3A : i32
          %dma_start3A_156 = arith.constant 0 : i32
          %dma_start3A_157 = tpu.memref_slice %arg9[%add3A_155, %dma_start3A_156] : memref<40x125xi32, #tpu.memory_space<vmem>> -> memref<1x125xi32, #tpu.memory_space<vmem>>
          %dma_start3A_158 = tpu.memref_squeeze %dma_start3A_157 : memref<1x125xi32, #tpu.memory_space<vmem>> -> memref<125xi32, #tpu.memory_space<vmem>>
          %dma_start3A_159 = arith.constant 0 : i32
          %dma_start3A_160 = arith.constant 0 : i32
          %dma_start3A_161 = tpu.memref_slice %arg15[%dma_start3A_159, %dma_start3A_160] : memref<10000x64xf32, #tpu.memory_space<vmem_shared>> -> memref<10000x64xf32, #tpu.memory_space<vmem_shared>>
          tpu.enqueue_indirect_dma source(%arg10 : memref<125x64xf32, #tpu.memory_space<vmem>>) target(%dma_start3A_161 : memref<10000x64xf32, #tpu.memory_space<vmem_shared>>) offsets(%dma_start3A_158 : memref<125xi32, #tpu.memory_space<vmem>>) semaphore(%arg22 : memref<!tpu.dma_semaphore, #tpu.memory_space<semaphore_mem>>) {add = true}
          %add3A_162 = arith.constant 1 : i32
          %add3A_163 = arith.addi %mul3A_119, %add3A_162 : i32
          %dma_start3A_164 = arith.constant 0 : i32
          %dma_start3A_165 = tpu.memref_slice %arg9[%add3A_163, %dma_start3A_164] : memref<40x125xi32, #tpu.memory_space<vmem>> -> memref<1x125xi32, #tpu.memory_space<vmem>>
          %dma_start3A_166 = tpu.memref_squeeze %dma_start3A_165 : memref<1x125xi32, #tpu.memory_space<vmem>> -> memref<125xi32, #tpu.memory_space<vmem>>
          %dma_start3A_167 = arith.constant 0 : i32
          %dma_start3A_168 = arith.constant 0 : i32
          %dma_start3A_169 = tpu.memref_slice %arg15[%dma_start3A_167, %dma_start3A_168] : memref<10000x64xf32, #tpu.memory_space<vmem_shared>> -> memref<10000x64xf32, #tpu.memory_space<vmem_shared>>
          tpu.enqueue_indirect_dma source(%arg11 : memref<125x64xf32, #tpu.memory_space<vmem>>) target(%dma_start3A_169 : memref<10000x64xf32, #tpu.memory_space<vmem_shared>>) offsets(%dma_start3A_166 : memref<125xi32, #tpu.memory_space<vmem>>) semaphore(%arg23 : memref<!tpu.dma_semaphore, #tpu.memory_space<semaphore_mem>>) {add = true}
          %add3A_170 = arith.constant 2 : i32
          %add3A_171 = arith.addi %mul3A_119, %add3A_170 : i32
          %dma_start3A_172 = arith.constant 0 : i32
          %dma_start3A_173 = tpu.memref_slice %arg9[%add3A_171, %dma_start3A_172] : memref<40x125xi32, #tpu.memory_space<vmem>> -> memref<1x125xi32, #tpu.memory_space<vmem>>
          %dma_start3A_174 = tpu.memref_squeeze %dma_start3A_173 : memref<1x125xi32, #tpu.memory_space<vmem>> -> memref<125xi32, #tpu.memory_space<vmem>>
          %dma_start3A_175 = arith.constant 0 : i32
          %dma_start3A_176 = arith.constant 0 : i32
          %dma_start3A_177 = tpu.memref_slice %arg15[%dma_start3A_175, %dma_start3A_176] : memref<10000x64xf32, #tpu.memory_space<vmem_shared>> -> memref<10000x64xf32, #tpu.memory_space<vmem_shared>>
          tpu.enqueue_indirect_dma source(%arg12 : memref<125x64xf32, #tpu.memory_space<vmem>>) target(%dma_start3A_177 : memref<10000x64xf32, #tpu.memory_space<vmem_shared>>) offsets(%dma_start3A_174 : memref<125xi32, #tpu.memory_space<vmem>>) semaphore(%arg24 : memref<!tpu.dma_semaphore, #tpu.memory_space<semaphore_mem>>) {add = true}
          %add3A_178 = arith.constant 3 : i32
          %add3A_179 = arith.addi %mul3A_119, %add3A_178 : i32
          %dma_start3A_180 = arith.constant 0 : i32
          %dma_start3A_181 = tpu.memref_slice %arg9[%add3A_179, %dma_start3A_180] : memref<40x125xi32, #tpu.memory_space<vmem>> -> memref<1x125xi32, #tpu.memory_space<vmem>>
          %dma_start3A_182 = tpu.memref_squeeze %dma_start3A_181 : memref<1x125xi32, #tpu.memory_space<vmem>> -> memref<125xi32, #tpu.memory_space<vmem>>
          %dma_start3A_183 = arith.constant 0 : i32
          %dma_start3A_184 = arith.constant 0 : i32
          %dma_start3A_185 = tpu.memref_slice %arg15[%dma_start3A_183, %dma_start3A_184] : memref<10000x64xf32, #tpu.memory_space<vmem_shared>> -> memref<10000x64xf32, #tpu.memory_space<vmem_shared>>
          tpu.enqueue_indirect_dma source(%arg13 : memref<125x64xf32, #tpu.memory_space<vmem>>) target(%dma_start3A_185 : memref<10000x64xf32, #tpu.memory_space<vmem_shared>>) offsets(%dma_start3A_182 : memref<125xi32, #tpu.memory_space<vmem>>) semaphore(%arg25 : memref<!tpu.dma_semaphore, #tpu.memory_space<semaphore_mem>>) {add = true}
          %add3A_186 = arith.constant 4 : i32
          %add3A_187 = arith.addi %mul3A_119, %add3A_186 : i32
          %dma_start3A_188 = arith.constant 0 : i32
          %dma_start3A_189 = tpu.memref_slice %arg9[%add3A_187, %dma_start3A_188] : memref<40x125xi32, #tpu.memory_space<vmem>> -> memref<1x125xi32, #tpu.memory_space<vmem>>
          %dma_start3A_190 = tpu.memref_squeeze %dma_start3A_189 : memref<1x125xi32, #tpu.memory_space<vmem>> -> memref<125xi32, #tpu.memory_space<vmem>>
          %dma_start3A_191 = arith.constant 0 : i32
          %dma_start3A_192 = arith.constant 0 : i32
          %dma_start3A_193 = tpu.memref_slice %arg15[%dma_start3A_191, %dma_start3A_192] : memref<10000x64xf32, #tpu.memory_space<vmem_shared>> -> memref<10000x64xf32, #tpu.memory_space<vmem_shared>>
          tpu.enqueue_indirect_dma source(%arg14 : memref<125x64xf32, #tpu.memory_space<vmem>>) target(%dma_start3A_193 : memref<10000x64xf32, #tpu.memory_space<vmem_shared>>) offsets(%dma_start3A_190 : memref<125xi32, #tpu.memory_space<vmem>>) semaphore(%arg26 : memref<!tpu.dma_semaphore, #tpu.memory_space<semaphore_mem>>) {add = true}
          %dma_wait3A_194 = arith.constant 0 : i32
          %dma_wait3A_195 = arith.constant 0 : i32
          %dma_wait3A_196 = tpu.memref_slice %arg9[%dma_wait3A_194, %dma_wait3A_195] : memref<40x125xi32, #tpu.memory_space<vmem>> -> memref<1x125xi32, #tpu.memory_space<vmem>>
          %dma_wait3A_197 = tpu.memref_squeeze %dma_wait3A_196 : memref<1x125xi32, #tpu.memory_space<vmem>> -> memref<125xi32, #tpu.memory_space<vmem>>
          %dma_wait3A_198 = arith.constant 0 : i32
          %dma_wait3A_199 = arith.constant 0 : i32
          %dma_wait3A_200 = tpu.memref_slice %arg15[%dma_wait3A_198, %dma_wait3A_199] : memref<10000x64xf32, #tpu.memory_space<vmem_shared>> -> memref<10000x64xf32, #tpu.memory_space<vmem_shared>>
          tpu.wait_indirect_dma semaphore(%arg22 : memref<!tpu.dma_semaphore, #tpu.memory_space<semaphore_mem>>) src(%arg10 : memref<125x64xf32, #tpu.memory_space<vmem>>) dst(%dma_wait3A_200 : memref<10000x64xf32, #tpu.memory_space<vmem_shared>>)
          %add3A_201 = arith.constant 5 : i32
          %add3A_202 = arith.addi %mul3A_119, %add3A_201 : i32
          %add3A_203 = arith.constant 0 : i32
          %add3A_204 = arith.addi %add3A_202, %add3A_203 : i32
          %rem3A = arith.constant 40 : i32
          %rem3A_205 = arith.remsi %add3A_204, %rem3A : i32
          %dma_start3A_206 = arith.constant 0 : i32
          %dma_start3A_207 = tpu.memref_slice %arg8[%rem3A_205, %dma_start3A_206] : memref<40x125xi32, #tpu.memory_space<vmem>> -> memref<1x125xi32, #tpu.memory_space<vmem>>
          %dma_start3A_208 = tpu.memref_squeeze %dma_start3A_207 : memref<1x125xi32, #tpu.memory_space<vmem>> -> memref<125xi32, #tpu.memory_space<vmem>>
          %dma_start3A_209 = arith.constant 0 : i32
          %dma_start3A_210 = arith.constant 0 : i32
          %dma_start3A_211 = tpu.memref_slice %arg16[%dma_start3A_209, %dma_start3A_210] : memref<10000x64xf32, #tpu.memory_space<vmem_shared>> -> memref<10000x64xf32, #tpu.memory_space<vmem_shared>>
          tpu.enqueue_indirect_dma source(%dma_start3A_211 : memref<10000x64xf32, #tpu.memory_space<vmem_shared>>) target(%arg10 : memref<125x64xf32, #tpu.memory_space<vmem>>) offsets(%dma_start3A_208 : memref<125xi32, #tpu.memory_space<vmem>>) semaphore(%arg17 : memref<!tpu.dma_semaphore, #tpu.memory_space<semaphore_mem>>)
          %dma_wait3A_212 = arith.constant 0 : i32
          %dma_wait3A_213 = arith.constant 0 : i32
          %dma_wait3A_214 = tpu.memref_slice %arg9[%dma_wait3A_212, %dma_wait3A_213] : memref<40x125xi32, #tpu.memory_space<vmem>> -> memref<1x125xi32, #tpu.memory_space<vmem>>
          %dma_wait3A_215 = tpu.memref_squeeze %dma_wait3A_214 : memref<1x125xi32, #tpu.memory_space<vmem>> -> memref<125xi32, #tpu.memory_space<vmem>>
          %dma_wait3A_216 = arith.constant 0 : i32
          %dma_wait3A_217 = arith.constant 0 : i32
          %dma_wait3A_218 = tpu.memref_slice %arg15[%dma_wait3A_216, %dma_wait3A_217] : memref<10000x64xf32, #tpu.memory_space<vmem_shared>> -> memref<10000x64xf32, #tpu.memory_space<vmem_shared>>
          tpu.wait_indirect_dma semaphore(%arg23 : memref<!tpu.dma_semaphore, #tpu.memory_space<semaphore_mem>>) src(%arg11 : memref<125x64xf32, #tpu.memory_space<vmem>>) dst(%dma_wait3A_218 : memref<10000x64xf32, #tpu.memory_space<vmem_shared>>)
          %add3A_219 = arith.constant 5 : i32
          %add3A_220 = arith.addi %mul3A_119, %add3A_219 : i32
          %add3A_221 = arith.constant 1 : i32
          %add3A_222 = arith.addi %add3A_220, %add3A_221 : i32
          %rem3A_223 = arith.constant 40 : i32
          %rem3A_224 = arith.remsi %add3A_222, %rem3A_223 : i32
          %dma_start3A_225 = arith.constant 0 : i32
          %dma_start3A_226 = tpu.memref_slice %arg8[%rem3A_224, %dma_start3A_225] : memref<40x125xi32, #tpu.memory_space<vmem>> -> memref<1x125xi32, #tpu.memory_space<vmem>>
          %dma_start3A_227 = tpu.memref_squeeze %dma_start3A_226 : memref<1x125xi32, #tpu.memory_space<vmem>> -> memref<125xi32, #tpu.memory_space<vmem>>
          %dma_start3A_228 = arith.constant 0 : i32
          %dma_start3A_229 = arith.constant 0 : i32
          %dma_start3A_230 = tpu.memref_slice %arg16[%dma_start3A_228, %dma_start3A_229] : memref<10000x64xf32, #tpu.memory_space<vmem_shared>> -> memref<10000x64xf32, #tpu.memory_space<vmem_shared>>
          tpu.enqueue_indirect_dma source(%dma_start3A_230 : memref<10000x64xf32, #tpu.memory_space<vmem_shared>>) target(%arg11 : memref<125x64xf32, #tpu.memory_space<vmem>>) offsets(%dma_start3A_227 : memref<125xi32, #tpu.memory_space<vmem>>) semaphore(%arg18 : memref<!tpu.dma_semaphore, #tpu.memory_space<semaphore_mem>>)
          %dma_wait3A_231 = arith.constant 0 : i32
          %dma_wait3A_232 = arith.constant 0 : i32
          %dma_wait3A_233 = tpu.memref_slice %arg9[%dma_wait3A_231, %dma_wait3A_232] : memref<40x125xi32, #tpu.memory_space<vmem>> -> memref<1x125xi32, #tpu.memory_space<vmem>>
          %dma_wait3A_234 = tpu.memref_squeeze %dma_wait3A_233 : memref<1x125xi32, #tpu.memory_space<vmem>> -> memref<125xi32, #tpu.memory_space<vmem>>
          %dma_wait3A_235 = arith.constant 0 : i32
          %dma_wait3A_236 = arith.constant 0 : i32
          %dma_wait3A_237 = tpu.memref_slice %arg15[%dma_wait3A_235, %dma_wait3A_236] : memref<10000x64xf32, #tpu.memory_space<vmem_shared>> -> memref<10000x64xf32, #tpu.memory_space<vmem_shared>>
          tpu.wait_indirect_dma semaphore(%arg24 : memref<!tpu.dma_semaphore, #tpu.memory_space<semaphore_mem>>) src(%arg12 : memref<125x64xf32, #tpu.memory_space<vmem>>) dst(%dma_wait3A_237 : memref<10000x64xf32, #tpu.memory_space<vmem_shared>>)
          %add3A_238 = arith.constant 5 : i32
          %add3A_239 = arith.addi %mul3A_119, %add3A_238 : i32
          %add3A_240 = arith.constant 2 : i32
          %add3A_241 = arith.addi %add3A_239, %add3A_240 : i32
          %rem3A_242 = arith.constant 40 : i32
          %rem3A_243 = arith.remsi %add3A_241, %rem3A_242 : i32
          %dma_start3A_244 = arith.constant 0 : i32
          %dma_start3A_245 = tpu.memref_slice %arg8[%rem3A_243, %dma_start3A_244] : memref<40x125xi32, #tpu.memory_space<vmem>> -> memref<1x125xi32, #tpu.memory_space<vmem>>
          %dma_start3A_246 = tpu.memref_squeeze %dma_start3A_245 : memref<1x125xi32, #tpu.memory_space<vmem>> -> memref<125xi32, #tpu.memory_space<vmem>>
          %dma_start3A_247 = arith.constant 0 : i32
          %dma_start3A_248 = arith.constant 0 : i32
          %dma_start3A_249 = tpu.memref_slice %arg16[%dma_start3A_247, %dma_start3A_248] : memref<10000x64xf32, #tpu.memory_space<vmem_shared>> -> memref<10000x64xf32, #tpu.memory_space<vmem_shared>>
          tpu.enqueue_indirect_dma source(%dma_start3A_249 : memref<10000x64xf32, #tpu.memory_space<vmem_shared>>) target(%arg12 : memref<125x64xf32, #tpu.memory_space<vmem>>) offsets(%dma_start3A_246 : memref<125xi32, #tpu.memory_space<vmem>>) semaphore(%arg19 : memref<!tpu.dma_semaphore, #tpu.memory_space<semaphore_mem>>)
          %dma_wait3A_250 = arith.constant 0 : i32
          %dma_wait3A_251 = arith.constant 0 : i32
          %dma_wait3A_252 = tpu.memref_slice %arg9[%dma_wait3A_250, %dma_wait3A_251] : memref<40x125xi32, #tpu.memory_space<vmem>> -> memref<1x125xi32, #tpu.memory_space<vmem>>
          %dma_wait3A_253 = tpu.memref_squeeze %dma_wait3A_252 : memref<1x125xi32, #tpu.memory_space<vmem>> -> memref<125xi32, #tpu.memory_space<vmem>>
          %dma_wait3A_254 = arith.constant 0 : i32
          %dma_wait3A_255 = arith.constant 0 : i32
          %dma_wait3A_256 = tpu.memref_slice %arg15[%dma_wait3A_254, %dma_wait3A_255] : memref<10000x64xf32, #tpu.memory_space<vmem_shared>> -> memref<10000x64xf32, #tpu.memory_space<vmem_shared>>
          tpu.wait_indirect_dma semaphore(%arg25 : memref<!tpu.dma_semaphore, #tpu.memory_space<semaphore_mem>>) src(%arg13 : memref<125x64xf32, #tpu.memory_space<vmem>>) dst(%dma_wait3A_256 : memref<10000x64xf32, #tpu.memory_space<vmem_shared>>)
          %add3A_257 = arith.constant 5 : i32
          %add3A_258 = arith.addi %mul3A_119, %add3A_257 : i32
          %add3A_259 = arith.constant 3 : i32
          %add3A_260 = arith.addi %add3A_258, %add3A_259 : i32
          %rem3A_261 = arith.constant 40 : i32
          %rem3A_262 = arith.remsi %add3A_260, %rem3A_261 : i32
          %dma_start3A_263 = arith.constant 0 : i32
          %dma_start3A_264 = tpu.memref_slice %arg8[%rem3A_262, %dma_start3A_263] : memref<40x125xi32, #tpu.memory_space<vmem>> -> memref<1x125xi32, #tpu.memory_space<vmem>>
          %dma_start3A_265 = tpu.memref_squeeze %dma_start3A_264 : memref<1x125xi32, #tpu.memory_space<vmem>> -> memref<125xi32, #tpu.memory_space<vmem>>
          %dma_start3A_266 = arith.constant 0 : i32
          %dma_start3A_267 = arith.constant 0 : i32
          %dma_start3A_268 = tpu.memref_slice %arg16[%dma_start3A_266, %dma_start3A_267] : memref<10000x64xf32, #tpu.memory_space<vmem_shared>> -> memref<10000x64xf32, #tpu.memory_space<vmem_shared>>
          tpu.enqueue_indirect_dma source(%dma_start3A_268 : memref<10000x64xf32, #tpu.memory_space<vmem_shared>>) target(%arg13 : memref<125x64xf32, #tpu.memory_space<vmem>>) offsets(%dma_start3A_265 : memref<125xi32, #tpu.memory_space<vmem>>) semaphore(%arg20 : memref<!tpu.dma_semaphore, #tpu.memory_space<semaphore_mem>>)
          %dma_wait3A_269 = arith.constant 0 : i32
          %dma_wait3A_270 = arith.constant 0 : i32
          %dma_wait3A_271 = tpu.memref_slice %arg9[%dma_wait3A_269, %dma_wait3A_270] : memref<40x125xi32, #tpu.memory_space<vmem>> -> memref<1x125xi32, #tpu.memory_space<vmem>>
          %dma_wait3A_272 = tpu.memref_squeeze %dma_wait3A_271 : memref<1x125xi32, #tpu.memory_space<vmem>> -> memref<125xi32, #tpu.memory_space<vmem>>
          %dma_wait3A_273 = arith.constant 0 : i32
          %dma_wait3A_274 = arith.constant 0 : i32
          %dma_wait3A_275 = tpu.memref_slice %arg15[%dma_wait3A_273, %dma_wait3A_274] : memref<10000x64xf32, #tpu.memory_space<vmem_shared>> -> memref<10000x64xf32, #tpu.memory_space<vmem_shared>>
          tpu.wait_indirect_dma semaphore(%arg26 : memref<!tpu.dma_semaphore, #tpu.memory_space<semaphore_mem>>) src(%arg14 : memref<125x64xf32, #tpu.memory_space<vmem>>) dst(%dma_wait3A_275 : memref<10000x64xf32, #tpu.memory_space<vmem_shared>>)
          %add3A_276 = arith.constant 5 : i32
          %add3A_277 = arith.addi %mul3A_119, %add3A_276 : i32
          %add3A_278 = arith.constant 4 : i32
          %add3A_279 = arith.addi %add3A_277, %add3A_278 : i32
          %rem3A_280 = arith.constant 40 : i32
          %rem3A_281 = arith.remsi %add3A_279, %rem3A_280 : i32
          %dma_start3A_282 = arith.constant 0 : i32
          %dma_start3A_283 = tpu.memref_slice %arg8[%rem3A_281, %dma_start3A_282] : memref<40x125xi32, #tpu.memory_space<vmem>> -> memref<1x125xi32, #tpu.memory_space<vmem>>
          %dma_start3A_284 = tpu.memref_squeeze %dma_start3A_283 : memref<1x125xi32, #tpu.memory_space<vmem>> -> memref<125xi32, #tpu.memory_space<vmem>>
          %dma_start3A_285 = arith.constant 0 : i32
          %dma_start3A_286 = arith.constant 0 : i32
          %dma_start3A_287 = tpu.memref_slice %arg16[%dma_start3A_285, %dma_start3A_286] : memref<10000x64xf32, #tpu.memory_space<vmem_shared>> -> memref<10000x64xf32, #tpu.memory_space<vmem_shared>>
          tpu.enqueue_indirect_dma source(%dma_start3A_287 : memref<10000x64xf32, #tpu.memory_space<vmem_shared>>) target(%arg14 : memref<125x64xf32, #tpu.memory_space<vmem>>) offsets(%dma_start3A_284 : memref<125xi32, #tpu.memory_space<vmem>>) semaphore(%arg21 : memref<!tpu.dma_semaphore, #tpu.memory_space<semaphore_mem>>)
        }
        %scan3A_82 = arith.constant 8 : i32
        %dma_wait3A = arith.constant 0 : i32
        %dma_wait3A_83 = arith.constant 0 : i32
        %dma_wait3A_84 = tpu.memref_slice %arg8[%dma_wait3A, %dma_wait3A_83] : memref<40x125xi32, #tpu.memory_space<vmem>> -> memref<1x125xi32, #tpu.memory_space<vmem>>
        %dma_wait3A_85 = tpu.memref_squeeze %dma_wait3A_84 : memref<1x125xi32, #tpu.memory_space<vmem>> -> memref<125xi32, #tpu.memory_space<vmem>>
        %dma_wait3A_86 = arith.constant 0 : i32
        %dma_wait3A_87 = arith.constant 0 : i32
        %dma_wait3A_88 = tpu.memref_slice %arg16[%dma_wait3A_86, %dma_wait3A_87] : memref<10000x64xf32, #tpu.memory_space<vmem_shared>> -> memref<10000x64xf32, #tpu.memory_space<vmem_shared>>
        tpu.wait_indirect_dma semaphore(%arg17 : memref<!tpu.dma_semaphore, #tpu.memory_space<semaphore_mem>>) src(%dma_wait3A_88 : memref<10000x64xf32, #tpu.memory_space<vmem_shared>>) dst(%arg10 : memref<125x64xf32, #tpu.memory_space<vmem>>)
        %dma_wait3A_89 = arith.constant 0 : i32
        %dma_wait3A_90 = arith.constant 0 : i32
        %dma_wait3A_91 = tpu.memref_slice %arg8[%dma_wait3A_89, %dma_wait3A_90] : memref<40x125xi32, #tpu.memory_space<vmem>> -> memref<1x125xi32, #tpu.memory_space<vmem>>
        %dma_wait3A_92 = tpu.memref_squeeze %dma_wait3A_91 : memref<1x125xi32, #tpu.memory_space<vmem>> -> memref<125xi32, #tpu.memory_space<vmem>>
        %dma_wait3A_93 = arith.constant 0 : i32
        %dma_wait3A_94 = arith.constant 0 : i32
        %dma_wait3A_95 = tpu.memref_slice %arg16[%dma_wait3A_93, %dma_wait3A_94] : memref<10000x64xf32, #tpu.memory_space<vmem_shared>> -> memref<10000x64xf32, #tpu.memory_space<vmem_shared>>
        tpu.wait_indirect_dma semaphore(%arg18 : memref<!tpu.dma_semaphore, #tpu.memory_space<semaphore_mem>>) src(%dma_wait3A_95 : memref<10000x64xf32, #tpu.memory_space<vmem_shared>>) dst(%arg11 : memref<125x64xf32, #tpu.memory_space<vmem>>)
        %dma_wait3A_96 = arith.constant 0 : i32
        %dma_wait3A_97 = arith.constant 0 : i32
        %dma_wait3A_98 = tpu.memref_slice %arg8[%dma_wait3A_96, %dma_wait3A_97] : memref<40x125xi32, #tpu.memory_space<vmem>> -> memref<1x125xi32, #tpu.memory_space<vmem>>
        %dma_wait3A_99 = tpu.memref_squeeze %dma_wait3A_98 : memref<1x125xi32, #tpu.memory_space<vmem>> -> memref<125xi32, #tpu.memory_space<vmem>>
        %dma_wait3A_100 = arith.constant 0 : i32
        %dma_wait3A_101 = arith.constant 0 : i32
        %dma_wait3A_102 = tpu.memref_slice %arg16[%dma_wait3A_100, %dma_wait3A_101] : memref<10000x64xf32, #tpu.memory_space<vmem_shared>> -> memref<10000x64xf32, #tpu.memory_space<vmem_shared>>
        tpu.wait_indirect_dma semaphore(%arg19 : memref<!tpu.dma_semaphore, #tpu.memory_space<semaphore_mem>>) src(%dma_wait3A_102 : memref<10000x64xf32, #tpu.memory_space<vmem_shared>>) dst(%arg12 : memref<125x64xf32, #tpu.memory_space<vmem>>)
        %dma_wait3A_103 = arith.constant 0 : i32
        %dma_wait3A_104 = arith.constant 0 : i32
        %dma_wait3A_105 = tpu.memref_slice %arg8[%dma_wait3A_103, %dma_wait3A_104] : memref<40x125xi32, #tpu.memory_space<vmem>> -> memref<1x125xi32, #tpu.memory_space<vmem>>
        %dma_wait3A_106 = tpu.memref_squeeze %dma_wait3A_105 : memref<1x125xi32, #tpu.memory_space<vmem>> -> memref<125xi32, #tpu.memory_space<vmem>>
        %dma_wait3A_107 = arith.constant 0 : i32
        %dma_wait3A_108 = arith.constant 0 : i32
        %dma_wait3A_109 = tpu.memref_slice %arg16[%dma_wait3A_107, %dma_wait3A_108] : memref<10000x64xf32, #tpu.memory_space<vmem_shared>> -> memref<10000x64xf32, #tpu.memory_space<vmem_shared>>
        tpu.wait_indirect_dma semaphore(%arg20 : memref<!tpu.dma_semaphore, #tpu.memory_space<semaphore_mem>>) src(%dma_wait3A_109 : memref<10000x64xf32, #tpu.memory_space<vmem_shared>>) dst(%arg13 : memref<125x64xf32, #tpu.memory_space<vmem>>)
        %dma_wait3A_110 = arith.constant 0 : i32
        %dma_wait3A_111 = arith.constant 0 : i32
        %dma_wait3A_112 = tpu.memref_slice %arg8[%dma_wait3A_110, %dma_wait3A_111] : memref<40x125xi32, #tpu.memory_space<vmem>> -> memref<1x125xi32, #tpu.memory_space<vmem>>
        %dma_wait3A_113 = tpu.memref_squeeze %dma_wait3A_112 : memref<1x125xi32, #tpu.memory_space<vmem>> -> memref<125xi32, #tpu.memory_space<vmem>>
        %dma_wait3A_114 = arith.constant 0 : i32
        %dma_wait3A_115 = arith.constant 0 : i32
        %dma_wait3A_116 = tpu.memref_slice %arg16[%dma_wait3A_114, %dma_wait3A_115] : memref<10000x64xf32, #tpu.memory_space<vmem_shared>> -> memref<10000x64xf32, #tpu.memory_space<vmem_shared>>
        tpu.wait_indirect_dma semaphore(%arg21 : memref<!tpu.dma_semaphore, #tpu.memory_space<semaphore_mem>>) src(%dma_wait3A_116 : memref<10000x64xf32, #tpu.memory_space<vmem_shared>>) dst(%arg14 : memref<125x64xf32, #tpu.memory_space<vmem>>)
      }
      %scan3A_37 = arith.constant 4 : i32
    } else {
    }
    %barrier3A = arith.constant 0 : index
    tpu.barrier barrier_id(%barrier3A)
    %eq3A_18 = arith.constant 0 : i32
    %eq3A_19 = arith.cmpi eq, %arg0, %eq3A_18 : i32
    %convert_element_type3A_20 = arith.extui %eq3A_19 : i1 to i32
    %cond3A_21 = arith.constant 0 : i32
    %cond3A_22 = arith.cmpi ne, %convert_element_type3A_20, %cond3A_21 : i32
    scf.if %cond3A_22 {
      %mul3A = arith.constant 625 : i32
      %mul3A_28 = arith.muli %arg1, %mul3A : i32
      %mul3A_29 = arith.constant 625 : i32
      %mul3A_30 = arith.muli %arg1, %mul3A_29 : i32
      "tpu.region"() ({
        %run_scoped3A = tpu.sem_alloc : memref<!tpu.dma_semaphore, #tpu.memory_space<semaphore_mem>>
        %dma_start3A = arith.constant 0 : i32
        %dma_start3A_31 = tpu.memref_slice %arg6[%mul3A_30, %dma_start3A] : memref<10000x64xf32, #tpu.memory_space<hbm>> -> memref<625x64xf32, #tpu.memory_space<hbm>>
        %dma_start3A_32 = arith.constant 0 : i32
        %dma_start3A_33 = tpu.memref_slice %arg15[%mul3A_28, %dma_start3A_32] : memref<10000x64xf32, #tpu.memory_space<vmem_shared>> -> memref<625x64xf32, #tpu.memory_space<vmem_shared>>
        tpu.enqueue_dma source(%dma_start3A_33 : memref<625x64xf32, #tpu.memory_space<vmem_shared>>) target(%dma_start3A_31 : memref<625x64xf32, #tpu.memory_space<hbm>>) target_semaphore(%run_scoped3A : memref<!tpu.dma_semaphore, #tpu.memory_space<semaphore_mem>>)
        %dma_wait3A = arith.constant 0 : i32
        %dma_wait3A_34 = tpu.memref_slice %arg6[%mul3A_30, %dma_wait3A] : memref<10000x64xf32, #tpu.memory_space<hbm>> -> memref<625x64xf32, #tpu.memory_space<hbm>>
        %dma_wait3A_35 = arith.constant 0 : i32
        %dma_wait3A_36 = tpu.memref_slice %arg15[%mul3A_28, %dma_wait3A_35] : memref<10000x64xf32, #tpu.memory_space<vmem_shared>> -> memref<625x64xf32, #tpu.memory_space<vmem_shared>>
        tpu.wait_dma2 semaphore(%run_scoped3A : memref<!tpu.dma_semaphore, #tpu.memory_space<semaphore_mem>>) src(%dma_wait3A_36 : memref<625x64xf32, #tpu.memory_space<vmem_shared>>) dst(%dma_wait3A_34 : memref<625x64xf32, #tpu.memory_space<hbm>>)
        tpu.yield
      }) : () -> ()
    } else {
    }
    %eq3A_23 = arith.constant 1 : i32
    %eq3A_24 = arith.cmpi eq, %arg0, %eq3A_23 : i32
    %convert_element_type3A_25 = arith.extui %eq3A_24 : i1 to i32
    %cond3A_26 = arith.constant 0 : i32
    %cond3A_27 = arith.cmpi ne, %convert_element_type3A_25, %cond3A_26 : i32
    scf.if %cond3A_27 {
      %mul3A = arith.constant 625 : i32
      %mul3A_28 = arith.muli %arg1, %mul3A : i32
      %mul3A_29 = arith.constant 625 : i32
      %mul3A_30 = arith.muli %arg1, %mul3A_29 : i32
      "tpu.region"() ({
        %run_scoped3A = tpu.sem_alloc : memref<!tpu.dma_semaphore, #tpu.memory_space<semaphore_mem>>
        %dma_start3A = arith.constant 0 : i32
        %dma_start3A_31 = tpu.memref_slice %arg7[%mul3A_30, %dma_start3A] : memref<10000x64xf32, #tpu.memory_space<hbm>> -> memref<625x64xf32, #tpu.memory_space<hbm>>
        %dma_start3A_32 = arith.constant 0 : i32
        %dma_start3A_33 = tpu.memref_slice %arg15[%mul3A_28, %dma_start3A_32] : memref<10000x64xf32, #tpu.memory_space<vmem_shared>> -> memref<625x64xf32, #tpu.memory_space<vmem_shared>>
        tpu.enqueue_dma source(%dma_start3A_33 : memref<625x64xf32, #tpu.memory_space<vmem_shared>>) target(%dma_start3A_31 : memref<625x64xf32, #tpu.memory_space<hbm>>) target_semaphore(%run_scoped3A : memref<!tpu.dma_semaphore, #tpu.memory_space<semaphore_mem>>)
        %dma_wait3A = arith.constant 0 : i32
        %dma_wait3A_34 = tpu.memref_slice %arg7[%mul3A_30, %dma_wait3A] : memref<10000x64xf32, #tpu.memory_space<hbm>> -> memref<625x64xf32, #tpu.memory_space<hbm>>
        %dma_wait3A_35 = arith.constant 0 : i32
        %dma_wait3A_36 = tpu.memref_slice %arg15[%mul3A_28, %dma_wait3A_35] : memref<10000x64xf32, #tpu.memory_space<vmem_shared>> -> memref<625x64xf32, #tpu.memory_space<vmem_shared>>
        tpu.wait_dma2 semaphore(%run_scoped3A : memref<!tpu.dma_semaphore, #tpu.memory_space<semaphore_mem>>) src(%dma_wait3A_36 : memref<625x64xf32, #tpu.memory_space<vmem_shared>>) dst(%dma_wait3A_34 : memref<625x64xf32, #tpu.memory_space<hbm>>)
        tpu.yield
      }) : () -> ()
    } else {
    }
    return
  }
}

module attributes {stable_mosaic.version = 14 : i64} {
  func.func @_dinv_body(%arg0: memref<2x80x128xf32, #tpu.memory_space<vmem>>, %arg1: memref<80x128xf32, #tpu.memory_space<vmem>>) attributes {dimension_semantics = [], scalar_prefetch = 0 : i64, scratch_operands = 0 : i64, tpu.core_type = #tpu.core_type<tc>} {
    %get3A = arith.constant 0 : index
    %get3A_0 = arith.constant 0 : index
    %get3A_1 = arith.constant 0 : index
    %get3A_2 = vector.load %arg0[%get3A, %get3A_0, %get3A_1] : memref<2x80x128xf32, #tpu.memory_space<vmem>>, vector<1x80x128xf32>
    %get3A_3 = vector.shape_cast %get3A_2 : vector<1x80x128xf32> to vector<80x128xf32>
    %add3A = arith.constant 1.000000e+00 : f32
    %add3A_4 = vector.broadcast %add3A : f32 to vector<80x128xf32>
    %add3A_5 = arith.addf %add3A_4, %get3A_3 : vector<80x128xf32>
    %get3A_6 = arith.constant 1 : index
    %get3A_7 = arith.constant 0 : index
    %get3A_8 = arith.constant 0 : index
    %get3A_9 = vector.load %arg0[%get3A_6, %get3A_7, %get3A_8] : memref<2x80x128xf32, #tpu.memory_space<vmem>>, vector<1x80x128xf32>
    %get3A_10 = vector.shape_cast %get3A_9 : vector<1x80x128xf32> to vector<80x128xf32>
    %add3A_11 = arith.addf %add3A_5, %get3A_10 : vector<80x128xf32>
    %rsqrt3A = math.rsqrt %add3A_11 : vector<80x128xf32>
    %swap3A = arith.constant 0 : index
    %swap3A_12 = arith.constant 0 : index
    %swap3A_13 = vector.load %arg1[%swap3A, %swap3A_12] : memref<80x128xf32, #tpu.memory_space<vmem>>, vector<80x128xf32>
    tpu.vector_store %arg1[%swap3A, %swap3A_12], %rsqrt3A {strides = array<i32>} : memref<80x128xf32, #tpu.memory_space<vmem>>, vector<80x128xf32>,
    return
  }
}

module attributes {stable_mosaic.version = 14 : i64} {
  func.func @_mm1_body(%arg0: i32, %arg1: memref<2000x128xf32, #tpu.memory_space<vmem>>, %arg2: memref<128x128xf32, #tpu.memory_space<vmem>>, %arg3: memref<2000x1xf32, #tpu.memory_space<vmem>>, %arg4: memref<2000x64xf32, #tpu.memory_space<vmem>>, %arg5: memref<2000x64xf32, #tpu.memory_space<vmem>>) attributes {dimension_semantics = [#tpu.dimension_semantics<arbitrary>], iteration_bounds = array<i64: 5>, scalar_prefetch = 0 : i64, scratch_operands = 0 : i64, tpu.core_type = #tpu.core_type<tc>, window_params = [{transform_indices = @transform_0, window_bounds = array<i64: 2000, 128>}, {pipeline_mode = #tpu.pipeline_mode<synchronous>, transform_indices = @transform_1, window_bounds = array<i64: 128, 128>}, {transform_indices = @transform_2, window_bounds = array<i64: 2000, 1>}, {transform_indices = @transform_3, window_bounds = array<i64: 2000, 64>}, {transform_indices = @transform_4, window_bounds = array<i64: 2000, 64>}]} {
    %get3A = arith.constant 0 : index
    %get3A_0 = arith.constant 0 : index
    %get3A_1 = vector.load %arg1[%get3A, %get3A_0] : memref<2000x128xf32, #tpu.memory_space<vmem>>, vector<2000x128xf32>
    %get3A_2 = arith.constant 0 : index
    %get3A_3 = arith.constant 0 : index
    %get3A_4 = vector.load %arg2[%get3A_2, %get3A_3] : memref<128x128xf32, #tpu.memory_space<vmem>>, vector<128x128xf32>
    %dot_general3A = arith.constant dense<0.000000e+00> : vector<2000x128xf32>
    %dot_general3A_5 = tpu.matmul %get3A_1, %get3A_4, %dot_general3A {dimension_numbers = #tpu.dot_dimension_numbers<[1], [0], [0], [1], [0, 0, 1, 1], [], []>, transpose_lhs_hint = false} : vector<2000x128xf32>, vector<128x128xf32>, vector<2000x128xf32> -> vector<2000x128xf32>
    %get3A_6 = arith.constant 0 : index
    %get3A_7 = arith.constant 0 : index
    %get3A_8 = vector.load %arg3[%get3A_6, %get3A_7] : memref<2000x1xf32, #tpu.memory_space<vmem>>, vector<2000x1xf32>
    %mul3A = vector.broadcast %get3A_8 : vector<2000x1xf32> to vector<2000x128xf32>
    %mul3A_9 = arith.mulf %dot_general3A_5, %mul3A : vector<2000x128xf32>
    %slice3A = vector.extract_strided_slice %mul3A_9 {offsets = [0, 0], sizes = [2000, 64], strides = [1, 1]} : vector<2000x128xf32> to vector<2000x64xf32>
    %swap3A = arith.constant 0 : index
    %swap3A_10 = arith.constant 0 : index
    %swap3A_11 = vector.load %arg4[%swap3A, %swap3A_10] : memref<2000x64xf32, #tpu.memory_space<vmem>>, vector<2000x64xf32>
    tpu.vector_store %arg4[%swap3A, %swap3A_10], %slice3A {strides = array<i32>} : memref<2000x64xf32, #tpu.memory_space<vmem>>, vector<2000x64xf32>,
    %slice3A_12 = vector.extract_strided_slice %mul3A_9 {offsets = [0, 64], sizes = [2000, 64], strides = [1, 1]} : vector<2000x128xf32> to vector<2000x64xf32>
    %swap3A_13 = arith.constant 0 : index
    %swap3A_14 = arith.constant 0 : index
    %swap3A_15 = vector.load %arg5[%swap3A_13, %swap3A_14] : memref<2000x64xf32, #tpu.memory_space<vmem>>, vector<2000x64xf32>
    tpu.vector_store %arg5[%swap3A_13, %swap3A_14], %slice3A_12 {strides = array<i32>} : memref<2000x64xf32, #tpu.memory_space<vmem>>, vector<2000x64xf32>,
    return
  }
  func.func @transform_0(%arg0: i32) -> (i32, i32) {
    %c0_i32 = arith.constant 0 : i32
    %c0_i32_0 = arith.constant 0 : i32
    return %arg0, %c0_i32 : i32, i32
  }
  func.func @transform_1(%arg0: i32) -> (i32, i32) {
    %c0_i32 = arith.constant 0 : i32
    %c0_i32_0 = arith.constant 0 : i32
    %c0_i32_1 = arith.constant 0 : i32
    return %c0_i32, %c0_i32_0 : i32, i32
  }
  func.func @transform_2(%arg0: i32) -> (i32, i32) {
    %c0_i32 = arith.constant 0 : i32
    %c0_i32_0 = arith.constant 0 : i32
    return %arg0, %c0_i32 : i32, i32
  }
  func.func @transform_3(%arg0: i32) -> (i32, i32) {
    %c0_i32 = arith.constant 0 : i32
    %c0_i32_0 = arith.constant 0 : i32
    return %arg0, %c0_i32 : i32, i32
  }
  func.func @transform_4(%arg0: i32) -> (i32, i32) {
    %c0_i32 = arith.constant 0 : i32
    %c0_i32_0 = arith.constant 0 : i32
    return %arg0, %c0_i32 : i32, i32
  }
}

module attributes {stable_mosaic.version = 14 : i64} {
  func.func @_mm2_body(%arg0: i32, %arg1: memref<2000x64xf32, #tpu.memory_space<vmem>>, %arg2: memref<2000x64xf32, #tpu.memory_space<vmem>>, %arg3: memref<2000x64xf32, #tpu.memory_space<vmem>>, %arg4: memref<2000x64xf32, #tpu.memory_space<vmem>>, %arg5: memref<2000x1xf32, #tpu.memory_space<vmem>>, %arg6: memref<1x128xf32, #tpu.memory_space<vmem>>, %arg7: memref<128x128xf32, #tpu.memory_space<vmem>>, %arg8: memref<2000x64xf32, #tpu.memory_space<vmem>>, %arg9: memref<2000x64xf32, #tpu.memory_space<vmem>>) attributes {dimension_semantics = [#tpu.dimension_semantics<arbitrary>], iteration_bounds = array<i64: 5>, scalar_prefetch = 0 : i64, scratch_operands = 0 : i64, tpu.core_type = #tpu.core_type<tc>, window_params = [{transform_indices = @transform_0, window_bounds = array<i64: 2000, 64>}, {transform_indices = @transform_1, window_bounds = array<i64: 2000, 64>}, {transform_indices = @transform_2, window_bounds = array<i64: 2000, 64>}, {transform_indices = @transform_3, window_bounds = array<i64: 2000, 64>}, {transform_indices = @transform_4, window_bounds = array<i64: 2000, 1>}, {pipeline_mode = #tpu.pipeline_mode<synchronous>, transform_indices = @transform_5, window_bounds = array<i64: 1, 128>}, {pipeline_mode = #tpu.pipeline_mode<synchronous>, transform_indices = @transform_6, window_bounds = array<i64: 128, 128>}, {transform_indices = @transform_7, window_bounds = array<i64: 2000, 64>}, {transform_indices = @transform_8, window_bounds = array<i64: 2000, 64>}]} {
    %get3A = arith.constant 0 : index
    %get3A_0 = arith.constant 0 : index
    %get3A_1 = vector.load %arg1[%get3A, %get3A_0] : memref<2000x64xf32, #tpu.memory_space<vmem>>, vector<2000x64xf32>
    %get3A_2 = arith.constant 0 : index
    %get3A_3 = arith.constant 0 : index
    %get3A_4 = vector.load %arg3[%get3A_2, %get3A_3] : memref<2000x64xf32, #tpu.memory_space<vmem>>, vector<2000x64xf32>
    %add3A = arith.addf %get3A_1, %get3A_4 : vector<2000x64xf32>
    %get3A_5 = arith.constant 0 : index
    %get3A_6 = arith.constant 0 : index
    %get3A_7 = vector.load %arg2[%get3A_5, %get3A_6] : memref<2000x64xf32, #tpu.memory_space<vmem>>, vector<2000x64xf32>
    %get3A_8 = arith.constant 0 : index
    %get3A_9 = arith.constant 0 : index
    %get3A_10 = vector.load %arg4[%get3A_8, %get3A_9] : memref<2000x64xf32, #tpu.memory_space<vmem>>, vector<2000x64xf32>
    %add3A_11 = arith.addf %get3A_7, %get3A_10 : vector<2000x64xf32>
    %concatenate3A = tpu.concatenate %add3A, %add3A_11 in 1 : vector<2000x64xf32>, vector<2000x64xf32> -> vector<2000x128xf32>
    %get3A_12 = arith.constant 0 : index
    %get3A_13 = arith.constant 0 : index
    %get3A_14 = vector.load %arg5[%get3A_12, %get3A_13] : memref<2000x1xf32, #tpu.memory_space<vmem>>, vector<2000x1xf32>
    %mul3A = vector.broadcast %get3A_14 : vector<2000x1xf32> to vector<2000x128xf32>
    %mul3A_15 = arith.mulf %concatenate3A, %mul3A : vector<2000x128xf32>
    %get3A_16 = arith.constant 0 : index
    %get3A_17 = arith.constant 0 : index
    %get3A_18 = vector.load %arg6[%get3A_16, %get3A_17] : memref<1x128xf32, #tpu.memory_space<vmem>>, vector<1x128xf32>
    %add3A_19 = vector.broadcast %get3A_18 : vector<1x128xf32> to vector<2000x128xf32>
    %add3A_20 = arith.addf %mul3A_15, %add3A_19 : vector<2000x128xf32>
    %max3A = arith.constant 0.000000e+00 : f32
    %max3A_21 = vector.broadcast %max3A : f32 to vector<2000x128xf32>
    %max3A_22 = arith.maximumf %add3A_20, %max3A_21 : vector<2000x128xf32>
    %get3A_23 = arith.constant 0 : index
    %get3A_24 = arith.constant 0 : index
    %get3A_25 = vector.load %arg7[%get3A_23, %get3A_24] : memref<128x128xf32, #tpu.memory_space<vmem>>, vector<128x128xf32>
    %dot_general3A = arith.constant dense<0.000000e+00> : vector<2000x128xf32>
    %dot_general3A_26 = tpu.matmul %max3A_22, %get3A_25, %dot_general3A {dimension_numbers = #tpu.dot_dimension_numbers<[1], [0], [0], [1], [0, 0, 1, 1], [], []>, transpose_lhs_hint = false} : vector<2000x128xf32>, vector<128x128xf32>, vector<2000x128xf32> -> vector<2000x128xf32>
    %get3A_27 = arith.constant 0 : index
    %get3A_28 = arith.constant 0 : index
    %get3A_29 = vector.load %arg5[%get3A_27, %get3A_28] : memref<2000x1xf32, #tpu.memory_space<vmem>>, vector<2000x1xf32>
    %mul3A_30 = vector.broadcast %get3A_29 : vector<2000x1xf32> to vector<2000x128xf32>
    %mul3A_31 = arith.mulf %dot_general3A_26, %mul3A_30 : vector<2000x128xf32>
    %slice3A = vector.extract_strided_slice %mul3A_31 {offsets = [0, 0], sizes = [2000, 64], strides = [1, 1]} : vector<2000x128xf32> to vector<2000x64xf32>
    %swap3A = arith.constant 0 : index
    %swap3A_32 = arith.constant 0 : index
    %swap3A_33 = vector.load %arg8[%swap3A, %swap3A_32] : memref<2000x64xf32, #tpu.memory_space<vmem>>, vector<2000x64xf32>
    tpu.vector_store %arg8[%swap3A, %swap3A_32], %slice3A {strides = array<i32>} : memref<2000x64xf32, #tpu.memory_space<vmem>>, vector<2000x64xf32>,
    %slice3A_34 = vector.extract_strided_slice %mul3A_31 {offsets = [0, 64], sizes = [2000, 64], strides = [1, 1]} : vector<2000x128xf32> to vector<2000x64xf32>
    %swap3A_35 = arith.constant 0 : index
    %swap3A_36 = arith.constant 0 : index
    %swap3A_37 = vector.load %arg9[%swap3A_35, %swap3A_36] : memref<2000x64xf32, #tpu.memory_space<vmem>>, vector<2000x64xf32>
    tpu.vector_store %arg9[%swap3A_35, %swap3A_36], %slice3A_34 {strides = array<i32>} : memref<2000x64xf32, #tpu.memory_space<vmem>>, vector<2000x64xf32>,
    return
  }
  func.func @transform_0(%arg0: i32) -> (i32, i32) {
    %c0_i32 = arith.constant 0 : i32
    %c0_i32_0 = arith.constant 0 : i32
    return %arg0, %c0_i32 : i32, i32
  }
  func.func @transform_1(%arg0: i32) -> (i32, i32) {
    %c0_i32 = arith.constant 0 : i32
    %c0_i32_0 = arith.constant 0 : i32
    return %arg0, %c0_i32 : i32, i32
  }
  func.func @transform_2(%arg0: i32) -> (i32, i32) {
    %c0_i32 = arith.constant 0 : i32
    %c0_i32_0 = arith.constant 0 : i32
    return %arg0, %c0_i32 : i32, i32
  }
  func.func @transform_3(%arg0: i32) -> (i32, i32) {
    %c0_i32 = arith.constant 0 : i32
    %c0_i32_0 = arith.constant 0 : i32
    return %arg0, %c0_i32 : i32, i32
  }
  func.func @transform_4(%arg0: i32) -> (i32, i32) {
    %c0_i32 = arith.constant 0 : i32
    %c0_i32_0 = arith.constant 0 : i32
    return %arg0, %c0_i32 : i32, i32
  }
  func.func @transform_5(%arg0: i32) -> (i32, i32) {
    %c0_i32 = arith.constant 0 : i32
    %c0_i32_0 = arith.constant 0 : i32
    %c0_i32_1 = arith.constant 0 : i32
    return %c0_i32, %c0_i32_0 : i32, i32
  }
  func.func @transform_6(%arg0: i32) -> (i32, i32) {
    %c0_i32 = arith.constant 0 : i32
    %c0_i32_0 = arith.constant 0 : i32
    %c0_i32_1 = arith.constant 0 : i32
    return %c0_i32, %c0_i32_0 : i32, i32
  }
  func.func @transform_7(%arg0: i32) -> (i32, i32) {
    %c0_i32 = arith.constant 0 : i32
    %c0_i32_0 = arith.constant 0 : i32
    return %arg0, %c0_i32 : i32, i32
  }
  func.func @transform_8(%arg0: i32) -> (i32, i32) {
    %c0_i32 = arith.constant 0 : i32
    %c0_i32_0 = arith.constant 0 : i32
    return %arg0, %c0_i32 : i32, i32
  }
}

module attributes {stable_mosaic.version = 14 : i64} {
  func.func @_fin_body(%arg0: i32, %arg1: memref<2000x64xf32, #tpu.memory_space<vmem>>, %arg2: memref<2000x64xf32, #tpu.memory_space<vmem>>, %arg3: memref<2000x64xf32, #tpu.memory_space<vmem>>, %arg4: memref<2000x64xf32, #tpu.memory_space<vmem>>, %arg5: memref<2000x1xf32, #tpu.memory_space<vmem>>, %arg6: memref<1x128xf32, #tpu.memory_space<vmem>>, %arg7: memref<2000x128xf32, #tpu.memory_space<vmem>>) attributes {dimension_semantics = [#tpu.dimension_semantics<arbitrary>], iteration_bounds = array<i64: 5>, scalar_prefetch = 0 : i64, scratch_operands = 0 : i64, tpu.core_type = #tpu.core_type<tc>, window_params = [{transform_indices = @transform_0, window_bounds = array<i64: 2000, 64>}, {transform_indices = @transform_1, window_bounds = array<i64: 2000, 64>}, {transform_indices = @transform_2, window_bounds = array<i64: 2000, 64>}, {transform_indices = @transform_3, window_bounds = array<i64: 2000, 64>}, {transform_indices = @transform_4, window_bounds = array<i64: 2000, 1>}, {pipeline_mode = #tpu.pipeline_mode<synchronous>, transform_indices = @transform_5, window_bounds = array<i64: 1, 128>}, {transform_indices = @transform_6, window_bounds = array<i64: 2000, 128>}]} {
    %get3A = arith.constant 0 : index
    %get3A_0 = arith.constant 0 : index
    %get3A_1 = vector.load %arg1[%get3A, %get3A_0] : memref<2000x64xf32, #tpu.memory_space<vmem>>, vector<2000x64xf32>
    %get3A_2 = arith.constant 0 : index
    %get3A_3 = arith.constant 0 : index
    %get3A_4 = vector.load %arg3[%get3A_2, %get3A_3] : memref<2000x64xf32, #tpu.memory_space<vmem>>, vector<2000x64xf32>
    %add3A = arith.addf %get3A_1, %get3A_4 : vector<2000x64xf32>
    %get3A_5 = arith.constant 0 : index
    %get3A_6 = arith.constant 0 : index
    %get3A_7 = vector.load %arg2[%get3A_5, %get3A_6] : memref<2000x64xf32, #tpu.memory_space<vmem>>, vector<2000x64xf32>
    %get3A_8 = arith.constant 0 : index
    %get3A_9 = arith.constant 0 : index
    %get3A_10 = vector.load %arg4[%get3A_8, %get3A_9] : memref<2000x64xf32, #tpu.memory_space<vmem>>, vector<2000x64xf32>
    %add3A_11 = arith.addf %get3A_7, %get3A_10 : vector<2000x64xf32>
    %concatenate3A = tpu.concatenate %add3A, %add3A_11 in 1 : vector<2000x64xf32>, vector<2000x64xf32> -> vector<2000x128xf32>
    %get3A_12 = arith.constant 0 : index
    %get3A_13 = arith.constant 0 : index
    %get3A_14 = vector.load %arg5[%get3A_12, %get3A_13] : memref<2000x1xf32, #tpu.memory_space<vmem>>, vector<2000x1xf32>
    %mul3A = vector.broadcast %get3A_14 : vector<2000x1xf32> to vector<2000x128xf32>
    %mul3A_15 = arith.mulf %concatenate3A, %mul3A : vector<2000x128xf32>
    %get3A_16 = arith.constant 0 : index
    %get3A_17 = arith.constant 0 : index
    %get3A_18 = vector.load %arg6[%get3A_16, %get3A_17] : memref<1x128xf32, #tpu.memory_space<vmem>>, vector<1x128xf32>
    %add3A_19 = vector.broadcast %get3A_18 : vector<1x128xf32> to vector<2000x128xf32>
    %add3A_20 = arith.addf %mul3A_15, %add3A_19 : vector<2000x128xf32>
    %swap3A = arith.constant 0 : index
    %swap3A_21 = arith.constant 0 : index
    %swap3A_22 = vector.load %arg7[%swap3A, %swap3A_21] : memref<2000x128xf32, #tpu.memory_space<vmem>>, vector<2000x128xf32>
    tpu.vector_store %arg7[%swap3A, %swap3A_21], %add3A_20 {strides = array<i32>} : memref<2000x128xf32, #tpu.memory_space<vmem>>, vector<2000x128xf32>,
    return
  }
  func.func @transform_0(%arg0: i32) -> (i32, i32) {
    %c0_i32 = arith.constant 0 : i32
    %c0_i32_0 = arith.constant 0 : i32
    return %arg0, %c0_i32 : i32, i32
  }
  func.func @transform_1(%arg0: i32) -> (i32, i32) {
    %c0_i32 = arith.constant 0 : i32
    %c0_i32_0 = arith.constant 0 : i32
    return %arg0, %c0_i32 : i32, i32
  }
  func.func @transform_2(%arg0: i32) -> (i32, i32) {
    %c0_i32 = arith.constant 0 : i32
    %c0_i32_0 = arith.constant 0 : i32
    return %arg0, %c0_i32 : i32, i32
  }
  func.func @transform_3(%arg0: i32) -> (i32, i32) {
    %c0_i32 = arith.constant 0 : i32
    %c0_i32_0 = arith.constant 0 : i32
    return %arg0, %c0_i32 : i32, i32
  }
  func.func @transform_4(%arg0: i32) -> (i32, i32) {
    %c0_i32 = arith.constant 0 : i32
    %c0_i32_0 = arith.constant 0 : i32
    return %arg0, %c0_i32 : i32, i32
  }
  func.func @transform_5(%arg0: i32) -> (i32, i32) {
    %c0_i32 = arith.constant 0 : i32
    %c0_i32_0 = arith.constant 0 : i32
    %c0_i32_1 = arith.constant 0 : i32
    return %c0_i32, %c0_i32_0 : i32, i32
  }
  func.func @transform_6(%arg0: i32) -> (i32, i32) {
    %c0_i32 = arith.constant 0 : i32
    %c0_i32_0 = arith.constant 0 : i32
    return %arg0, %c0_i32 : i32, i32
  }
}

</mosaic_0001>

<sc_bundles>
// kernel: kernel.12.cloned.1.call-start
scs
__scs_entry_jumppad:
0x0: {  	(pc) =	sbr.rel $0x88, $3  }
0x1: {  	(tag) =	ssettag $0x0;
	lr =	simm.s32 $0x1  }
0x2: {  	[smem:$0x3F9B] =	sst lr;
	_ =	strace $0xD0000000  }
0x3: {  	_ = 	snop  }
0x4: {  	_ = 	snop  }
0x5: {  	_ = 	snop  }
0x6: {  	_ = 	snop  }
0x7: {  	_ = 	snop  }
__scs_overlays_trampoline_lowered:
0x8: {  	[smem:$0x3FAA] =	sst s0  }
0x9: {  	[smem:$0x3FAB] =	sst s1  }
0xa: {  	[smem:$0x3FAC] =	sst s2  }
0xb: {  	[smem:$0x3FAD] =	sst s3  }
0xc: {  	[smem:$0x3FAE] =	sst s4  }
0xd: {  	[smem:$0x3FAF] =	sst s5  }
0xe: {  	[smem:$0x3FB0] =	sst s6  }
0xf: {  	[smem:$0x3FB1] =	sst s7  }
0x10: {  	[smem:$0x3FB2] =	sst s8  }
0x11: {  	[smem:$0x3FB3] =	sst s9;
	s0 =	simm.s32 @!p0 $0x0  }
0x12: {  	s1 =	sld [smem:$0x3F99];
	s0 =	simm.s32 @p0 $0x1  }
0x13: {  	[smem:$0x3FB4] =	sst s0;
	s0 =	simm.s32 @!p1 $0x0  }
0x14: {  	s2 =	sld [smem:$0x3F98];
	s0 =	simm.s32 @p1 $0x1  }
0x15: {  	[smem:$0x3FB5] =	sst s0;
	s0 =	simm.s32 @!p2 $0x0  }
0x16: {  	s3 =	sld [smem:$0x3FDB];
	s0 =	simm.s32 @p2 $0x1  }
0x17: {  	s4 =	simm.s32 $0x1BF5;
	[smem:$0x3FB7] =	sst s0  }
0x18: {  	s0 =	sld [smem:$0x3F9A];
	_ =	swait.ge [sflag:s4], $0x0  }
0x19: {  	s7 =	sld [smem:$0x3F9B]  }
0x1a: {  	s8 =	sadd.s32 $0xFFFFE003, lr  }
0x1b: {  	s9 =	sadd.s32 $0xFFFFFEF7, lr;
	s5 =	simm.s32 $0xFFFFFFFF;
	p2 =	slt.u32 s8, $0xFFFFF086  }
0x1c: {  	p1 =	slt.u32 s9, $0xF7A;
	s5 =	simm.s32 @!p2 $0x0  }
0x1d: {  	s5 =	simm.s32 @p1 $0x1;
	p0 =	seq.s32 s7, s2  }
0x1e: {  	s7 =	smul.u32 @!p0 $0xF7A, s2;
	p2 =	seq.s32 @!p0 s5, $0x0  }
0x1f: {  	s9 =	smul.u32 $0xF7A, s1;
	s8 =	simm.s32 @!p0 $0x1BF5;
	p2 =	por !p2, p0  }
0x20: {  	[sflag:s8] =	ssyncset.s32 @!p0 $0xFFFFF086;
	s6 =	sadd.s32 @!p0 s3, s7;
	s7 =	simm.s32 @!p0 $0x108  }
0x21: {  	s3 =	sadd.s32 s3, s9;
	s6 =	sadd.s32 @!p0 $0x88, s6;
	s7 =	simm.s32 @p2 $0x1082  }
0x22: {  	[simem:s7], [sflag:s8] =	dma.local @!p0 [hbm:s6], $0xF7A  }
0x23: {  	s9 =	sor.u32 $0xD0000000, s2;
	s6 =	simm.s32 $0x108;
	_ =	swait.ge @!p0 [sflag:s8], $0x0  }
0x24: {  	s3 =	sadd.s32 $0x88, s3;
	s6 =	simm.s32 @!p1 $0x1082;
	[sflag:s4] =	ssyncset.s32 $0xFFFFF086  }
0x25: {  	[simem:s6], [sflag:s4] =	dma.local [hbm:s3], $0xF7A  }
0x26: {  	[smem:$0x3F9B] =	sst s1;
	(tag) =	ssettag s2;
	_ =	strace s9  }
0x27: {  	s1 =	sld [smem:$0x3FAB]  }
0x28: {  	s2 =	sld [smem:$0x3FAC]  }
0x29: {  	s4 =	sld [smem:$0x3FAE]  }
0x2a: {  	p0 =	seq.s32 s5, $0x0;
	s5 =	sld [smem:$0x3FAF]  }
0x2b: {  	s6 =	sld [smem:$0x3FB0]  }
0x2c: {  	s7 =	sld [smem:$0x3FB1]  }
0x2d: {  	s3 =	simm.s32 $0x108;
	s8 =	sld [smem:$0x3FB2]  }
0x2e: {  	s3 =	simm.s32 @!p0 $0x1082;
	s9 =	sld [smem:$0x3FB3]  }
0x2f: {  	lr =	sadd.s32 s0, s3;
	s0 =	sld [smem:$0x3FAA]  }
0x30: {  	s3 =	sld [smem:$0x3FAD]  }
0x31: {  	[smem:$0x3FB6] =	sst s10  }
0x32: {  	s10 =	sld [smem:$0x3FB4];
	_ =	sdelay $0x3  }
0x33: {  	p0 =	seq.s32 s10, $0x1;
	s10 =	sld [smem:$0x3FB6];
	_ =	sdelay $0x3  }
0x34: {  	[smem:$0x3FB6] =	sst s10  }
0x35: {  	s10 =	sld [smem:$0x3FB5];
	_ =	sdelay $0x3  }
0x36: {  	p1 =	seq.s32 s10, $0x1;
	s10 =	sld [smem:$0x3FB6];
	_ =	sdelay $0x3  }
0x37: {  	[smem:$0x3FB6] =	sst s10  }
0x38: {  	s10 =	sld [smem:$0x3FB7]  }
0x39: {  	_ = 	snop;
	(pc) =	sbr.ind lr, $3  }
0x3a: {  	_ = 	snop  }
0x3b: {  	_ = 	snop  }
0x3c: {  	p2 =	seq.s32 s10, $0x1;
	s10 =	sld [smem:$0x3FB6]  }
0x3d: {  	_ =	shalt  }
0x3e: {  	_ =	shalt  }
0x3f: {  	_ =	shalt  }
0x40: {  	_ =	shalt  }
0x41: {  	_ =	shalt  }
0x42: {  	_ =	shalt  }
0x43: {  	_ =	shalt  }
0x44: {  	_ =	shalt  }
0x45: {  	_ =	shalt  }
0x46: {  	_ =	shalt  }
0x47: {  	_ =	shalt  }
0x48: {  	_ =	shalt  }
0x49: {  	_ =	shalt  }
0x4a: {  	_ =	shalt  }
0x4b: {  	_ =	shalt  }
0x4c: {  	_ =	shalt  }
0x4d: {  	_ =	shalt  }
0x4e: {  	_ =	shalt  }
0x4f: {  	_ =	shalt  }
0x50: {  	_ =	shalt  }
0x51: {  	_ =	shalt  }
0x52: {  	_ =	shalt  }
0x53: {  	_ =	shalt  }
0x54: {  	_ =	shalt  }
0x55: {  	_ =	shalt  }
0x56: {  	_ =	shalt  }
0x57: {  	_ =	shalt  }
0x58: {  	_ =	shalt  }
0x59: {  	_ =	shalt  }
0x5a: {  	_ =	shalt  }
0x5b: {  	_ =	shalt  }
0x5c: {  	_ =	shalt  }
0x5d: {  	_ =	shalt  }
0x5e: {  	_ =	shalt  }
0x5f: {  	_ =	shalt  }
0x60: {  	_ =	shalt  }
0x61: {  	_ =	shalt  }
0x62: {  	_ =	shalt  }
0x63: {  	_ =	shalt  }
0x64: {  	_ =	shalt  }
0x65: {  	_ =	shalt  }
0x66: {  	_ =	shalt  }
0x67: {  	_ =	shalt  }
0x68: {  	_ =	shalt  }
0x69: {  	_ =	shalt  }
0x6a: {  	_ =	shalt  }
0x6b: {  	_ =	shalt  }
0x6c: {  	_ =	shalt  }
0x6d: {  	_ =	shalt  }
0x6e: {  	_ =	shalt  }
0x6f: {  	_ =	shalt  }
0x70: {  	_ =	shalt  }
0x71: {  	_ =	shalt  }
0x72: {  	_ =	shalt  }
0x73: {  	_ =	shalt  }
0x74: {  	_ =	shalt  }
0x75: {  	_ =	shalt  }
0x76: {  	_ =	shalt  }
0x77: {  	_ =	shalt  }
0x78: {  	_ =	shalt  }
0x79: {  	_ =	shalt  }
0x7a: {  	_ =	shalt  }
0x7b: {  	_ =	shalt  }
0x7c: {  	_ =	shalt  }
0x7d: {  	_ =	shalt  }
0x7e: {  	_ =	shalt  }
0x7f: {  	_ =	shalt  }
0x80: {  	_ =	shalt  }
0x81: {  	_ =	shalt  }
0x82: {  	_ =	shalt  }
0x83: {  	_ =	shalt  }
0x84: {  	_ =	shalt  }
0x85: {  	_ =	shalt  }
0x86: {  	_ =	shalt  }
0x87: {  	_ =	shalt  }
.Lfunc_end0:
.L_simem_size_0:
called_computation.1_lowered:
.L_overlay_start_0:
0x88: {  	s2 =	sld [smem:$0x3FD9]  }
0x89: {  	s3 =	sld [smem:$0x3FFE];
	_ =	sdelay $0x1  }
0x8a: {  	s1 =	srdreg.scid  }
0x8b: {  	s0 =	sand.u32 $0x1, s1  }
0x8c: {  	s16 =	sshll.u32 s0, $0xA;
	s2 =	sadd.s32 s3, s2  }
0x8d: {  	s2 =	sadd.s32 s2, s16  }
0x8e: {  	[smem:$0x3FC2] =	sst s2  }
0x8f: {  	_ = 	snop  }
0x90: {  	(tm) =	ssettm $0x1  }
0x91: {  	s17 =	sld [smem:$0x3FFB];
	_ =	sdelay $0x3  }
0x92: {  	_ =	strace s17  }
0x93: {  	s2 =	sld [smem:$0x3FFC];
	_ =	sdelay $0x3  }
0x94: {  	_ =	strace s2  }
0x95: {  	s2 =	sld [smem:$0x3FFD];
	_ =	sdelay $0x3  }
0x96: {  	_ =	strace s2  }
0x97: {  	_ =	strace $0x8FFFFFFF  }
0x98: {  	s18 =	sld [smem:$0x3FDB];
	_ =	sdelay $0x1  }
0x99: {  	s19 =	simm.s32 $_scs_section_size  }
0x9a: {  	s4 =	simm.s32 $_size__tile_overlayer_lowered;
	s5 =	simm.s32 $_tile_overlayer_lowered  }
0x9b: {  	s22 =	simm.s32 $0x1BFF;
	s21 =	sshll.u32 s5, $0x1;
	s2 =	sadd.s32 s19, s18  }
0x9c: {  	s6 =	simm.s32 $0x0;
	s20 =	sshll.u32 s4, $0x1;
	s4 =	sadd.s32 s21, s2  }
0x9d: {  	[timem:s6], [sflag:s22] =	dma.local [hbm:s4], s20  }
0x9e: {  	_ =	swait.ge [sflag:s22], s20  }
0x9f: {  	s3 =	ssub.s32 $0x0, s20;
	[sflag:s22] =	ssyncset.done $0x0  }
0xa0: {  	[sflag:s22] =	ssyncadd.s32 s3;
	_ =	sdelay $0x1  }
0xa1: {  	s23 =	simm.s32 $0x1B8B  }
0xa2: {  	_ =	swait.ge [sflag:s23], $0x1  }
0xa3: {  	[sflag:s23] =	ssyncset.done $0x0  }
0xa4: {  	s25 =	simm.s32 $0x1B8E;
	s24 =	sld [smem:$0x3FFE];
	[sflag:s23] =	ssyncadd.s32 $0xFFFFFFFF  }
0xa5: {  	s26 =	simm.s32 $execute0_lowered;
	[smem:$0x3FD2] =	sst s25  }
0xa6: {  	s4 =	sshll.u32 s26, $0x1;
	_ =	strace $0x80000049;
	[dreg:$0x1] =	wrdreg $0xFFFFFFFF  }
0xa7: {  	s28 =	simm.s32 $_size_execute0_lowered;
	s2 =	sadd.s32 s2, s4;
	[dreg:$0x0] =	wrdreg $0x0  }
0xa8: {  	s4 =	sshll.u32 s28, $0x1;
	[dreg:$0x2] =	wrdreg s2  }
0xa9: {  	[dreg:$0x3] =	wrdreg s4  }
0xaa: {  	[dreg:$0x4] =	wrdreg $0xC0  }
0xab: {  	_ =	task [dreg:s6], $0x5FFFF  }
0xac: {  	[dreg:$0x1] =	wrdreg $0xFFFFFFFF  }
0xad: {  	[dreg:$0x0] =	wrdreg $0x60  }
0xae: {  	[dreg:$0x2] =	wrdreg s24  }
0xaf: {  	[dreg:$0x3] =	wrdreg $0xC4400  }
0xb0: {  	[dreg:$0x4] =	wrdreg $0x160800  }
0xb1: {  	[dreg:$0x5] =	wrdreg $0x9  }
0xb2: {  	_ =	task.clear_ibuf [dreg:s6], $0x6FFFF;
	_ =	strace $0x90000049  }
0xb3: {  	s29 =	simm.s32 $0x9;
	_ =	strace $0x8000004B  }
0xb4: {  	_ =	swait.ge [sflag:s29], $0x1  }
0xb5: {  	[sflag:s29] =	ssyncadd.s32 $0xFFFFFFFF  }
0xb6: {  	_ =	strace $0x9000004B  }
0xb7: {  	_ =	sfence  }
0xb8: {  	s30 =	sld [smem:$0x0];
	_ =	sdelay $0x2  }
0xb9: {  	s31 =	sshll.u32 s1, $0xD;
	s1 =	sshrl.u32 s1, $0x2  }
0xba: {  	s3 =	sand.u32 $0x4000, s31;
	s1 =	sadd.s32 s1, s30  }
0xbb: {  	s0 =	sor.u32 s3, s0;
	s1 =	sshll.u32 s1, $0x11  }
0xbc: {  	s0 =	sor.u32 s1, s0  }
0xbd: {  	s0 =	sadd.s32 $0x8F2B, s0  }
0xbe: {  	[sflag:s0] =	ssyncadd.remote.s32 $0x1  }
0xbf: {  	_ =	sfence.sel $0xFFFF  }
0xc0: {  	[dreg:$0x0] =	wrdreg $0xFFFFFFFF;
	(pc) =	sbr.abs _section_cstart, $3  }
0xc1: {  	[dreg:$0x1] =	wrdreg $0xFFFFFFFF  }
0xc2: {  	_ =	task.clear_ibuf [dreg:s6], $0x2FFFF;
	_ =	strace $0x9FFFFFFF  }
0xc3: {  	(tm) =	ssettm $0x7FFFFFFF  }
tec
execute0_lowered:
.L_overlay_start_1:
0x0: {  	(tag) =	ssettag $0x1  }
0x1: {  	s0 =	rddreg [dreg:$0x0]  }
0x2: {  	s2 =	rddreg [dreg:$0x1]  }
0x3: {  	s3 =	rddreg [dreg:$0x2];
	s11 =	stileid.u32  }
0x4: {  	s4 =	simm.s32 $0x0;
	s17 =	srdreg.scid;
	s28 =	simm.s32 $0x100  }
0x5: {  	s29 =	simm.s32 $0x6680;
	s30 =	simm.s32 $0x180;
	s31 =	simm.s32 $0x85C0  }
0x6: {  	s14 =	simm.s32 $0x3;
	s15 =	simm.s32 $0x6;
	s16 =	simm.s32 $0x8  }
0x7: {  	s1 =	smul.u32 $0x9C40, s11;
	[smem:$0x7FF] =	sst s4;
	s4 =	sand.u32 $0x1, s17  }
0x8: {  	s6 =	sadd.s32 $0xCC00, s0;
	s7 =	sadd.s32 $0x2C00, s0;
	s10 =	smul.u32 $0x27100, s11  }
0x9: {  	s12 =	sadd.s32 $0x9FE00, s0;
	s17 =	simm.s32 $0x9;
	_ =	strace $0x8000004A  }
0xa: {  	s8 =	ssub.s32 $0x2, s4;
	[dreg:$0x5] =	wrdreg s12;
	s12 =	smul.u32 $0x5000, s11  }
0xb: {  	p0 =	sne.s32 s4, $0x0;
	s11 =	simm.s32 $0xA500;
	s5 =	sshrl.u32 s1, $0x3  }
0xc: {  	s9 =	sshrl.u32 s8, $0x1;
	s19 =	sadd.s32 s1, s3;
	s21 =	sshrl.u32 s10, $0x2  }
0xd: {  	s1 =	sadd.s32 s1, s2;
	s10 =	simm.s32 $0x5;
	[dreg:$0x4] =	wrdreg s5  }
0xe: {  	s5 =	sadd.s32 s5, s0;
	s0 =	sadd.s32 $0x8C400, s0;
	[dreg:$0x7] =	wrdreg s19  }
0xf: {  	s18 =	ssub.s32 s8, s9;
	s8 =	sadd.s32 s21, s2;
	[dreg:$0x6] =	wrdreg s0  }
0x10: {  	s21 =	simm.s32 $0xB;
	s26 =	sshrl.u32 s1, $0x3;
	[dreg:$0x9] =	wrdreg s8  }
0x11: {  	s9 =	simm.s32 $0x2;
	s20 =	sadd.s32 $0x78A00, s5;
	[dreg:$0x10] =	wrdreg s26  }
0x12: {  	s1 =	simm.s32 $0x4;
	s5 =	sadd.s32 $0x65000, s5;
	[dreg:$0x8] =	wrdreg s20  }
0x13: {  	s19 =	simm.s32 $0x0;
	s0 =	smax.u32 s18, $0x1;
	[dreg:$0xa] =	wrdreg s5  }
0x14: {  	s22 =	sadd.s32 $0x1F40, s8;
	s23 =	sadd.s32 $0x3E80, s8;
	[dreg:$0xb] =	wrdreg s0  }
.Ltmp0:
0x15: {  	s24 =	sadd.s32 $0x5DC0, s8;
	[dreg:$0xc] =	wrdreg s22;
	(pc) =	sbr.rel .LBB2_1-.Ltmp0, $4  }
0x16: {  	s25 =	sadd.s32 $0x7D00, s8;
	s26 =	simm.s32 $0x4740;
	[dreg:$0xd] =	wrdreg s23  }
0x17: {  	s8 =	simm.s32 $0x1;
	s18 =	simm.s32 $0xA;
	[dreg:$0xe] =	wrdreg s24  }
0x18: {  	[dreg:$0xf] =	wrdreg s25;
	s20 =	simm.s32 $0x2800;
	s23 =	simm.s32 $0x7D  }
0x19: {  	v0 =	vimm.f32 $0.0e+00;
	s24 =	simm.s32 $0x80;
	s0 =	simm.s32 $0x200;
	s5 =	simm.s32 $0x7  }
.LBB2_14:
0x1a: {  	s13 =	rddreg [dreg:$0x4];
	[bflag:$0x0] =	sbarrier.arrive $0xFFFF  }
0x1b: {  	s25 =	rddreg [dreg:$0x10]  }
0x1c: {  	s4 =	sadd.s32 s4, s13;
	s22 =	rddreg [dreg:$0x12]  }
0x1d: {  	[hbm:s4], [sflag:s22] =	dma.local [spmem:s25], $0x1388  }
0x1e: {  	_ =	swait.ge [sflag:s21], $0x1388  }
0x1f: {  	s19 =	sadd.s32 $0x1, s19;
	s25 =	rddreg [dreg:$0xb]  }
0x20: {  	p1 =	sne.s32 s19, s25  }
.Ltmp1:
0x21: {  	_ = 	snop;
	(pc) =	sbr.rel @!p1 .LBB2_15-.Ltmp1, $3  }
0x22: {  	_ =	sdelay $0x1  }
0x23: {  	[sflag:s21] =	ssyncset.done $0x0  }
0x24: {  	[sflag:s21] =	ssyncadd.s32 $0xFFFFEC78  }
.LBB2_1:
0x25: {  	s4 =	simm.s32 $0x0  }
0x26: {  	s13 =	sand.u32 $0x7FC0, s4  }
0x27: {  	[dreg:$0x11] =	wrdreg s19;
	s4 =	simm.s32 $0x40;
	s13 =	sshrl.u32 s13, $0x2  }
.LBB2_2:
0x28: {  	p1 =	sne.s32 s4, $0x7CC0;
	[tilespmem:s13+$0x2800] =	vst v0;
	s13 =	smov.u32 s4;
	s4 =	sadd.s32 $0x40, s4  }
.Ltmp2:
0x29: {  	(pc) =	sbr.rel @p1 .LBB2_2-.Ltmp2, $3  }
0x2a: {  	_ =	sdelay $0x1  }
0x2b: {  	s13 =	sand.u32 $0x7FC0, s13  }
0x2c: {  	s13 =	sshrl.u32 s13, $0x2  }
0x2d: {  	[tilespmem:s13+$0x2800] =	vst v0;
	s4 =	rddreg [dreg:$0x9]  }
0x2e: {  	[spmem:s4] =	stream.linear.scatter [tilespmem:s20], [sflag:$0xB], $0x1F40, $0x38;
	[tilespmem:$0x1FCC0] =	vst v63  }
0x2f: {  	_ =	swait.ge [sflag:s21], $0x1F40  }
0x30: {  	[sflag:s21] =	ssyncset.done $0x0  }
0x31: {  	s22 =	rddreg [dreg:$0xc];
	[sflag:s21] =	ssyncadd.s32 $0xFFFFE0C0  }
0x32: {  	[spmem:s22] =	stream.linear.scatter [tilespmem:s20], [sflag:$0xB], $0x1F40, $0x38;
	[tilespmem:$0x1FCC0] =	vst v63  }
0x33: {  	_ =	swait.ge [sflag:s21], $0x1F40  }
0x34: {  	[sflag:s21] =	ssyncset.done $0x0  }
0x35: {  	s25 =	rddreg [dreg:$0xd];
	[sflag:s21] =	ssyncadd.s32 $0xFFFFE0C0  }
0x36: {  	[spmem:s25] =	stream.linear.scatter [tilespmem:s20], [sflag:$0xB], $0x1F40, $0x38;
	[tilespmem:$0x1FCC0] =	vst v63  }
0x37: {  	_ =	swait.ge [sflag:s21], $0x1F40  }
0x38: {  	[sflag:s21] =	ssyncset.done $0x0  }
0x39: {  	s13 =	rddreg [dreg:$0xe];
	[sflag:s21] =	ssyncadd.s32 $0xFFFFE0C0  }
0x3a: {  	[spmem:s13] =	stream.linear.scatter [tilespmem:s20], [sflag:$0xB], $0x1F40, $0x38;
	[tilespmem:$0x1FCC0] =	vst v63  }
0x3b: {  	_ =	swait.ge [sflag:s21], $0x1F40  }
0x3c: {  	[sflag:s21] =	ssyncset.done $0x0  }
.Ltmp3:
0x3d: {  	s19 =	rddreg [dreg:$0xf];
	[sflag:s21] =	ssyncadd.s32 $0xFFFFE0C0;
	(pc) =	sbr.rel @p0 .LBB2_9-.Ltmp3, $4  }
0x3e: {  	[spmem:s19] =	stream.linear.scatter [tilespmem:s20], [sflag:$0xB], $0x1F40, $0x38;
	[tilespmem:$0x1FCC0] =	vst v63  }
0x3f: {  	s22 =	stileid.u32;
	_ =	swait.ge [sflag:s21], $0x1F40  }
0x40: {  	s13 =	sshll.u32 s22, $0x6;
	[sflag:s21] =	ssyncset.done $0x0;
	s25 =	rddreg [dreg:$0x7]  }
0x41: {  	s19 =	sor.u32 $0x1C0B, s13;
	[sflag:s21] =	ssyncadd.s32 $0xFFFFE0C0;
	s4 =	sshrl.u32 s25, $0x3  }
0x42: {  	s19 =	sor.u32 $0x1C0B, s13;
	s25 =	rddreg [dreg:$0xa]  }
0x43: {  	[dreg:$0x12] =	wrdreg s19  }
0x44: {  	[spmem:s4], [sflag:s19] =	dma.local [hbm:s25], $0x1388  }
0x45: {  	_ =	swait.ge [sflag:s21], $0x1388  }
0x46: {  	[sflag:s21] =	ssyncset.done $0x0  }
0x47: {  	[sflag:s21] =	ssyncadd.s32 $0xFFFFEC78  }
0x48: {  	s19 =	simm.s32 $0x0;
	s25 =	simm.s32 $0x0;
	[bflag:$0x0] =	sbarrier.arrive $0xFFFF  }
.LBB2_5:
0x49: {  	s4 =	smul.u32 $0x1400, s25;
	_ =	sdelay $0x1  }
0x4a: {  	s4 =	sadd.s32 s12, s4  }
0x4b: {  	s4 =	sshrl.u32 s4, $0x3  }
0x4c: {  	s13 =	sadd.s32 s6, s4  }
0x4d: {  	[tilespmem:s19], [sflag:$0xB] =	stream.linear.gather [hbm4b:s13+s19], $0x1400, $0x38;
	[tilespmem:$0x1FCC0] =	vst v63  }
0x4e: {  	_ =	swait.ge [sflag:s21], $0x1400  }
0x4f: {  	[sflag:s21] =	ssyncset.done $0x0  }
0x50: {  	s22 =	simm.s32 $0x1400;
	s4 =	sadd.s32 s7, s4;
	[sflag:s21] =	ssyncadd.s32 $0xFFFFEC00  }
0x51: {  	[tilespmem:s22], [sflag:$0xB] =	stream.linear.gather [hbm4b:s4+s19], $0x1400, $0x38;
	[tilespmem:$0x1FCC0] =	vst v63  }
0x52: {  	_ =	swait.ge [sflag:s21], $0x1400  }
0x53: {  	[sflag:s21] =	ssyncset.done $0x0  }
0x54: {  	[sflag:s21] =	ssyncadd.s32 $0xFFFFEC00  }
0x55: {  	[tilespmem:s20], [sflag:$0x1] =	stream.indirect.gather [spmem:s3], $0x40, s19, s23, $0xb8;
	[tilespmem:$0x1FCC0] =	vst v63  }
0x56: {  	_ = 	snop  }
0x57: {  	[tilespmem:s26], [sflag:$0x2] =	stream.indirect.gather [spmem:s3], $0x40, s24, s23, $0xb8;
	[tilespmem:$0x1FCC0] =	vst v63  }
0x58: {  	_ = 	snop  }
0x59: {  	[tilespmem:s29], [sflag:$0x3] =	stream.indirect.gather [spmem:s3], $0x40, s28, s23, $0xb8;
	[tilespmem:$0x1FCC0] =	vst v63  }
0x5a: {  	_ = 	snop  }
0x5b: {  	[tilespmem:s31], [sflag:$0x4] =	stream.indirect.gather [spmem:s3], $0x40, s30, s23, $0xb8;
	[tilespmem:$0x1FCC0] =	vst v63  }
0x5c: {  	_ = 	snop  }
0x5d: {  	[tilespmem:s11], [sflag:$0x5] =	stream.indirect.gather [spmem:s3], $0x40, s0, s23, $0xb8;
	[tilespmem:$0x1FCC0] =	vst v63  }
0x5e: {  	_ =	swait.ge [sflag:s8], $0x1F40  }
0x5f: {  	[sflag:s8] =	ssyncset.done $0x0  }
0x60: {  	[sflag:s8] =	ssyncadd.s32 $0xFFFFE0C0  }
0x61: {  	_ =	swait.ge [sflag:s9], $0x1F40  }
0x62: {  	[sflag:s9] =	ssyncset.done $0x0  }
0x63: {  	[sflag:s9] =	ssyncadd.s32 $0xFFFFE0C0  }
0x64: {  	_ =	swait.ge [sflag:s14], $0x1F40  }
0x65: {  	[sflag:s14] =	ssyncset.done $0x0  }
0x66: {  	[sflag:s14] =	ssyncadd.s32 $0xFFFFE0C0  }
0x67: {  	_ =	swait.ge [sflag:s1], $0x1F40  }
0x68: {  	[sflag:s1] =	ssyncset.done $0x0  }
0x69: {  	[sflag:s1] =	ssyncadd.s32 $0xFFFFE0C0  }
0x6a: {  	_ =	swait.ge [sflag:s10], $0x1F40  }
0x6b: {  	[sflag:s10] =	ssyncset.done $0x0  }
0x6c: {  	s22 =	simm.s32 $0x1400;
	[sflag:s10] =	ssyncadd.s32 $0xFFFFE0C0  }
0x6d: {  	[spmem:s2] =	stream.indirect.scatter.add.f32 [tilespmem:s20], [sflag:$0x6], $0x40, s22, s23, $0xb8;
	[tilespmem:$0x1FCC0] =	vst v63  }
0x6e: {  	s13 =	simm.s32 $0x1480  }
0x6f: {  	[spmem:s2] =	stream.indirect.scatter.add.f32 [tilespmem:s26], [sflag:$0x7], $0x40, s13, s23, $0xb8;
	[tilespmem:$0x1FCC0] =	vst v63  }
0x70: {  	s22 =	simm.s32 $0x1500  }
0x71: {  	[spmem:s2] =	stream.indirect.scatter.add.f32 [tilespmem:s29], [sflag:$0x8], $0x40, s22, s23, $0xb8;
	[tilespmem:$0x1FCC0] =	vst v63  }
0x72: {  	s13 =	simm.s32 $0x1580  }
0x73: {  	[spmem:s2] =	stream.indirect.scatter.add.f32 [tilespmem:s31], [sflag:$0x9], $0x40, s13, s23, $0xb8;
	[tilespmem:$0x1FCC0] =	vst v63  }
0x74: {  	s22 =	simm.s32 $0x1600  }
0x75: {  	[spmem:s2] =	stream.indirect.scatter.add.f32 [tilespmem:s11], [sflag:$0xA], $0x40, s22, s23, $0xb8;
	[tilespmem:$0x1FCC0] =	vst v63  }
0x76: {  	_ =	swait.ge [sflag:s15], $0x1F40  }
0x77: {  	[sflag:s15] =	ssyncset.done $0x0  }
0x78: {  	s13 =	simm.s32 $0x280;
	[sflag:s15] =	ssyncadd.s32 $0xFFFFE0C0  }
0x79: {  	[tilespmem:s20], [sflag:$0x1] =	stream.indirect.gather [spmem:s3], $0x40, s13, s23, $0xb8;
	[tilespmem:$0x1FCC0] =	vst v63  }
0x7a: {  	_ =	swait.ge [sflag:s5], $0x1F40  }
0x7b: {  	[sflag:s5] =	ssyncset.done $0x0  }
0x7c: {  	s22 =	simm.s32 $0x300;
	[sflag:s5] =	ssyncadd.s32 $0xFFFFE0C0  }
0x7d: {  	[tilespmem:s26], [sflag:$0x2] =	stream.indirect.gather [spmem:s3], $0x40, s22, s23, $0xb8;
	[tilespmem:$0x1FCC0] =	vst v63  }
0x7e: {  	_ =	swait.ge [sflag:s16], $0x1F40  }
0x7f: {  	[sflag:s16] =	ssyncset.done $0x0  }
0x80: {  	s13 =	simm.s32 $0x380;
	[sflag:s16] =	ssyncadd.s32 $0xFFFFE0C0  }
0x81: {  	[tilespmem:s29], [sflag:$0x3] =	stream.indirect.gather [spmem:s3], $0x40, s13, s23, $0xb8;
	[tilespmem:$0x1FCC0] =	vst v63  }
0x82: {  	_ =	swait.ge [sflag:s17], $0x1F40  }
0x83: {  	[sflag:s17] =	ssyncset.done $0x0  }
0x84: {  	s22 =	simm.s32 $0x400;
	[sflag:s17] =	ssyncadd.s32 $0xFFFFE0C0  }
0x85: {  	[tilespmem:s31], [sflag:$0x4] =	stream.indirect.gather [spmem:s3], $0x40, s22, s23, $0xb8;
	[tilespmem:$0x1FCC0] =	vst v63  }
0x86: {  	_ =	swait.ge [sflag:s18], $0x1F40  }
0x87: {  	[sflag:s18] =	ssyncset.done $0x0  }
0x88: {  	s4 =	simm.s32 $0x480;
	s13 =	simm.s32 $0xA00;
	[sflag:s18] =	ssyncadd.s32 $0xFFFFE0C0  }
.LBB2_6:
0x89: {  	[tilespmem:s11], [sflag:$0x5] =	stream.indirect.gather [spmem:s3], $0x40, s4, s23, $0xb8;
	[tilespmem:$0x1FCC0] =	vst v63  }
0x8a: {  	s4 =	smov.u32 s13  }
0x8b: {  	p1 =	sne.s32 s13, $0x3C00;
	s13 =	sadd.s32 $0xA00, s13;
	_ =	swait.ge [sflag:s8], $0x1F40  }
0x8c: {  	[sflag:s8] =	ssyncset.done $0x0  }
0x8d: {  	[sflag:s8] =	ssyncadd.s32 $0xFFFFE0C0  }
0x8e: {  	_ =	swait.ge [sflag:s9], $0x1F40  }
0x8f: {  	[sflag:s9] =	ssyncset.done $0x0  }
0x90: {  	[sflag:s9] =	ssyncadd.s32 $0xFFFFE0C0  }
0x91: {  	_ =	swait.ge [sflag:s14], $0x1F40  }
0x92: {  	[sflag:s14] =	ssyncset.done $0x0  }
0x93: {  	[sflag:s14] =	ssyncadd.s32 $0xFFFFE0C0  }
0x94: {  	_ =	swait.ge [sflag:s1], $0x1F40  }
0x95: {  	[sflag:s1] =	ssyncset.done $0x0  }
0x96: {  	[sflag:s1] =	ssyncadd.s32 $0xFFFFE0C0  }
0x97: {  	_ =	swait.ge [sflag:s10], $0x1F40  }
0x98: {  	s4 =	sshra.s32 s4, $0x2;
	[sflag:s10] =	ssyncset.done $0x0  }
0x99: {  	s22 =	sadd.s32 $0x1400, s4;
	[sflag:s10] =	ssyncadd.s32 $0xFFFFE0C0  }
0x9a: {  	[spmem:s2] =	stream.indirect.scatter.add.f32 [tilespmem:s20], [sflag:$0x6], $0x40, s22, s23, $0xb8;
	[tilespmem:$0x1FCC0] =	vst v63  }
0x9b: {  	s22 =	sadd.s32 $0x1480, s4  }
0x9c: {  	[spmem:s2] =	stream.indirect.scatter.add.f32 [tilespmem:s26], [sflag:$0x7], $0x40, s22, s23, $0xb8;
	[tilespmem:$0x1FCC0] =	vst v63  }
0x9d: {  	s22 =	sadd.s32 $0x1500, s4  }
0x9e: {  	[spmem:s2] =	stream.indirect.scatter.add.f32 [tilespmem:s29], [sflag:$0x8], $0x40, s22, s23, $0xb8;
	[tilespmem:$0x1FCC0] =	vst v63  }
0x9f: {  	s22 =	sadd.s32 $0x1580, s4  }
0xa0: {  	[spmem:s2] =	stream.indirect.scatter.add.f32 [tilespmem:s31], [sflag:$0x9], $0x40, s22, s23, $0xb8;
	[tilespmem:$0x1FCC0] =	vst v63  }
0xa1: {  	s22 =	sadd.s32 $0x1600, s4  }
0xa2: {  	[spmem:s2] =	stream.indirect.scatter.add.f32 [tilespmem:s11], [sflag:$0xA], $0x40, s22, s23, $0xb8;
	[tilespmem:$0x1FCC0] =	vst v63  }
0xa3: {  	_ =	swait.ge [sflag:s15], $0x1F40  }
0xa4: {  	[sflag:s15] =	ssyncset.done $0x0  }
0xa5: {  	s22 =	sadd.s32 $0x280, s4;
	[sflag:s15] =	ssyncadd.s32 $0xFFFFE0C0  }
0xa6: {  	[tilespmem:s20], [sflag:$0x1] =	stream.indirect.gather [spmem:s3], $0x40, s22, s23, $0xb8;
	[tilespmem:$0x1FCC0] =	vst v63  }
0xa7: {  	_ =	swait.ge [sflag:s5], $0x1F40  }
0xa8: {  	[sflag:s5] =	ssyncset.done $0x0  }
0xa9: {  	s22 =	sadd.s32 $0x300, s4;
	[sflag:s5] =	ssyncadd.s32 $0xFFFFE0C0  }
0xaa: {  	[tilespmem:s26], [sflag:$0x2] =	stream.indirect.gather [spmem:s3], $0x40, s22, s23, $0xb8;
	[tilespmem:$0x1FCC0] =	vst v63  }
0xab: {  	_ =	swait.ge [sflag:s16], $0x1F40  }
0xac: {  	[sflag:s16] =	ssyncset.done $0x0  }
0xad: {  	s22 =	sadd.s32 $0x380, s4;
	[sflag:s16] =	ssyncadd.s32 $0xFFFFE0C0  }
0xae: {  	[tilespmem:s29], [sflag:$0x3] =	stream.indirect.gather [spmem:s3], $0x40, s22, s23, $0xb8;
	[tilespmem:$0x1FCC0] =	vst v63  }
0xaf: {  	_ =	swait.ge [sflag:s17], $0x1F40  }
0xb0: {  	[sflag:s17] =	ssyncset.done $0x0  }
.Ltmp4:
0xb1: {  	s22 =	sadd.s32 $0x400, s4;
	[sflag:s17] =	ssyncadd.s32 $0xFFFFE0C0;
	(pc) =	sbr.rel @p1 .LBB2_6-.Ltmp4, $4  }
0xb2: {  	[tilespmem:s31], [sflag:$0x4] =	stream.indirect.gather [spmem:s3], $0x40, s22, s23, $0xb8;
	[tilespmem:$0x1FCC0] =	vst v63  }
0xb3: {  	_ =	swait.ge [sflag:s18], $0x1F40  }
0xb4: {  	[sflag:s18] =	ssyncset.done $0x0  }
0xb5: {  	s4 =	sadd.s32 $0x480, s4;
	[sflag:s18] =	ssyncadd.s32 $0xFFFFE0C0  }
0xb6: {  	[tilespmem:s11], [sflag:$0x5] =	stream.indirect.gather [spmem:s3], $0x40, s4, s23, $0xb8;
	[tilespmem:$0x1FCC0] =	vst v63  }
0xb7: {  	_ =	swait.ge [sflag:s8], $0x1F40  }
0xb8: {  	[sflag:s8] =	ssyncset.done $0x0  }
0xb9: {  	[sflag:s8] =	ssyncadd.s32 $0xFFFFE0C0  }
0xba: {  	_ =	swait.ge [sflag:s9], $0x1F40  }
0xbb: {  	[sflag:s9] =	ssyncset.done $0x0  }
0xbc: {  	[sflag:s9] =	ssyncadd.s32 $0xFFFFE0C0  }
0xbd: {  	_ =	swait.ge [sflag:s14], $0x1F40  }
0xbe: {  	[sflag:s14] =	ssyncset.done $0x0  }
0xbf: {  	[sflag:s14] =	ssyncadd.s32 $0xFFFFE0C0  }
0xc0: {  	_ =	swait.ge [sflag:s1], $0x1F40  }
0xc1: {  	[sflag:s1] =	ssyncset.done $0x0  }
0xc2: {  	[sflag:s1] =	ssyncadd.s32 $0xFFFFE0C0  }
0xc3: {  	_ =	swait.ge [sflag:s10], $0x1F40  }
0xc4: {  	[sflag:s10] =	ssyncset.done $0x0  }
0xc5: {  	s13 =	simm.s32 $0x2580;
	[sflag:s10] =	ssyncadd.s32 $0xFFFFE0C0  }
0xc6: {  	[spmem:s2] =	stream.indirect.scatter.add.f32 [tilespmem:s20], [sflag:$0x6], $0x40, s13, s23, $0xb8;
	[tilespmem:$0x1FCC0] =	vst v63  }
0xc7: {  	s22 =	simm.s32 $0x2600  }
0xc8: {  	[spmem:s2] =	stream.indirect.scatter.add.f32 [tilespmem:s26], [sflag:$0x7], $0x40, s22, s23, $0xb8;
	[tilespmem:$0x1FCC0] =	vst v63  }
0xc9: {  	s13 =	simm.s32 $0x2680  }
0xca: {  	[spmem:s2] =	stream.indirect.scatter.add.f32 [tilespmem:s29], [sflag:$0x8], $0x40, s13, s23, $0xb8;
	[tilespmem:$0x1FCC0] =	vst v63  }
0xcb: {  	s22 =	simm.s32 $0x2700  }
0xcc: {  	[spmem:s2] =	stream.indirect.scatter.add.f32 [tilespmem:s31], [sflag:$0x9], $0x40, s22, s23, $0xb8;
	[tilespmem:$0x1FCC0] =	vst v63  }
0xcd: {  	s13 =	simm.s32 $0x2780  }
0xce: {  	[spmem:s2] =	stream.indirect.scatter.add.f32 [tilespmem:s11], [sflag:$0xA], $0x40, s13, s23, $0xb8;
	[tilespmem:$0x1FCC0] =	vst v63  }
0xcf: {  	_ =	swait.ge [sflag:s15], $0x1F40  }
0xd0: {  	[sflag:s15] =	ssyncset.done $0x0  }
0xd1: {  	s22 =	simm.s32 $0x0;
	[sflag:s15] =	ssyncadd.s32 $0xFFFFE0C0  }
0xd2: {  	[tilespmem:s20], [sflag:$0x1] =	stream.indirect.gather [spmem:s3], $0x40, s22, s23, $0xb8;
	[tilespmem:$0x1FCC0] =	vst v63  }
0xd3: {  	_ =	swait.ge [sflag:s5], $0x1F40  }
0xd4: {  	[sflag:s5] =	ssyncset.done $0x0  }
0xd5: {  	[sflag:s5] =	ssyncadd.s32 $0xFFFFE0C0  }
0xd6: {  	[tilespmem:s26], [sflag:$0x2] =	stream.indirect.gather [spmem:s3], $0x40, s24, s23, $0xb8;
	[tilespmem:$0x1FCC0] =	vst v63  }
0xd7: {  	_ =	swait.ge [sflag:s16], $0x1F40  }
0xd8: {  	[sflag:s16] =	ssyncset.done $0x0  }
0xd9: {  	[sflag:s16] =	ssyncadd.s32 $0xFFFFE0C0  }
0xda: {  	[tilespmem:s29], [sflag:$0x3] =	stream.indirect.gather [spmem:s3], $0x40, s28, s23, $0xb8;
	[tilespmem:$0x1FCC0] =	vst v63  }
0xdb: {  	_ =	swait.ge [sflag:s17], $0x1F40  }
0xdc: {  	[sflag:s17] =	ssyncset.done $0x0  }
0xdd: {  	[sflag:s17] =	ssyncadd.s32 $0xFFFFE0C0  }
0xde: {  	[tilespmem:s31], [sflag:$0x4] =	stream.indirect.gather [spmem:s3], $0x40, s30, s23, $0xb8;
	[tilespmem:$0x1FCC0] =	vst v63  }
0xdf: {  	_ =	swait.ge [sflag:s18], $0x1F40  }
0xe0: {  	[sflag:s18] =	ssyncset.done $0x0  }
0xe1: {  	[sflag:s18] =	ssyncadd.s32 $0xFFFFE0C0  }
0xe2: {  	[tilespmem:s11], [sflag:$0x5] =	stream.indirect.gather [spmem:s3], $0x40, s0, s23, $0xb8;
	[tilespmem:$0x1FCC0] =	vst v63  }
0xe3: {  	_ =	swait.ge [sflag:s8], $0x1F40  }
0xe4: {  	[sflag:s8] =	ssyncset.done $0x0  }
0xe5: {  	[sflag:s8] =	ssyncadd.s32 $0xFFFFE0C0  }
0xe6: {  	_ =	swait.ge [sflag:s9], $0x1F40  }
0xe7: {  	[sflag:s9] =	ssyncset.done $0x0  }
0xe8: {  	[sflag:s9] =	ssyncadd.s32 $0xFFFFE0C0  }
0xe9: {  	_ =	swait.ge [sflag:s14], $0x1F40  }
0xea: {  	[sflag:s14] =	ssyncset.done $0x0  }
0xeb: {  	s25 =	sadd.s32 $0x1, s25;
	[sflag:s14] =	ssyncadd.s32 $0xFFFFE0C0  }
0xec: {  	p1 =	seq.s32 s25, $0x4;
	_ =	swait.ge [sflag:s1], $0x1F40  }
.Ltmp5:
0xed: {  	[sflag:s1] =	ssyncset.done $0x0;
	(pc) =	sbr.rel @!p1 .LBB2_5-.Ltmp5, $4  }
0xee: {  	[sflag:s1] =	ssyncadd.s32 $0xFFFFE0C0  }
0xef: {  	_ =	swait.ge [sflag:s10], $0x1F40  }
0xf0: {  	[sflag:s10] =	ssyncset.done $0x0  }
0xf1: {  	[sflag:s10] =	ssyncadd.s32 $0xFFFFE0C0  }
.Ltmp6:
0xf2: {  	(pc) =	sbr.rel .LBB2_14-.Ltmp6, $3  }
0xf3: {  	_ =	sdelay $0x1  }
0xf4: {  	s4 =	rddreg [dreg:$0x5]  }
0xf5: {  	s19 =	rddreg [dreg:$0x11]  }
.LBB2_9:
0xf6: {  	s13 =	rddreg [dreg:$0x8]  }
0xf7: {  	[dreg:$0x12] =	wrdreg s19  }
0xf8: {  	[spmem:s4], [sflag:s19] =	dma.local [hbm:s13], $0x1388  }
0xf9: {  	_ =	swait.ge [sflag:s21], $0x1388  }
0xfa: {  	[sflag:s21] =	ssyncset.done $0x0  }
0xfb: {  	[sflag:s21] =	ssyncadd.s32 $0xFFFFEC78  }
0xfc: {  	s25 =	simm.s32 $0x0;
	s19 =	simm.s32 $0x0;
	[bflag:$0x0] =	sbarrier.arrive $0xFFFF  }
.LBB2_10:
0xfd: {  	s4 =	smul.u32 $0x1400, s25;
	_ =	sdelay $0x1  }
0xfe: {  	s4 =	sadd.s32 s12, s4  }
0xff: {  	s4 =	sshrl.u32 s4, $0x3  }
0x100: {  	s13 =	sadd.s32 s6, s4  }
0x101: {  	[tilespmem:s19], [sflag:$0xB] =	stream.linear.gather [hbm4b:s13+s19], $0x1400, $0x38;
	[tilespmem:$0x1FCC0] =	vst v63  }
0x102: {  	_ =	swait.ge [sflag:s21], $0x1400  }
0x103: {  	[sflag:s21] =	ssyncset.done $0x0  }
0x104: {  	s22 =	simm.s32 $0x1400;
	s4 =	sadd.s32 s7, s4;
	[sflag:s21] =	ssyncadd.s32 $0xFFFFEC00  }
0x105: {  	[tilespmem:s22], [sflag:$0xB] =	stream.linear.gather [hbm4b:s4+s19], $0x1400, $0x38;
	[tilespmem:$0x1FCC0] =	vst v63  }
0x106: {  	_ =	swait.ge [sflag:s21], $0x1400  }
0x107: {  	[sflag:s21] =	ssyncset.done $0x0  }
0x108: {  	[sflag:s21] =	ssyncadd.s32 $0xFFFFEC00  }
0x109: {  	[tilespmem:s20], [sflag:$0x1] =	stream.indirect.gather [spmem:s3], $0x40, s19, s23, $0xb8;
	[tilespmem:$0x1FCC0] =	vst v63  }
0x10a: {  	_ = 	snop  }
0x10b: {  	[tilespmem:s26], [sflag:$0x2] =	stream.indirect.gather [spmem:s3], $0x40, s24, s23, $0xb8;
	[tilespmem:$0x1FCC0] =	vst v63  }
0x10c: {  	_ = 	snop  }
0x10d: {  	[tilespmem:s29], [sflag:$0x3] =	stream.indirect.gather [spmem:s3], $0x40, s28, s23, $0xb8;
	[tilespmem:$0x1FCC0] =	vst v63  }
0x10e: {  	_ = 	snop  }
0x10f: {  	[tilespmem:s31], [sflag:$0x4] =	stream.indirect.gather [spmem:s3], $0x40, s30, s23, $0xb8;
	[tilespmem:$0x1FCC0] =	vst v63  }
0x110: {  	_ = 	snop  }
0x111: {  	[tilespmem:s11], [sflag:$0x5] =	stream.indirect.gather [spmem:s3], $0x40, s0, s23, $0xb8;
	[tilespmem:$0x1FCC0] =	vst v63  }
0x112: {  	_ =	swait.ge [sflag:s8], $0x1F40  }
0x113: {  	[sflag:s8] =	ssyncset.done $0x0  }
0x114: {  	[sflag:s8] =	ssyncadd.s32 $0xFFFFE0C0  }
0x115: {  	_ =	swait.ge [sflag:s9], $0x1F40  }
0x116: {  	[sflag:s9] =	ssyncset.done $0x0  }
0x117: {  	[sflag:s9] =	ssyncadd.s32 $0xFFFFE0C0  }
0x118: {  	_ =	swait.ge [sflag:s14], $0x1F40  }
0x119: {  	[sflag:s14] =	ssyncset.done $0x0  }
0x11a: {  	[sflag:s14] =	ssyncadd.s32 $0xFFFFE0C0  }
0x11b: {  	_ =	swait.ge [sflag:s1], $0x1F40  }
0x11c: {  	[sflag:s1] =	ssyncset.done $0x0  }
0x11d: {  	[sflag:s1] =	ssyncadd.s32 $0xFFFFE0C0  }
0x11e: {  	_ =	swait.ge [sflag:s10], $0x1F40  }
0x11f: {  	[sflag:s10] =	ssyncset.done $0x0  }
0x120: {  	s22 =	simm.s32 $0x1400;
	[sflag:s10] =	ssyncadd.s32 $0xFFFFE0C0  }
0x121: {  	[spmem:s2] =	stream.indirect.scatter.add.f32 [tilespmem:s20], [sflag:$0x6], $0x40, s22, s23, $0xb8;
	[tilespmem:$0x1FCC0] =	vst v63  }
0x122: {  	s13 =	simm.s32 $0x1480  }
0x123: {  	[spmem:s2] =	stream.indirect.scatter.add.f32 [tilespmem:s26], [sflag:$0x7], $0x40, s13, s23, $0xb8;
	[tilespmem:$0x1FCC0] =	vst v63  }
0x124: {  	s22 =	simm.s32 $0x1500  }
0x125: {  	[spmem:s2] =	stream.indirect.scatter.add.f32 [tilespmem:s29], [sflag:$0x8], $0x40, s22, s23, $0xb8;
	[tilespmem:$0x1FCC0] =	vst v63  }
0x126: {  	s13 =	simm.s32 $0x1580  }
0x127: {  	[spmem:s2] =	stream.indirect.scatter.add.f32 [tilespmem:s31], [sflag:$0x9], $0x40, s13, s23, $0xb8;
	[tilespmem:$0x1FCC0] =	vst v63  }
0x128: {  	s22 =	simm.s32 $0x1600  }
0x129: {  	[spmem:s2] =	stream.indirect.scatter.add.f32 [tilespmem:s11], [sflag:$0xA], $0x40, s22, s23, $0xb8;
	[tilespmem:$0x1FCC0] =	vst v63  }
0x12a: {  	_ =	swait.ge [sflag:s15], $0x1F40  }
0x12b: {  	[sflag:s15] =	ssyncset.done $0x0  }
0x12c: {  	s13 =	simm.s32 $0x280;
	[sflag:s15] =	ssyncadd.s32 $0xFFFFE0C0  }
0x12d: {  	[tilespmem:s20], [sflag:$0x1] =	stream.indirect.gather [spmem:s3], $0x40, s13, s23, $0xb8;
	[tilespmem:$0x1FCC0] =	vst v63  }
0x12e: {  	_ =	swait.ge [sflag:s5], $0x1F40  }
0x12f: {  	[sflag:s5] =	ssyncset.done $0x0  }
0x130: {  	s22 =	simm.s32 $0x300;
	[sflag:s5] =	ssyncadd.s32 $0xFFFFE0C0  }
0x131: {  	[tilespmem:s26], [sflag:$0x2] =	stream.indirect.gather [spmem:s3], $0x40, s22, s23, $0xb8;
	[tilespmem:$0x1FCC0] =	vst v63  }
0x132: {  	_ =	swait.ge [sflag:s16], $0x1F40  }
0x133: {  	[sflag:s16] =	ssyncset.done $0x0  }
0x134: {  	s13 =	simm.s32 $0x380;
	[sflag:s16] =	ssyncadd.s32 $0xFFFFE0C0  }
0x135: {  	[tilespmem:s29], [sflag:$0x3] =	stream.indirect.gather [spmem:s3], $0x40, s13, s23, $0xb8;
	[tilespmem:$0x1FCC0] =	vst v63  }
0x136: {  	_ =	swait.ge [sflag:s17], $0x1F40  }
0x137: {  	[sflag:s17] =	ssyncset.done $0x0  }
0x138: {  	s22 =	simm.s32 $0x400;
	[sflag:s17] =	ssyncadd.s32 $0xFFFFE0C0  }
0x139: {  	[tilespmem:s31], [sflag:$0x4] =	stream.indirect.gather [spmem:s3], $0x40, s22, s23, $0xb8;
	[tilespmem:$0x1FCC0] =	vst v63  }
0x13a: {  	_ =	swait.ge [sflag:s18], $0x1F40  }
0x13b: {  	[sflag:s18] =	ssyncset.done $0x0  }
0x13c: {  	s4 =	simm.s32 $0x480;
	s13 =	simm.s32 $0xA00;
	[sflag:s18] =	ssyncadd.s32 $0xFFFFE0C0  }
.LBB2_11:
0x13d: {  	[tilespmem:s11], [sflag:$0x5] =	stream.indirect.gather [spmem:s3], $0x40, s4, s23, $0xb8;
	[tilespmem:$0x1FCC0] =	vst v63  }
0x13e: {  	s4 =	smov.u32 s13  }
0x13f: {  	p1 =	sne.s32 s13, $0x3C00;
	s13 =	sadd.s32 $0xA00, s13;
	_ =	swait.ge [sflag:s8], $0x1F40  }
0x140: {  	[sflag:s8] =	ssyncset.done $0x0  }
0x141: {  	[sflag:s8] =	ssyncadd.s32 $0xFFFFE0C0  }
0x142: {  	_ =	swait.ge [sflag:s9], $0x1F40  }
0x143: {  	[sflag:s9] =	ssyncset.done $0x0  }
0x144: {  	[sflag:s9] =	ssyncadd.s32 $0xFFFFE0C0  }
0x145: {  	_ =	swait.ge [sflag:s14], $0x1F40  }
0x146: {  	[sflag:s14] =	ssyncset.done $0x0  }
0x147: {  	[sflag:s14] =	ssyncadd.s32 $0xFFFFE0C0  }
0x148: {  	_ =	swait.ge [sflag:s1], $0x1F40  }
0x149: {  	[sflag:s1] =	ssyncset.done $0x0  }
0x14a: {  	[sflag:s1] =	ssyncadd.s32 $0xFFFFE0C0  }
0x14b: {  	_ =	swait.ge [sflag:s10], $0x1F40  }
0x14c: {  	s4 =	sshra.s32 s4, $0x2;
	[sflag:s10] =	ssyncset.done $0x0  }
0x14d: {  	s22 =	sadd.s32 $0x1400, s4;
	[sflag:s10] =	ssyncadd.s32 $0xFFFFE0C0  }
0x14e: {  	[spmem:s2] =	stream.indirect.scatter.add.f32 [tilespmem:s20], [sflag:$0x6], $0x40, s22, s23, $0xb8;
	[tilespmem:$0x1FCC0] =	vst v63  }
0x14f: {  	s22 =	sadd.s32 $0x1480, s4  }
0x150: {  	[spmem:s2] =	stream.indirect.scatter.add.f32 [tilespmem:s26], [sflag:$0x7], $0x40, s22, s23, $0xb8;
	[tilespmem:$0x1FCC0] =	vst v63  }
0x151: {  	s22 =	sadd.s32 $0x1500, s4  }
0x152: {  	[spmem:s2] =	stream.indirect.scatter.add.f32 [tilespmem:s29], [sflag:$0x8], $0x40, s22, s23, $0xb8;
	[tilespmem:$0x1FCC0] =	vst v63  }
0x153: {  	s22 =	sadd.s32 $0x1580, s4  }
0x154: {  	[spmem:s2] =	stream.indirect.scatter.add.f32 [tilespmem:s31], [sflag:$0x9], $0x40, s22, s23, $0xb8;
	[tilespmem:$0x1FCC0] =	vst v63  }
0x155: {  	s22 =	sadd.s32 $0x1600, s4  }
0x156: {  	[spmem:s2] =	stream.indirect.scatter.add.f32 [tilespmem:s11], [sflag:$0xA], $0x40, s22, s23, $0xb8;
	[tilespmem:$0x1FCC0] =	vst v63  }
0x157: {  	_ =	swait.ge [sflag:s15], $0x1F40  }
0x158: {  	[sflag:s15] =	ssyncset.done $0x0  }
0x159: {  	s22 =	sadd.s32 $0x280, s4;
	[sflag:s15] =	ssyncadd.s32 $0xFFFFE0C0  }
0x15a: {  	[tilespmem:s20], [sflag:$0x1] =	stream.indirect.gather [spmem:s3], $0x40, s22, s23, $0xb8;
	[tilespmem:$0x1FCC0] =	vst v63  }
0x15b: {  	_ =	swait.ge [sflag:s5], $0x1F40  }
0x15c: {  	[sflag:s5] =	ssyncset.done $0x0  }
0x15d: {  	s22 =	sadd.s32 $0x300, s4;
	[sflag:s5] =	ssyncadd.s32 $0xFFFFE0C0  }
0x15e: {  	[tilespmem:s26], [sflag:$0x2] =	stream.indirect.gather [spmem:s3], $0x40, s22, s23, $0xb8;
	[tilespmem:$0x1FCC0] =	vst v63  }
0x15f: {  	_ =	swait.ge [sflag:s16], $0x1F40  }
0x160: {  	[sflag:s16] =	ssyncset.done $0x0  }
0x161: {  	s22 =	sadd.s32 $0x380, s4;
	[sflag:s16] =	ssyncadd.s32 $0xFFFFE0C0  }
0x162: {  	[tilespmem:s29], [sflag:$0x3] =	stream.indirect.gather [spmem:s3], $0x40, s22, s23, $0xb8;
	[tilespmem:$0x1FCC0] =	vst v63  }
0x163: {  	_ =	swait.ge [sflag:s17], $0x1F40  }
0x164: {  	[sflag:s17] =	ssyncset.done $0x0  }
.Ltmp7:
0x165: {  	s22 =	sadd.s32 $0x400, s4;
	[sflag:s17] =	ssyncadd.s32 $0xFFFFE0C0;
	(pc) =	sbr.rel @p1 .LBB2_11-.Ltmp7, $4  }
0x166: {  	[tilespmem:s31], [sflag:$0x4] =	stream.indirect.gather [spmem:s3], $0x40, s22, s23, $0xb8;
	[tilespmem:$0x1FCC0] =	vst v63  }
0x167: {  	_ =	swait.ge [sflag:s18], $0x1F40  }
0x168: {  	[sflag:s18] =	ssyncset.done $0x0  }
0x169: {  	s4 =	sadd.s32 $0x480, s4;
	[sflag:s18] =	ssyncadd.s32 $0xFFFFE0C0  }
0x16a: {  	[tilespmem:s11], [sflag:$0x5] =	stream.indirect.gather [spmem:s3], $0x40, s4, s23, $0xb8;
	[tilespmem:$0x1FCC0] =	vst v63  }
0x16b: {  	_ =	swait.ge [sflag:s8], $0x1F40  }
0x16c: {  	[sflag:s8] =	ssyncset.done $0x0  }
0x16d: {  	[sflag:s8] =	ssyncadd.s32 $0xFFFFE0C0  }
0x16e: {  	_ =	swait.ge [sflag:s9], $0x1F40  }
0x16f: {  	[sflag:s9] =	ssyncset.done $0x0  }
0x170: {  	[sflag:s9] =	ssyncadd.s32 $0xFFFFE0C0  }
0x171: {  	_ =	swait.ge [sflag:s14], $0x1F40  }
0x172: {  	[sflag:s14] =	ssyncset.done $0x0  }
0x173: {  	[sflag:s14] =	ssyncadd.s32 $0xFFFFE0C0  }
0x174: {  	_ =	swait.ge [sflag:s1], $0x1F40  }
0x175: {  	[sflag:s1] =	ssyncset.done $0x0  }
0x176: {  	[sflag:s1] =	ssyncadd.s32 $0xFFFFE0C0  }
0x177: {  	_ =	swait.ge [sflag:s10], $0x1F40  }
0x178: {  	[sflag:s10] =	ssyncset.done $0x0  }
0x179: {  	s13 =	simm.s32 $0x2580;
	[sflag:s10] =	ssyncadd.s32 $0xFFFFE0C0  }
0x17a: {  	[spmem:s2] =	stream.indirect.scatter.add.f32 [tilespmem:s20], [sflag:$0x6], $0x40, s13, s23, $0xb8;
	[tilespmem:$0x1FCC0] =	vst v63  }
0x17b: {  	s22 =	simm.s32 $0x2600  }
0x17c: {  	[spmem:s2] =	stream.indirect.scatter.add.f32 [tilespmem:s26], [sflag:$0x7], $0x40, s22, s23, $0xb8;
	[tilespmem:$0x1FCC0] =	vst v63  }
0x17d: {  	s13 =	simm.s32 $0x2680  }
0x17e: {  	[spmem:s2] =	stream.indirect.scatter.add.f32 [tilespmem:s29], [sflag:$0x8], $0x40, s13, s23, $0xb8;
	[tilespmem:$0x1FCC0] =	vst v63  }
0x17f: {  	s22 =	simm.s32 $0x2700  }
0x180: {  	[spmem:s2] =	stream.indirect.scatter.add.f32 [tilespmem:s31], [sflag:$0x9], $0x40, s22, s23, $0xb8;
	[tilespmem:$0x1FCC0] =	vst v63  }
0x181: {  	s13 =	simm.s32 $0x2780  }
0x182: {  	[spmem:s2] =	stream.indirect.scatter.add.f32 [tilespmem:s11], [sflag:$0xA], $0x40, s13, s23, $0xb8;
	[tilespmem:$0x1FCC0] =	vst v63  }
0x183: {  	_ =	swait.ge [sflag:s15], $0x1F40  }
0x184: {  	[sflag:s15] =	ssyncset.done $0x0  }
0x185: {  	s22 =	simm.s32 $0x0;
	[sflag:s15] =	ssyncadd.s32 $0xFFFFE0C0  }
0x186: {  	[tilespmem:s20], [sflag:$0x1] =	stream.indirect.gather [spmem:s3], $0x40, s22, s23, $0xb8;
	[tilespmem:$0x1FCC0] =	vst v63  }
0x187: {  	_ =	swait.ge [sflag:s5], $0x1F40  }
0x188: {  	[sflag:s5] =	ssyncset.done $0x0  }
0x189: {  	[sflag:s5] =	ssyncadd.s32 $0xFFFFE0C0  }
0x18a: {  	[tilespmem:s26], [sflag:$0x2] =	stream.indirect.gather [spmem:s3], $0x40, s24, s23, $0xb8;
	[tilespmem:$0x1FCC0] =	vst v63  }
0x18b: {  	_ =	swait.ge [sflag:s16], $0x1F40  }
0x18c: {  	[sflag:s16] =	ssyncset.done $0x0  }
0x18d: {  	[sflag:s16] =	ssyncadd.s32 $0xFFFFE0C0  }
0x18e: {  	[tilespmem:s29], [sflag:$0x3] =	stream.indirect.gather [spmem:s3], $0x40, s28, s23, $0xb8;
	[tilespmem:$0x1FCC0] =	vst v63  }
0x18f: {  	_ =	swait.ge [sflag:s17], $0x1F40  }
0x190: {  	[sflag:s17] =	ssyncset.done $0x0  }
0x191: {  	[sflag:s17] =	ssyncadd.s32 $0xFFFFE0C0  }
0x192: {  	[tilespmem:s31], [sflag:$0x4] =	stream.indirect.gather [spmem:s3], $0x40, s30, s23, $0xb8;
	[tilespmem:$0x1FCC0] =	vst v63  }
0x193: {  	_ =	swait.ge [sflag:s18], $0x1F40  }
0x194: {  	[sflag:s18] =	ssyncset.done $0x0  }
0x195: {  	[sflag:s18] =	ssyncadd.s32 $0xFFFFE0C0  }
0x196: {  	[tilespmem:s11], [sflag:$0x5] =	stream.indirect.gather [spmem:s3], $0x40, s0, s23, $0xb8;
	[tilespmem:$0x1FCC0] =	vst v63  }
0x197: {  	_ =	swait.ge [sflag:s8], $0x1F40  }
0x198: {  	[sflag:s8] =	ssyncset.done $0x0  }
0x199: {  	[sflag:s8] =	ssyncadd.s32 $0xFFFFE0C0  }
0x19a: {  	_ =	swait.ge [sflag:s9], $0x1F40  }
0x19b: {  	[sflag:s9] =	ssyncset.done $0x0  }
0x19c: {  	[sflag:s9] =	ssyncadd.s32 $0xFFFFE0C0  }
0x19d: {  	_ =	swait.ge [sflag:s14], $0x1F40  }
0x19e: {  	[sflag:s14] =	ssyncset.done $0x0  }
0x19f: {  	s25 =	sadd.s32 $0x1, s25;
	[sflag:s14] =	ssyncadd.s32 $0xFFFFE0C0  }
0x1a0: {  	p1 =	sne.s32 s25, $0x4;
	_ =	swait.ge [sflag:s1], $0x1F40  }
.Ltmp8:
0x1a1: {  	[sflag:s1] =	ssyncset.done $0x0;
	(pc) =	sbr.rel @p1 .LBB2_10-.Ltmp8, $4  }
0x1a2: {  	[sflag:s1] =	ssyncadd.s32 $0xFFFFE0C0  }
0x1a3: {  	_ =	swait.ge [sflag:s10], $0x1F40  }
0x1a4: {  	[sflag:s10] =	ssyncset.done $0x0  }
0x1a5: {  	[sflag:s10] =	ssyncadd.s32 $0xFFFFE0C0  }
.Ltmp9:
0x1a6: {  	(pc) =	sbr.rel .LBB2_14-.Ltmp9, $3  }
0x1a7: {  	_ =	sdelay $0x1  }
0x1a8: {  	s4 =	rddreg [dreg:$0x6]  }
0x1a9: {  	s19 =	rddreg [dreg:$0x11]  }
.LBB2_15:
0x1aa: {  	_ =	sfence.sel $0x180000  }
0x1ab: {  	[bflag:$0x0] =	sbarrier.arrive $0xFFFF  }
0x1ac: {  	_ =	strace $0x9000004A  }
0x1ad: {  	s0 =	stileid.u32;
	[bflag:$0x2] =	sbarrier.arrive $0xFFFF  }
0x1ae: {  	p0 =	sne.s32 s0, $0x0;
	s0 =	rddreg [dreg:$0x3]  }
0x1af: {  	s0 =	sadd.s32 @!p0 $0x100000, s0  }
0x1b0: {  	[sflag:s0] =	ssyncadd.tile.s32 @!p0 $0x1;
	_ =	shalt  }
.Lfunc_end2:
_tile_overlayer_lowered:
.L_overlay_start_2:
0x1b1: {  	(tag) =	ssettag $0x2  }
0x1b2: {  	s0 =	rddreg [dreg:$0x0];
	s2 =	stileid.u32  }
0x1b3: {  	s1 =	rddreg [dreg:$0x1];
	p0 =	sne.s32 s2, $0x0  }
0x1b4: {  	s3 =	rddreg [dreg:$0x2];
	[bflag:$0x3] =	sbarrier.arrive $0xFFFF;
	s2 =	simm.s32 @!p0 $0x1C0B  }
0x1b5: {  	[timem:s3], [sflag:s2] =	dma.local @!p0 [hbm:s0], s1  }
0x1b6: {  	s0 =	simm.s32 @!p0 $0xB  }
0x1b7: {  	_ =	swait.ge @!p0 [sflag:s0], s1  }
0x1b8: {  	s1 =	ssub.s32 @!p0 $0x0, s1;
	[sflag:s0] =	ssyncset.done @!p0 $0x0  }
0x1b9: {  	[sflag:s0] =	ssyncadd.s32 @!p0 s1  }
0x1ba: {  	[bflag:$0x3] =	sbarrier.arrive $0xFFFF  }
0x1bb: {  	_ =	shalt  }

// kernel: kernel.15.cloned.1.call-start
scs
__scs_entry_jumppad:
0x0: {  	(pc) =	sbr.rel $0x88, $3  }
0x1: {  	(tag) =	ssettag $0x0;
	lr =	simm.s32 $0x1  }
0x2: {  	[smem:$0x3F9B] =	sst lr;
	_ =	strace $0xD0000000  }
0x3: {  	_ = 	snop  }
0x4: {  	_ = 	snop  }
0x5: {  	_ = 	snop  }
0x6: {  	_ = 	snop  }
0x7: {  	_ = 	snop  }
__scs_overlays_trampoline_lowered:
0x8: {  	[smem:$0x3FAA] =	sst s0  }
0x9: {  	[smem:$0x3FAB] =	sst s1  }
0xa: {  	[smem:$0x3FAC] =	sst s2  }
0xb: {  	[smem:$0x3FAD] =	sst s3  }
0xc: {  	[smem:$0x3FAE] =	sst s4  }
0xd: {  	[smem:$0x3FAF] =	sst s5  }
0xe: {  	[smem:$0x3FB0] =	sst s6  }
0xf: {  	[smem:$0x3FB1] =	sst s7  }
0x10: {  	[smem:$0x3FB2] =	sst s8  }
0x11: {  	[smem:$0x3FB3] =	sst s9;
	s0 =	simm.s32 @!p0 $0x0  }
0x12: {  	s1 =	sld [smem:$0x3F99];
	s0 =	simm.s32 @p0 $0x1  }
0x13: {  	[smem:$0x3FB4] =	sst s0;
	s0 =	simm.s32 @!p1 $0x0  }
0x14: {  	s2 =	sld [smem:$0x3F98];
	s0 =	simm.s32 @p1 $0x1  }
0x15: {  	[smem:$0x3FB5] =	sst s0;
	s0 =	simm.s32 @!p2 $0x0  }
0x16: {  	s3 =	sld [smem:$0x3FDB];
	s0 =	simm.s32 @p2 $0x1  }
0x17: {  	s4 =	simm.s32 $0x1BF5;
	[smem:$0x3FB7] =	sst s0  }
0x18: {  	s0 =	sld [smem:$0x3F9A];
	_ =	swait.ge [sflag:s4], $0x0  }
0x19: {  	s7 =	sld [smem:$0x3F9B]  }
0x1a: {  	s8 =	sadd.s32 $0xFFFFE003, lr  }
0x1b: {  	s9 =	sadd.s32 $0xFFFFFEF7, lr;
	s5 =	simm.s32 $0xFFFFFFFF;
	p2 =	slt.u32 s8, $0xFFFFF086  }
0x1c: {  	p1 =	slt.u32 s9, $0xF7A;
	s5 =	simm.s32 @!p2 $0x0  }
0x1d: {  	s5 =	simm.s32 @p1 $0x1;
	p0 =	seq.s32 s7, s2  }
0x1e: {  	s7 =	smul.u32 @!p0 $0xF7A, s2;
	p2 =	seq.s32 @!p0 s5, $0x0  }
0x1f: {  	s9 =	smul.u32 $0xF7A, s1;
	s8 =	simm.s32 @!p0 $0x1BF5;
	p2 =	por !p2, p0  }
0x20: {  	[sflag:s8] =	ssyncset.s32 @!p0 $0xFFFFF086;
	s6 =	sadd.s32 @!p0 s3, s7;
	s7 =	simm.s32 @!p0 $0x108  }
0x21: {  	s3 =	sadd.s32 s3, s9;
	s6 =	sadd.s32 @!p0 $0x88, s6;
	s7 =	simm.s32 @p2 $0x1082  }
0x22: {  	[simem:s7], [sflag:s8] =	dma.local @!p0 [hbm:s6], $0xF7A  }
0x23: {  	s9 =	sor.u32 $0xD0000000, s2;
	s6 =	simm.s32 $0x108;
	_ =	swait.ge @!p0 [sflag:s8], $0x0  }
0x24: {  	s3 =	sadd.s32 $0x88, s3;
	s6 =	simm.s32 @!p1 $0x1082;
	[sflag:s4] =	ssyncset.s32 $0xFFFFF086  }
0x25: {  	[simem:s6], [sflag:s4] =	dma.local [hbm:s3], $0xF7A  }
0x26: {  	[smem:$0x3F9B] =	sst s1;
	(tag) =	ssettag s2;
	_ =	strace s9  }
0x27: {  	s1 =	sld [smem:$0x3FAB]  }
0x28: {  	s2 =	sld [smem:$0x3FAC]  }
0x29: {  	s4 =	sld [smem:$0x3FAE]  }
0x2a: {  	p0 =	seq.s32 s5, $0x0;
	s5 =	sld [smem:$0x3FAF]  }
0x2b: {  	s6 =	sld [smem:$0x3FB0]  }
0x2c: {  	s7 =	sld [smem:$0x3FB1]  }
0x2d: {  	s3 =	simm.s32 $0x108;
	s8 =	sld [smem:$0x3FB2]  }
0x2e: {  	s3 =	simm.s32 @!p0 $0x1082;
	s9 =	sld [smem:$0x3FB3]  }
0x2f: {  	lr =	sadd.s32 s0, s3;
	s0 =	sld [smem:$0x3FAA]  }
0x30: {  	s3 =	sld [smem:$0x3FAD]  }
0x31: {  	[smem:$0x3FB6] =	sst s10  }
0x32: {  	s10 =	sld [smem:$0x3FB4];
	_ =	sdelay $0x3  }
0x33: {  	p0 =	seq.s32 s10, $0x1;
	s10 =	sld [smem:$0x3FB6];
	_ =	sdelay $0x3  }
0x34: {  	[smem:$0x3FB6] =	sst s10  }
0x35: {  	s10 =	sld [smem:$0x3FB5];
	_ =	sdelay $0x3  }
0x36: {  	p1 =	seq.s32 s10, $0x1;
	s10 =	sld [smem:$0x3FB6];
	_ =	sdelay $0x3  }
0x37: {  	[smem:$0x3FB6] =	sst s10  }
0x38: {  	s10 =	sld [smem:$0x3FB7]  }
0x39: {  	_ = 	snop;
	(pc) =	sbr.ind lr, $3  }
0x3a: {  	_ = 	snop  }
0x3b: {  	_ = 	snop  }
0x3c: {  	p2 =	seq.s32 s10, $0x1;
	s10 =	sld [smem:$0x3FB6]  }
0x3d: {  	_ =	shalt  }
0x3e: {  	_ =	shalt  }
0x3f: {  	_ =	shalt  }
0x40: {  	_ =	shalt  }
0x41: {  	_ =	shalt  }
0x42: {  	_ =	shalt  }
0x43: {  	_ =	shalt  }
0x44: {  	_ =	shalt  }
0x45: {  	_ =	shalt  }
0x46: {  	_ =	shalt  }
0x47: {  	_ =	shalt  }
0x48: {  	_ =	shalt  }
0x49: {  	_ =	shalt  }
0x4a: {  	_ =	shalt  }
0x4b: {  	_ =	shalt  }
0x4c: {  	_ =	shalt  }
0x4d: {  	_ =	shalt  }
0x4e: {  	_ =	shalt  }
0x4f: {  	_ =	shalt  }
0x50: {  	_ =	shalt  }
0x51: {  	_ =	shalt  }
0x52: {  	_ =	shalt  }
0x53: {  	_ =	shalt  }
0x54: {  	_ =	shalt  }
0x55: {  	_ =	shalt  }
0x56: {  	_ =	shalt  }
0x57: {  	_ =	shalt  }
0x58: {  	_ =	shalt  }
0x59: {  	_ =	shalt  }
0x5a: {  	_ =	shalt  }
0x5b: {  	_ =	shalt  }
0x5c: {  	_ =	shalt  }
0x5d: {  	_ =	shalt  }
0x5e: {  	_ =	shalt  }
0x5f: {  	_ =	shalt  }
0x60: {  	_ =	shalt  }
0x61: {  	_ =	shalt  }
0x62: {  	_ =	shalt  }
0x63: {  	_ =	shalt  }
0x64: {  	_ =	shalt  }
0x65: {  	_ =	shalt  }
0x66: {  	_ =	shalt  }
0x67: {  	_ =	shalt  }
0x68: {  	_ =	shalt  }
0x69: {  	_ =	shalt  }
0x6a: {  	_ =	shalt  }
0x6b: {  	_ =	shalt  }
0x6c: {  	_ =	shalt  }
0x6d: {  	_ =	shalt  }
0x6e: {  	_ =	shalt  }
0x6f: {  	_ =	shalt  }
0x70: {  	_ =	shalt  }
0x71: {  	_ =	shalt  }
0x72: {  	_ =	shalt  }
0x73: {  	_ =	shalt  }
0x74: {  	_ =	shalt  }
0x75: {  	_ =	shalt  }
0x76: {  	_ =	shalt  }
0x77: {  	_ =	shalt  }
0x78: {  	_ =	shalt  }
0x79: {  	_ =	shalt  }
0x7a: {  	_ =	shalt  }
0x7b: {  	_ =	shalt  }
0x7c: {  	_ =	shalt  }
0x7d: {  	_ =	shalt  }
0x7e: {  	_ =	shalt  }
0x7f: {  	_ =	shalt  }
0x80: {  	_ =	shalt  }
0x81: {  	_ =	shalt  }
0x82: {  	_ =	shalt  }
0x83: {  	_ =	shalt  }
0x84: {  	_ =	shalt  }
0x85: {  	_ =	shalt  }
0x86: {  	_ =	shalt  }
0x87: {  	_ =	shalt  }
.Lfunc_end0:
.L_simem_size_0:
called_computation.2_lowered:
.L_overlay_start_0:
0x88: {  	s2 =	sld [smem:$0x3FD9]  }
0x89: {  	s3 =	sld [smem:$0x3FFE];
	_ =	sdelay $0x1  }
0x8a: {  	s1 =	srdreg.scid  }
0x8b: {  	s0 =	sand.u32 $0x1, s1  }
0x8c: {  	s17 =	sshll.u32 s0, $0xA;
	s2 =	sadd.s32 s3, s2  }
0x8d: {  	s2 =	sadd.s32 s2, s17  }
0x8e: {  	[smem:$0x3FC2] =	sst s2  }
0x8f: {  	_ = 	snop  }
0x90: {  	s2 =	sld [smem:$0x3FD0];
	(tm) =	ssettm $0x1  }
0x91: {  	s18 =	sld [smem:$0x3FFB];
	_ =	sdelay $0x3  }
0x92: {  	_ =	strace s18  }
0x93: {  	s3 =	sld [smem:$0x3FFC];
	_ =	sdelay $0x3  }
0x94: {  	_ =	strace s3  }
0x95: {  	s3 =	sld [smem:$0x3FFD];
	_ =	sdelay $0x3  }
0x96: {  	_ =	strace s3  }
0x97: {  	_ =	strace $0x8FFFFFFF  }
0x98: {  	s19 =	sld [smem:$0x3FDB];
	_ =	sdelay $0x1  }
0x99: {  	s4 =	simm.s32 $_scs_section_size  }
0x9a: {  	s5 =	simm.s32 $_size__tile_overlayer_lowered;
	s6 =	simm.s32 $_tile_overlayer_lowered  }
0x9b: {  	s22 =	simm.s32 $0x1BFF;
	s21 =	sshll.u32 s6, $0x1;
	s3 =	sadd.s32 s4, s19  }
0x9c: {  	s7 =	simm.s32 $0x0;
	s20 =	sshll.u32 s5, $0x1;
	s5 =	sadd.s32 s21, s3  }
0x9d: {  	[timem:s7], [sflag:s22] =	dma.local [hbm:s5], s20  }
0x9e: {  	_ =	swait.ge [sflag:s22], s20  }
0x9f: {  	s4 =	ssub.s32 $0x0, s20;
	[sflag:s22] =	ssyncset.done $0x0  }
0xa0: {  	[sflag:s22] =	ssyncadd.s32 s4;
	_ =	sdelay $0x1  }
0xa1: {  	s23 =	simm.s32 $0x1B8B  }
0xa2: {  	_ =	swait.ge [sflag:s23], $0x1  }
0xa3: {  	[sflag:s23] =	ssyncset.done $0x0  }
0xa4: {  	s25 =	simm.s32 $0x1B8E;
	s24 =	sld [smem:$0x3FFE];
	[sflag:s23] =	ssyncadd.s32 $0xFFFFFFFF  }
0xa5: {  	s26 =	simm.s32 $execute0_lowered;
	[smem:$0x3FD2] =	sst s25  }
0xa6: {  	s5 =	sshll.u32 s26, $0x1;
	_ =	strace $0x8000004C;
	[dreg:$0x1] =	wrdreg $0xFFFFFFFF  }
0xa7: {  	s28 =	simm.s32 $_size_execute0_lowered;
	s3 =	sadd.s32 s3, s5;
	[dreg:$0x0] =	wrdreg $0x0  }
0xa8: {  	s5 =	sshll.u32 s28, $0x1;
	[dreg:$0x2] =	wrdreg s3  }
0xa9: {  	[dreg:$0x3] =	wrdreg s5  }
0xaa: {  	[dreg:$0x4] =	wrdreg $0xC0  }
0xab: {  	_ =	task [dreg:s7], $0x5FFFF  }
0xac: {  	[dreg:$0x1] =	wrdreg $0xFFFFFFFF  }
0xad: {  	[dreg:$0x0] =	wrdreg $0x60  }
0xae: {  	[dreg:$0x2] =	wrdreg s2  }
0xaf: {  	[dreg:$0x3] =	wrdreg s24  }
0xb0: {  	[dreg:$0x4] =	wrdreg $0xC4400  }
0xb1: {  	[dreg:$0x5] =	wrdreg $0x160800  }
0xb2: {  	[dreg:$0x6] =	wrdreg $0x9  }
0xb3: {  	_ =	task.clear_ibuf [dreg:s7], $0x7FFFF;
	_ =	strace $0x9000004C  }
0xb4: {  	s29 =	simm.s32 $0x9;
	_ =	strace $0x8000004E  }
0xb5: {  	_ =	swait.ge [sflag:s29], $0x1  }
0xb6: {  	[sflag:s29] =	ssyncadd.s32 $0xFFFFFFFF  }
0xb7: {  	_ =	strace $0x9000004E  }
0xb8: {  	_ =	sfence  }
0xb9: {  	s30 =	sld [smem:$0x0];
	_ =	sdelay $0x2  }
0xba: {  	s31 =	sshll.u32 s1, $0xD;
	s1 =	sshrl.u32 s1, $0x2  }
0xbb: {  	s3 =	sand.u32 $0x4000, s31;
	s1 =	sadd.s32 s1, s30  }
0xbc: {  	s0 =	sor.u32 s3, s0;
	s1 =	sshll.u32 s1, $0x11  }
0xbd: {  	s0 =	sor.u32 s1, s0  }
0xbe: {  	s0 =	sadd.s32 $0x8F2B, s0  }
0xbf: {  	[sflag:s0] =	ssyncadd.remote.s32 $0x1  }
0xc0: {  	_ =	sfence.sel $0xFFFF  }
0xc1: {  	[dreg:$0x0] =	wrdreg $0xFFFFFFFF;
	(pc) =	sbr.abs _section_cstart, $3  }
0xc2: {  	[dreg:$0x1] =	wrdreg $0xFFFFFFFF  }
0xc3: {  	_ =	task.clear_ibuf [dreg:s7], $0x2FFFF;
	_ =	strace $0x9FFFFFFF  }
0xc4: {  	(tm) =	ssettm $0x7FFFFFFF  }
0xc5: {  	_ =	shalt  }
tec
execute0_lowered:
.L_overlay_start_1:
0x0: {  	(tag) =	ssettag $0x1  }
0x1: {  	s0 =	rddreg [dreg:$0x0]  }
0x2: {  	s1 =	rddreg [dreg:$0x1]  }
0x3: {  	s2 =	rddreg [dreg:$0x2]  }
0x4: {  	s3 =	rddreg [dreg:$0x3];
	s12 =	stileid.u32  }
0x5: {  	s5 =	simm.s32 $0x0;
	s17 =	srdreg.scid;
	s28 =	simm.s32 $0x100  }
0x6: {  	s29 =	simm.s32 $0x6680;
	s30 =	simm.s32 $0x180;
	s31 =	simm.s32 $0x85C0  }
0x7: {  	s15 =	simm.s32 $0x6;
	s16 =	simm.s32 $0x7;
	s4 =	smul.u32 $0x9C40, s12  }
0x8: {  	[smem:$0x7FF] =	sst s5;
	s5 =	sand.u32 $0x1, s17;
	s6 =	sadd.s32 $0xCC00, s1  }
0x9: {  	s7 =	sadd.s32 $0x2C00, s1;
	s11 =	smul.u32 $0x27100, s12;
	s14 =	sadd.s32 $0x65200, s1  }
0xa: {  	s12 =	smul.u32 $0x5000, s12;
	s17 =	simm.s32 $0x8;
	_ =	strace $0x8000004D  }
0xb: {  	s9 =	ssub.s32 $0x2, s5;
	[dreg:$0x6] =	wrdreg s14;
	p0 =	sne.s32 s5, $0x0  }
0xc: {  	s14 =	simm.s32 $0x3;
	s13 =	sshrl.u32 s4, $0x3;
	s10 =	sshrl.u32 s9, $0x1  }
0xd: {  	s19 =	sadd.s32 s4, s3;
	s20 =	sshrl.u32 s11, $0x2;
	s4 =	sadd.s32 s4, s2  }
0xe: {  	s11 =	simm.s32 $0xA500;
	s8 =	sadd.s32 s13, s1;
	[dreg:$0x8] =	wrdreg s19  }
0xf: {  	s1 =	sadd.s32 $0x51800, s1;
	s18 =	ssub.s32 s9, s10;
	[dreg:$0x5] =	wrdreg s13  }
0x10: {  	s0 =	sadd.s32 s0, s13;
	s26 =	sshrl.u32 s4, $0x3;
	s9 =	simm.s32 $0x2  }
0x11: {  	s10 =	simm.s32 $0x5;
	s19 =	simm.s32 $0xA;
	[dreg:$0x7] =	wrdreg s1  }
0x12: {  	s13 =	simm.s32 $0x0;
	s8 =	sadd.s32 $0x3DE00, s8;
	[dreg:$0xb] =	wrdreg s0  }
0x13: {  	s21 =	smax.u32 s18, $0x1;
	[dreg:$0x11] =	wrdreg s26;
	s26 =	simm.s32 $0x4740  }
0x14: {  	s0 =	simm.s32 $0x200;
	s1 =	simm.s32 $0x4;
	[dreg:$0x9] =	wrdreg s8  }
0x15: {  	s18 =	simm.s32 $0x9;
	s8 =	sadd.s32 s20, s2;
	[dreg:$0xc] =	wrdreg s21  }
.Ltmp0:
0x16: {  	s22 =	sadd.s32 $0x1F40, s8;
	[dreg:$0xa] =	wrdreg s8;
	(pc) =	sbr.rel .LBB2_1-.Ltmp0, $4  }
0x17: {  	s20 =	simm.s32 $0x2800;
	s23 =	sadd.s32 $0x3E80, s8;
	[dreg:$0xd] =	wrdreg s22  }
0x18: {  	s21 =	simm.s32 $0xB;
	s24 =	sadd.s32 $0x5DC0, s8;
	[dreg:$0xe] =	wrdreg s23  }
0x19: {  	s25 =	sadd.s32 $0x7D00, s8;
	s8 =	simm.s32 $0x1;
	[dreg:$0xf] =	wrdreg s24  }
0x1a: {  	v0 =	vimm.f32 $0.0e+00;
	[dreg:$0x10] =	wrdreg s25;
	s23 =	simm.s32 $0x7D;
	s24 =	simm.s32 $0x80  }
.LBB2_14:
0x1b: {  	s5 =	rddreg [dreg:$0x5];
	[bflag:$0x0] =	sbarrier.arrive $0xFFFF  }
0x1c: {  	s25 =	rddreg [dreg:$0x11]  }
0x1d: {  	s4 =	sadd.s32 s4, s5;
	s22 =	rddreg [dreg:$0x13]  }
0x1e: {  	[hbm:s4], [sflag:s22] =	dma.local [spmem:s25], $0x1388  }
0x1f: {  	_ =	swait.ge [sflag:s21], $0x1388  }
0x20: {  	s13 =	sadd.s32 $0x1, s13;
	s25 =	rddreg [dreg:$0xc]  }
0x21: {  	p1 =	sne.s32 s13, s25  }
.Ltmp1:
0x22: {  	_ = 	snop;
	(pc) =	sbr.rel @!p1 .LBB2_15-.Ltmp1, $3  }
0x23: {  	_ =	sdelay $0x1  }
0x24: {  	[sflag:s21] =	ssyncset.done $0x0  }
0x25: {  	[sflag:s21] =	ssyncadd.s32 $0xFFFFEC78  }
.LBB2_1:
0x26: {  	s4 =	simm.s32 $0x0  }
0x27: {  	s5 =	sand.u32 $0x7FC0, s4  }
0x28: {  	[dreg:$0x12] =	wrdreg s13;
	s4 =	simm.s32 $0x40;
	s5 =	sshrl.u32 s5, $0x2  }
.LBB2_2:
0x29: {  	p1 =	sne.s32 s4, $0x7CC0;
	[tilespmem:s5+$0x2800] =	vst v0;
	s5 =	smov.u32 s4;
	s4 =	sadd.s32 $0x40, s4  }
.Ltmp2:
0x2a: {  	(pc) =	sbr.rel @p1 .LBB2_2-.Ltmp2, $3  }
0x2b: {  	_ =	sdelay $0x1  }
0x2c: {  	s5 =	sand.u32 $0x7FC0, s5  }
0x2d: {  	s5 =	sshrl.u32 s5, $0x2  }
0x2e: {  	[tilespmem:s5+$0x2800] =	vst v0;
	s4 =	rddreg [dreg:$0xa]  }
0x2f: {  	[spmem:s4] =	stream.linear.scatter [tilespmem:s20], [sflag:$0xB], $0x1F40, $0x38;
	[tilespmem:$0x1FCC0] =	vst v63  }
0x30: {  	_ =	swait.ge [sflag:s21], $0x1F40  }
0x31: {  	[sflag:s21] =	ssyncset.done $0x0  }
0x32: {  	s22 =	rddreg [dreg:$0xd];
	[sflag:s21] =	ssyncadd.s32 $0xFFFFE0C0  }
0x33: {  	[spmem:s22] =	stream.linear.scatter [tilespmem:s20], [sflag:$0xB], $0x1F40, $0x38;
	[tilespmem:$0x1FCC0] =	vst v63  }
0x34: {  	_ =	swait.ge [sflag:s21], $0x1F40  }
0x35: {  	[sflag:s21] =	ssyncset.done $0x0  }
0x36: {  	s25 =	rddreg [dreg:$0xe];
	[sflag:s21] =	ssyncadd.s32 $0xFFFFE0C0  }
0x37: {  	[spmem:s25] =	stream.linear.scatter [tilespmem:s20], [sflag:$0xB], $0x1F40, $0x38;
	[tilespmem:$0x1FCC0] =	vst v63  }
0x38: {  	_ =	swait.ge [sflag:s21], $0x1F40  }
0x39: {  	[sflag:s21] =	ssyncset.done $0x0  }
0x3a: {  	s5 =	rddreg [dreg:$0xf];
	[sflag:s21] =	ssyncadd.s32 $0xFFFFE0C0  }
0x3b: {  	[spmem:s5] =	stream.linear.scatter [tilespmem:s20], [sflag:$0xB], $0x1F40, $0x38;
	[tilespmem:$0x1FCC0] =	vst v63  }
0x3c: {  	_ =	swait.ge [sflag:s21], $0x1F40  }
0x3d: {  	[sflag:s21] =	ssyncset.done $0x0  }
.Ltmp3:
0x3e: {  	s13 =	rddreg [dreg:$0x10];
	[sflag:s21] =	ssyncadd.s32 $0xFFFFE0C0;
	(pc) =	sbr.rel @p0 .LBB2_9-.Ltmp3, $4  }
0x3f: {  	[spmem:s13] =	stream.linear.scatter [tilespmem:s20], [sflag:$0xB], $0x1F40, $0x38;
	[tilespmem:$0x1FCC0] =	vst v63  }
0x40: {  	s22 =	stileid.u32;
	_ =	swait.ge [sflag:s21], $0x1F40  }
0x41: {  	s5 =	sshll.u32 s22, $0x6;
	[sflag:s21] =	ssyncset.done $0x0;
	s25 =	rddreg [dreg:$0x8]  }
0x42: {  	s13 =	sor.u32 $0x1C0B, s5;
	[sflag:s21] =	ssyncadd.s32 $0xFFFFE0C0;
	s4 =	sshrl.u32 s25, $0x3  }
0x43: {  	s13 =	sor.u32 $0x1C0B, s5;
	s25 =	rddreg [dreg:$0xb]  }
0x44: {  	[dreg:$0x13] =	wrdreg s13  }
0x45: {  	[spmem:s4], [sflag:s13] =	dma.local [hbm:s25], $0x1388  }
0x46: {  	_ =	swait.ge [sflag:s21], $0x1388  }
0x47: {  	[sflag:s21] =	ssyncset.done $0x0  }
0x48: {  	[sflag:s21] =	ssyncadd.s32 $0xFFFFEC78  }
0x49: {  	s5 =	simm.s32 $0x0;
	s25 =	simm.s32 $0x0;
	[bflag:$0x0] =	sbarrier.arrive $0xFFFF  }
.LBB2_5:
0x4a: {  	s4 =	smul.u32 $0x1400, s5;
	_ =	sdelay $0x1  }
0x4b: {  	s4 =	sadd.s32 s12, s4  }
0x4c: {  	s4 =	sshrl.u32 s4, $0x3  }
0x4d: {  	s13 =	sadd.s32 s6, s4  }
0x4e: {  	[tilespmem:s25], [sflag:$0xB] =	stream.linear.gather [hbm4b:s13+s25], $0x1400, $0x38;
	[tilespmem:$0x1FCC0] =	vst v63  }
0x4f: {  	_ =	swait.ge [sflag:s21], $0x1400  }
0x50: {  	[sflag:s21] =	ssyncset.done $0x0  }
0x51: {  	s22 =	simm.s32 $0x1400;
	s4 =	sadd.s32 s7, s4;
	[sflag:s21] =	ssyncadd.s32 $0xFFFFEC00  }
0x52: {  	[tilespmem:s22], [sflag:$0xB] =	stream.linear.gather [hbm4b:s4+s25], $0x1400, $0x38;
	[tilespmem:$0x1FCC0] =	vst v63  }
0x53: {  	_ =	swait.ge [sflag:s21], $0x1400  }
0x54: {  	[sflag:s21] =	ssyncset.done $0x0  }
0x55: {  	[sflag:s21] =	ssyncadd.s32 $0xFFFFEC00  }
0x56: {  	[tilespmem:s20], [sflag:$0x1] =	stream.indirect.gather [spmem:s3], $0x40, s25, s23, $0xb8;
	[tilespmem:$0x1FCC0] =	vst v63  }
0x57: {  	_ = 	snop  }
0x58: {  	[tilespmem:s26], [sflag:$0x2] =	stream.indirect.gather [spmem:s3], $0x40, s24, s23, $0xb8;
	[tilespmem:$0x1FCC0] =	vst v63  }
0x59: {  	_ = 	snop  }
0x5a: {  	[tilespmem:s29], [sflag:$0x3] =	stream.indirect.gather [spmem:s3], $0x40, s28, s23, $0xb8;
	[tilespmem:$0x1FCC0] =	vst v63  }
0x5b: {  	_ = 	snop  }
0x5c: {  	[tilespmem:s31], [sflag:$0x4] =	stream.indirect.gather [spmem:s3], $0x40, s30, s23, $0xb8;
	[tilespmem:$0x1FCC0] =	vst v63  }
0x5d: {  	_ = 	snop  }
0x5e: {  	[tilespmem:s11], [sflag:$0x5] =	stream.indirect.gather [spmem:s3], $0x40, s0, s23, $0xb8;
	[tilespmem:$0x1FCC0] =	vst v63  }
0x5f: {  	_ =	swait.ge [sflag:s8], $0x1F40  }
0x60: {  	[sflag:s8] =	ssyncset.done $0x0  }
0x61: {  	[sflag:s8] =	ssyncadd.s32 $0xFFFFE0C0  }
0x62: {  	_ =	swait.ge [sflag:s9], $0x1F40  }
0x63: {  	[sflag:s9] =	ssyncset.done $0x0  }
0x64: {  	[sflag:s9] =	ssyncadd.s32 $0xFFFFE0C0  }
0x65: {  	_ =	swait.ge [sflag:s14], $0x1F40  }
0x66: {  	[sflag:s14] =	ssyncset.done $0x0  }
0x67: {  	[sflag:s14] =	ssyncadd.s32 $0xFFFFE0C0  }
0x68: {  	_ =	swait.ge [sflag:s1], $0x1F40  }
0x69: {  	[sflag:s1] =	ssyncset.done $0x0  }
0x6a: {  	[sflag:s1] =	ssyncadd.s32 $0xFFFFE0C0  }
0x6b: {  	_ =	swait.ge [sflag:s10], $0x1F40  }
0x6c: {  	[sflag:s10] =	ssyncset.done $0x0  }
0x6d: {  	s22 =	simm.s32 $0x1400;
	[sflag:s10] =	ssyncadd.s32 $0xFFFFE0C0  }
0x6e: {  	[spmem:s2] =	stream.indirect.scatter.add.f32 [tilespmem:s20], [sflag:$0x6], $0x40, s22, s23, $0xb8;
	[tilespmem:$0x1FCC0] =	vst v63  }
0x6f: {  	s13 =	simm.s32 $0x1480  }
0x70: {  	[spmem:s2] =	stream.indirect.scatter.add.f32 [tilespmem:s26], [sflag:$0x7], $0x40, s13, s23, $0xb8;
	[tilespmem:$0x1FCC0] =	vst v63  }
0x71: {  	s22 =	simm.s32 $0x1500  }
0x72: {  	[spmem:s2] =	stream.indirect.scatter.add.f32 [tilespmem:s29], [sflag:$0x8], $0x40, s22, s23, $0xb8;
	[tilespmem:$0x1FCC0] =	vst v63  }
0x73: {  	s13 =	simm.s32 $0x1580  }
0x74: {  	[spmem:s2] =	stream.indirect.scatter.add.f32 [tilespmem:s31], [sflag:$0x9], $0x40, s13, s23, $0xb8;
	[tilespmem:$0x1FCC0] =	vst v63  }
0x75: {  	s22 =	simm.s32 $0x1600  }
0x76: {  	[spmem:s2] =	stream.indirect.scatter.add.f32 [tilespmem:s11], [sflag:$0xA], $0x40, s22, s23, $0xb8;
	[tilespmem:$0x1FCC0] =	vst v63  }
0x77: {  	_ =	swait.ge [sflag:s15], $0x1F40  }
0x78: {  	[sflag:s15] =	ssyncset.done $0x0  }
0x79: {  	s13 =	simm.s32 $0x280;
	[sflag:s15] =	ssyncadd.s32 $0xFFFFE0C0  }
0x7a: {  	[tilespmem:s20], [sflag:$0x1] =	stream.indirect.gather [spmem:s3], $0x40, s13, s23, $0xb8;
	[tilespmem:$0x1FCC0] =	vst v63  }
0x7b: {  	_ =	swait.ge [sflag:s16], $0x1F40  }
0x7c: {  	[sflag:s16] =	ssyncset.done $0x0  }
0x7d: {  	s22 =	simm.s32 $0x300;
	[sflag:s16] =	ssyncadd.s32 $0xFFFFE0C0  }
0x7e: {  	[tilespmem:s26], [sflag:$0x2] =	stream.indirect.gather [spmem:s3], $0x40, s22, s23, $0xb8;
	[tilespmem:$0x1FCC0] =	vst v63  }
0x7f: {  	_ =	swait.ge [sflag:s17], $0x1F40  }
0x80: {  	[sflag:s17] =	ssyncset.done $0x0  }
0x81: {  	s13 =	simm.s32 $0x380;
	[sflag:s17] =	ssyncadd.s32 $0xFFFFE0C0  }
0x82: {  	[tilespmem:s29], [sflag:$0x3] =	stream.indirect.gather [spmem:s3], $0x40, s13, s23, $0xb8;
	[tilespmem:$0x1FCC0] =	vst v63  }
0x83: {  	_ =	swait.ge [sflag:s18], $0x1F40  }
0x84: {  	[sflag:s18] =	ssyncset.done $0x0  }
0x85: {  	s22 =	simm.s32 $0x400;
	[sflag:s18] =	ssyncadd.s32 $0xFFFFE0C0  }
0x86: {  	[tilespmem:s31], [sflag:$0x4] =	stream.indirect.gather [spmem:s3], $0x40, s22, s23, $0xb8;
	[tilespmem:$0x1FCC0] =	vst v63  }
0x87: {  	_ =	swait.ge [sflag:s19], $0x1F40  }
0x88: {  	[sflag:s19] =	ssyncset.done $0x0  }
0x89: {  	s4 =	simm.s32 $0x480;
	s13 =	simm.s32 $0xA00;
	[sflag:s19] =	ssyncadd.s32 $0xFFFFE0C0  }
.LBB2_6:
0x8a: {  	[tilespmem:s11], [sflag:$0x5] =	stream.indirect.gather [spmem:s3], $0x40, s4, s23, $0xb8;
	[tilespmem:$0x1FCC0] =	vst v63  }
0x8b: {  	s4 =	smov.u32 s13  }
0x8c: {  	p1 =	sne.s32 s13, $0x3C00;
	s13 =	sadd.s32 $0xA00, s13;
	_ =	swait.ge [sflag:s8], $0x1F40  }
0x8d: {  	[sflag:s8] =	ssyncset.done $0x0  }
0x8e: {  	[sflag:s8] =	ssyncadd.s32 $0xFFFFE0C0  }
0x8f: {  	_ =	swait.ge [sflag:s9], $0x1F40  }
0x90: {  	[sflag:s9] =	ssyncset.done $0x0  }
0x91: {  	[sflag:s9] =	ssyncadd.s32 $0xFFFFE0C0  }
0x92: {  	_ =	swait.ge [sflag:s14], $0x1F40  }
0x93: {  	[sflag:s14] =	ssyncset.done $0x0  }
0x94: {  	[sflag:s14] =	ssyncadd.s32 $0xFFFFE0C0  }
0x95: {  	_ =	swait.ge [sflag:s1], $0x1F40  }
0x96: {  	[sflag:s1] =	ssyncset.done $0x0  }
0x97: {  	[sflag:s1] =	ssyncadd.s32 $0xFFFFE0C0  }
0x98: {  	_ =	swait.ge [sflag:s10], $0x1F40  }
0x99: {  	s4 =	sshra.s32 s4, $0x2;
	[sflag:s10] =	ssyncset.done $0x0  }
0x9a: {  	s22 =	sadd.s32 $0x1400, s4;
	[sflag:s10] =	ssyncadd.s32 $0xFFFFE0C0  }
0x9b: {  	[spmem:s2] =	stream.indirect.scatter.add.f32 [tilespmem:s20], [sflag:$0x6], $0x40, s22, s23, $0xb8;
	[tilespmem:$0x1FCC0] =	vst v63  }
0x9c: {  	s22 =	sadd.s32 $0x1480, s4  }
0x9d: {  	[spmem:s2] =	stream.indirect.scatter.add.f32 [tilespmem:s26], [sflag:$0x7], $0x40, s22, s23, $0xb8;
	[tilespmem:$0x1FCC0] =	vst v63  }
0x9e: {  	s22 =	sadd.s32 $0x1500, s4  }
0x9f: {  	[spmem:s2] =	stream.indirect.scatter.add.f32 [tilespmem:s29], [sflag:$0x8], $0x40, s22, s23, $0xb8;
	[tilespmem:$0x1FCC0] =	vst v63  }
0xa0: {  	s22 =	sadd.s32 $0x1580, s4  }
0xa1: {  	[spmem:s2] =	stream.indirect.scatter.add.f32 [tilespmem:s31], [sflag:$0x9], $0x40, s22, s23, $0xb8;
	[tilespmem:$0x1FCC0] =	vst v63  }
0xa2: {  	s22 =	sadd.s32 $0x1600, s4  }
0xa3: {  	[spmem:s2] =	stream.indirect.scatter.add.f32 [tilespmem:s11], [sflag:$0xA], $0x40, s22, s23, $0xb8;
	[tilespmem:$0x1FCC0] =	vst v63  }
0xa4: {  	_ =	swait.ge [sflag:s15], $0x1F40  }
0xa5: {  	[sflag:s15] =	ssyncset.done $0x0  }
0xa6: {  	s22 =	sadd.s32 $0x280, s4;
	[sflag:s15] =	ssyncadd.s32 $0xFFFFE0C0  }
0xa7: {  	[tilespmem:s20], [sflag:$0x1] =	stream.indirect.gather [spmem:s3], $0x40, s22, s23, $0xb8;
	[tilespmem:$0x1FCC0] =	vst v63  }
0xa8: {  	_ =	swait.ge [sflag:s16], $0x1F40  }
0xa9: {  	[sflag:s16] =	ssyncset.done $0x0  }
0xaa: {  	s22 =	sadd.s32 $0x300, s4;
	[sflag:s16] =	ssyncadd.s32 $0xFFFFE0C0  }
0xab: {  	[tilespmem:s26], [sflag:$0x2] =	stream.indirect.gather [spmem:s3], $0x40, s22, s23, $0xb8;
	[tilespmem:$0x1FCC0] =	vst v63  }
0xac: {  	_ =	swait.ge [sflag:s17], $0x1F40  }
0xad: {  	[sflag:s17] =	ssyncset.done $0x0  }
0xae: {  	s22 =	sadd.s32 $0x380, s4;
	[sflag:s17] =	ssyncadd.s32 $0xFFFFE0C0  }
0xaf: {  	[tilespmem:s29], [sflag:$0x3] =	stream.indirect.gather [spmem:s3], $0x40, s22, s23, $0xb8;
	[tilespmem:$0x1FCC0] =	vst v63  }
0xb0: {  	_ =	swait.ge [sflag:s18], $0x1F40  }
0xb1: {  	[sflag:s18] =	ssyncset.done $0x0  }
.Ltmp4:
0xb2: {  	s22 =	sadd.s32 $0x400, s4;
	[sflag:s18] =	ssyncadd.s32 $0xFFFFE0C0;
	(pc) =	sbr.rel @p1 .LBB2_6-.Ltmp4, $4  }
0xb3: {  	[tilespmem:s31], [sflag:$0x4] =	stream.indirect.gather [spmem:s3], $0x40, s22, s23, $0xb8;
	[tilespmem:$0x1FCC0] =	vst v63  }
0xb4: {  	_ =	swait.ge [sflag:s19], $0x1F40  }
0xb5: {  	[sflag:s19] =	ssyncset.done $0x0  }
0xb6: {  	s4 =	sadd.s32 $0x480, s4;
	[sflag:s19] =	ssyncadd.s32 $0xFFFFE0C0  }
0xb7: {  	[tilespmem:s11], [sflag:$0x5] =	stream.indirect.gather [spmem:s3], $0x40, s4, s23, $0xb8;
	[tilespmem:$0x1FCC0] =	vst v63  }
0xb8: {  	_ =	swait.ge [sflag:s8], $0x1F40  }
0xb9: {  	[sflag:s8] =	ssyncset.done $0x0  }
0xba: {  	[sflag:s8] =	ssyncadd.s32 $0xFFFFE0C0  }
0xbb: {  	_ =	swait.ge [sflag:s9], $0x1F40  }
0xbc: {  	[sflag:s9] =	ssyncset.done $0x0  }
0xbd: {  	[sflag:s9] =	ssyncadd.s32 $0xFFFFE0C0  }
0xbe: {  	_ =	swait.ge [sflag:s14], $0x1F40  }
0xbf: {  	[sflag:s14] =	ssyncset.done $0x0  }
0xc0: {  	[sflag:s14] =	ssyncadd.s32 $0xFFFFE0C0  }
0xc1: {  	_ =	swait.ge [sflag:s1], $0x1F40  }
0xc2: {  	[sflag:s1] =	ssyncset.done $0x0  }
0xc3: {  	[sflag:s1] =	ssyncadd.s32 $0xFFFFE0C0  }
0xc4: {  	_ =	swait.ge [sflag:s10], $0x1F40  }
0xc5: {  	[sflag:s10] =	ssyncset.done $0x0  }
0xc6: {  	s13 =	simm.s32 $0x2580;
	[sflag:s10] =	ssyncadd.s32 $0xFFFFE0C0  }
0xc7: {  	[spmem:s2] =	stream.indirect.scatter.add.f32 [tilespmem:s20], [sflag:$0x6], $0x40, s13, s23, $0xb8;
	[tilespmem:$0x1FCC0] =	vst v63  }
0xc8: {  	s22 =	simm.s32 $0x2600  }
0xc9: {  	[spmem:s2] =	stream.indirect.scatter.add.f32 [tilespmem:s26], [sflag:$0x7], $0x40, s22, s23, $0xb8;
	[tilespmem:$0x1FCC0] =	vst v63  }
0xca: {  	s13 =	simm.s32 $0x2680  }
0xcb: {  	[spmem:s2] =	stream.indirect.scatter.add.f32 [tilespmem:s29], [sflag:$0x8], $0x40, s13, s23, $0xb8;
	[tilespmem:$0x1FCC0] =	vst v63  }
0xcc: {  	s22 =	simm.s32 $0x2700  }
0xcd: {  	[spmem:s2] =	stream.indirect.scatter.add.f32 [tilespmem:s31], [sflag:$0x9], $0x40, s22, s23, $0xb8;
	[tilespmem:$0x1FCC0] =	vst v63  }
0xce: {  	s13 =	simm.s32 $0x2780  }
0xcf: {  	[spmem:s2] =	stream.indirect.scatter.add.f32 [tilespmem:s11], [sflag:$0xA], $0x40, s13, s23, $0xb8;
	[tilespmem:$0x1FCC0] =	vst v63  }
0xd0: {  	_ =	swait.ge [sflag:s15], $0x1F40  }
0xd1: {  	[sflag:s15] =	ssyncset.done $0x0  }
0xd2: {  	s22 =	simm.s32 $0x0;
	[sflag:s15] =	ssyncadd.s32 $0xFFFFE0C0  }
0xd3: {  	[tilespmem:s20], [sflag:$0x1] =	stream.indirect.gather [spmem:s3], $0x40, s22, s23, $0xb8;
	[tilespmem:$0x1FCC0] =	vst v63  }
0xd4: {  	_ =	swait.ge [sflag:s16], $0x1F40  }
0xd5: {  	[sflag:s16] =	ssyncset.done $0x0  }
0xd6: {  	[sflag:s16] =	ssyncadd.s32 $0xFFFFE0C0  }
0xd7: {  	[tilespmem:s26], [sflag:$0x2] =	stream.indirect.gather [spmem:s3], $0x40, s24, s23, $0xb8;
	[tilespmem:$0x1FCC0] =	vst v63  }
0xd8: {  	_ =	swait.ge [sflag:s17], $0x1F40  }
0xd9: {  	[sflag:s17] =	ssyncset.done $0x0  }
0xda: {  	[sflag:s17] =	ssyncadd.s32 $0xFFFFE0C0  }
0xdb: {  	[tilespmem:s29], [sflag:$0x3] =	stream.indirect.gather [spmem:s3], $0x40, s28, s23, $0xb8;
	[tilespmem:$0x1FCC0] =	vst v63  }
0xdc: {  	_ =	swait.ge [sflag:s18], $0x1F40  }
0xdd: {  	[sflag:s18] =	ssyncset.done $0x0  }
0xde: {  	[sflag:s18] =	ssyncadd.s32 $0xFFFFE0C0  }
0xdf: {  	[tilespmem:s31], [sflag:$0x4] =	stream.indirect.gather [spmem:s3], $0x40, s30, s23, $0xb8;
	[tilespmem:$0x1FCC0] =	vst v63  }
0xe0: {  	_ =	swait.ge [sflag:s19], $0x1F40  }
0xe1: {  	[sflag:s19] =	ssyncset.done $0x0  }
0xe2: {  	[sflag:s19] =	ssyncadd.s32 $0xFFFFE0C0  }
0xe3: {  	[tilespmem:s11], [sflag:$0x5] =	stream.indirect.gather [spmem:s3], $0x40, s0, s23, $0xb8;
	[tilespmem:$0x1FCC0] =	vst v63  }
0xe4: {  	_ =	swait.ge [sflag:s8], $0x1F40  }
0xe5: {  	[sflag:s8] =	ssyncset.done $0x0  }
0xe6: {  	[sflag:s8] =	ssyncadd.s32 $0xFFFFE0C0  }
0xe7: {  	_ =	swait.ge [sflag:s9], $0x1F40  }
0xe8: {  	[sflag:s9] =	ssyncset.done $0x0  }
0xe9: {  	[sflag:s9] =	ssyncadd.s32 $0xFFFFE0C0  }
0xea: {  	_ =	swait.ge [sflag:s14], $0x1F40  }
0xeb: {  	[sflag:s14] =	ssyncset.done $0x0  }
0xec: {  	s5 =	sadd.s32 $0x1, s5;
	[sflag:s14] =	ssyncadd.s32 $0xFFFFE0C0  }
0xed: {  	p1 =	seq.s32 s5, $0x4;
	_ =	swait.ge [sflag:s1], $0x1F40  }
.Ltmp5:
0xee: {  	[sflag:s1] =	ssyncset.done $0x0;
	(pc) =	sbr.rel @!p1 .LBB2_5-.Ltmp5, $4  }
0xef: {  	[sflag:s1] =	ssyncadd.s32 $0xFFFFE0C0  }
0xf0: {  	_ =	swait.ge [sflag:s10], $0x1F40  }
0xf1: {  	[sflag:s10] =	ssyncset.done $0x0  }
0xf2: {  	[sflag:s10] =	ssyncadd.s32 $0xFFFFE0C0  }
.Ltmp6:
0xf3: {  	(pc) =	sbr.rel .LBB2_14-.Ltmp6, $3  }
0xf4: {  	_ =	sdelay $0x1  }
0xf5: {  	s4 =	rddreg [dreg:$0x6]  }
0xf6: {  	s13 =	rddreg [dreg:$0x12]  }
.LBB2_9:
0xf7: {  	s5 =	rddreg [dreg:$0x9]  }
0xf8: {  	[dreg:$0x13] =	wrdreg s13  }
0xf9: {  	[spmem:s4], [sflag:s13] =	dma.local [hbm:s5], $0x1388  }
0xfa: {  	_ =	swait.ge [sflag:s21], $0x1388  }
0xfb: {  	[sflag:s21] =	ssyncset.done $0x0  }
0xfc: {  	[sflag:s21] =	ssyncadd.s32 $0xFFFFEC78  }
0xfd: {  	s25 =	simm.s32 $0x0;
	s5 =	simm.s32 $0x0;
	[bflag:$0x0] =	sbarrier.arrive $0xFFFF  }
.LBB2_10:
0xfe: {  	s4 =	smul.u32 $0x1400, s5;
	_ =	sdelay $0x1  }
0xff: {  	s4 =	sadd.s32 s12, s4  }
0x100: {  	s4 =	sshrl.u32 s4, $0x3  }
0x101: {  	s13 =	sadd.s32 s6, s4  }
0x102: {  	[tilespmem:s25], [sflag:$0xB] =	stream.linear.gather [hbm4b:s13+s25], $0x1400, $0x38;
	[tilespmem:$0x1FCC0] =	vst v63  }
0x103: {  	_ =	swait.ge [sflag:s21], $0x1400  }
0x104: {  	[sflag:s21] =	ssyncset.done $0x0  }
0x105: {  	s22 =	simm.s32 $0x1400;
	s4 =	sadd.s32 s7, s4;
	[sflag:s21] =	ssyncadd.s32 $0xFFFFEC00  }
0x106: {  	[tilespmem:s22], [sflag:$0xB] =	stream.linear.gather [hbm4b:s4+s25], $0x1400, $0x38;
	[tilespmem:$0x1FCC0] =	vst v63  }
0x107: {  	_ =	swait.ge [sflag:s21], $0x1400  }
0x108: {  	[sflag:s21] =	ssyncset.done $0x0  }
0x109: {  	[sflag:s21] =	ssyncadd.s32 $0xFFFFEC00  }
0x10a: {  	[tilespmem:s20], [sflag:$0x1] =	stream.indirect.gather [spmem:s3], $0x40, s25, s23, $0xb8;
	[tilespmem:$0x1FCC0] =	vst v63  }
0x10b: {  	_ = 	snop  }
0x10c: {  	[tilespmem:s26], [sflag:$0x2] =	stream.indirect.gather [spmem:s3], $0x40, s24, s23, $0xb8;
	[tilespmem:$0x1FCC0] =	vst v63  }
0x10d: {  	_ = 	snop  }
0x10e: {  	[tilespmem:s29], [sflag:$0x3] =	stream.indirect.gather [spmem:s3], $0x40, s28, s23, $0xb8;
	[tilespmem:$0x1FCC0] =	vst v63  }
0x10f: {  	_ = 	snop  }
0x110: {  	[tilespmem:s31], [sflag:$0x4] =	stream.indirect.gather [spmem:s3], $0x40, s30, s23, $0xb8;
	[tilespmem:$0x1FCC0] =	vst v63  }
0x111: {  	_ = 	snop  }
0x112: {  	[tilespmem:s11], [sflag:$0x5] =	stream.indirect.gather [spmem:s3], $0x40, s0, s23, $0xb8;
	[tilespmem:$0x1FCC0] =	vst v63  }
0x113: {  	_ =	swait.ge [sflag:s8], $0x1F40  }
0x114: {  	[sflag:s8] =	ssyncset.done $0x0  }
0x115: {  	[sflag:s8] =	ssyncadd.s32 $0xFFFFE0C0  }
0x116: {  	_ =	swait.ge [sflag:s9], $0x1F40  }
0x117: {  	[sflag:s9] =	ssyncset.done $0x0  }
0x118: {  	[sflag:s9] =	ssyncadd.s32 $0xFFFFE0C0  }
0x119: {  	_ =	swait.ge [sflag:s14], $0x1F40  }
0x11a: {  	[sflag:s14] =	ssyncset.done $0x0  }
0x11b: {  	[sflag:s14] =	ssyncadd.s32 $0xFFFFE0C0  }
0x11c: {  	_ =	swait.ge [sflag:s1], $0x1F40  }
0x11d: {  	[sflag:s1] =	ssyncset.done $0x0  }
0x11e: {  	[sflag:s1] =	ssyncadd.s32 $0xFFFFE0C0  }
0x11f: {  	_ =	swait.ge [sflag:s10], $0x1F40  }
0x120: {  	[sflag:s10] =	ssyncset.done $0x0  }
0x121: {  	s22 =	simm.s32 $0x1400;
	[sflag:s10] =	ssyncadd.s32 $0xFFFFE0C0  }
0x122: {  	[spmem:s2] =	stream.indirect.scatter.add.f32 [tilespmem:s20], [sflag:$0x6], $0x40, s22, s23, $0xb8;
	[tilespmem:$0x1FCC0] =	vst v63  }
0x123: {  	s13 =	simm.s32 $0x1480  }
0x124: {  	[spmem:s2] =	stream.indirect.scatter.add.f32 [tilespmem:s26], [sflag:$0x7], $0x40, s13, s23, $0xb8;
	[tilespmem:$0x1FCC0] =	vst v63  }
0x125: {  	s22 =	simm.s32 $0x1500  }
0x126: {  	[spmem:s2] =	stream.indirect.scatter.add.f32 [tilespmem:s29], [sflag:$0x8], $0x40, s22, s23, $0xb8;
	[tilespmem:$0x1FCC0] =	vst v63  }
0x127: {  	s13 =	simm.s32 $0x1580  }
0x128: {  	[spmem:s2] =	stream.indirect.scatter.add.f32 [tilespmem:s31], [sflag:$0x9], $0x40, s13, s23, $0xb8;
	[tilespmem:$0x1FCC0] =	vst v63  }
0x129: {  	s22 =	simm.s32 $0x1600  }
0x12a: {  	[spmem:s2] =	stream.indirect.scatter.add.f32 [tilespmem:s11], [sflag:$0xA], $0x40, s22, s23, $0xb8;
	[tilespmem:$0x1FCC0] =	vst v63  }
0x12b: {  	_ =	swait.ge [sflag:s15], $0x1F40  }
0x12c: {  	[sflag:s15] =	ssyncset.done $0x0  }
0x12d: {  	s13 =	simm.s32 $0x280;
	[sflag:s15] =	ssyncadd.s32 $0xFFFFE0C0  }
0x12e: {  	[tilespmem:s20], [sflag:$0x1] =	stream.indirect.gather [spmem:s3], $0x40, s13, s23, $0xb8;
	[tilespmem:$0x1FCC0] =	vst v63  }
0x12f: {  	_ =	swait.ge [sflag:s16], $0x1F40  }
0x130: {  	[sflag:s16] =	ssyncset.done $0x0  }
0x131: {  	s22 =	simm.s32 $0x300;
	[sflag:s16] =	ssyncadd.s32 $0xFFFFE0C0  }
0x132: {  	[tilespmem:s26], [sflag:$0x2] =	stream.indirect.gather [spmem:s3], $0x40, s22, s23, $0xb8;
	[tilespmem:$0x1FCC0] =	vst v63  }
0x133: {  	_ =	swait.ge [sflag:s17], $0x1F40  }
0x134: {  	[sflag:s17] =	ssyncset.done $0x0  }
0x135: {  	s13 =	simm.s32 $0x380;
	[sflag:s17] =	ssyncadd.s32 $0xFFFFE0C0  }
0x136: {  	[tilespmem:s29], [sflag:$0x3] =	stream.indirect.gather [spmem:s3], $0x40, s13, s23, $0xb8;
	[tilespmem:$0x1FCC0] =	vst v63  }
0x137: {  	_ =	swait.ge [sflag:s18], $0x1F40  }
0x138: {  	[sflag:s18] =	ssyncset.done $0x0  }
0x139: {  	s22 =	simm.s32 $0x400;
	[sflag:s18] =	ssyncadd.s32 $0xFFFFE0C0  }
0x13a: {  	[tilespmem:s31], [sflag:$0x4] =	stream.indirect.gather [spmem:s3], $0x40, s22, s23, $0xb8;
	[tilespmem:$0x1FCC0] =	vst v63  }
0x13b: {  	_ =	swait.ge [sflag:s19], $0x1F40  }
0x13c: {  	[sflag:s19] =	ssyncset.done $0x0  }
0x13d: {  	s4 =	simm.s32 $0x480;
	s13 =	simm.s32 $0xA00;
	[sflag:s19] =	ssyncadd.s32 $0xFFFFE0C0  }
.LBB2_11:
0x13e: {  	[tilespmem:s11], [sflag:$0x5] =	stream.indirect.gather [spmem:s3], $0x40, s4, s23, $0xb8;
	[tilespmem:$0x1FCC0] =	vst v63  }
0x13f: {  	s4 =	smov.u32 s13  }
0x140: {  	p1 =	sne.s32 s13, $0x3C00;
	s13 =	sadd.s32 $0xA00, s13;
	_ =	swait.ge [sflag:s8], $0x1F40  }
0x141: {  	[sflag:s8] =	ssyncset.done $0x0  }
0x142: {  	[sflag:s8] =	ssyncadd.s32 $0xFFFFE0C0  }
0x143: {  	_ =	swait.ge [sflag:s9], $0x1F40  }
0x144: {  	[sflag:s9] =	ssyncset.done $0x0  }
0x145: {  	[sflag:s9] =	ssyncadd.s32 $0xFFFFE0C0  }
0x146: {  	_ =	swait.ge [sflag:s14], $0x1F40  }
0x147: {  	[sflag:s14] =	ssyncset.done $0x0  }
0x148: {  	[sflag:s14] =	ssyncadd.s32 $0xFFFFE0C0  }
0x149: {  	_ =	swait.ge [sflag:s1], $0x1F40  }
0x14a: {  	[sflag:s1] =	ssyncset.done $0x0  }
0x14b: {  	[sflag:s1] =	ssyncadd.s32 $0xFFFFE0C0  }
0x14c: {  	_ =	swait.ge [sflag:s10], $0x1F40  }
0x14d: {  	s4 =	sshra.s32 s4, $0x2;
	[sflag:s10] =	ssyncset.done $0x0  }
0x14e: {  	s22 =	sadd.s32 $0x1400, s4;
	[sflag:s10] =	ssyncadd.s32 $0xFFFFE0C0  }
0x14f: {  	[spmem:s2] =	stream.indirect.scatter.add.f32 [tilespmem:s20], [sflag:$0x6], $0x40, s22, s23, $0xb8;
	[tilespmem:$0x1FCC0] =	vst v63  }
0x150: {  	s22 =	sadd.s32 $0x1480, s4  }
0x151: {  	[spmem:s2] =	stream.indirect.scatter.add.f32 [tilespmem:s26], [sflag:$0x7], $0x40, s22, s23, $0xb8;
	[tilespmem:$0x1FCC0] =	vst v63  }
0x152: {  	s22 =	sadd.s32 $0x1500, s4  }
0x153: {  	[spmem:s2] =	stream.indirect.scatter.add.f32 [tilespmem:s29], [sflag:$0x8], $0x40, s22, s23, $0xb8;
	[tilespmem:$0x1FCC0] =	vst v63  }
0x154: {  	s22 =	sadd.s32 $0x1580, s4  }
0x155: {  	[spmem:s2] =	stream.indirect.scatter.add.f32 [tilespmem:s31], [sflag:$0x9], $0x40, s22, s23, $0xb8;
	[tilespmem:$0x1FCC0] =	vst v63  }
0x156: {  	s22 =	sadd.s32 $0x1600, s4  }
0x157: {  	[spmem:s2] =	stream.indirect.scatter.add.f32 [tilespmem:s11], [sflag:$0xA], $0x40, s22, s23, $0xb8;
	[tilespmem:$0x1FCC0] =	vst v63  }
0x158: {  	_ =	swait.ge [sflag:s15], $0x1F40  }
0x159: {  	[sflag:s15] =	ssyncset.done $0x0  }
0x15a: {  	s22 =	sadd.s32 $0x280, s4;
	[sflag:s15] =	ssyncadd.s32 $0xFFFFE0C0  }
0x15b: {  	[tilespmem:s20], [sflag:$0x1] =	stream.indirect.gather [spmem:s3], $0x40, s22, s23, $0xb8;
	[tilespmem:$0x1FCC0] =	vst v63  }
0x15c: {  	_ =	swait.ge [sflag:s16], $0x1F40  }
0x15d: {  	[sflag:s16] =	ssyncset.done $0x0  }
0x15e: {  	s22 =	sadd.s32 $0x300, s4;
	[sflag:s16] =	ssyncadd.s32 $0xFFFFE0C0  }
0x15f: {  	[tilespmem:s26], [sflag:$0x2] =	stream.indirect.gather [spmem:s3], $0x40, s22, s23, $0xb8;
	[tilespmem:$0x1FCC0] =	vst v63  }
0x160: {  	_ =	swait.ge [sflag:s17], $0x1F40  }
0x161: {  	[sflag:s17] =	ssyncset.done $0x0  }
0x162: {  	s22 =	sadd.s32 $0x380, s4;
	[sflag:s17] =	ssyncadd.s32 $0xFFFFE0C0  }
0x163: {  	[tilespmem:s29], [sflag:$0x3] =	stream.indirect.gather [spmem:s3], $0x40, s22, s23, $0xb8;
	[tilespmem:$0x1FCC0] =	vst v63  }
0x164: {  	_ =	swait.ge [sflag:s18], $0x1F40  }
0x165: {  	[sflag:s18] =	ssyncset.done $0x0  }
.Ltmp7:
0x166: {  	s22 =	sadd.s32 $0x400, s4;
	[sflag:s18] =	ssyncadd.s32 $0xFFFFE0C0;
	(pc) =	sbr.rel @p1 .LBB2_11-.Ltmp7, $4  }
0x167: {  	[tilespmem:s31], [sflag:$0x4] =	stream.indirect.gather [spmem:s3], $0x40, s22, s23, $0xb8;
	[tilespmem:$0x1FCC0] =	vst v63  }
0x168: {  	_ =	swait.ge [sflag:s19], $0x1F40  }
0x169: {  	[sflag:s19] =	ssyncset.done $0x0  }
0x16a: {  	s4 =	sadd.s32 $0x480, s4;
	[sflag:s19] =	ssyncadd.s32 $0xFFFFE0C0  }
0x16b: {  	[tilespmem:s11], [sflag:$0x5] =	stream.indirect.gather [spmem:s3], $0x40, s4, s23, $0xb8;
	[tilespmem:$0x1FCC0] =	vst v63  }
0x16c: {  	_ =	swait.ge [sflag:s8], $0x1F40  }
0x16d: {  	[sflag:s8] =	ssyncset.done $0x0  }
0x16e: {  	[sflag:s8] =	ssyncadd.s32 $0xFFFFE0C0  }
0x16f: {  	_ =	swait.ge [sflag:s9], $0x1F40  }
0x170: {  	[sflag:s9] =	ssyncset.done $0x0  }
0x171: {  	[sflag:s9] =	ssyncadd.s32 $0xFFFFE0C0  }
0x172: {  	_ =	swait.ge [sflag:s14], $0x1F40  }
0x173: {  	[sflag:s14] =	ssyncset.done $0x0  }
0x174: {  	[sflag:s14] =	ssyncadd.s32 $0xFFFFE0C0  }
0x175: {  	_ =	swait.ge [sflag:s1], $0x1F40  }
0x176: {  	[sflag:s1] =	ssyncset.done $0x0  }
0x177: {  	[sflag:s1] =	ssyncadd.s32 $0xFFFFE0C0  }
0x178: {  	_ =	swait.ge [sflag:s10], $0x1F40  }
0x179: {  	[sflag:s10] =	ssyncset.done $0x0  }
0x17a: {  	s13 =	simm.s32 $0x2580;
	[sflag:s10] =	ssyncadd.s32 $0xFFFFE0C0  }
0x17b: {  	[spmem:s2] =	stream.indirect.scatter.add.f32 [tilespmem:s20], [sflag:$0x6], $0x40, s13, s23, $0xb8;
	[tilespmem:$0x1FCC0] =	vst v63  }
0x17c: {  	s22 =	simm.s32 $0x2600  }
0x17d: {  	[spmem:s2] =	stream.indirect.scatter.add.f32 [tilespmem:s26], [sflag:$0x7], $0x40, s22, s23, $0xb8;
	[tilespmem:$0x1FCC0] =	vst v63  }
0x17e: {  	s13 =	simm.s32 $0x2680  }
0x17f: {  	[spmem:s2] =	stream.indirect.scatter.add.f32 [tilespmem:s29], [sflag:$0x8], $0x40, s13, s23, $0xb8;
	[tilespmem:$0x1FCC0] =	vst v63  }
0x180: {  	s22 =	simm.s32 $0x2700  }
0x181: {  	[spmem:s2] =	stream.indirect.scatter.add.f32 [tilespmem:s31], [sflag:$0x9], $0x40, s22, s23, $0xb8;
	[tilespmem:$0x1FCC0] =	vst v63  }
0x182: {  	s13 =	simm.s32 $0x2780  }
0x183: {  	[spmem:s2] =	stream.indirect.scatter.add.f32 [tilespmem:s11], [sflag:$0xA], $0x40, s13, s23, $0xb8;
	[tilespmem:$0x1FCC0] =	vst v63  }
0x184: {  	_ =	swait.ge [sflag:s15], $0x1F40  }
0x185: {  	[sflag:s15] =	ssyncset.done $0x0  }
0x186: {  	s22 =	simm.s32 $0x0;
	[sflag:s15] =	ssyncadd.s32 $0xFFFFE0C0  }
0x187: {  	[tilespmem:s20], [sflag:$0x1] =	stream.indirect.gather [spmem:s3], $0x40, s22, s23, $0xb8;
	[tilespmem:$0x1FCC0] =	vst v63  }
0x188: {  	_ =	swait.ge [sflag:s16], $0x1F40  }
0x189: {  	[sflag:s16] =	ssyncset.done $0x0  }
0x18a: {  	[sflag:s16] =	ssyncadd.s32 $0xFFFFE0C0  }
0x18b: {  	[tilespmem:s26], [sflag:$0x2] =	stream.indirect.gather [spmem:s3], $0x40, s24, s23, $0xb8;
	[tilespmem:$0x1FCC0] =	vst v63  }
0x18c: {  	_ =	swait.ge [sflag:s17], $0x1F40  }
0x18d: {  	[sflag:s17] =	ssyncset.done $0x0  }
0x18e: {  	[sflag:s17] =	ssyncadd.s32 $0xFFFFE0C0  }
0x18f: {  	[tilespmem:s29], [sflag:$0x3] =	stream.indirect.gather [spmem:s3], $0x40, s28, s23, $0xb8;
	[tilespmem:$0x1FCC0] =	vst v63  }
0x190: {  	_ =	swait.ge [sflag:s18], $0x1F40  }
0x191: {  	[sflag:s18] =	ssyncset.done $0x0  }
0x192: {  	[sflag:s18] =	ssyncadd.s32 $0xFFFFE0C0  }
0x193: {  	[tilespmem:s31], [sflag:$0x4] =	stream.indirect.gather [spmem:s3], $0x40, s30, s23, $0xb8;
	[tilespmem:$0x1FCC0] =	vst v63  }
0x194: {  	_ =	swait.ge [sflag:s19], $0x1F40  }
0x195: {  	[sflag:s19] =	ssyncset.done $0x0  }
0x196: {  	[sflag:s19] =	ssyncadd.s32 $0xFFFFE0C0  }
0x197: {  	[tilespmem:s11], [sflag:$0x5] =	stream.indirect.gather [spmem:s3], $0x40, s0, s23, $0xb8;
	[tilespmem:$0x1FCC0] =	vst v63  }
0x198: {  	_ =	swait.ge [sflag:s8], $0x1F40  }
0x199: {  	[sflag:s8] =	ssyncset.done $0x0  }
0x19a: {  	[sflag:s8] =	ssyncadd.s32 $0xFFFFE0C0  }
0x19b: {  	_ =	swait.ge [sflag:s9], $0x1F40  }
0x19c: {  	[sflag:s9] =	ssyncset.done $0x0  }
0x19d: {  	[sflag:s9] =	ssyncadd.s32 $0xFFFFE0C0  }
0x19e: {  	_ =	swait.ge [sflag:s14], $0x1F40  }
0x19f: {  	[sflag:s14] =	ssyncset.done $0x0  }
0x1a0: {  	s5 =	sadd.s32 $0x1, s5;
	[sflag:s14] =	ssyncadd.s32 $0xFFFFE0C0  }
0x1a1: {  	p1 =	sne.s32 s5, $0x4;
	_ =	swait.ge [sflag:s1], $0x1F40  }
.Ltmp8:
0x1a2: {  	[sflag:s1] =	ssyncset.done $0x0;
	(pc) =	sbr.rel @p1 .LBB2_10-.Ltmp8, $4  }
0x1a3: {  	[sflag:s1] =	ssyncadd.s32 $0xFFFFE0C0  }
0x1a4: {  	_ =	swait.ge [sflag:s10], $0x1F40  }
0x1a5: {  	[sflag:s10] =	ssyncset.done $0x0  }
0x1a6: {  	[sflag:s10] =	ssyncadd.s32 $0xFFFFE0C0  }
.Ltmp9:
0x1a7: {  	(pc) =	sbr.rel .LBB2_14-.Ltmp9, $3  }
0x1a8: {  	_ =	sdelay $0x1  }
0x1a9: {  	s4 =	rddreg [dreg:$0x7]  }
0x1aa: {  	s13 =	rddreg [dreg:$0x12]  }
.LBB2_15:
0x1ab: {  	_ =	sfence.sel $0x180000  }
0x1ac: {  	[bflag:$0x0] =	sbarrier.arrive $0xFFFF  }
0x1ad: {  	_ =	strace $0x9000004D  }
0x1ae: {  	s0 =	stileid.u32;
	[bflag:$0x2] =	sbarrier.arrive $0xFFFF  }
0x1af: {  	p0 =	sne.s32 s0, $0x0;
	s0 =	rddreg [dreg:$0x4]  }
0x1b0: {  	s0 =	sadd.s32 @!p0 $0x100000, s0  }
0x1b1: {  	[sflag:s0] =	ssyncadd.tile.s32 @!p0 $0x1;
	_ =	shalt  }
.Lfunc_end2:
_tile_overlayer_lowered:
.L_overlay_start_2:
0x1b2: {  	(tag) =	ssettag $0x2  }
0x1b3: {  	s0 =	rddreg [dreg:$0x0];
	s2 =	stileid.u32  }
0x1b4: {  	s1 =	rddreg [dreg:$0x1];
	p0 =	sne.s32 s2, $0x0  }
0x1b5: {  	s3 =	rddreg [dreg:$0x2];
	[bflag:$0x3] =	sbarrier.arrive $0xFFFF;
	s2 =	simm.s32 @!p0 $0x1C0B  }
0x1b6: {  	[timem:s3], [sflag:s2] =	dma.local @!p0 [hbm:s0], s1  }
0x1b7: {  	s0 =	simm.s32 @!p0 $0xB  }
0x1b8: {  	_ =	swait.ge @!p0 [sflag:s0], s1  }
0x1b9: {  	s1 =	ssub.s32 @!p0 $0x0, s1;
	[sflag:s0] =	ssyncset.done @!p0 $0x0  }
0x1ba: {  	[sflag:s0] =	ssyncadd.s32 @!p0 s1  }
0x1bb: {  	[bflag:$0x3] =	sbarrier.arrive $0xFFFF  }
0x1bc: {  	_ =	shalt  }

// kernel: kernel.9.cloned.1.call-start
scs
__scs_entry_jumppad:
0x0: {  	(pc) =	sbr.rel $0x88, $3  }
0x1: {  	(tag) =	ssettag $0x0;
	lr =	simm.s32 $0x1  }
0x2: {  	[smem:$0x3F9B] =	sst lr;
	_ =	strace $0xD0000000  }
0x3: {  	_ = 	snop  }
0x4: {  	_ = 	snop  }
0x5: {  	_ = 	snop  }
0x6: {  	_ = 	snop  }
0x7: {  	_ = 	snop  }
__scs_overlays_trampoline_lowered:
0x8: {  	[smem:$0x3FAA] =	sst s0  }
0x9: {  	[smem:$0x3FAB] =	sst s1  }
0xa: {  	[smem:$0x3FAC] =	sst s2  }
0xb: {  	[smem:$0x3FAD] =	sst s3  }
0xc: {  	[smem:$0x3FAE] =	sst s4  }
0xd: {  	[smem:$0x3FAF] =	sst s5  }
0xe: {  	[smem:$0x3FB0] =	sst s6  }
0xf: {  	[smem:$0x3FB1] =	sst s7  }
0x10: {  	[smem:$0x3FB2] =	sst s8  }
0x11: {  	[smem:$0x3FB3] =	sst s9;
	s0 =	simm.s32 @!p0 $0x0  }
0x12: {  	s1 =	sld [smem:$0x3F99];
	s0 =	simm.s32 @p0 $0x1  }
0x13: {  	[smem:$0x3FB4] =	sst s0;
	s0 =	simm.s32 @!p1 $0x0  }
0x14: {  	s2 =	sld [smem:$0x3F98];
	s0 =	simm.s32 @p1 $0x1  }
0x15: {  	[smem:$0x3FB5] =	sst s0;
	s0 =	simm.s32 @!p2 $0x0  }
0x16: {  	s3 =	sld [smem:$0x3FDB];
	s0 =	simm.s32 @p2 $0x1  }
0x17: {  	s4 =	simm.s32 $0x1BF5;
	[smem:$0x3FB7] =	sst s0  }
0x18: {  	s0 =	sld [smem:$0x3F9A];
	_ =	swait.ge [sflag:s4], $0x0  }
0x19: {  	s7 =	sld [smem:$0x3F9B]  }
0x1a: {  	s8 =	sadd.s32 $0xFFFFE003, lr  }
0x1b: {  	s9 =	sadd.s32 $0xFFFFFEF7, lr;
	s5 =	simm.s32 $0xFFFFFFFF;
	p2 =	slt.u32 s8, $0xFFFFF086  }
0x1c: {  	p1 =	slt.u32 s9, $0xF7A;
	s5 =	simm.s32 @!p2 $0x0  }
0x1d: {  	s5 =	simm.s32 @p1 $0x1;
	p0 =	seq.s32 s7, s2  }
0x1e: {  	s7 =	smul.u32 @!p0 $0xF7A, s2;
	p2 =	seq.s32 @!p0 s5, $0x0  }
0x1f: {  	s9 =	smul.u32 $0xF7A, s1;
	s8 =	simm.s32 @!p0 $0x1BF5;
	p2 =	por !p2, p0  }
0x20: {  	[sflag:s8] =	ssyncset.s32 @!p0 $0xFFFFF086;
	s6 =	sadd.s32 @!p0 s3, s7;
	s7 =	simm.s32 @!p0 $0x108  }
0x21: {  	s3 =	sadd.s32 s3, s9;
	s6 =	sadd.s32 @!p0 $0x88, s6;
	s7 =	simm.s32 @p2 $0x1082  }
0x22: {  	[simem:s7], [sflag:s8] =	dma.local @!p0 [hbm:s6], $0xF7A  }
0x23: {  	s9 =	sor.u32 $0xD0000000, s2;
	s6 =	simm.s32 $0x108;
	_ =	swait.ge @!p0 [sflag:s8], $0x0  }
0x24: {  	s3 =	sadd.s32 $0x88, s3;
	s6 =	simm.s32 @!p1 $0x1082;
	[sflag:s4] =	ssyncset.s32 $0xFFFFF086  }
0x25: {  	[simem:s6], [sflag:s4] =	dma.local [hbm:s3], $0xF7A  }
0x26: {  	[smem:$0x3F9B] =	sst s1;
	(tag) =	ssettag s2;
	_ =	strace s9  }
0x27: {  	s1 =	sld [smem:$0x3FAB]  }
0x28: {  	s2 =	sld [smem:$0x3FAC]  }
0x29: {  	s4 =	sld [smem:$0x3FAE]  }
0x2a: {  	p0 =	seq.s32 s5, $0x0;
	s5 =	sld [smem:$0x3FAF]  }
0x2b: {  	s6 =	sld [smem:$0x3FB0]  }
0x2c: {  	s7 =	sld [smem:$0x3FB1]  }
0x2d: {  	s3 =	simm.s32 $0x108;
	s8 =	sld [smem:$0x3FB2]  }
0x2e: {  	s3 =	simm.s32 @!p0 $0x1082;
	s9 =	sld [smem:$0x3FB3]  }
0x2f: {  	lr =	sadd.s32 s0, s3;
	s0 =	sld [smem:$0x3FAA]  }
0x30: {  	s3 =	sld [smem:$0x3FAD]  }
0x31: {  	[smem:$0x3FB6] =	sst s10  }
0x32: {  	s10 =	sld [smem:$0x3FB4];
	_ =	sdelay $0x3  }
0x33: {  	p0 =	seq.s32 s10, $0x1;
	s10 =	sld [smem:$0x3FB6];
	_ =	sdelay $0x3  }
0x34: {  	[smem:$0x3FB6] =	sst s10  }
0x35: {  	s10 =	sld [smem:$0x3FB5];
	_ =	sdelay $0x3  }
0x36: {  	p1 =	seq.s32 s10, $0x1;
	s10 =	sld [smem:$0x3FB6];
	_ =	sdelay $0x3  }
0x37: {  	[smem:$0x3FB6] =	sst s10  }
0x38: {  	s10 =	sld [smem:$0x3FB7]  }
0x39: {  	_ = 	snop;
	(pc) =	sbr.ind lr, $3  }
0x3a: {  	_ = 	snop  }
0x3b: {  	_ = 	snop  }
0x3c: {  	p2 =	seq.s32 s10, $0x1;
	s10 =	sld [smem:$0x3FB6]  }
0x3d: {  	_ =	shalt  }
0x3e: {  	_ =	shalt  }
0x3f: {  	_ =	shalt  }
0x40: {  	_ =	shalt  }
0x41: {  	_ =	shalt  }
0x42: {  	_ =	shalt  }
0x43: {  	_ =	shalt  }
0x44: {  	_ =	shalt  }
0x45: {  	_ =	shalt  }
0x46: {  	_ =	shalt  }
0x47: {  	_ =	shalt  }
0x48: {  	_ =	shalt  }
0x49: {  	_ =	shalt  }
0x4a: {  	_ =	shalt  }
0x4b: {  	_ =	shalt  }
0x4c: {  	_ =	shalt  }
0x4d: {  	_ =	shalt  }
0x4e: {  	_ =	shalt  }
0x4f: {  	_ =	shalt  }
0x50: {  	_ =	shalt  }
0x51: {  	_ =	shalt  }
0x52: {  	_ =	shalt  }
0x53: {  	_ =	shalt  }
0x54: {  	_ =	shalt  }
0x55: {  	_ =	shalt  }
0x56: {  	_ =	shalt  }
0x57: {  	_ =	shalt  }
0x58: {  	_ =	shalt  }
0x59: {  	_ =	shalt  }
0x5a: {  	_ =	shalt  }
0x5b: {  	_ =	shalt  }
0x5c: {  	_ =	shalt  }
0x5d: {  	_ =	shalt  }
0x5e: {  	_ =	shalt  }
0x5f: {  	_ =	shalt  }
0x60: {  	_ =	shalt  }
0x61: {  	_ =	shalt  }
0x62: {  	_ =	shalt  }
0x63: {  	_ =	shalt  }
0x64: {  	_ =	shalt  }
0x65: {  	_ =	shalt  }
0x66: {  	_ =	shalt  }
0x67: {  	_ =	shalt  }
0x68: {  	_ =	shalt  }
0x69: {  	_ =	shalt  }
0x6a: {  	_ =	shalt  }
0x6b: {  	_ =	shalt  }
0x6c: {  	_ =	shalt  }
0x6d: {  	_ =	shalt  }
0x6e: {  	_ =	shalt  }
0x6f: {  	_ =	shalt  }
0x70: {  	_ =	shalt  }
0x71: {  	_ =	shalt  }
0x72: {  	_ =	shalt  }
0x73: {  	_ =	shalt  }
0x74: {  	_ =	shalt  }
0x75: {  	_ =	shalt  }
0x76: {  	_ =	shalt  }
0x77: {  	_ =	shalt  }
0x78: {  	_ =	shalt  }
0x79: {  	_ =	shalt  }
0x7a: {  	_ =	shalt  }
0x7b: {  	_ =	shalt  }
0x7c: {  	_ =	shalt  }
0x7d: {  	_ =	shalt  }
0x7e: {  	_ =	shalt  }
0x7f: {  	_ =	shalt  }
0x80: {  	_ =	shalt  }
0x81: {  	_ =	shalt  }
0x82: {  	_ =	shalt  }
0x83: {  	_ =	shalt  }
0x84: {  	_ =	shalt  }
0x85: {  	_ =	shalt  }
0x86: {  	_ =	shalt  }
0x87: {  	_ =	shalt  }
.Lfunc_end0:
.L_simem_size_0:
called_computation_lowered:
.L_overlay_start_0:
0x88: {  	s2 =	sld [smem:$0x3FD9]  }
0x89: {  	s3 =	sld [smem:$0x3FFE];
	_ =	sdelay $0x1  }
0x8a: {  	s1 =	srdreg.scid  }
0x8b: {  	s0 =	sand.u32 $0x1, s1  }
0x8c: {  	s17 =	sshll.u32 s0, $0xA;
	s2 =	sadd.s32 s3, s2  }
0x8d: {  	s2 =	sadd.s32 s2, s17  }
0x8e: {  	[smem:$0x3FC2] =	sst s2  }
0x8f: {  	_ = 	snop  }
0x90: {  	s2 =	sld [smem:$0x3FD0];
	(tm) =	ssettm $0x1  }
0x91: {  	s18 =	sld [smem:$0x3FFB];
	_ =	sdelay $0x3  }
0x92: {  	_ =	strace s18  }
0x93: {  	s3 =	sld [smem:$0x3FFC];
	_ =	sdelay $0x3  }
0x94: {  	_ =	strace s3  }
0x95: {  	s3 =	sld [smem:$0x3FFD];
	_ =	sdelay $0x3  }
0x96: {  	_ =	strace s3  }
0x97: {  	_ =	strace $0x8FFFFFFF  }
0x98: {  	s19 =	sld [smem:$0x3FDB];
	_ =	sdelay $0x1  }
0x99: {  	s4 =	simm.s32 $_scs_section_size  }
0x9a: {  	s5 =	simm.s32 $_size__tile_overlayer_lowered;
	s6 =	simm.s32 $_tile_overlayer_lowered  }
0x9b: {  	s22 =	simm.s32 $0x1BFF;
	s21 =	sshll.u32 s6, $0x1;
	s3 =	sadd.s32 s4, s19  }
0x9c: {  	s7 =	simm.s32 $0x0;
	s20 =	sshll.u32 s5, $0x1;
	s5 =	sadd.s32 s21, s3  }
0x9d: {  	[timem:s7], [sflag:s22] =	dma.local [hbm:s5], s20  }
0x9e: {  	_ =	swait.ge [sflag:s22], s20  }
0x9f: {  	s4 =	ssub.s32 $0x0, s20;
	[sflag:s22] =	ssyncset.done $0x0  }
0xa0: {  	[sflag:s22] =	ssyncadd.s32 s4;
	_ =	sdelay $0x1  }
0xa1: {  	s23 =	simm.s32 $0x1B8B  }
0xa2: {  	_ =	swait.ge [sflag:s23], $0x1  }
0xa3: {  	[sflag:s23] =	ssyncset.done $0x0  }
0xa4: {  	s25 =	simm.s32 $0x1B8E;
	s24 =	sld [smem:$0x3FFE];
	[sflag:s23] =	ssyncadd.s32 $0xFFFFFFFF  }
0xa5: {  	s26 =	simm.s32 $execute0_lowered;
	[smem:$0x3FD2] =	sst s25  }
0xa6: {  	s5 =	sshll.u32 s26, $0x1;
	_ =	strace $0x80000046;
	[dreg:$0x1] =	wrdreg $0xFFFFFFFF  }
0xa7: {  	s28 =	simm.s32 $_size_execute0_lowered;
	s3 =	sadd.s32 s3, s5;
	[dreg:$0x0] =	wrdreg $0x0  }
0xa8: {  	s5 =	sshll.u32 s28, $0x1;
	[dreg:$0x2] =	wrdreg s3  }
0xa9: {  	[dreg:$0x3] =	wrdreg s5  }
0xaa: {  	[dreg:$0x4] =	wrdreg $0xC0  }
0xab: {  	_ =	task [dreg:s7], $0x5FFFF  }
0xac: {  	[dreg:$0x1] =	wrdreg $0xFFFFFFFF  }
0xad: {  	[dreg:$0x0] =	wrdreg $0x60  }
0xae: {  	[dreg:$0x2] =	wrdreg s24  }
0xaf: {  	[dreg:$0x3] =	wrdreg s2  }
0xb0: {  	[dreg:$0x4] =	wrdreg $0x2B000  }
0xb1: {  	[dreg:$0x5] =	wrdreg $0x9  }
0xb2: {  	_ =	task.clear_ibuf [dreg:s7], $0x6FFFF;
	_ =	strace $0x90000046  }
0xb3: {  	s29 =	simm.s32 $0x9;
	_ =	strace $0x80000048  }
0xb4: {  	_ =	swait.ge [sflag:s29], $0x1  }
0xb5: {  	[sflag:s29] =	ssyncadd.s32 $0xFFFFFFFF  }
0xb6: {  	_ =	strace $0x90000048  }
0xb7: {  	_ =	sfence  }
0xb8: {  	s30 =	sld [smem:$0x0];
	_ =	sdelay $0x2  }
0xb9: {  	s31 =	sshll.u32 s1, $0xD;
	s1 =	sshrl.u32 s1, $0x2  }
0xba: {  	s3 =	sand.u32 $0x4000, s31;
	s1 =	sadd.s32 s1, s30  }
0xbb: {  	s0 =	sor.u32 s3, s0;
	s1 =	sshll.u32 s1, $0x11  }
0xbc: {  	s0 =	sor.u32 s1, s0  }
0xbd: {  	s0 =	sadd.s32 $0x8F2B, s0  }
0xbe: {  	[sflag:s0] =	ssyncadd.remote.s32 $0x1  }
0xbf: {  	_ =	sfence.sel $0xFFFF  }
0xc0: {  	[dreg:$0x0] =	wrdreg $0xFFFFFFFF;
	(pc) =	sbr.abs _section_cstart, $3  }
0xc1: {  	[dreg:$0x1] =	wrdreg $0xFFFFFFFF  }
0xc2: {  	_ =	task.clear_ibuf [dreg:s7], $0x2FFFF;
	_ =	strace $0x9FFFFFFF  }
0xc3: {  	(tm) =	ssettm $0x7FFFFFFF  }
tec
execute0_lowered:
.L_overlay_start_1:
0x0: {  	(tag) =	ssettag $0x1  }
0x1: {  	s4 =	rddreg [dreg:$0x0]  }
0x2: {  	s6 =	rddreg [dreg:$0x1];
	s1 =	srdreg.scid  }
0x3: {  	s0 =	stileid.u32;
	s2 =	rddreg [dreg:$0x2];
	s3 =	simm.s32 $0x0  }
0x4: {  	s11 =	simm.s32 $0x2800;
	s5 =	sand.u32 $0x1, s1;
	s7 =	smul.u32 $0x5000, s0  }
0x5: {  	s12 =	simm.s32 $0x0;
	s1 =	rddreg [dreg:$0x3];
	s8 =	smul.u32 $0x2800, s5  }
0x6: {  	[smem:$0x7FF] =	sst s3;
	s9 =	smul.u32 $0x280, s0;
	s5 =	ssub.s32 $0x2, s5  }
0x7: {  	_ =	strace $0x80000047;
	s10 =	sshrl.u32 s5, $0x1;
	s7 =	sadd.s32 s8, s7  }
0x8: {  	s8 =	sadd.s32 s9, s8;
	s31 =	ssub.s32 s5, s10;
	s5 =	sadd.s32 s9, s2  }
0x9: {  	s9 =	simm.s32 $0x2880;
	s7 =	sshrl.u32 s7, $0x3;
	s8 =	sshrl.u32 s8, $0x3  }
0xa: {  	s10 =	simm.s32 $0x7D;
	s4 =	sadd.s32 s7, s4;
	s6 =	sadd.s32 s6, s8  }
0xb: {  	v0 =	vimm.f32 $1.000000000e+00;
	v1 =	vimm.f32 $0.0e+00;
	s7 =	smax.u32 s31, $0x1;
	s8 =	simm.s32 $0x1;
	s4 =	sadd.s32 $0x2C00, s4  }
.LBB2_1:
0xc: {  	[tilespmem:s3], [sflag:$0x1] =	stream.linear.gather [hbm4b:s4+s3], $0x2800, $0x38;
	[tilespmem:$0x2D80] =	vst v63  }
0xd: {  	_ =	swait.ge [sflag:s8], $0x2800  }
0xe: {  	[sflag:s8] =	ssyncset.done $0x0  }
0xf: {  	[sflag:s8] =	ssyncadd.s32 $0xFFFFD800  }
0x10: {  	[tilespmem:$0x2800] =	vst v0  }
0x11: {  	[tilespmem:$0x2810] =	vst v0  }
0x12: {  	[tilespmem:$0x2820] =	vst v0  }
0x13: {  	[tilespmem:$0x2830] =	vst v0  }
0x14: {  	[tilespmem:$0x2840] =	vst v0  }
0x15: {  	[tilespmem:$0x2850] =	vst v0  }
0x16: {  	[tilespmem:$0x2860] =	vst v0  }
0x17: {  	[tilespmem:$0x2870] =	vst v0  }
0x18: {  	[tilespmem:$0x2880] =	vst v1  }
0x19: {  	[tilespmem:$0x2890] =	vst v1  }
0x1a: {  	[tilespmem:$0x28A0] =	vst v1  }
0x1b: {  	[tilespmem:$0x28B0] =	vst v1  }
0x1c: {  	[tilespmem:$0x28C0] =	vst v1  }
0x1d: {  	[tilespmem:$0x28D0] =	vst v1  }
0x1e: {  	[tilespmem:$0x28E0] =	vst v1  }
0x1f: {  	[tilespmem:$0x28F0] =	vst v1  }
0x20: {  	[tilespmem:$0x2900] =	vst v1  }
0x21: {  	[tilespmem:$0x2910] =	vst v1  }
0x22: {  	[tilespmem:$0x2920] =	vst v1  }
0x23: {  	[tilespmem:$0x2930] =	vst v1  }
0x24: {  	[tilespmem:$0x2940] =	vst v1  }
0x25: {  	[tilespmem:$0x2950] =	vst v1  }
0x26: {  	[tilespmem:$0x2960] =	vst v1  }
0x27: {  	[tilespmem:$0x2970] =	vst v1  }
0x28: {  	[tilespmem:$0x2980] =	vst v1  }
0x29: {  	[tilespmem:$0x2990] =	vst v1  }
0x2a: {  	[tilespmem:$0x29A0] =	vst v1  }
0x2b: {  	[tilespmem:$0x29B0] =	vst v1  }
0x2c: {  	[tilespmem:$0x29C0] =	vst v1  }
0x2d: {  	[tilespmem:$0x29D0] =	vst v1  }
0x2e: {  	[tilespmem:$0x29E0] =	vst v1  }
0x2f: {  	[tilespmem:$0x29F0] =	vst v1  }
0x30: {  	[tilespmem:$0x2A00] =	vst v1  }
0x31: {  	[tilespmem:$0x2A10] =	vst v1  }
0x32: {  	[tilespmem:$0x2A20] =	vst v1  }
0x33: {  	[tilespmem:$0x2A30] =	vst v1  }
0x34: {  	[tilespmem:$0x2A40] =	vst v1  }
0x35: {  	[tilespmem:$0x2A50] =	vst v1  }
0x36: {  	[tilespmem:$0x2A60] =	vst v1  }
0x37: {  	[tilespmem:$0x2A70] =	vst v1  }
0x38: {  	[tilespmem:$0x2A80] =	vst v1  }
0x39: {  	[tilespmem:$0x2A90] =	vst v1  }
0x3a: {  	[tilespmem:$0x2AA0] =	vst v1  }
0x3b: {  	[tilespmem:$0x2AB0] =	vst v1  }
0x3c: {  	[tilespmem:$0x2AC0] =	vst v1  }
0x3d: {  	[tilespmem:$0x2AD0] =	vst v1  }
0x3e: {  	[tilespmem:$0x2AE0] =	vst v1  }
0x3f: {  	[tilespmem:$0x2AF0] =	vst v1  }
0x40: {  	[spmem:s5] =	stream.linear.scatter [tilespmem:s9], [sflag:$0x1], $0x280, $0x38;
	[tilespmem:$0x2D80] =	vst v63  }
0x41: {  	_ =	swait.ge [sflag:s8], $0x280  }
0x42: {  	[sflag:s8] =	ssyncset.done $0x0  }
0x43: {  	[sflag:s8] =	ssyncadd.s32 $0xFFFFFD80  }
0x44: {  	s13 =	simm.s32 $0x0;
	[bflag:$0x0] =	sbarrier.arrive $0xFFFF  }
0x45: {  	[spmem:s2] =	stream.indirect.scatter.add.f32 [tilespmem:s11], [sflag:$0x1], $0x1, s13, s10, $0xb8;
	[tilespmem:$0x2D80] =	vst v63  }
0x46: {  	_ =	swait.ge [sflag:s8], $0x7D  }
0x47: {  	s13 =	simm.s32 $0x200;
	[sflag:s8] =	ssyncset.done $0x0  }
.LBB2_2:
0x48: {  	s14 =	sshra.s32 s13, $0x2;
	[sflag:s8] =	ssyncadd.s32 $0xFFFFFF83;
	p0 =	sne.s32 s13, $0x9E00  }
0x49: {  	[spmem:s2] =	stream.indirect.scatter.add.f32 [tilespmem:s11], [sflag:$0x1], $0x1, s14, s10, $0xb8;
	[tilespmem:$0x2D80] =	vst v63  }
.Ltmp0:
0x4a: {  	_ = 	snop;
	(pc) =	sbr.rel @p0 .LBB2_2-.Ltmp0, $4  }
0x4b: {  	_ = 	snop  }
0x4c: {  	s13 =	sadd.s32 $0x200, s13  }
0x4d: {  	_ =	swait.ge [sflag:s8], $0x7D  }
0x4e: {  	[sflag:s8] =	ssyncset.done $0x0  }
0x4f: {  	[sflag:s8] =	ssyncadd.s32 $0xFFFFFF83  }
0x50: {  	[bflag:$0x0] =	sbarrier.arrive $0xFFFF  }
0x51: {  	[tilespmem:s9], [sflag:$0x1] =	stream.linear.gather [spmem:s5], $0x280, $0x38;
	[tilespmem:$0x2D80] =	vst v63  }
0x52: {  	s12 =	sadd.s32 $0x1, s12;
	_ =	swait.ge [sflag:s8], $0x280  }
0x53: {  	p0 =	sne.s32 s12, s7;
	[sflag:s8] =	ssyncset.done $0x0  }
.Ltmp1:
0x54: {  	[sflag:s8] =	ssyncadd.s32 $0xFFFFFD80;
	(pc) =	sbr.rel @p0 .LBB2_1-.Ltmp1, $4  }
0x55: {  	[hbm4b:s6+s3] =	stream.linear.scatter [tilespmem:s9], [sflag:$0x1], $0x280, $0x38;
	[tilespmem:$0x2D80] =	vst v63  }
0x56: {  	_ =	swait.ge [sflag:s8], $0x280  }
0x57: {  	[sflag:s8] =	ssyncset.done $0x0  }
0x58: {  	[sflag:s8] =	ssyncadd.s32 $0xFFFFFD80  }
0x59: {  	_ =	sfence.sel $0x180000  }
0x5a: {  	[bflag:$0x0] =	sbarrier.arrive $0xFFFF  }
0x5b: {  	p0 =	sne.s32 s0, $0x0;
	_ =	strace $0x90000047  }
0x5c: {  	s0 =	sadd.s32 @!p0 $0x100000, s1;
	[bflag:$0x2] =	sbarrier.arrive $0xFFFF  }
0x5d: {  	[sflag:s0] =	ssyncadd.tile.s32 @!p0 $0x1;
	_ =	shalt  }
.Lfunc_end2:
_tile_overlayer_lowered:
.L_overlay_start_2:
0x5e: {  	(tag) =	ssettag $0x2  }
0x5f: {  	s0 =	rddreg [dreg:$0x0];
	s2 =	stileid.u32  }
0x60: {  	s1 =	rddreg [dreg:$0x1];
	p0 =	sne.s32 s2, $0x0  }
0x61: {  	s3 =	rddreg [dreg:$0x2];
	[bflag:$0x3] =	sbarrier.arrive $0xFFFF;
	s2 =	simm.s32 @!p0 $0x1C01  }
0x62: {  	[timem:s3], [sflag:s2] =	dma.local @!p0 [hbm:s0], s1  }
0x63: {  	s0 =	simm.s32 @!p0 $0x1  }
0x64: {  	_ =	swait.ge @!p0 [sflag:s0], s1  }
0x65: {  	s1 =	ssub.s32 @!p0 $0x0, s1;
	[sflag:s0] =	ssyncset.done @!p0 $0x0  }
0x66: {  	[sflag:s0] =	ssyncadd.s32 @!p0 s1  }
0x67: {  	[bflag:$0x3] =	sbarrier.arrive $0xFFFF  }
0x68: {  	_ =	shalt  }

</sc_bundles>
